<compile_context>
chip_gen: v7x
topology: tpu7x:2x2x1
jax: 0.10.2.dev20260603
libtpu: 0.0.44.dev20260713+nightly
codegen_flags: <defaults>
</compile_context>

<pallas_src>
import functools

import jax
import jax.numpy as jnp
from jax import lax
from jax.experimental import pallas as pl
from jax.experimental.pallas import tpu as pltpu
from jax.experimental.pallas import tpu_sc as plsc

_SCALE = 10.0
_D = 128
_NB = 4096
_S = 50
_NC = 2
_NS = 16
_NW = _NC * _NS
_BPW = _NB // _NW
_NBUF = 8
_AHEAD = 4
_LANES = 16


def _scale_buf(buf):

    def row_body(r, carry):
        for k in range(_D // _LANES):
            sl = pl.ds(k * _LANES, _LANES)
            buf[r, sl] = buf[r, sl] * _SCALE
        return carry

    lax.fori_loop(0, _S, row_body, 0, unroll=5)


_mesh = plsc.VectorSubcoreMesh(core_axis_name="c", subcore_axis_name="s")


@functools.partial(
    pl.kernel,
    out_type=jax.ShapeDtypeStruct((_NB, _S, _D), jnp.float32),
    mesh=_mesh,
    scratch_types=(
        [pltpu.VMEM((_BPW, _S), jnp.int32)]
        + [pltpu.VMEM((_S, _D), jnp.float32)] * _NBUF
        + [pltpu.SemaphoreType.DMA] * (2 * _NBUF)
    ),
)
def _gather_scale(table_hbm, idx_hbm, out_hbm, idx_v, *bufs_and_sems):
    bufs = bufs_and_sems[:_NBUF]
    gsem = bufs_and_sems[_NBUF:2 * _NBUF]
    osem = bufs_and_sems[2 * _NBUF:]
    wid = lax.axis_index("s") * _NC + lax.axis_index("c")
    pltpu.sync_copy(idx_hbm.at[pl.ds(wid * _BPW, _BPW)], idx_v)

    out_base = wid * _BPW

    def win(b):
        return idx_v.at[b, pl.ds(0, _S)]

    def gather(b, j):
        pltpu.make_async_copy(table_hbm.at[win(b)], bufs[j], gsem[j]).start()

    def scatter(b, j):
        return pltpu.make_async_copy(bufs[j], out_hbm.at[out_base + b],
                                     osem[j])

    for j in range(_AHEAD):
        gather(j, j)

    def handle(b, j):
        j4 = (j + _AHEAD) % _NBUF

        @pl.when(b >= _AHEAD)
        def _():
            scatter(b - _AHEAD, j4).wait()

        @pl.when(b + _AHEAD < _BPW)
        def _():
            gather(b + _AHEAD, j4)

        pltpu.make_async_copy(table_hbm.at[win(b)], bufs[j], gsem[j]).wait()
        _scale_buf(bufs[j])
        scatter(b, j).start()

    def body(i, carry):
        for j in range(_NBUF):
            handle(_NBUF * i + j, j)
        return carry

    lax.fori_loop(0, _BPW // _NBUF, body, 0)

    for k in range(_AHEAD):
        b = _BPW - _AHEAD + k
        scatter(b, b % _NBUF).wait()


def kernel(x, weight):
    return _gather_scale(weight, x.astype(jnp.int32))

# --- scband reference (transcript-rebuilt; emitter-appended) ---
"""Pipeline reference for scband-scaled-embedding-38749194945013 (READ-ONLY COPY).

The authoritative reference and input builder live on the scoring server;
editing this copy changes nothing except your own understanding.
"""

import jax, jax.numpy as jnp
import numpy as np

NUM_EMBEDDINGS = 100000
EMBEDDING_DIM = 128
SCALE = 10.0


def setup_inputs(seed: int = 0) -> dict:
    key = jax.random.key(seed)
    k1, k2 = jax.random.split(key)
    # Base embedding weight (as nn.Embedding init: N(0, 1))
    w = jax.random.normal(k1, (NUM_EMBEDDINGS, EMBEDDING_DIM), dtype=jnp.float32)
    # smooth=True: cumulative sum normalized by sqrt(arange)
    w = jnp.cumsum(w, axis=0)
    denom = jnp.sqrt(jnp.arange(1, NUM_EMBEDDINGS + 1, dtype=jnp.float32))[:, None]
    w = w / denom
    # divide by scale (stored weight is scaled down)
    w = w / SCALE
    x = jax.random.randint(k2, (4096, 50), 0, NUM_EMBEDDINGS, dtype=jnp.int64)
    return {"x": x, "weight": w}


def reference(x, weight):
    # forward: embedding lookup, then multiply by scale
    out = jnp.take(weight, x, axis=0) * SCALE
    return out

if __name__ == "__main__":
    import jax
    _d = setup_inputs()
    print(jax.jit(kernel)(*tuple(_d.values())))

</pallas_src>

<mosaic_0001>
#map = affine_map<(d0, d1) -> (0, 0)>
#map1 = affine_map<(d0, d1) -> (0, 0, 0)>
module attributes {stable_mosaic.version = 14 : i64} {
  func.func @_gather_scale(%arg0: i32, %arg1: i32, %arg2: memref<100000x128xf32, #tpu.memory_space<hbm>>, %arg3: memref<4096x50xi32, #tpu.memory_space<hbm>>, %arg4: memref<4096x50x128xf32, #tpu.memory_space<hbm>>, %arg5: memref<128x50xi32, #tpu.memory_space<vmem>>, %arg6: memref<50x128xf32, #tpu.memory_space<vmem>>, %arg7: memref<50x128xf32, #tpu.memory_space<vmem>>, %arg8: memref<50x128xf32, #tpu.memory_space<vmem>>, %arg9: memref<50x128xf32, #tpu.memory_space<vmem>>, %arg10: memref<50x128xf32, #tpu.memory_space<vmem>>, %arg11: memref<50x128xf32, #tpu.memory_space<vmem>>, %arg12: memref<50x128xf32, #tpu.memory_space<vmem>>, %arg13: memref<50x128xf32, #tpu.memory_space<vmem>>, %arg14: memref<!tpu.dma_semaphore, #tpu.memory_space<semaphore_mem>>, %arg15: memref<!tpu.dma_semaphore, #tpu.memory_space<semaphore_mem>>, %arg16: memref<!tpu.dma_semaphore, #tpu.memory_space<semaphore_mem>>, %arg17: memref<!tpu.dma_semaphore, #tpu.memory_space<semaphore_mem>>, %arg18: memref<!tpu.dma_semaphore, #tpu.memory_space<semaphore_mem>>, %arg19: memref<!tpu.dma_semaphore, #tpu.memory_space<semaphore_mem>>, %arg20: memref<!tpu.dma_semaphore, #tpu.memory_space<semaphore_mem>>, %arg21: memref<!tpu.dma_semaphore, #tpu.memory_space<semaphore_mem>>, %arg22: memref<!tpu.dma_semaphore, #tpu.memory_space<semaphore_mem>>, %arg23: memref<!tpu.dma_semaphore, #tpu.memory_space<semaphore_mem>>, %arg24: memref<!tpu.dma_semaphore, #tpu.memory_space<semaphore_mem>>, %arg25: memref<!tpu.dma_semaphore, #tpu.memory_space<semaphore_mem>>, %arg26: memref<!tpu.dma_semaphore, #tpu.memory_space<semaphore_mem>>, %arg27: memref<!tpu.dma_semaphore, #tpu.memory_space<semaphore_mem>>, %arg28: memref<!tpu.dma_semaphore, #tpu.memory_space<semaphore_mem>>, %arg29: memref<!tpu.dma_semaphore, #tpu.memory_space<semaphore_mem>>) attributes {dimension_semantics = [#tpu.dimension_semantics<core_parallel>, #tpu.dimension_semantics<subcore_parallel>], iteration_bounds = array<i64: 2, 16>, scalar_prefetch = 0 : i64, scratch_operands = 25 : i64, tpu.core_type = #tpu.core_type<sc_vector_subcore>, window_params = [{transform_indices = #map}, {transform_indices = #map}, {transform_indices = #map1}]} {
    %mul3A = arith.constant 2 : i32
    %mul3A_0 = arith.muli %arg1, %mul3A : i32
    %add3A = arith.addi %mul3A_0, %arg0 : i32
    %mul3A_1 = arith.constant 128 : i32
    %mul3A_2 = arith.muli %add3A, %mul3A_1 : i32
    "tpu.region"() ({
      %run_scoped3A = tpu.sem_alloc : memref<!tpu.dma_semaphore, #tpu.memory_space<semaphore_mem>>
      %dma_start3A_76 = arith.constant 0 : i32
      %dma_start3A_77 = tpu.memref_slice %arg3[%mul3A_2, %dma_start3A_76] : memref<4096x50xi32, #tpu.memory_space<hbm>> -> memref<128x50xi32, #tpu.memory_space<hbm>>
      %dma_start3A_78 = arith.constant 0 : i32
      %dma_start3A_79 = tpu.memref_slice %arg3[%mul3A_2, %dma_start3A_78] : memref<4096x50xi32, #tpu.memory_space<hbm>> -> memref<128x50xi32, #tpu.memory_space<hbm>>
      tpu.enqueue_dma source(%dma_start3A_79 : memref<128x50xi32, #tpu.memory_space<hbm>>) target(%arg5 : memref<128x50xi32, #tpu.memory_space<vmem>>) target_semaphore(%run_scoped3A : memref<!tpu.dma_semaphore, #tpu.memory_space<semaphore_mem>>)
      %dma_wait3A_80 = arith.constant 0 : i32
      %dma_wait3A_81 = tpu.memref_slice %arg3[%mul3A_2, %dma_wait3A_80] : memref<4096x50xi32, #tpu.memory_space<hbm>> -> memref<128x50xi32, #tpu.memory_space<hbm>>
      %dma_wait3A_82 = arith.constant 0 : i32
      %dma_wait3A_83 = tpu.memref_slice %arg3[%mul3A_2, %dma_wait3A_82] : memref<4096x50xi32, #tpu.memory_space<hbm>> -> memref<128x50xi32, #tpu.memory_space<hbm>>
      tpu.wait_dma2 semaphore(%run_scoped3A : memref<!tpu.dma_semaphore, #tpu.memory_space<semaphore_mem>>) src(%dma_wait3A_83 : memref<128x50xi32, #tpu.memory_space<hbm>>) dst(%arg5 : memref<128x50xi32, #tpu.memory_space<vmem>>)
      tpu.yield
    }) : () -> ()
    %mul3A_3 = arith.constant 128 : i32
    %mul3A_4 = arith.muli %add3A, %mul3A_3 : i32
    %dma_start3A = arith.constant 0 : i32
    %dma_start3A_5 = arith.constant 0 : i32
    %dma_start3A_6 = tpu.memref_slice %arg5[%dma_start3A, %dma_start3A_5] : memref<128x50xi32, #tpu.memory_space<vmem>> -> memref<1x50xi32, #tpu.memory_space<vmem>>
    %dma_start3A_7 = tpu.memref_squeeze %dma_start3A_6 : memref<1x50xi32, #tpu.memory_space<vmem>> -> memref<50xi32, #tpu.memory_space<vmem>>
    %dma_start3A_8 = arith.constant 0 : i32
    %dma_start3A_9 = arith.constant 0 : i32
    %dma_start3A_10 = tpu.memref_slice %arg2[%dma_start3A_8, %dma_start3A_9] : memref<100000x128xf32, #tpu.memory_space<hbm>> -> memref<100000x128xf32, #tpu.memory_space<hbm>>
    tpu.enqueue_indirect_dma source(%dma_start3A_10 : memref<100000x128xf32, #tpu.memory_space<hbm>>) target(%arg6 : memref<50x128xf32, #tpu.memory_space<vmem>>) offsets(%dma_start3A_7 : memref<50xi32, #tpu.memory_space<vmem>>) semaphore(%arg14 : memref<!tpu.dma_semaphore, #tpu.memory_space<semaphore_mem>>)
    %dma_start3A_11 = arith.constant 1 : i32
    %dma_start3A_12 = arith.constant 0 : i32
    %dma_start3A_13 = tpu.memref_slice %arg5[%dma_start3A_11, %dma_start3A_12] : memref<128x50xi32, #tpu.memory_space<vmem>> -> memref<1x50xi32, #tpu.memory_space<vmem>>
    %dma_start3A_14 = tpu.memref_squeeze %dma_start3A_13 : memref<1x50xi32, #tpu.memory_space<vmem>> -> memref<50xi32, #tpu.memory_space<vmem>>
    %dma_start3A_15 = arith.constant 0 : i32
    %dma_start3A_16 = arith.constant 0 : i32
    %dma_start3A_17 = tpu.memref_slice %arg2[%dma_start3A_15, %dma_start3A_16] : memref<100000x128xf32, #tpu.memory_space<hbm>> -> memref<100000x128xf32, #tpu.memory_space<hbm>>
    tpu.enqueue_indirect_dma source(%dma_start3A_17 : memref<100000x128xf32, #tpu.memory_space<hbm>>) target(%arg7 : memref<50x128xf32, #tpu.memory_space<vmem>>) offsets(%dma_start3A_14 : memref<50xi32, #tpu.memory_space<vmem>>) semaphore(%arg15 : memref<!tpu.dma_semaphore, #tpu.memory_space<semaphore_mem>>)
    %dma_start3A_18 = arith.constant 2 : i32
    %dma_start3A_19 = arith.constant 0 : i32
    %dma_start3A_20 = tpu.memref_slice %arg5[%dma_start3A_18, %dma_start3A_19] : memref<128x50xi32, #tpu.memory_space<vmem>> -> memref<1x50xi32, #tpu.memory_space<vmem>>
    %dma_start3A_21 = tpu.memref_squeeze %dma_start3A_20 : memref<1x50xi32, #tpu.memory_space<vmem>> -> memref<50xi32, #tpu.memory_space<vmem>>
    %dma_start3A_22 = arith.constant 0 : i32
    %dma_start3A_23 = arith.constant 0 : i32
    %dma_start3A_24 = tpu.memref_slice %arg2[%dma_start3A_22, %dma_start3A_23] : memref<100000x128xf32, #tpu.memory_space<hbm>> -> memref<100000x128xf32, #tpu.memory_space<hbm>>
    tpu.enqueue_indirect_dma source(%dma_start3A_24 : memref<100000x128xf32, #tpu.memory_space<hbm>>) target(%arg8 : memref<50x128xf32, #tpu.memory_space<vmem>>) offsets(%dma_start3A_21 : memref<50xi32, #tpu.memory_space<vmem>>) semaphore(%arg16 : memref<!tpu.dma_semaphore, #tpu.memory_space<semaphore_mem>>)
    %dma_start3A_25 = arith.constant 3 : i32
    %dma_start3A_26 = arith.constant 0 : i32
    %dma_start3A_27 = tpu.memref_slice %arg5[%dma_start3A_25, %dma_start3A_26] : memref<128x50xi32, #tpu.memory_space<vmem>> -> memref<1x50xi32, #tpu.memory_space<vmem>>
    %dma_start3A_28 = tpu.memref_squeeze %dma_start3A_27 : memref<1x50xi32, #tpu.memory_space<vmem>> -> memref<50xi32, #tpu.memory_space<vmem>>
    %dma_start3A_29 = arith.constant 0 : i32
    %dma_start3A_30 = arith.constant 0 : i32
    %dma_start3A_31 = tpu.memref_slice %arg2[%dma_start3A_29, %dma_start3A_30] : memref<100000x128xf32, #tpu.memory_space<hbm>> -> memref<100000x128xf32, #tpu.memory_space<hbm>>
    tpu.enqueue_indirect_dma source(%dma_start3A_31 : memref<100000x128xf32, #tpu.memory_space<hbm>>) target(%arg9 : memref<50x128xf32, #tpu.memory_space<vmem>>) offsets(%dma_start3A_28 : memref<50xi32, #tpu.memory_space<vmem>>) semaphore(%arg17 : memref<!tpu.dma_semaphore, #tpu.memory_space<semaphore_mem>>)
    %scan3A = arith.constant 0 : i32
    %scan3A_32 = arith.constant 0 : i32
    %scan3A_33 = arith.constant 16 : i32
    %scan3A_34 = arith.addi %scan3A_32, %scan3A_33 : i32
    %scan3A_35 = arith.constant 1 : i32
    scf.for %scan3A_76 = %scan3A_32 to %scan3A_34 step %scan3A_35  : i32 {
      %mul3A_77 = arith.constant 8 : i32
      %mul3A_78 = arith.muli %mul3A_77, %scan3A_76 : i32
      %add3A_79 = arith.constant 0 : i32
      %add3A_80 = arith.addi %mul3A_78, %add3A_79 : i32
      %ge3A = arith.constant 4 : i32
      %ge3A_81 = arith.cmpi sge, %add3A_80, %ge3A : i32
      %convert_element_type3A = arith.extui %ge3A_81 : i1 to i32
      %cond3A = arith.constant 0 : i32
      %cond3A_82 = arith.cmpi ne, %convert_element_type3A, %cond3A : i32
      scf.if %cond3A_82 {
        %sub3A = arith.constant 4 : i32
        %sub3A_369 = arith.subi %add3A_80, %sub3A : i32
        %add3A_370 = arith.addi %mul3A_4, %sub3A_369 : i32
        %dma_wait3A_371 = arith.constant 0 : i32
        %dma_wait3A_372 = arith.constant 0 : i32
        %dma_wait3A_373 = tpu.memref_slice %arg4[%add3A_370, %dma_wait3A_371, %dma_wait3A_372] : memref<4096x50x128xf32, #tpu.memory_space<hbm>> -> memref<1x50x128xf32, #tpu.memory_space<hbm>>
        %dma_wait3A_374 = tpu.memref_squeeze %dma_wait3A_373 : memref<1x50x128xf32, #tpu.memory_space<hbm>> -> memref<50x128xf32, #tpu.memory_space<hbm>>
        %dma_wait3A_375 = arith.constant 0 : i32
        %dma_wait3A_376 = arith.constant 0 : i32
        %dma_wait3A_377 = tpu.memref_slice %arg4[%add3A_370, %dma_wait3A_375, %dma_wait3A_376] : memref<4096x50x128xf32, #tpu.memory_space<hbm>> -> memref<1x50x128xf32, #tpu.memory_space<hbm>>
        %dma_wait3A_378 = tpu.memref_squeeze %dma_wait3A_377 : memref<1x50x128xf32, #tpu.memory_space<hbm>> -> memref<50x128xf32, #tpu.memory_space<hbm>>
        tpu.wait_dma2 semaphore(%arg26 : memref<!tpu.dma_semaphore, #tpu.memory_space<semaphore_mem>>) src(%arg10 : memref<50x128xf32, #tpu.memory_space<vmem>>) dst(%dma_wait3A_378 : memref<50x128xf32, #tpu.memory_space<hbm>>)
      } else {
      }
      %add3A_83 = arith.constant 4 : i32
      %add3A_84 = arith.addi %add3A_80, %add3A_83 : i32
      %lt3A = arith.constant 128 : i32
      %lt3A_85 = arith.cmpi slt, %add3A_84, %lt3A : i32
      %convert_element_type3A_86 = arith.extui %lt3A_85 : i1 to i32
      %cond3A_87 = arith.constant 0 : i32
      %cond3A_88 = arith.cmpi ne, %convert_element_type3A_86, %cond3A_87 : i32
      scf.if %cond3A_88 {
        %add3A_369 = arith.constant 4 : i32
        %add3A_370 = arith.addi %add3A_80, %add3A_369 : i32
        %dma_start3A_371 = arith.constant 0 : i32
        %dma_start3A_372 = tpu.memref_slice %arg5[%add3A_370, %dma_start3A_371] : memref<128x50xi32, #tpu.memory_space<vmem>> -> memref<1x50xi32, #tpu.memory_space<vmem>>
        %dma_start3A_373 = tpu.memref_squeeze %dma_start3A_372 : memref<1x50xi32, #tpu.memory_space<vmem>> -> memref<50xi32, #tpu.memory_space<vmem>>
        %dma_start3A_374 = arith.constant 0 : i32
        %dma_start3A_375 = arith.constant 0 : i32
        %dma_start3A_376 = tpu.memref_slice %arg2[%dma_start3A_374, %dma_start3A_375] : memref<100000x128xf32, #tpu.memory_space<hbm>> -> memref<100000x128xf32, #tpu.memory_space<hbm>>
        tpu.enqueue_indirect_dma source(%dma_start3A_376 : memref<100000x128xf32, #tpu.memory_space<hbm>>) target(%arg10 : memref<50x128xf32, #tpu.memory_space<vmem>>) offsets(%dma_start3A_373 : memref<50xi32, #tpu.memory_space<vmem>>) semaphore(%arg18 : memref<!tpu.dma_semaphore, #tpu.memory_space<semaphore_mem>>)
      } else {
      }
      %dma_wait3A_89 = arith.constant 0 : i32
      %dma_wait3A_90 = tpu.memref_slice %arg5[%add3A_80, %dma_wait3A_89] : memref<128x50xi32, #tpu.memory_space<vmem>> -> memref<1x50xi32, #tpu.memory_space<vmem>>
      %dma_wait3A_91 = tpu.memref_squeeze %dma_wait3A_90 : memref<1x50xi32, #tpu.memory_space<vmem>> -> memref<50xi32, #tpu.memory_space<vmem>>
      %dma_wait3A_92 = arith.constant 0 : i32
      %dma_wait3A_93 = arith.constant 0 : i32
      %dma_wait3A_94 = tpu.memref_slice %arg2[%dma_wait3A_92, %dma_wait3A_93] : memref<100000x128xf32, #tpu.memory_space<hbm>> -> memref<100000x128xf32, #tpu.memory_space<hbm>>
      tpu.wait_indirect_dma semaphore(%arg14 : memref<!tpu.dma_semaphore, #tpu.memory_space<semaphore_mem>>) src(%dma_wait3A_94 : memref<100000x128xf32, #tpu.memory_space<hbm>>) dst(%arg6 : memref<50x128xf32, #tpu.memory_space<vmem>>)
      %scan3A_95 = arith.constant 0 : i32
      %scan3A_96 = arith.constant 0 : i32
      %scan3A_97 = arith.constant 50 : i32
      %scan3A_98 = arith.addi %scan3A_96, %scan3A_97 : i32
      %scan3A_99 = arith.constant 5 : i32
      scf.for %scan3A_369 = %scan3A_96 to %scan3A_98 step %scan3A_99  : i32 {
        %get3A = arith.index_cast %scan3A_369 : i32 to index
        %get3A_370 = arith.constant 0 : index
        %get3A_371 = tpu.vector_load %arg6[%get3A, %get3A_370] {strides = array<i32>} : memref<50x128xf32, #tpu.memory_space<vmem>>, vector<1x16xf32>,
        %get3A_372 = vector.shape_cast %get3A_371 : vector<1x16xf32> to vector<16xf32>
        %mul3A_373 = arith.constant 1.000000e+01 : f32
        %mul3A_374 = vector.broadcast %mul3A_373 : f32 to vector<16xf32>
        %mul3A_375 = arith.mulf %get3A_372, %mul3A_374 : vector<16xf32>
        %swap3A = arith.index_cast %scan3A_369 : i32 to index
        %swap3A_376 = arith.constant 0 : index
        %swap3A_377 = tpu.vector_load %arg6[%swap3A, %swap3A_376] {strides = array<i32>} : memref<50x128xf32, #tpu.memory_space<vmem>>, vector<1x16xf32>,
        %swap3A_378 = vector.shape_cast %swap3A_377 : vector<1x16xf32> to vector<16xf32>
        %swap3A_379 = vector.shape_cast %mul3A_375 : vector<16xf32> to vector<1x16xf32>
        tpu.vector_store %arg6[%swap3A, %swap3A_376], %swap3A_379 {strides = array<i32>} : memref<50x128xf32, #tpu.memory_space<vmem>>, vector<1x16xf32>,
        %get3A_380 = arith.index_cast %scan3A_369 : i32 to index
        %get3A_381 = arith.constant 16 : index
        %get3A_382 = tpu.vector_load %arg6[%get3A_380, %get3A_381] {strides = array<i32>} : memref<50x128xf32, #tpu.memory_space<vmem>>, vector<1x16xf32>,
        %get3A_383 = vector.shape_cast %get3A_382 : vector<1x16xf32> to vector<16xf32>
        %mul3A_384 = arith.constant 1.000000e+01 : f32
        %mul3A_385 = vector.broadcast %mul3A_384 : f32 to vector<16xf32>
        %mul3A_386 = arith.mulf %get3A_383, %mul3A_385 : vector<16xf32>
        %swap3A_387 = arith.index_cast %scan3A_369 : i32 to index
        %swap3A_388 = arith.constant 16 : index
        %swap3A_389 = tpu.vector_load %arg6[%swap3A_387, %swap3A_388] {strides = array<i32>} : memref<50x128xf32, #tpu.memory_space<vmem>>, vector<1x16xf32>,
        %swap3A_390 = vector.shape_cast %swap3A_389 : vector<1x16xf32> to vector<16xf32>
        %swap3A_391 = vector.shape_cast %mul3A_386 : vector<16xf32> to vector<1x16xf32>
        tpu.vector_store %arg6[%swap3A_387, %swap3A_388], %swap3A_391 {strides = array<i32>} : memref<50x128xf32, #tpu.memory_space<vmem>>, vector<1x16xf32>,
        %get3A_392 = arith.index_cast %scan3A_369 : i32 to index
        %get3A_393 = arith.constant 32 : index
        %get3A_394 = tpu.vector_load %arg6[%get3A_392, %get3A_393] {strides = array<i32>} : memref<50x128xf32, #tpu.memory_space<vmem>>, vector<1x16xf32>,
        %get3A_395 = vector.shape_cast %get3A_394 : vector<1x16xf32> to vector<16xf32>
        %mul3A_396 = arith.constant 1.000000e+01 : f32
        %mul3A_397 = vector.broadcast %mul3A_396 : f32 to vector<16xf32>
        %mul3A_398 = arith.mulf %get3A_395, %mul3A_397 : vector<16xf32>
        %swap3A_399 = arith.index_cast %scan3A_369 : i32 to index
        %swap3A_400 = arith.constant 32 : index
        %swap3A_401 = tpu.vector_load %arg6[%swap3A_399, %swap3A_400] {strides = array<i32>} : memref<50x128xf32, #tpu.memory_space<vmem>>, vector<1x16xf32>,
        %swap3A_402 = vector.shape_cast %swap3A_401 : vector<1x16xf32> to vector<16xf32>
        %swap3A_403 = vector.shape_cast %mul3A_398 : vector<16xf32> to vector<1x16xf32>
        tpu.vector_store %arg6[%swap3A_399, %swap3A_400], %swap3A_403 {strides = array<i32>} : memref<50x128xf32, #tpu.memory_space<vmem>>, vector<1x16xf32>,
        %get3A_404 = arith.index_cast %scan3A_369 : i32 to index
        %get3A_405 = arith.constant 48 : index
        %get3A_406 = tpu.vector_load %arg6[%get3A_404, %get3A_405] {strides = array<i32>} : memref<50x128xf32, #tpu.memory_space<vmem>>, vector<1x16xf32>,
        %get3A_407 = vector.shape_cast %get3A_406 : vector<1x16xf32> to vector<16xf32>
        %mul3A_408 = arith.constant 1.000000e+01 : f32
        %mul3A_409 = vector.broadcast %mul3A_408 : f32 to vector<16xf32>
        %mul3A_410 = arith.mulf %get3A_407, %mul3A_409 : vector<16xf32>
        %swap3A_411 = arith.index_cast %scan3A_369 : i32 to index
        %swap3A_412 = arith.constant 48 : index
        %swap3A_413 = tpu.vector_load %arg6[%swap3A_411, %swap3A_412] {strides = array<i32>} : memref<50x128xf32, #tpu.memory_space<vmem>>, vector<1x16xf32>,
        %swap3A_414 = vector.shape_cast %swap3A_413 : vector<1x16xf32> to vector<16xf32>
        %swap3A_415 = vector.shape_cast %mul3A_410 : vector<16xf32> to vector<1x16xf32>
        tpu.vector_store %arg6[%swap3A_411, %swap3A_412], %swap3A_415 {strides = array<i32>} : memref<50x128xf32, #tpu.memory_space<vmem>>, vector<1x16xf32>,
        %get3A_416 = arith.index_cast %scan3A_369 : i32 to index
        %get3A_417 = arith.constant 64 : index
        %get3A_418 = tpu.vector_load %arg6[%get3A_416, %get3A_417] {strides = array<i32>} : memref<50x128xf32, #tpu.memory_space<vmem>>, vector<1x16xf32>,
        %get3A_419 = vector.shape_cast %get3A_418 : vector<1x16xf32> to vector<16xf32>
        %mul3A_420 = arith.constant 1.000000e+01 : f32
        %mul3A_421 = vector.broadcast %mul3A_420 : f32 to vector<16xf32>
        %mul3A_422 = arith.mulf %get3A_419, %mul3A_421 : vector<16xf32>
        %swap3A_423 = arith.index_cast %scan3A_369 : i32 to index
        %swap3A_424 = arith.constant 64 : index
        %swap3A_425 = tpu.vector_load %arg6[%swap3A_423, %swap3A_424] {strides = array<i32>} : memref<50x128xf32, #tpu.memory_space<vmem>>, vector<1x16xf32>,
        %swap3A_426 = vector.shape_cast %swap3A_425 : vector<1x16xf32> to vector<16xf32>
        %swap3A_427 = vector.shape_cast %mul3A_422 : vector<16xf32> to vector<1x16xf32>
        tpu.vector_store %arg6[%swap3A_423, %swap3A_424], %swap3A_427 {strides = array<i32>} : memref<50x128xf32, #tpu.memory_space<vmem>>, vector<1x16xf32>,
        %get3A_428 = arith.index_cast %scan3A_369 : i32 to index
        %get3A_429 = arith.constant 80 : index
        %get3A_430 = tpu.vector_load %arg6[%get3A_428, %get3A_429] {strides = array<i32>} : memref<50x128xf32, #tpu.memory_space<vmem>>, vector<1x16xf32>,
        %get3A_431 = vector.shape_cast %get3A_430 : vector<1x16xf32> to vector<16xf32>
        %mul3A_432 = arith.constant 1.000000e+01 : f32
        %mul3A_433 = vector.broadcast %mul3A_432 : f32 to vector<16xf32>
        %mul3A_434 = arith.mulf %get3A_431, %mul3A_433 : vector<16xf32>
        %swap3A_435 = arith.index_cast %scan3A_369 : i32 to index
        %swap3A_436 = arith.constant 80 : index
        %swap3A_437 = tpu.vector_load %arg6[%swap3A_435, %swap3A_436] {strides = array<i32>} : memref<50x128xf32, #tpu.memory_space<vmem>>, vector<1x16xf32>,
        %swap3A_438 = vector.shape_cast %swap3A_437 : vector<1x16xf32> to vector<16xf32>
        %swap3A_439 = vector.shape_cast %mul3A_434 : vector<16xf32> to vector<1x16xf32>
        tpu.vector_store %arg6[%swap3A_435, %swap3A_436], %swap3A_439 {strides = array<i32>} : memref<50x128xf32, #tpu.memory_space<vmem>>, vector<1x16xf32>,
        %get3A_440 = arith.index_cast %scan3A_369 : i32 to index
        %get3A_441 = arith.constant 96 : index
        %get3A_442 = tpu.vector_load %arg6[%get3A_440, %get3A_441] {strides = array<i32>} : memref<50x128xf32, #tpu.memory_space<vmem>>, vector<1x16xf32>,
        %get3A_443 = vector.shape_cast %get3A_442 : vector<1x16xf32> to vector<16xf32>
        %mul3A_444 = arith.constant 1.000000e+01 : f32
        %mul3A_445 = vector.broadcast %mul3A_444 : f32 to vector<16xf32>
        %mul3A_446 = arith.mulf %get3A_443, %mul3A_445 : vector<16xf32>
        %swap3A_447 = arith.index_cast %scan3A_369 : i32 to index
        %swap3A_448 = arith.constant 96 : index
        %swap3A_449 = tpu.vector_load %arg6[%swap3A_447, %swap3A_448] {strides = array<i32>} : memref<50x128xf32, #tpu.memory_space<vmem>>, vector<1x16xf32>,
        %swap3A_450 = vector.shape_cast %swap3A_449 : vector<1x16xf32> to vector<16xf32>
        %swap3A_451 = vector.shape_cast %mul3A_446 : vector<16xf32> to vector<1x16xf32>
        tpu.vector_store %arg6[%swap3A_447, %swap3A_448], %swap3A_451 {strides = array<i32>} : memref<50x128xf32, #tpu.memory_space<vmem>>, vector<1x16xf32>,
        %get3A_452 = arith.index_cast %scan3A_369 : i32 to index
        %get3A_453 = arith.constant 112 : index
        %get3A_454 = tpu.vector_load %arg6[%get3A_452, %get3A_453] {strides = array<i32>} : memref<50x128xf32, #tpu.memory_space<vmem>>, vector<1x16xf32>,
        %get3A_455 = vector.shape_cast %get3A_454 : vector<1x16xf32> to vector<16xf32>
        %mul3A_456 = arith.constant 1.000000e+01 : f32
        %mul3A_457 = vector.broadcast %mul3A_456 : f32 to vector<16xf32>
        %mul3A_458 = arith.mulf %get3A_455, %mul3A_457 : vector<16xf32>
        %swap3A_459 = arith.index_cast %scan3A_369 : i32 to index
        %swap3A_460 = arith.constant 112 : index
        %swap3A_461 = tpu.vector_load %arg6[%swap3A_459, %swap3A_460] {strides = array<i32>} : memref<50x128xf32, #tpu.memory_space<vmem>>, vector<1x16xf32>,
        %swap3A_462 = vector.shape_cast %swap3A_461 : vector<1x16xf32> to vector<16xf32>
        %swap3A_463 = vector.shape_cast %mul3A_458 : vector<16xf32> to vector<1x16xf32>
        tpu.vector_store %arg6[%swap3A_459, %swap3A_460], %swap3A_463 {strides = array<i32>} : memref<50x128xf32, #tpu.memory_space<vmem>>, vector<1x16xf32>,
        %scan3A_464 = arith.constant 1 : i32
        %scan3A_465 = arith.addi %scan3A_369, %scan3A_464 : i32
        %get3A_466 = arith.index_cast %scan3A_465 : i32 to index
        %get3A_467 = arith.constant 0 : index
        %get3A_468 = tpu.vector_load %arg6[%get3A_466, %get3A_467] {strides = array<i32>} : memref<50x128xf32, #tpu.memory_space<vmem>>, vector<1x16xf32>,
        %get3A_469 = vector.shape_cast %get3A_468 : vector<1x16xf32> to vector<16xf32>
        %mul3A_470 = arith.constant 1.000000e+01 : f32
        %mul3A_471 = vector.broadcast %mul3A_470 : f32 to vector<16xf32>
        %mul3A_472 = arith.mulf %get3A_469, %mul3A_471 : vector<16xf32>
        %swap3A_473 = arith.index_cast %scan3A_465 : i32 to index
        %swap3A_474 = arith.constant 0 : index
        %swap3A_475 = tpu.vector_load %arg6[%swap3A_473, %swap3A_474] {strides = array<i32>} : memref<50x128xf32, #tpu.memory_space<vmem>>, vector<1x16xf32>,
        %swap3A_476 = vector.shape_cast %swap3A_475 : vector<1x16xf32> to vector<16xf32>
        %swap3A_477 = vector.shape_cast %mul3A_472 : vector<16xf32> to vector<1x16xf32>
        tpu.vector_store %arg6[%swap3A_473, %swap3A_474], %swap3A_477 {strides = array<i32>} : memref<50x128xf32, #tpu.memory_space<vmem>>, vector<1x16xf32>,
        %get3A_478 = arith.index_cast %scan3A_465 : i32 to index
        %get3A_479 = arith.constant 16 : index
        %get3A_480 = tpu.vector_load %arg6[%get3A_478, %get3A_479] {strides = array<i32>} : memref<50x128xf32, #tpu.memory_space<vmem>>, vector<1x16xf32>,
        %get3A_481 = vector.shape_cast %get3A_480 : vector<1x16xf32> to vector<16xf32>
        %mul3A_482 = arith.constant 1.000000e+01 : f32
        %mul3A_483 = vector.broadcast %mul3A_482 : f32 to vector<16xf32>
        %mul3A_484 = arith.mulf %get3A_481, %mul3A_483 : vector<16xf32>
        %swap3A_485 = arith.index_cast %scan3A_465 : i32 to index
        %swap3A_486 = arith.constant 16 : index
        %swap3A_487 = tpu.vector_load %arg6[%swap3A_485, %swap3A_486] {strides = array<i32>} : memref<50x128xf32, #tpu.memory_space<vmem>>, vector<1x16xf32>,
        %swap3A_488 = vector.shape_cast %swap3A_487 : vector<1x16xf32> to vector<16xf32>
        %swap3A_489 = vector.shape_cast %mul3A_484 : vector<16xf32> to vector<1x16xf32>
        tpu.vector_store %arg6[%swap3A_485, %swap3A_486], %swap3A_489 {strides = array<i32>} : memref<50x128xf32, #tpu.memory_space<vmem>>, vector<1x16xf32>,
        %get3A_490 = arith.index_cast %scan3A_465 : i32 to index
        %get3A_491 = arith.constant 32 : index
        %get3A_492 = tpu.vector_load %arg6[%get3A_490, %get3A_491] {strides = array<i32>} : memref<50x128xf32, #tpu.memory_space<vmem>>, vector<1x16xf32>,
        %get3A_493 = vector.shape_cast %get3A_492 : vector<1x16xf32> to vector<16xf32>
        %mul3A_494 = arith.constant 1.000000e+01 : f32
        %mul3A_495 = vector.broadcast %mul3A_494 : f32 to vector<16xf32>
        %mul3A_496 = arith.mulf %get3A_493, %mul3A_495 : vector<16xf32>
        %swap3A_497 = arith.index_cast %scan3A_465 : i32 to index
        %swap3A_498 = arith.constant 32 : index
        %swap3A_499 = tpu.vector_load %arg6[%swap3A_497, %swap3A_498] {strides = array<i32>} : memref<50x128xf32, #tpu.memory_space<vmem>>, vector<1x16xf32>,
        %swap3A_500 = vector.shape_cast %swap3A_499 : vector<1x16xf32> to vector<16xf32>
        %swap3A_501 = vector.shape_cast %mul3A_496 : vector<16xf32> to vector<1x16xf32>
        tpu.vector_store %arg6[%swap3A_497, %swap3A_498], %swap3A_501 {strides = array<i32>} : memref<50x128xf32, #tpu.memory_space<vmem>>, vector<1x16xf32>,
        %get3A_502 = arith.index_cast %scan3A_465 : i32 to index
        %get3A_503 = arith.constant 48 : index
        %get3A_504 = tpu.vector_load %arg6[%get3A_502, %get3A_503] {strides = array<i32>} : memref<50x128xf32, #tpu.memory_space<vmem>>, vector<1x16xf32>,
        %get3A_505 = vector.shape_cast %get3A_504 : vector<1x16xf32> to vector<16xf32>
        %mul3A_506 = arith.constant 1.000000e+01 : f32
        %mul3A_507 = vector.broadcast %mul3A_506 : f32 to vector<16xf32>
        %mul3A_508 = arith.mulf %get3A_505, %mul3A_507 : vector<16xf32>
        %swap3A_509 = arith.index_cast %scan3A_465 : i32 to index
        %swap3A_510 = arith.constant 48 : index
        %swap3A_511 = tpu.vector_load %arg6[%swap3A_509, %swap3A_510] {strides = array<i32>} : memref<50x128xf32, #tpu.memory_space<vmem>>, vector<1x16xf32>,
        %swap3A_512 = vector.shape_cast %swap3A_511 : vector<1x16xf32> to vector<16xf32>
        %swap3A_513 = vector.shape_cast %mul3A_508 : vector<16xf32> to vector<1x16xf32>
        tpu.vector_store %arg6[%swap3A_509, %swap3A_510], %swap3A_513 {strides = array<i32>} : memref<50x128xf32, #tpu.memory_space<vmem>>, vector<1x16xf32>,
        %get3A_514 = arith.index_cast %scan3A_465 : i32 to index
        %get3A_515 = arith.constant 64 : index
        %get3A_516 = tpu.vector_load %arg6[%get3A_514, %get3A_515] {strides = array<i32>} : memref<50x128xf32, #tpu.memory_space<vmem>>, vector<1x16xf32>,
        %get3A_517 = vector.shape_cast %get3A_516 : vector<1x16xf32> to vector<16xf32>
        %mul3A_518 = arith.constant 1.000000e+01 : f32
        %mul3A_519 = vector.broadcast %mul3A_518 : f32 to vector<16xf32>
        %mul3A_520 = arith.mulf %get3A_517, %mul3A_519 : vector<16xf32>
        %swap3A_521 = arith.index_cast %scan3A_465 : i32 to index
        %swap3A_522 = arith.constant 64 : index
        %swap3A_523 = tpu.vector_load %arg6[%swap3A_521, %swap3A_522] {strides = array<i32>} : memref<50x128xf32, #tpu.memory_space<vmem>>, vector<1x16xf32>,
        %swap3A_524 = vector.shape_cast %swap3A_523 : vector<1x16xf32> to vector<16xf32>
        %swap3A_525 = vector.shape_cast %mul3A_520 : vector<16xf32> to vector<1x16xf32>
        tpu.vector_store %arg6[%swap3A_521, %swap3A_522], %swap3A_525 {strides = array<i32>} : memref<50x128xf32, #tpu.memory_space<vmem>>, vector<1x16xf32>,
        %get3A_526 = arith.index_cast %scan3A_465 : i32 to index
        %get3A_527 = arith.constant 80 : index
        %get3A_528 = tpu.vector_load %arg6[%get3A_526, %get3A_527] {strides = array<i32>} : memref<50x128xf32, #tpu.memory_space<vmem>>, vector<1x16xf32>,
        %get3A_529 = vector.shape_cast %get3A_528 : vector<1x16xf32> to vector<16xf32>
        %mul3A_530 = arith.constant 1.000000e+01 : f32
        %mul3A_531 = vector.broadcast %mul3A_530 : f32 to vector<16xf32>
        %mul3A_532 = arith.mulf %get3A_529, %mul3A_531 : vector<16xf32>
        %swap3A_533 = arith.index_cast %scan3A_465 : i32 to index
        %swap3A_534 = arith.constant 80 : index
        %swap3A_535 = tpu.vector_load %arg6[%swap3A_533, %swap3A_534] {strides = array<i32>} : memref<50x128xf32, #tpu.memory_space<vmem>>, vector<1x16xf32>,
        %swap3A_536 = vector.shape_cast %swap3A_535 : vector<1x16xf32> to vector<16xf32>
        %swap3A_537 = vector.shape_cast %mul3A_532 : vector<16xf32> to vector<1x16xf32>
        tpu.vector_store %arg6[%swap3A_533, %swap3A_534], %swap3A_537 {strides = array<i32>} : memref<50x128xf32, #tpu.memory_space<vmem>>, vector<1x16xf32>,
        %get3A_538 = arith.index_cast %scan3A_465 : i32 to index
        %get3A_539 = arith.constant 96 : index
        %get3A_540 = tpu.vector_load %arg6[%get3A_538, %get3A_539] {strides = array<i32>} : memref<50x128xf32, #tpu.memory_space<vmem>>, vector<1x16xf32>,
        %get3A_541 = vector.shape_cast %get3A_540 : vector<1x16xf32> to vector<16xf32>
        %mul3A_542 = arith.constant 1.000000e+01 : f32
        %mul3A_543 = vector.broadcast %mul3A_542 : f32 to vector<16xf32>
        %mul3A_544 = arith.mulf %get3A_541, %mul3A_543 : vector<16xf32>
        %swap3A_545 = arith.index_cast %scan3A_465 : i32 to index
        %swap3A_546 = arith.constant 96 : index
        %swap3A_547 = tpu.vector_load %arg6[%swap3A_545, %swap3A_546] {strides = array<i32>} : memref<50x128xf32, #tpu.memory_space<vmem>>, vector<1x16xf32>,
        %swap3A_548 = vector.shape_cast %swap3A_547 : vector<1x16xf32> to vector<16xf32>
        %swap3A_549 = vector.shape_cast %mul3A_544 : vector<16xf32> to vector<1x16xf32>
        tpu.vector_store %arg6[%swap3A_545, %swap3A_546], %swap3A_549 {strides = array<i32>} : memref<50x128xf32, #tpu.memory_space<vmem>>, vector<1x16xf32>,
        %get3A_550 = arith.index_cast %scan3A_465 : i32 to index
        %get3A_551 = arith.constant 112 : index
        %get3A_552 = tpu.vector_load %arg6[%get3A_550, %get3A_551] {strides = array<i32>} : memref<50x128xf32, #tpu.memory_space<vmem>>, vector<1x16xf32>,
        %get3A_553 = vector.shape_cast %get3A_552 : vector<1x16xf32> to vector<16xf32>
        %mul3A_554 = arith.constant 1.000000e+01 : f32
        %mul3A_555 = vector.broadcast %mul3A_554 : f32 to vector<16xf32>
        %mul3A_556 = arith.mulf %get3A_553, %mul3A_555 : vector<16xf32>
        %swap3A_557 = arith.index_cast %scan3A_465 : i32 to index
        %swap3A_558 = arith.constant 112 : index
        %swap3A_559 = tpu.vector_load %arg6[%swap3A_557, %swap3A_558] {strides = array<i32>} : memref<50x128xf32, #tpu.memory_space<vmem>>, vector<1x16xf32>,
        %swap3A_560 = vector.shape_cast %swap3A_559 : vector<1x16xf32> to vector<16xf32>
        %swap3A_561 = vector.shape_cast %mul3A_556 : vector<16xf32> to vector<1x16xf32>
        tpu.vector_store %arg6[%swap3A_557, %swap3A_558], %swap3A_561 {strides = array<i32>} : memref<50x128xf32, #tpu.memory_space<vmem>>, vector<1x16xf32>,
        %scan3A_562 = arith.constant 2 : i32
        %scan3A_563 = arith.addi %scan3A_369, %scan3A_562 : i32
        %get3A_564 = arith.index_cast %scan3A_563 : i32 to index
        %get3A_565 = arith.constant 0 : index
        %get3A_566 = tpu.vector_load %arg6[%get3A_564, %get3A_565] {strides = array<i32>} : memref<50x128xf32, #tpu.memory_space<vmem>>, vector<1x16xf32>,
        %get3A_567 = vector.shape_cast %get3A_566 : vector<1x16xf32> to vector<16xf32>
        %mul3A_568 = arith.constant 1.000000e+01 : f32
        %mul3A_569 = vector.broadcast %mul3A_568 : f32 to vector<16xf32>
        %mul3A_570 = arith.mulf %get3A_567, %mul3A_569 : vector<16xf32>
        %swap3A_571 = arith.index_cast %scan3A_563 : i32 to index
        %swap3A_572 = arith.constant 0 : index
        %swap3A_573 = tpu.vector_load %arg6[%swap3A_571, %swap3A_572] {strides = array<i32>} : memref<50x128xf32, #tpu.memory_space<vmem>>, vector<1x16xf32>,
        %swap3A_574 = vector.shape_cast %swap3A_573 : vector<1x16xf32> to vector<16xf32>
        %swap3A_575 = vector.shape_cast %mul3A_570 : vector<16xf32> to vector<1x16xf32>
        tpu.vector_store %arg6[%swap3A_571, %swap3A_572], %swap3A_575 {strides = array<i32>} : memref<50x128xf32, #tpu.memory_space<vmem>>, vector<1x16xf32>,
        %get3A_576 = arith.index_cast %scan3A_563 : i32 to index
        %get3A_577 = arith.constant 16 : index
        %get3A_578 = tpu.vector_load %arg6[%get3A_576, %get3A_577] {strides = array<i32>} : memref<50x128xf32, #tpu.memory_space<vmem>>, vector<1x16xf32>,
        %get3A_579 = vector.shape_cast %get3A_578 : vector<1x16xf32> to vector<16xf32>
        %mul3A_580 = arith.constant 1.000000e+01 : f32
        %mul3A_581 = vector.broadcast %mul3A_580 : f32 to vector<16xf32>
        %mul3A_582 = arith.mulf %get3A_579, %mul3A_581 : vector<16xf32>
        %swap3A_583 = arith.index_cast %scan3A_563 : i32 to index
        %swap3A_584 = arith.constant 16 : index
        %swap3A_585 = tpu.vector_load %arg6[%swap3A_583, %swap3A_584] {strides = array<i32>} : memref<50x128xf32, #tpu.memory_space<vmem>>, vector<1x16xf32>,
        %swap3A_586 = vector.shape_cast %swap3A_585 : vector<1x16xf32> to vector<16xf32>
        %swap3A_587 = vector.shape_cast %mul3A_582 : vector<16xf32> to vector<1x16xf32>
        tpu.vector_store %arg6[%swap3A_583, %swap3A_584], %swap3A_587 {strides = array<i32>} : memref<50x128xf32, #tpu.memory_space<vmem>>, vector<1x16xf32>,
        %get3A_588 = arith.index_cast %scan3A_563 : i32 to index
        %get3A_589 = arith.constant 32 : index
        %get3A_590 = tpu.vector_load %arg6[%get3A_588, %get3A_589] {strides = array<i32>} : memref<50x128xf32, #tpu.memory_space<vmem>>, vector<1x16xf32>,
        %get3A_591 = vector.shape_cast %get3A_590 : vector<1x16xf32> to vector<16xf32>
        %mul3A_592 = arith.constant 1.000000e+01 : f32
        %mul3A_593 = vector.broadcast %mul3A_592 : f32 to vector<16xf32>
        %mul3A_594 = arith.mulf %get3A_591, %mul3A_593 : vector<16xf32>
        %swap3A_595 = arith.index_cast %scan3A_563 : i32 to index
        %swap3A_596 = arith.constant 32 : index
        %swap3A_597 = tpu.vector_load %arg6[%swap3A_595, %swap3A_596] {strides = array<i32>} : memref<50x128xf32, #tpu.memory_space<vmem>>, vector<1x16xf32>,
        %swap3A_598 = vector.shape_cast %swap3A_597 : vector<1x16xf32> to vector<16xf32>
        %swap3A_599 = vector.shape_cast %mul3A_594 : vector<16xf32> to vector<1x16xf32>
        tpu.vector_store %arg6[%swap3A_595, %swap3A_596], %swap3A_599 {strides = array<i32>} : memref<50x128xf32, #tpu.memory_space<vmem>>, vector<1x16xf32>,
        %get3A_600 = arith.index_cast %scan3A_563 : i32 to index
        %get3A_601 = arith.constant 48 : index
        %get3A_602 = tpu.vector_load %arg6[%get3A_600, %get3A_601] {strides = array<i32>} : memref<50x128xf32, #tpu.memory_space<vmem>>, vector<1x16xf32>,
        %get3A_603 = vector.shape_cast %get3A_602 : vector<1x16xf32> to vector<16xf32>
        %mul3A_604 = arith.constant 1.000000e+01 : f32
        %mul3A_605 = vector.broadcast %mul3A_604 : f32 to vector<16xf32>
        %mul3A_606 = arith.mulf %get3A_603, %mul3A_605 : vector<16xf32>
        %swap3A_607 = arith.index_cast %scan3A_563 : i32 to index
        %swap3A_608 = arith.constant 48 : index
        %swap3A_609 = tpu.vector_load %arg6[%swap3A_607, %swap3A_608] {strides = array<i32>} : memref<50x128xf32, #tpu.memory_space<vmem>>, vector<1x16xf32>,
        %swap3A_610 = vector.shape_cast %swap3A_609 : vector<1x16xf32> to vector<16xf32>
        %swap3A_611 = vector.shape_cast %mul3A_606 : vector<16xf32> to vector<1x16xf32>
        tpu.vector_store %arg6[%swap3A_607, %swap3A_608], %swap3A_611 {strides = array<i32>} : memref<50x128xf32, #tpu.memory_space<vmem>>, vector<1x16xf32>,
        %get3A_612 = arith.index_cast %scan3A_563 : i32 to index
        %get3A_613 = arith.constant 64 : index
        %get3A_614 = tpu.vector_load %arg6[%get3A_612, %get3A_613] {strides = array<i32>} : memref<50x128xf32, #tpu.memory_space<vmem>>, vector<1x16xf32>,
        %get3A_615 = vector.shape_cast %get3A_614 : vector<1x16xf32> to vector<16xf32>
        %mul3A_616 = arith.constant 1.000000e+01 : f32
        %mul3A_617 = vector.broadcast %mul3A_616 : f32 to vector<16xf32>
        %mul3A_618 = arith.mulf %get3A_615, %mul3A_617 : vector<16xf32>
        %swap3A_619 = arith.index_cast %scan3A_563 : i32 to index
        %swap3A_620 = arith.constant 64 : index
        %swap3A_621 = tpu.vector_load %arg6[%swap3A_619, %swap3A_620] {strides = array<i32>} : memref<50x128xf32, #tpu.memory_space<vmem>>, vector<1x16xf32>,
        %swap3A_622 = vector.shape_cast %swap3A_621 : vector<1x16xf32> to vector<16xf32>
        %swap3A_623 = vector.shape_cast %mul3A_618 : vector<16xf32> to vector<1x16xf32>
        tpu.vector_store %arg6[%swap3A_619, %swap3A_620], %swap3A_623 {strides = array<i32>} : memref<50x128xf32, #tpu.memory_space<vmem>>, vector<1x16xf32>,
        %get3A_624 = arith.index_cast %scan3A_563 : i32 to index
        %get3A_625 = arith.constant 80 : index
        %get3A_626 = tpu.vector_load %arg6[%get3A_624, %get3A_625] {strides = array<i32>} : memref<50x128xf32, #tpu.memory_space<vmem>>, vector<1x16xf32>,
        %get3A_627 = vector.shape_cast %get3A_626 : vector<1x16xf32> to vector<16xf32>
        %mul3A_628 = arith.constant 1.000000e+01 : f32
        %mul3A_629 = vector.broadcast %mul3A_628 : f32 to vector<16xf32>
        %mul3A_630 = arith.mulf %get3A_627, %mul3A_629 : vector<16xf32>
        %swap3A_631 = arith.index_cast %scan3A_563 : i32 to index
        %swap3A_632 = arith.constant 80 : index
        %swap3A_633 = tpu.vector_load %arg6[%swap3A_631, %swap3A_632] {strides = array<i32>} : memref<50x128xf32, #tpu.memory_space<vmem>>, vector<1x16xf32>,
        %swap3A_634 = vector.shape_cast %swap3A_633 : vector<1x16xf32> to vector<16xf32>
        %swap3A_635 = vector.shape_cast %mul3A_630 : vector<16xf32> to vector<1x16xf32>
        tpu.vector_store %arg6[%swap3A_631, %swap3A_632], %swap3A_635 {strides = array<i32>} : memref<50x128xf32, #tpu.memory_space<vmem>>, vector<1x16xf32>,
        %get3A_636 = arith.index_cast %scan3A_563 : i32 to index
        %get3A_637 = arith.constant 96 : index
        %get3A_638 = tpu.vector_load %arg6[%get3A_636, %get3A_637] {strides = array<i32>} : memref<50x128xf32, #tpu.memory_space<vmem>>, vector<1x16xf32>,
        %get3A_639 = vector.shape_cast %get3A_638 : vector<1x16xf32> to vector<16xf32>
        %mul3A_640 = arith.constant 1.000000e+01 : f32
        %mul3A_641 = vector.broadcast %mul3A_640 : f32 to vector<16xf32>
        %mul3A_642 = arith.mulf %get3A_639, %mul3A_641 : vector<16xf32>
        %swap3A_643 = arith.index_cast %scan3A_563 : i32 to index
        %swap3A_644 = arith.constant 96 : index
        %swap3A_645 = tpu.vector_load %arg6[%swap3A_643, %swap3A_644] {strides = array<i32>} : memref<50x128xf32, #tpu.memory_space<vmem>>, vector<1x16xf32>,
        %swap3A_646 = vector.shape_cast %swap3A_645 : vector<1x16xf32> to vector<16xf32>
        %swap3A_647 = vector.shape_cast %mul3A_642 : vector<16xf32> to vector<1x16xf32>
        tpu.vector_store %arg6[%swap3A_643, %swap3A_644], %swap3A_647 {strides = array<i32>} : memref<50x128xf32, #tpu.memory_space<vmem>>, vector<1x16xf32>,
        %get3A_648 = arith.index_cast %scan3A_563 : i32 to index
        %get3A_649 = arith.constant 112 : index
        %get3A_650 = tpu.vector_load %arg6[%get3A_648, %get3A_649] {strides = array<i32>} : memref<50x128xf32, #tpu.memory_space<vmem>>, vector<1x16xf32>,
        %get3A_651 = vector.shape_cast %get3A_650 : vector<1x16xf32> to vector<16xf32>
        %mul3A_652 = arith.constant 1.000000e+01 : f32
        %mul3A_653 = vector.broadcast %mul3A_652 : f32 to vector<16xf32>
        %mul3A_654 = arith.mulf %get3A_651, %mul3A_653 : vector<16xf32>
        %swap3A_655 = arith.index_cast %scan3A_563 : i32 to index
        %swap3A_656 = arith.constant 112 : index
        %swap3A_657 = tpu.vector_load %arg6[%swap3A_655, %swap3A_656] {strides = array<i32>} : memref<50x128xf32, #tpu.memory_space<vmem>>, vector<1x16xf32>,
        %swap3A_658 = vector.shape_cast %swap3A_657 : vector<1x16xf32> to vector<16xf32>
        %swap3A_659 = vector.shape_cast %mul3A_654 : vector<16xf32> to vector<1x16xf32>
        tpu.vector_store %arg6[%swap3A_655, %swap3A_656], %swap3A_659 {strides = array<i32>} : memref<50x128xf32, #tpu.memory_space<vmem>>, vector<1x16xf32>,
        %scan3A_660 = arith.constant 3 : i32
        %scan3A_661 = arith.addi %scan3A_369, %scan3A_660 : i32
        %get3A_662 = arith.index_cast %scan3A_661 : i32 to index
        %get3A_663 = arith.constant 0 : index
        %get3A_664 = tpu.vector_load %arg6[%get3A_662, %get3A_663] {strides = array<i32>} : memref<50x128xf32, #tpu.memory_space<vmem>>, vector<1x16xf32>,
        %get3A_665 = vector.shape_cast %get3A_664 : vector<1x16xf32> to vector<16xf32>
        %mul3A_666 = arith.constant 1.000000e+01 : f32
        %mul3A_667 = vector.broadcast %mul3A_666 : f32 to vector<16xf32>
        %mul3A_668 = arith.mulf %get3A_665, %mul3A_667 : vector<16xf32>
        %swap3A_669 = arith.index_cast %scan3A_661 : i32 to index
        %swap3A_670 = arith.constant 0 : index
        %swap3A_671 = tpu.vector_load %arg6[%swap3A_669, %swap3A_670] {strides = array<i32>} : memref<50x128xf32, #tpu.memory_space<vmem>>, vector<1x16xf32>,
        %swap3A_672 = vector.shape_cast %swap3A_671 : vector<1x16xf32> to vector<16xf32>
        %swap3A_673 = vector.shape_cast %mul3A_668 : vector<16xf32> to vector<1x16xf32>
        tpu.vector_store %arg6[%swap3A_669, %swap3A_670], %swap3A_673 {strides = array<i32>} : memref<50x128xf32, #tpu.memory_space<vmem>>, vector<1x16xf32>,
        %get3A_674 = arith.index_cast %scan3A_661 : i32 to index
        %get3A_675 = arith.constant 16 : index
        %get3A_676 = tpu.vector_load %arg6[%get3A_674, %get3A_675] {strides = array<i32>} : memref<50x128xf32, #tpu.memory_space<vmem>>, vector<1x16xf32>,
        %get3A_677 = vector.shape_cast %get3A_676 : vector<1x16xf32> to vector<16xf32>
        %mul3A_678 = arith.constant 1.000000e+01 : f32
        %mul3A_679 = vector.broadcast %mul3A_678 : f32 to vector<16xf32>
        %mul3A_680 = arith.mulf %get3A_677, %mul3A_679 : vector<16xf32>
        %swap3A_681 = arith.index_cast %scan3A_661 : i32 to index
        %swap3A_682 = arith.constant 16 : index
        %swap3A_683 = tpu.vector_load %arg6[%swap3A_681, %swap3A_682] {strides = array<i32>} : memref<50x128xf32, #tpu.memory_space<vmem>>, vector<1x16xf32>,
        %swap3A_684 = vector.shape_cast %swap3A_683 : vector<1x16xf32> to vector<16xf32>
        %swap3A_685 = vector.shape_cast %mul3A_680 : vector<16xf32> to vector<1x16xf32>
        tpu.vector_store %arg6[%swap3A_681, %swap3A_682], %swap3A_685 {strides = array<i32>} : memref<50x128xf32, #tpu.memory_space<vmem>>, vector<1x16xf32>,
        %get3A_686 = arith.index_cast %scan3A_661 : i32 to index
        %get3A_687 = arith.constant 32 : index
        %get3A_688 = tpu.vector_load %arg6[%get3A_686, %get3A_687] {strides = array<i32>} : memref<50x128xf32, #tpu.memory_space<vmem>>, vector<1x16xf32>,
        %get3A_689 = vector.shape_cast %get3A_688 : vector<1x16xf32> to vector<16xf32>
        %mul3A_690 = arith.constant 1.000000e+01 : f32
        %mul3A_691 = vector.broadcast %mul3A_690 : f32 to vector<16xf32>
        %mul3A_692 = arith.mulf %get3A_689, %mul3A_691 : vector<16xf32>
        %swap3A_693 = arith.index_cast %scan3A_661 : i32 to index
        %swap3A_694 = arith.constant 32 : index
        %swap3A_695 = tpu.vector_load %arg6[%swap3A_693, %swap3A_694] {strides = array<i32>} : memref<50x128xf32, #tpu.memory_space<vmem>>, vector<1x16xf32>,
        %swap3A_696 = vector.shape_cast %swap3A_695 : vector<1x16xf32> to vector<16xf32>
        %swap3A_697 = vector.shape_cast %mul3A_692 : vector<16xf32> to vector<1x16xf32>
        tpu.vector_store %arg6[%swap3A_693, %swap3A_694], %swap3A_697 {strides = array<i32>} : memref<50x128xf32, #tpu.memory_space<vmem>>, vector<1x16xf32>,
        %get3A_698 = arith.index_cast %scan3A_661 : i32 to index
        %get3A_699 = arith.constant 48 : index
        %get3A_700 = tpu.vector_load %arg6[%get3A_698, %get3A_699] {strides = array<i32>} : memref<50x128xf32, #tpu.memory_space<vmem>>, vector<1x16xf32>,
        %get3A_701 = vector.shape_cast %get3A_700 : vector<1x16xf32> to vector<16xf32>
        %mul3A_702 = arith.constant 1.000000e+01 : f32
        %mul3A_703 = vector.broadcast %mul3A_702 : f32 to vector<16xf32>
        %mul3A_704 = arith.mulf %get3A_701, %mul3A_703 : vector<16xf32>
        %swap3A_705 = arith.index_cast %scan3A_661 : i32 to index
        %swap3A_706 = arith.constant 48 : index
        %swap3A_707 = tpu.vector_load %arg6[%swap3A_705, %swap3A_706] {strides = array<i32>} : memref<50x128xf32, #tpu.memory_space<vmem>>, vector<1x16xf32>,
        %swap3A_708 = vector.shape_cast %swap3A_707 : vector<1x16xf32> to vector<16xf32>
        %swap3A_709 = vector.shape_cast %mul3A_704 : vector<16xf32> to vector<1x16xf32>
        tpu.vector_store %arg6[%swap3A_705, %swap3A_706], %swap3A_709 {strides = array<i32>} : memref<50x128xf32, #tpu.memory_space<vmem>>, vector<1x16xf32>,
        %get3A_710 = arith.index_cast %scan3A_661 : i32 to index
        %get3A_711 = arith.constant 64 : index
        %get3A_712 = tpu.vector_load %arg6[%get3A_710, %get3A_711] {strides = array<i32>} : memref<50x128xf32, #tpu.memory_space<vmem>>, vector<1x16xf32>,
        %get3A_713 = vector.shape_cast %get3A_712 : vector<1x16xf32> to vector<16xf32>
        %mul3A_714 = arith.constant 1.000000e+01 : f32
        %mul3A_715 = vector.broadcast %mul3A_714 : f32 to vector<16xf32>
        %mul3A_716 = arith.mulf %get3A_713, %mul3A_715 : vector<16xf32>
        %swap3A_717 = arith.index_cast %scan3A_661 : i32 to index
        %swap3A_718 = arith.constant 64 : index
        %swap3A_719 = tpu.vector_load %arg6[%swap3A_717, %swap3A_718] {strides = array<i32>} : memref<50x128xf32, #tpu.memory_space<vmem>>, vector<1x16xf32>,
        %swap3A_720 = vector.shape_cast %swap3A_719 : vector<1x16xf32> to vector<16xf32>
        %swap3A_721 = vector.shape_cast %mul3A_716 : vector<16xf32> to vector<1x16xf32>
        tpu.vector_store %arg6[%swap3A_717, %swap3A_718], %swap3A_721 {strides = array<i32>} : memref<50x128xf32, #tpu.memory_space<vmem>>, vector<1x16xf32>,
        %get3A_722 = arith.index_cast %scan3A_661 : i32 to index
        %get3A_723 = arith.constant 80 : index
        %get3A_724 = tpu.vector_load %arg6[%get3A_722, %get3A_723] {strides = array<i32>} : memref<50x128xf32, #tpu.memory_space<vmem>>, vector<1x16xf32>,
        %get3A_725 = vector.shape_cast %get3A_724 : vector<1x16xf32> to vector<16xf32>
        %mul3A_726 = arith.constant 1.000000e+01 : f32
        %mul3A_727 = vector.broadcast %mul3A_726 : f32 to vector<16xf32>
        %mul3A_728 = arith.mulf %get3A_725, %mul3A_727 : vector<16xf32>
        %swap3A_729 = arith.index_cast %scan3A_661 : i32 to index
        %swap3A_730 = arith.constant 80 : index
        %swap3A_731 = tpu.vector_load %arg6[%swap3A_729, %swap3A_730] {strides = array<i32>} : memref<50x128xf32, #tpu.memory_space<vmem>>, vector<1x16xf32>,
        %swap3A_732 = vector.shape_cast %swap3A_731 : vector<1x16xf32> to vector<16xf32>
        %swap3A_733 = vector.shape_cast %mul3A_728 : vector<16xf32> to vector<1x16xf32>
        tpu.vector_store %arg6[%swap3A_729, %swap3A_730], %swap3A_733 {strides = array<i32>} : memref<50x128xf32, #tpu.memory_space<vmem>>, vector<1x16xf32>,
        %get3A_734 = arith.index_cast %scan3A_661 : i32 to index
        %get3A_735 = arith.constant 96 : index
        %get3A_736 = tpu.vector_load %arg6[%get3A_734, %get3A_735] {strides = array<i32>} : memref<50x128xf32, #tpu.memory_space<vmem>>, vector<1x16xf32>,
        %get3A_737 = vector.shape_cast %get3A_736 : vector<1x16xf32> to vector<16xf32>
        %mul3A_738 = arith.constant 1.000000e+01 : f32
        %mul3A_739 = vector.broadcast %mul3A_738 : f32 to vector<16xf32>
        %mul3A_740 = arith.mulf %get3A_737, %mul3A_739 : vector<16xf32>
        %swap3A_741 = arith.index_cast %scan3A_661 : i32 to index
        %swap3A_742 = arith.constant 96 : index
        %swap3A_743 = tpu.vector_load %arg6[%swap3A_741, %swap3A_742] {strides = array<i32>} : memref<50x128xf32, #tpu.memory_space<vmem>>, vector<1x16xf32>,
        %swap3A_744 = vector.shape_cast %swap3A_743 : vector<1x16xf32> to vector<16xf32>
        %swap3A_745 = vector.shape_cast %mul3A_740 : vector<16xf32> to vector<1x16xf32>
        tpu.vector_store %arg6[%swap3A_741, %swap3A_742], %swap3A_745 {strides = array<i32>} : memref<50x128xf32, #tpu.memory_space<vmem>>, vector<1x16xf32>,
        %get3A_746 = arith.index_cast %scan3A_661 : i32 to index
        %get3A_747 = arith.constant 112 : index
        %get3A_748 = tpu.vector_load %arg6[%get3A_746, %get3A_747] {strides = array<i32>} : memref<50x128xf32, #tpu.memory_space<vmem>>, vector<1x16xf32>,
        %get3A_749 = vector.shape_cast %get3A_748 : vector<1x16xf32> to vector<16xf32>
        %mul3A_750 = arith.constant 1.000000e+01 : f32
        %mul3A_751 = vector.broadcast %mul3A_750 : f32 to vector<16xf32>
        %mul3A_752 = arith.mulf %get3A_749, %mul3A_751 : vector<16xf32>
        %swap3A_753 = arith.index_cast %scan3A_661 : i32 to index
        %swap3A_754 = arith.constant 112 : index
        %swap3A_755 = tpu.vector_load %arg6[%swap3A_753, %swap3A_754] {strides = array<i32>} : memref<50x128xf32, #tpu.memory_space<vmem>>, vector<1x16xf32>,
        %swap3A_756 = vector.shape_cast %swap3A_755 : vector<1x16xf32> to vector<16xf32>
        %swap3A_757 = vector.shape_cast %mul3A_752 : vector<16xf32> to vector<1x16xf32>
        tpu.vector_store %arg6[%swap3A_753, %swap3A_754], %swap3A_757 {strides = array<i32>} : memref<50x128xf32, #tpu.memory_space<vmem>>, vector<1x16xf32>,
        %scan3A_758 = arith.constant 4 : i32
        %scan3A_759 = arith.addi %scan3A_369, %scan3A_758 : i32
        %get3A_760 = arith.index_cast %scan3A_759 : i32 to index
        %get3A_761 = arith.constant 0 : index
        %get3A_762 = tpu.vector_load %arg6[%get3A_760, %get3A_761] {strides = array<i32>} : memref<50x128xf32, #tpu.memory_space<vmem>>, vector<1x16xf32>,
        %get3A_763 = vector.shape_cast %get3A_762 : vector<1x16xf32> to vector<16xf32>
        %mul3A_764 = arith.constant 1.000000e+01 : f32
        %mul3A_765 = vector.broadcast %mul3A_764 : f32 to vector<16xf32>
        %mul3A_766 = arith.mulf %get3A_763, %mul3A_765 : vector<16xf32>
        %swap3A_767 = arith.index_cast %scan3A_759 : i32 to index
        %swap3A_768 = arith.constant 0 : index
        %swap3A_769 = tpu.vector_load %arg6[%swap3A_767, %swap3A_768] {strides = array<i32>} : memref<50x128xf32, #tpu.memory_space<vmem>>, vector<1x16xf32>,
        %swap3A_770 = vector.shape_cast %swap3A_769 : vector<1x16xf32> to vector<16xf32>
        %swap3A_771 = vector.shape_cast %mul3A_766 : vector<16xf32> to vector<1x16xf32>
        tpu.vector_store %arg6[%swap3A_767, %swap3A_768], %swap3A_771 {strides = array<i32>} : memref<50x128xf32, #tpu.memory_space<vmem>>, vector<1x16xf32>,
        %get3A_772 = arith.index_cast %scan3A_759 : i32 to index
        %get3A_773 = arith.constant 16 : index
        %get3A_774 = tpu.vector_load %arg6[%get3A_772, %get3A_773] {strides = array<i32>} : memref<50x128xf32, #tpu.memory_space<vmem>>, vector<1x16xf32>,
        %get3A_775 = vector.shape_cast %get3A_774 : vector<1x16xf32> to vector<16xf32>
        %mul3A_776 = arith.constant 1.000000e+01 : f32
        %mul3A_777 = vector.broadcast %mul3A_776 : f32 to vector<16xf32>
        %mul3A_778 = arith.mulf %get3A_775, %mul3A_777 : vector<16xf32>
        %swap3A_779 = arith.index_cast %scan3A_759 : i32 to index
        %swap3A_780 = arith.constant 16 : index
        %swap3A_781 = tpu.vector_load %arg6[%swap3A_779, %swap3A_780] {strides = array<i32>} : memref<50x128xf32, #tpu.memory_space<vmem>>, vector<1x16xf32>,
        %swap3A_782 = vector.shape_cast %swap3A_781 : vector<1x16xf32> to vector<16xf32>
        %swap3A_783 = vector.shape_cast %mul3A_778 : vector<16xf32> to vector<1x16xf32>
        tpu.vector_store %arg6[%swap3A_779, %swap3A_780], %swap3A_783 {strides = array<i32>} : memref<50x128xf32, #tpu.memory_space<vmem>>, vector<1x16xf32>,
        %get3A_784 = arith.index_cast %scan3A_759 : i32 to index
        %get3A_785 = arith.constant 32 : index
        %get3A_786 = tpu.vector_load %arg6[%get3A_784, %get3A_785] {strides = array<i32>} : memref<50x128xf32, #tpu.memory_space<vmem>>, vector<1x16xf32>,
        %get3A_787 = vector.shape_cast %get3A_786 : vector<1x16xf32> to vector<16xf32>
        %mul3A_788 = arith.constant 1.000000e+01 : f32
        %mul3A_789 = vector.broadcast %mul3A_788 : f32 to vector<16xf32>
        %mul3A_790 = arith.mulf %get3A_787, %mul3A_789 : vector<16xf32>
        %swap3A_791 = arith.index_cast %scan3A_759 : i32 to index
        %swap3A_792 = arith.constant 32 : index
        %swap3A_793 = tpu.vector_load %arg6[%swap3A_791, %swap3A_792] {strides = array<i32>} : memref<50x128xf32, #tpu.memory_space<vmem>>, vector<1x16xf32>,
        %swap3A_794 = vector.shape_cast %swap3A_793 : vector<1x16xf32> to vector<16xf32>
        %swap3A_795 = vector.shape_cast %mul3A_790 : vector<16xf32> to vector<1x16xf32>
        tpu.vector_store %arg6[%swap3A_791, %swap3A_792], %swap3A_795 {strides = array<i32>} : memref<50x128xf32, #tpu.memory_space<vmem>>, vector<1x16xf32>,
        %get3A_796 = arith.index_cast %scan3A_759 : i32 to index
        %get3A_797 = arith.constant 48 : index
        %get3A_798 = tpu.vector_load %arg6[%get3A_796, %get3A_797] {strides = array<i32>} : memref<50x128xf32, #tpu.memory_space<vmem>>, vector<1x16xf32>,
        %get3A_799 = vector.shape_cast %get3A_798 : vector<1x16xf32> to vector<16xf32>
        %mul3A_800 = arith.constant 1.000000e+01 : f32
        %mul3A_801 = vector.broadcast %mul3A_800 : f32 to vector<16xf32>
        %mul3A_802 = arith.mulf %get3A_799, %mul3A_801 : vector<16xf32>
        %swap3A_803 = arith.index_cast %scan3A_759 : i32 to index
        %swap3A_804 = arith.constant 48 : index
        %swap3A_805 = tpu.vector_load %arg6[%swap3A_803, %swap3A_804] {strides = array<i32>} : memref<50x128xf32, #tpu.memory_space<vmem>>, vector<1x16xf32>,
        %swap3A_806 = vector.shape_cast %swap3A_805 : vector<1x16xf32> to vector<16xf32>
        %swap3A_807 = vector.shape_cast %mul3A_802 : vector<16xf32> to vector<1x16xf32>
        tpu.vector_store %arg6[%swap3A_803, %swap3A_804], %swap3A_807 {strides = array<i32>} : memref<50x128xf32, #tpu.memory_space<vmem>>, vector<1x16xf32>,
        %get3A_808 = arith.index_cast %scan3A_759 : i32 to index
        %get3A_809 = arith.constant 64 : index
        %get3A_810 = tpu.vector_load %arg6[%get3A_808, %get3A_809] {strides = array<i32>} : memref<50x128xf32, #tpu.memory_space<vmem>>, vector<1x16xf32>,
        %get3A_811 = vector.shape_cast %get3A_810 : vector<1x16xf32> to vector<16xf32>
        %mul3A_812 = arith.constant 1.000000e+01 : f32
        %mul3A_813 = vector.broadcast %mul3A_812 : f32 to vector<16xf32>
        %mul3A_814 = arith.mulf %get3A_811, %mul3A_813 : vector<16xf32>
        %swap3A_815 = arith.index_cast %scan3A_759 : i32 to index
        %swap3A_816 = arith.constant 64 : index
        %swap3A_817 = tpu.vector_load %arg6[%swap3A_815, %swap3A_816] {strides = array<i32>} : memref<50x128xf32, #tpu.memory_space<vmem>>, vector<1x16xf32>,
        %swap3A_818 = vector.shape_cast %swap3A_817 : vector<1x16xf32> to vector<16xf32>
        %swap3A_819 = vector.shape_cast %mul3A_814 : vector<16xf32> to vector<1x16xf32>
        tpu.vector_store %arg6[%swap3A_815, %swap3A_816], %swap3A_819 {strides = array<i32>} : memref<50x128xf32, #tpu.memory_space<vmem>>, vector<1x16xf32>,
        %get3A_820 = arith.index_cast %scan3A_759 : i32 to index
        %get3A_821 = arith.constant 80 : index
        %get3A_822 = tpu.vector_load %arg6[%get3A_820, %get3A_821] {strides = array<i32>} : memref<50x128xf32, #tpu.memory_space<vmem>>, vector<1x16xf32>,
        %get3A_823 = vector.shape_cast %get3A_822 : vector<1x16xf32> to vector<16xf32>
        %mul3A_824 = arith.constant 1.000000e+01 : f32
        %mul3A_825 = vector.broadcast %mul3A_824 : f32 to vector<16xf32>
        %mul3A_826 = arith.mulf %get3A_823, %mul3A_825 : vector<16xf32>
        %swap3A_827 = arith.index_cast %scan3A_759 : i32 to index
        %swap3A_828 = arith.constant 80 : index
        %swap3A_829 = tpu.vector_load %arg6[%swap3A_827, %swap3A_828] {strides = array<i32>} : memref<50x128xf32, #tpu.memory_space<vmem>>, vector<1x16xf32>,
        %swap3A_830 = vector.shape_cast %swap3A_829 : vector<1x16xf32> to vector<16xf32>
        %swap3A_831 = vector.shape_cast %mul3A_826 : vector<16xf32> to vector<1x16xf32>
        tpu.vector_store %arg6[%swap3A_827, %swap3A_828], %swap3A_831 {strides = array<i32>} : memref<50x128xf32, #tpu.memory_space<vmem>>, vector<1x16xf32>,
        %get3A_832 = arith.index_cast %scan3A_759 : i32 to index
        %get3A_833 = arith.constant 96 : index
        %get3A_834 = tpu.vector_load %arg6[%get3A_832, %get3A_833] {strides = array<i32>} : memref<50x128xf32, #tpu.memory_space<vmem>>, vector<1x16xf32>,
        %get3A_835 = vector.shape_cast %get3A_834 : vector<1x16xf32> to vector<16xf32>
        %mul3A_836 = arith.constant 1.000000e+01 : f32
        %mul3A_837 = vector.broadcast %mul3A_836 : f32 to vector<16xf32>
        %mul3A_838 = arith.mulf %get3A_835, %mul3A_837 : vector<16xf32>
        %swap3A_839 = arith.index_cast %scan3A_759 : i32 to index
        %swap3A_840 = arith.constant 96 : index
        %swap3A_841 = tpu.vector_load %arg6[%swap3A_839, %swap3A_840] {strides = array<i32>} : memref<50x128xf32, #tpu.memory_space<vmem>>, vector<1x16xf32>,
        %swap3A_842 = vector.shape_cast %swap3A_841 : vector<1x16xf32> to vector<16xf32>
        %swap3A_843 = vector.shape_cast %mul3A_838 : vector<16xf32> to vector<1x16xf32>
        tpu.vector_store %arg6[%swap3A_839, %swap3A_840], %swap3A_843 {strides = array<i32>} : memref<50x128xf32, #tpu.memory_space<vmem>>, vector<1x16xf32>,
        %get3A_844 = arith.index_cast %scan3A_759 : i32 to index
        %get3A_845 = arith.constant 112 : index
        %get3A_846 = tpu.vector_load %arg6[%get3A_844, %get3A_845] {strides = array<i32>} : memref<50x128xf32, #tpu.memory_space<vmem>>, vector<1x16xf32>,
        %get3A_847 = vector.shape_cast %get3A_846 : vector<1x16xf32> to vector<16xf32>
        %mul3A_848 = arith.constant 1.000000e+01 : f32
        %mul3A_849 = vector.broadcast %mul3A_848 : f32 to vector<16xf32>
        %mul3A_850 = arith.mulf %get3A_847, %mul3A_849 : vector<16xf32>
        %swap3A_851 = arith.index_cast %scan3A_759 : i32 to index
        %swap3A_852 = arith.constant 112 : index
        %swap3A_853 = tpu.vector_load %arg6[%swap3A_851, %swap3A_852] {strides = array<i32>} : memref<50x128xf32, #tpu.memory_space<vmem>>, vector<1x16xf32>,
        %swap3A_854 = vector.shape_cast %swap3A_853 : vector<1x16xf32> to vector<16xf32>
        %swap3A_855 = vector.shape_cast %mul3A_850 : vector<16xf32> to vector<1x16xf32>
        tpu.vector_store %arg6[%swap3A_851, %swap3A_852], %swap3A_855 {strides = array<i32>} : memref<50x128xf32, #tpu.memory_space<vmem>>, vector<1x16xf32>,
      }
      %scan3A_100 = arith.constant 50 : i32
      %add3A_101 = arith.addi %mul3A_4, %add3A_80 : i32
      %dma_start3A_102 = arith.constant 0 : i32
      %dma_start3A_103 = arith.constant 0 : i32
      %dma_start3A_104 = tpu.memref_slice %arg4[%add3A_101, %dma_start3A_102, %dma_start3A_103] : memref<4096x50x128xf32, #tpu.memory_space<hbm>> -> memref<1x50x128xf32, #tpu.memory_space<hbm>>
      %dma_start3A_105 = tpu.memref_squeeze %dma_start3A_104 : memref<1x50x128xf32, #tpu.memory_space<hbm>> -> memref<50x128xf32, #tpu.memory_space<hbm>>
      %dma_start3A_106 = arith.constant 0 : i32
      %dma_start3A_107 = arith.constant 0 : i32
      %dma_start3A_108 = tpu.memref_slice %arg4[%add3A_101, %dma_start3A_106, %dma_start3A_107] : memref<4096x50x128xf32, #tpu.memory_space<hbm>> -> memref<1x50x128xf32, #tpu.memory_space<hbm>>
      %dma_start3A_109 = tpu.memref_squeeze %dma_start3A_108 : memref<1x50x128xf32, #tpu.memory_space<hbm>> -> memref<50x128xf32, #tpu.memory_space<hbm>>
      tpu.enqueue_dma source(%arg6 : memref<50x128xf32, #tpu.memory_space<vmem>>) target(%dma_start3A_109 : memref<50x128xf32, #tpu.memory_space<hbm>>) target_semaphore(%arg22 : memref<!tpu.dma_semaphore, #tpu.memory_space<semaphore_mem>>)
      %mul3A_110 = arith.constant 8 : i32
      %mul3A_111 = arith.muli %mul3A_110, %scan3A_76 : i32
      %add3A_112 = arith.constant 1 : i32
      %add3A_113 = arith.addi %mul3A_111, %add3A_112 : i32
      %ge3A_114 = arith.constant 4 : i32
      %ge3A_115 = arith.cmpi sge, %add3A_113, %ge3A_114 : i32
      %convert_element_type3A_116 = arith.extui %ge3A_115 : i1 to i32
      %cond3A_117 = arith.constant 0 : i32
      %cond3A_118 = arith.cmpi ne, %convert_element_type3A_116, %cond3A_117 : i32
      scf.if %cond3A_118 {
        %sub3A = arith.constant 4 : i32
        %sub3A_369 = arith.subi %add3A_113, %sub3A : i32
        %add3A_370 = arith.addi %mul3A_4, %sub3A_369 : i32
        %dma_wait3A_371 = arith.constant 0 : i32
        %dma_wait3A_372 = arith.constant 0 : i32
        %dma_wait3A_373 = tpu.memref_slice %arg4[%add3A_370, %dma_wait3A_371, %dma_wait3A_372] : memref<4096x50x128xf32, #tpu.memory_space<hbm>> -> memref<1x50x128xf32, #tpu.memory_space<hbm>>
        %dma_wait3A_374 = tpu.memref_squeeze %dma_wait3A_373 : memref<1x50x128xf32, #tpu.memory_space<hbm>> -> memref<50x128xf32, #tpu.memory_space<hbm>>
        %dma_wait3A_375 = arith.constant 0 : i32
        %dma_wait3A_376 = arith.constant 0 : i32
        %dma_wait3A_377 = tpu.memref_slice %arg4[%add3A_370, %dma_wait3A_375, %dma_wait3A_376] : memref<4096x50x128xf32, #tpu.memory_space<hbm>> -> memref<1x50x128xf32, #tpu.memory_space<hbm>>
        %dma_wait3A_378 = tpu.memref_squeeze %dma_wait3A_377 : memref<1x50x128xf32, #tpu.memory_space<hbm>> -> memref<50x128xf32, #tpu.memory_space<hbm>>
        tpu.wait_dma2 semaphore(%arg27 : memref<!tpu.dma_semaphore, #tpu.memory_space<semaphore_mem>>) src(%arg11 : memref<50x128xf32, #tpu.memory_space<vmem>>) dst(%dma_wait3A_378 : memref<50x128xf32, #tpu.memory_space<hbm>>)
      } else {
      }
      %add3A_119 = arith.constant 4 : i32
      %add3A_120 = arith.addi %add3A_113, %add3A_119 : i32
      %lt3A_121 = arith.constant 128 : i32
      %lt3A_122 = arith.cmpi slt, %add3A_120, %lt3A_121 : i32
      %convert_element_type3A_123 = arith.extui %lt3A_122 : i1 to i32
      %cond3A_124 = arith.constant 0 : i32
      %cond3A_125 = arith.cmpi ne, %convert_element_type3A_123, %cond3A_124 : i32
      scf.if %cond3A_125 {
        %add3A_369 = arith.constant 4 : i32
        %add3A_370 = arith.addi %add3A_113, %add3A_369 : i32
        %dma_start3A_371 = arith.constant 0 : i32
        %dma_start3A_372 = tpu.memref_slice %arg5[%add3A_370, %dma_start3A_371] : memref<128x50xi32, #tpu.memory_space<vmem>> -> memref<1x50xi32, #tpu.memory_space<vmem>>
        %dma_start3A_373 = tpu.memref_squeeze %dma_start3A_372 : memref<1x50xi32, #tpu.memory_space<vmem>> -> memref<50xi32, #tpu.memory_space<vmem>>
        %dma_start3A_374 = arith.constant 0 : i32
        %dma_start3A_375 = arith.constant 0 : i32
        %dma_start3A_376 = tpu.memref_slice %arg2[%dma_start3A_374, %dma_start3A_375] : memref<100000x128xf32, #tpu.memory_space<hbm>> -> memref<100000x128xf32, #tpu.memory_space<hbm>>
        tpu.enqueue_indirect_dma source(%dma_start3A_376 : memref<100000x128xf32, #tpu.memory_space<hbm>>) target(%arg11 : memref<50x128xf32, #tpu.memory_space<vmem>>) offsets(%dma_start3A_373 : memref<50xi32, #tpu.memory_space<vmem>>) semaphore(%arg19 : memref<!tpu.dma_semaphore, #tpu.memory_space<semaphore_mem>>)
      } else {
      }
      %dma_wait3A_126 = arith.constant 0 : i32
      %dma_wait3A_127 = tpu.memref_slice %arg5[%add3A_113, %dma_wait3A_126] : memref<128x50xi32, #tpu.memory_space<vmem>> -> memref<1x50xi32, #tpu.memory_space<vmem>>
      %dma_wait3A_128 = tpu.memref_squeeze %dma_wait3A_127 : memref<1x50xi32, #tpu.memory_space<vmem>> -> memref<50xi32, #tpu.memory_space<vmem>>
      %dma_wait3A_129 = arith.constant 0 : i32
      %dma_wait3A_130 = arith.constant 0 : i32
      %dma_wait3A_131 = tpu.memref_slice %arg2[%dma_wait3A_129, %dma_wait3A_130] : memref<100000x128xf32, #tpu.memory_space<hbm>> -> memref<100000x128xf32, #tpu.memory_space<hbm>>
      tpu.wait_indirect_dma semaphore(%arg15 : memref<!tpu.dma_semaphore, #tpu.memory_space<semaphore_mem>>) src(%dma_wait3A_131 : memref<100000x128xf32, #tpu.memory_space<hbm>>) dst(%arg7 : memref<50x128xf32, #tpu.memory_space<vmem>>)
      %scan3A_132 = arith.constant 0 : i32
      %scan3A_133 = arith.constant 0 : i32
      %scan3A_134 = arith.constant 50 : i32
      %scan3A_135 = arith.addi %scan3A_133, %scan3A_134 : i32
      %scan3A_136 = arith.constant 5 : i32
      scf.for %scan3A_369 = %scan3A_133 to %scan3A_135 step %scan3A_136  : i32 {
        %get3A = arith.index_cast %scan3A_369 : i32 to index
        %get3A_370 = arith.constant 0 : index
        %get3A_371 = tpu.vector_load %arg7[%get3A, %get3A_370] {strides = array<i32>} : memref<50x128xf32, #tpu.memory_space<vmem>>, vector<1x16xf32>,
        %get3A_372 = vector.shape_cast %get3A_371 : vector<1x16xf32> to vector<16xf32>
        %mul3A_373 = arith.constant 1.000000e+01 : f32
        %mul3A_374 = vector.broadcast %mul3A_373 : f32 to vector<16xf32>
        %mul3A_375 = arith.mulf %get3A_372, %mul3A_374 : vector<16xf32>
        %swap3A = arith.index_cast %scan3A_369 : i32 to index
        %swap3A_376 = arith.constant 0 : index
        %swap3A_377 = tpu.vector_load %arg7[%swap3A, %swap3A_376] {strides = array<i32>} : memref<50x128xf32, #tpu.memory_space<vmem>>, vector<1x16xf32>,
        %swap3A_378 = vector.shape_cast %swap3A_377 : vector<1x16xf32> to vector<16xf32>
        %swap3A_379 = vector.shape_cast %mul3A_375 : vector<16xf32> to vector<1x16xf32>
        tpu.vector_store %arg7[%swap3A, %swap3A_376], %swap3A_379 {strides = array<i32>} : memref<50x128xf32, #tpu.memory_space<vmem>>, vector<1x16xf32>,
        %get3A_380 = arith.index_cast %scan3A_369 : i32 to index
        %get3A_381 = arith.constant 16 : index
        %get3A_382 = tpu.vector_load %arg7[%get3A_380, %get3A_381] {strides = array<i32>} : memref<50x128xf32, #tpu.memory_space<vmem>>, vector<1x16xf32>,
        %get3A_383 = vector.shape_cast %get3A_382 : vector<1x16xf32> to vector<16xf32>
        %mul3A_384 = arith.constant 1.000000e+01 : f32
        %mul3A_385 = vector.broadcast %mul3A_384 : f32 to vector<16xf32>
        %mul3A_386 = arith.mulf %get3A_383, %mul3A_385 : vector<16xf32>
        %swap3A_387 = arith.index_cast %scan3A_369 : i32 to index
        %swap3A_388 = arith.constant 16 : index
        %swap3A_389 = tpu.vector_load %arg7[%swap3A_387, %swap3A_388] {strides = array<i32>} : memref<50x128xf32, #tpu.memory_space<vmem>>, vector<1x16xf32>,
        %swap3A_390 = vector.shape_cast %swap3A_389 : vector<1x16xf32> to vector<16xf32>
        %swap3A_391 = vector.shape_cast %mul3A_386 : vector<16xf32> to vector<1x16xf32>
        tpu.vector_store %arg7[%swap3A_387, %swap3A_388], %swap3A_391 {strides = array<i32>} : memref<50x128xf32, #tpu.memory_space<vmem>>, vector<1x16xf32>,
        %get3A_392 = arith.index_cast %scan3A_369 : i32 to index
        %get3A_393 = arith.constant 32 : index
        %get3A_394 = tpu.vector_load %arg7[%get3A_392, %get3A_393] {strides = array<i32>} : memref<50x128xf32, #tpu.memory_space<vmem>>, vector<1x16xf32>,
        %get3A_395 = vector.shape_cast %get3A_394 : vector<1x16xf32> to vector<16xf32>
        %mul3A_396 = arith.constant 1.000000e+01 : f32
        %mul3A_397 = vector.broadcast %mul3A_396 : f32 to vector<16xf32>
        %mul3A_398 = arith.mulf %get3A_395, %mul3A_397 : vector<16xf32>
        %swap3A_399 = arith.index_cast %scan3A_369 : i32 to index
        %swap3A_400 = arith.constant 32 : index
        %swap3A_401 = tpu.vector_load %arg7[%swap3A_399, %swap3A_400] {strides = array<i32>} : memref<50x128xf32, #tpu.memory_space<vmem>>, vector<1x16xf32>,
        %swap3A_402 = vector.shape_cast %swap3A_401 : vector<1x16xf32> to vector<16xf32>
        %swap3A_403 = vector.shape_cast %mul3A_398 : vector<16xf32> to vector<1x16xf32>
        tpu.vector_store %arg7[%swap3A_399, %swap3A_400], %swap3A_403 {strides = array<i32>} : memref<50x128xf32, #tpu.memory_space<vmem>>, vector<1x16xf32>,
        %get3A_404 = arith.index_cast %scan3A_369 : i32 to index
        %get3A_405 = arith.constant 48 : index
        %get3A_406 = tpu.vector_load %arg7[%get3A_404, %get3A_405] {strides = array<i32>} : memref<50x128xf32, #tpu.memory_space<vmem>>, vector<1x16xf32>,
        %get3A_407 = vector.shape_cast %get3A_406 : vector<1x16xf32> to vector<16xf32>
        %mul3A_408 = arith.constant 1.000000e+01 : f32
        %mul3A_409 = vector.broadcast %mul3A_408 : f32 to vector<16xf32>
        %mul3A_410 = arith.mulf %get3A_407, %mul3A_409 : vector<16xf32>
        %swap3A_411 = arith.index_cast %scan3A_369 : i32 to index
        %swap3A_412 = arith.constant 48 : index
        %swap3A_413 = tpu.vector_load %arg7[%swap3A_411, %swap3A_412] {strides = array<i32>} : memref<50x128xf32, #tpu.memory_space<vmem>>, vector<1x16xf32>,
        %swap3A_414 = vector.shape_cast %swap3A_413 : vector<1x16xf32> to vector<16xf32>
        %swap3A_415 = vector.shape_cast %mul3A_410 : vector<16xf32> to vector<1x16xf32>
        tpu.vector_store %arg7[%swap3A_411, %swap3A_412], %swap3A_415 {strides = array<i32>} : memref<50x128xf32, #tpu.memory_space<vmem>>, vector<1x16xf32>,
        %get3A_416 = arith.index_cast %scan3A_369 : i32 to index
        %get3A_417 = arith.constant 64 : index
        %get3A_418 = tpu.vector_load %arg7[%get3A_416, %get3A_417] {strides = array<i32>} : memref<50x128xf32, #tpu.memory_space<vmem>>, vector<1x16xf32>,
        %get3A_419 = vector.shape_cast %get3A_418 : vector<1x16xf32> to vector<16xf32>
        %mul3A_420 = arith.constant 1.000000e+01 : f32
        %mul3A_421 = vector.broadcast %mul3A_420 : f32 to vector<16xf32>
        %mul3A_422 = arith.mulf %get3A_419, %mul3A_421 : vector<16xf32>
        %swap3A_423 = arith.index_cast %scan3A_369 : i32 to index
        %swap3A_424 = arith.constant 64 : index
        %swap3A_425 = tpu.vector_load %arg7[%swap3A_423, %swap3A_424] {strides = array<i32>} : memref<50x128xf32, #tpu.memory_space<vmem>>, vector<1x16xf32>,
        %swap3A_426 = vector.shape_cast %swap3A_425 : vector<1x16xf32> to vector<16xf32>
        %swap3A_427 = vector.shape_cast %mul3A_422 : vector<16xf32> to vector<1x16xf32>
        tpu.vector_store %arg7[%swap3A_423, %swap3A_424], %swap3A_427 {strides = array<i32>} : memref<50x128xf32, #tpu.memory_space<vmem>>, vector<1x16xf32>,
        %get3A_428 = arith.index_cast %scan3A_369 : i32 to index
        %get3A_429 = arith.constant 80 : index
        %get3A_430 = tpu.vector_load %arg7[%get3A_428, %get3A_429] {strides = array<i32>} : memref<50x128xf32, #tpu.memory_space<vmem>>, vector<1x16xf32>,
        %get3A_431 = vector.shape_cast %get3A_430 : vector<1x16xf32> to vector<16xf32>
        %mul3A_432 = arith.constant 1.000000e+01 : f32
        %mul3A_433 = vector.broadcast %mul3A_432 : f32 to vector<16xf32>
        %mul3A_434 = arith.mulf %get3A_431, %mul3A_433 : vector<16xf32>
        %swap3A_435 = arith.index_cast %scan3A_369 : i32 to index
        %swap3A_436 = arith.constant 80 : index
        %swap3A_437 = tpu.vector_load %arg7[%swap3A_435, %swap3A_436] {strides = array<i32>} : memref<50x128xf32, #tpu.memory_space<vmem>>, vector<1x16xf32>,
        %swap3A_438 = vector.shape_cast %swap3A_437 : vector<1x16xf32> to vector<16xf32>
        %swap3A_439 = vector.shape_cast %mul3A_434 : vector<16xf32> to vector<1x16xf32>
        tpu.vector_store %arg7[%swap3A_435, %swap3A_436], %swap3A_439 {strides = array<i32>} : memref<50x128xf32, #tpu.memory_space<vmem>>, vector<1x16xf32>,
        %get3A_440 = arith.index_cast %scan3A_369 : i32 to index
        %get3A_441 = arith.constant 96 : index
        %get3A_442 = tpu.vector_load %arg7[%get3A_440, %get3A_441] {strides = array<i32>} : memref<50x128xf32, #tpu.memory_space<vmem>>, vector<1x16xf32>,
        %get3A_443 = vector.shape_cast %get3A_442 : vector<1x16xf32> to vector<16xf32>
        %mul3A_444 = arith.constant 1.000000e+01 : f32
        %mul3A_445 = vector.broadcast %mul3A_444 : f32 to vector<16xf32>
        %mul3A_446 = arith.mulf %get3A_443, %mul3A_445 : vector<16xf32>
        %swap3A_447 = arith.index_cast %scan3A_369 : i32 to index
        %swap3A_448 = arith.constant 96 : index
        %swap3A_449 = tpu.vector_load %arg7[%swap3A_447, %swap3A_448] {strides = array<i32>} : memref<50x128xf32, #tpu.memory_space<vmem>>, vector<1x16xf32>,
        %swap3A_450 = vector.shape_cast %swap3A_449 : vector<1x16xf32> to vector<16xf32>
        %swap3A_451 = vector.shape_cast %mul3A_446 : vector<16xf32> to vector<1x16xf32>
        tpu.vector_store %arg7[%swap3A_447, %swap3A_448], %swap3A_451 {strides = array<i32>} : memref<50x128xf32, #tpu.memory_space<vmem>>, vector<1x16xf32>,
        %get3A_452 = arith.index_cast %scan3A_369 : i32 to index
        %get3A_453 = arith.constant 112 : index
        %get3A_454 = tpu.vector_load %arg7[%get3A_452, %get3A_453] {strides = array<i32>} : memref<50x128xf32, #tpu.memory_space<vmem>>, vector<1x16xf32>,
        %get3A_455 = vector.shape_cast %get3A_454 : vector<1x16xf32> to vector<16xf32>
        %mul3A_456 = arith.constant 1.000000e+01 : f32
        %mul3A_457 = vector.broadcast %mul3A_456 : f32 to vector<16xf32>
        %mul3A_458 = arith.mulf %get3A_455, %mul3A_457 : vector<16xf32>
        %swap3A_459 = arith.index_cast %scan3A_369 : i32 to index
        %swap3A_460 = arith.constant 112 : index
        %swap3A_461 = tpu.vector_load %arg7[%swap3A_459, %swap3A_460] {strides = array<i32>} : memref<50x128xf32, #tpu.memory_space<vmem>>, vector<1x16xf32>,
        %swap3A_462 = vector.shape_cast %swap3A_461 : vector<1x16xf32> to vector<16xf32>
        %swap3A_463 = vector.shape_cast %mul3A_458 : vector<16xf32> to vector<1x16xf32>
        tpu.vector_store %arg7[%swap3A_459, %swap3A_460], %swap3A_463 {strides = array<i32>} : memref<50x128xf32, #tpu.memory_space<vmem>>, vector<1x16xf32>,
        %scan3A_464 = arith.constant 1 : i32
        %scan3A_465 = arith.addi %scan3A_369, %scan3A_464 : i32
        %get3A_466 = arith.index_cast %scan3A_465 : i32 to index
        %get3A_467 = arith.constant 0 : index
        %get3A_468 = tpu.vector_load %arg7[%get3A_466, %get3A_467] {strides = array<i32>} : memref<50x128xf32, #tpu.memory_space<vmem>>, vector<1x16xf32>,
        %get3A_469 = vector.shape_cast %get3A_468 : vector<1x16xf32> to vector<16xf32>
        %mul3A_470 = arith.constant 1.000000e+01 : f32
        %mul3A_471 = vector.broadcast %mul3A_470 : f32 to vector<16xf32>
        %mul3A_472 = arith.mulf %get3A_469, %mul3A_471 : vector<16xf32>
        %swap3A_473 = arith.index_cast %scan3A_465 : i32 to index
        %swap3A_474 = arith.constant 0 : index
        %swap3A_475 = tpu.vector_load %arg7[%swap3A_473, %swap3A_474] {strides = array<i32>} : memref<50x128xf32, #tpu.memory_space<vmem>>, vector<1x16xf32>,
        %swap3A_476 = vector.shape_cast %swap3A_475 : vector<1x16xf32> to vector<16xf32>
        %swap3A_477 = vector.shape_cast %mul3A_472 : vector<16xf32> to vector<1x16xf32>
        tpu.vector_store %arg7[%swap3A_473, %swap3A_474], %swap3A_477 {strides = array<i32>} : memref<50x128xf32, #tpu.memory_space<vmem>>, vector<1x16xf32>,
        %get3A_478 = arith.index_cast %scan3A_465 : i32 to index
        %get3A_479 = arith.constant 16 : index
        %get3A_480 = tpu.vector_load %arg7[%get3A_478, %get3A_479] {strides = array<i32>} : memref<50x128xf32, #tpu.memory_space<vmem>>, vector<1x16xf32>,
        %get3A_481 = vector.shape_cast %get3A_480 : vector<1x16xf32> to vector<16xf32>
        %mul3A_482 = arith.constant 1.000000e+01 : f32
        %mul3A_483 = vector.broadcast %mul3A_482 : f32 to vector<16xf32>
        %mul3A_484 = arith.mulf %get3A_481, %mul3A_483 : vector<16xf32>
        %swap3A_485 = arith.index_cast %scan3A_465 : i32 to index
        %swap3A_486 = arith.constant 16 : index
        %swap3A_487 = tpu.vector_load %arg7[%swap3A_485, %swap3A_486] {strides = array<i32>} : memref<50x128xf32, #tpu.memory_space<vmem>>, vector<1x16xf32>,
        %swap3A_488 = vector.shape_cast %swap3A_487 : vector<1x16xf32> to vector<16xf32>
        %swap3A_489 = vector.shape_cast %mul3A_484 : vector<16xf32> to vector<1x16xf32>
        tpu.vector_store %arg7[%swap3A_485, %swap3A_486], %swap3A_489 {strides = array<i32>} : memref<50x128xf32, #tpu.memory_space<vmem>>, vector<1x16xf32>,
        %get3A_490 = arith.index_cast %scan3A_465 : i32 to index
        %get3A_491 = arith.constant 32 : index
        %get3A_492 = tpu.vector_load %arg7[%get3A_490, %get3A_491] {strides = array<i32>} : memref<50x128xf32, #tpu.memory_space<vmem>>, vector<1x16xf32>,
        %get3A_493 = vector.shape_cast %get3A_492 : vector<1x16xf32> to vector<16xf32>
        %mul3A_494 = arith.constant 1.000000e+01 : f32
        %mul3A_495 = vector.broadcast %mul3A_494 : f32 to vector<16xf32>
        %mul3A_496 = arith.mulf %get3A_493, %mul3A_495 : vector<16xf32>
        %swap3A_497 = arith.index_cast %scan3A_465 : i32 to index
        %swap3A_498 = arith.constant 32 : index
        %swap3A_499 = tpu.vector_load %arg7[%swap3A_497, %swap3A_498] {strides = array<i32>} : memref<50x128xf32, #tpu.memory_space<vmem>>, vector<1x16xf32>,
        %swap3A_500 = vector.shape_cast %swap3A_499 : vector<1x16xf32> to vector<16xf32>
        %swap3A_501 = vector.shape_cast %mul3A_496 : vector<16xf32> to vector<1x16xf32>
        tpu.vector_store %arg7[%swap3A_497, %swap3A_498], %swap3A_501 {strides = array<i32>} : memref<50x128xf32, #tpu.memory_space<vmem>>, vector<1x16xf32>,
        %get3A_502 = arith.index_cast %scan3A_465 : i32 to index
        %get3A_503 = arith.constant 48 : index
        %get3A_504 = tpu.vector_load %arg7[%get3A_502, %get3A_503] {strides = array<i32>} : memref<50x128xf32, #tpu.memory_space<vmem>>, vector<1x16xf32>,
        %get3A_505 = vector.shape_cast %get3A_504 : vector<1x16xf32> to vector<16xf32>
        %mul3A_506 = arith.constant 1.000000e+01 : f32
        %mul3A_507 = vector.broadcast %mul3A_506 : f32 to vector<16xf32>
        %mul3A_508 = arith.mulf %get3A_505, %mul3A_507 : vector<16xf32>
        %swap3A_509 = arith.index_cast %scan3A_465 : i32 to index
        %swap3A_510 = arith.constant 48 : index
        %swap3A_511 = tpu.vector_load %arg7[%swap3A_509, %swap3A_510] {strides = array<i32>} : memref<50x128xf32, #tpu.memory_space<vmem>>, vector<1x16xf32>,
        %swap3A_512 = vector.shape_cast %swap3A_511 : vector<1x16xf32> to vector<16xf32>
        %swap3A_513 = vector.shape_cast %mul3A_508 : vector<16xf32> to vector<1x16xf32>
        tpu.vector_store %arg7[%swap3A_509, %swap3A_510], %swap3A_513 {strides = array<i32>} : memref<50x128xf32, #tpu.memory_space<vmem>>, vector<1x16xf32>,
        %get3A_514 = arith.index_cast %scan3A_465 : i32 to index
        %get3A_515 = arith.constant 64 : index
        %get3A_516 = tpu.vector_load %arg7[%get3A_514, %get3A_515] {strides = array<i32>} : memref<50x128xf32, #tpu.memory_space<vmem>>, vector<1x16xf32>,
        %get3A_517 = vector.shape_cast %get3A_516 : vector<1x16xf32> to vector<16xf32>
        %mul3A_518 = arith.constant 1.000000e+01 : f32
        %mul3A_519 = vector.broadcast %mul3A_518 : f32 to vector<16xf32>
        %mul3A_520 = arith.mulf %get3A_517, %mul3A_519 : vector<16xf32>
        %swap3A_521 = arith.index_cast %scan3A_465 : i32 to index
        %swap3A_522 = arith.constant 64 : index
        %swap3A_523 = tpu.vector_load %arg7[%swap3A_521, %swap3A_522] {strides = array<i32>} : memref<50x128xf32, #tpu.memory_space<vmem>>, vector<1x16xf32>,
        %swap3A_524 = vector.shape_cast %swap3A_523 : vector<1x16xf32> to vector<16xf32>
        %swap3A_525 = vector.shape_cast %mul3A_520 : vector<16xf32> to vector<1x16xf32>
        tpu.vector_store %arg7[%swap3A_521, %swap3A_522], %swap3A_525 {strides = array<i32>} : memref<50x128xf32, #tpu.memory_space<vmem>>, vector<1x16xf32>,
        %get3A_526 = arith.index_cast %scan3A_465 : i32 to index
        %get3A_527 = arith.constant 80 : index
        %get3A_528 = tpu.vector_load %arg7[%get3A_526, %get3A_527] {strides = array<i32>} : memref<50x128xf32, #tpu.memory_space<vmem>>, vector<1x16xf32>,
        %get3A_529 = vector.shape_cast %get3A_528 : vector<1x16xf32> to vector<16xf32>
        %mul3A_530 = arith.constant 1.000000e+01 : f32
        %mul3A_531 = vector.broadcast %mul3A_530 : f32 to vector<16xf32>
        %mul3A_532 = arith.mulf %get3A_529, %mul3A_531 : vector<16xf32>
        %swap3A_533 = arith.index_cast %scan3A_465 : i32 to index
        %swap3A_534 = arith.constant 80 : index
        %swap3A_535 = tpu.vector_load %arg7[%swap3A_533, %swap3A_534] {strides = array<i32>} : memref<50x128xf32, #tpu.memory_space<vmem>>, vector<1x16xf32>,
        %swap3A_536 = vector.shape_cast %swap3A_535 : vector<1x16xf32> to vector<16xf32>
        %swap3A_537 = vector.shape_cast %mul3A_532 : vector<16xf32> to vector<1x16xf32>
        tpu.vector_store %arg7[%swap3A_533, %swap3A_534], %swap3A_537 {strides = array<i32>} : memref<50x128xf32, #tpu.memory_space<vmem>>, vector<1x16xf32>,
        %get3A_538 = arith.index_cast %scan3A_465 : i32 to index
        %get3A_539 = arith.constant 96 : index
        %get3A_540 = tpu.vector_load %arg7[%get3A_538, %get3A_539] {strides = array<i32>} : memref<50x128xf32, #tpu.memory_space<vmem>>, vector<1x16xf32>,
        %get3A_541 = vector.shape_cast %get3A_540 : vector<1x16xf32> to vector<16xf32>
        %mul3A_542 = arith.constant 1.000000e+01 : f32
        %mul3A_543 = vector.broadcast %mul3A_542 : f32 to vector<16xf32>
        %mul3A_544 = arith.mulf %get3A_541, %mul3A_543 : vector<16xf32>
        %swap3A_545 = arith.index_cast %scan3A_465 : i32 to index
        %swap3A_546 = arith.constant 96 : index
        %swap3A_547 = tpu.vector_load %arg7[%swap3A_545, %swap3A_546] {strides = array<i32>} : memref<50x128xf32, #tpu.memory_space<vmem>>, vector<1x16xf32>,
        %swap3A_548 = vector.shape_cast %swap3A_547 : vector<1x16xf32> to vector<16xf32>
        %swap3A_549 = vector.shape_cast %mul3A_544 : vector<16xf32> to vector<1x16xf32>
        tpu.vector_store %arg7[%swap3A_545, %swap3A_546], %swap3A_549 {strides = array<i32>} : memref<50x128xf32, #tpu.memory_space<vmem>>, vector<1x16xf32>,
        %get3A_550 = arith.index_cast %scan3A_465 : i32 to index
        %get3A_551 = arith.constant 112 : index
        %get3A_552 = tpu.vector_load %arg7[%get3A_550, %get3A_551] {strides = array<i32>} : memref<50x128xf32, #tpu.memory_space<vmem>>, vector<1x16xf32>,
        %get3A_553 = vector.shape_cast %get3A_552 : vector<1x16xf32> to vector<16xf32>
        %mul3A_554 = arith.constant 1.000000e+01 : f32
        %mul3A_555 = vector.broadcast %mul3A_554 : f32 to vector<16xf32>
        %mul3A_556 = arith.mulf %get3A_553, %mul3A_555 : vector<16xf32>
        %swap3A_557 = arith.index_cast %scan3A_465 : i32 to index
        %swap3A_558 = arith.constant 112 : index
        %swap3A_559 = tpu.vector_load %arg7[%swap3A_557, %swap3A_558] {strides = array<i32>} : memref<50x128xf32, #tpu.memory_space<vmem>>, vector<1x16xf32>,
        %swap3A_560 = vector.shape_cast %swap3A_559 : vector<1x16xf32> to vector<16xf32>
        %swap3A_561 = vector.shape_cast %mul3A_556 : vector<16xf32> to vector<1x16xf32>
        tpu.vector_store %arg7[%swap3A_557, %swap3A_558], %swap3A_561 {strides = array<i32>} : memref<50x128xf32, #tpu.memory_space<vmem>>, vector<1x16xf32>,
        %scan3A_562 = arith.constant 2 : i32
        %scan3A_563 = arith.addi %scan3A_369, %scan3A_562 : i32
        %get3A_564 = arith.index_cast %scan3A_563 : i32 to index
        %get3A_565 = arith.constant 0 : index
        %get3A_566 = tpu.vector_load %arg7[%get3A_564, %get3A_565] {strides = array<i32>} : memref<50x128xf32, #tpu.memory_space<vmem>>, vector<1x16xf32>,
        %get3A_567 = vector.shape_cast %get3A_566 : vector<1x16xf32> to vector<16xf32>
        %mul3A_568 = arith.constant 1.000000e+01 : f32
        %mul3A_569 = vector.broadcast %mul3A_568 : f32 to vector<16xf32>
        %mul3A_570 = arith.mulf %get3A_567, %mul3A_569 : vector<16xf32>
        %swap3A_571 = arith.index_cast %scan3A_563 : i32 to index
        %swap3A_572 = arith.constant 0 : index
        %swap3A_573 = tpu.vector_load %arg7[%swap3A_571, %swap3A_572] {strides = array<i32>} : memref<50x128xf32, #tpu.memory_space<vmem>>, vector<1x16xf32>,
        %swap3A_574 = vector.shape_cast %swap3A_573 : vector<1x16xf32> to vector<16xf32>
        %swap3A_575 = vector.shape_cast %mul3A_570 : vector<16xf32> to vector<1x16xf32>
        tpu.vector_store %arg7[%swap3A_571, %swap3A_572], %swap3A_575 {strides = array<i32>} : memref<50x128xf32, #tpu.memory_space<vmem>>, vector<1x16xf32>,
        %get3A_576 = arith.index_cast %scan3A_563 : i32 to index
        %get3A_577 = arith.constant 16 : index
        %get3A_578 = tpu.vector_load %arg7[%get3A_576, %get3A_577] {strides = array<i32>} : memref<50x128xf32, #tpu.memory_space<vmem>>, vector<1x16xf32>,
        %get3A_579 = vector.shape_cast %get3A_578 : vector<1x16xf32> to vector<16xf32>
        %mul3A_580 = arith.constant 1.000000e+01 : f32
        %mul3A_581 = vector.broadcast %mul3A_580 : f32 to vector<16xf32>
        %mul3A_582 = arith.mulf %get3A_579, %mul3A_581 : vector<16xf32>
        %swap3A_583 = arith.index_cast %scan3A_563 : i32 to index
        %swap3A_584 = arith.constant 16 : index
        %swap3A_585 = tpu.vector_load %arg7[%swap3A_583, %swap3A_584] {strides = array<i32>} : memref<50x128xf32, #tpu.memory_space<vmem>>, vector<1x16xf32>,
        %swap3A_586 = vector.shape_cast %swap3A_585 : vector<1x16xf32> to vector<16xf32>
        %swap3A_587 = vector.shape_cast %mul3A_582 : vector<16xf32> to vector<1x16xf32>
        tpu.vector_store %arg7[%swap3A_583, %swap3A_584], %swap3A_587 {strides = array<i32>} : memref<50x128xf32, #tpu.memory_space<vmem>>, vector<1x16xf32>,
        %get3A_588 = arith.index_cast %scan3A_563 : i32 to index
        %get3A_589 = arith.constant 32 : index
        %get3A_590 = tpu.vector_load %arg7[%get3A_588, %get3A_589] {strides = array<i32>} : memref<50x128xf32, #tpu.memory_space<vmem>>, vector<1x16xf32>,
        %get3A_591 = vector.shape_cast %get3A_590 : vector<1x16xf32> to vector<16xf32>
        %mul3A_592 = arith.constant 1.000000e+01 : f32
        %mul3A_593 = vector.broadcast %mul3A_592 : f32 to vector<16xf32>
        %mul3A_594 = arith.mulf %get3A_591, %mul3A_593 : vector<16xf32>
        %swap3A_595 = arith.index_cast %scan3A_563 : i32 to index
        %swap3A_596 = arith.constant 32 : index
        %swap3A_597 = tpu.vector_load %arg7[%swap3A_595, %swap3A_596] {strides = array<i32>} : memref<50x128xf32, #tpu.memory_space<vmem>>, vector<1x16xf32>,
        %swap3A_598 = vector.shape_cast %swap3A_597 : vector<1x16xf32> to vector<16xf32>
        %swap3A_599 = vector.shape_cast %mul3A_594 : vector<16xf32> to vector<1x16xf32>
        tpu.vector_store %arg7[%swap3A_595, %swap3A_596], %swap3A_599 {strides = array<i32>} : memref<50x128xf32, #tpu.memory_space<vmem>>, vector<1x16xf32>,
        %get3A_600 = arith.index_cast %scan3A_563 : i32 to index
        %get3A_601 = arith.constant 48 : index
        %get3A_602 = tpu.vector_load %arg7[%get3A_600, %get3A_601] {strides = array<i32>} : memref<50x128xf32, #tpu.memory_space<vmem>>, vector<1x16xf32>,
        %get3A_603 = vector.shape_cast %get3A_602 : vector<1x16xf32> to vector<16xf32>
        %mul3A_604 = arith.constant 1.000000e+01 : f32
        %mul3A_605 = vector.broadcast %mul3A_604 : f32 to vector<16xf32>
        %mul3A_606 = arith.mulf %get3A_603, %mul3A_605 : vector<16xf32>
        %swap3A_607 = arith.index_cast %scan3A_563 : i32 to index
        %swap3A_608 = arith.constant 48 : index
        %swap3A_609 = tpu.vector_load %arg7[%swap3A_607, %swap3A_608] {strides = array<i32>} : memref<50x128xf32, #tpu.memory_space<vmem>>, vector<1x16xf32>,
        %swap3A_610 = vector.shape_cast %swap3A_609 : vector<1x16xf32> to vector<16xf32>
        %swap3A_611 = vector.shape_cast %mul3A_606 : vector<16xf32> to vector<1x16xf32>
        tpu.vector_store %arg7[%swap3A_607, %swap3A_608], %swap3A_611 {strides = array<i32>} : memref<50x128xf32, #tpu.memory_space<vmem>>, vector<1x16xf32>,
        %get3A_612 = arith.index_cast %scan3A_563 : i32 to index
        %get3A_613 = arith.constant 64 : index
        %get3A_614 = tpu.vector_load %arg7[%get3A_612, %get3A_613] {strides = array<i32>} : memref<50x128xf32, #tpu.memory_space<vmem>>, vector<1x16xf32>,
        %get3A_615 = vector.shape_cast %get3A_614 : vector<1x16xf32> to vector<16xf32>
        %mul3A_616 = arith.constant 1.000000e+01 : f32
        %mul3A_617 = vector.broadcast %mul3A_616 : f32 to vector<16xf32>
        %mul3A_618 = arith.mulf %get3A_615, %mul3A_617 : vector<16xf32>
        %swap3A_619 = arith.index_cast %scan3A_563 : i32 to index
        %swap3A_620 = arith.constant 64 : index
        %swap3A_621 = tpu.vector_load %arg7[%swap3A_619, %swap3A_620] {strides = array<i32>} : memref<50x128xf32, #tpu.memory_space<vmem>>, vector<1x16xf32>,
        %swap3A_622 = vector.shape_cast %swap3A_621 : vector<1x16xf32> to vector<16xf32>
        %swap3A_623 = vector.shape_cast %mul3A_618 : vector<16xf32> to vector<1x16xf32>
        tpu.vector_store %arg7[%swap3A_619, %swap3A_620], %swap3A_623 {strides = array<i32>} : memref<50x128xf32, #tpu.memory_space<vmem>>, vector<1x16xf32>,
        %get3A_624 = arith.index_cast %scan3A_563 : i32 to index
        %get3A_625 = arith.constant 80 : index
        %get3A_626 = tpu.vector_load %arg7[%get3A_624, %get3A_625] {strides = array<i32>} : memref<50x128xf32, #tpu.memory_space<vmem>>, vector<1x16xf32>,
        %get3A_627 = vector.shape_cast %get3A_626 : vector<1x16xf32> to vector<16xf32>
        %mul3A_628 = arith.constant 1.000000e+01 : f32
        %mul3A_629 = vector.broadcast %mul3A_628 : f32 to vector<16xf32>
        %mul3A_630 = arith.mulf %get3A_627, %mul3A_629 : vector<16xf32>
        %swap3A_631 = arith.index_cast %scan3A_563 : i32 to index
        %swap3A_632 = arith.constant 80 : index
        %swap3A_633 = tpu.vector_load %arg7[%swap3A_631, %swap3A_632] {strides = array<i32>} : memref<50x128xf32, #tpu.memory_space<vmem>>, vector<1x16xf32>,
        %swap3A_634 = vector.shape_cast %swap3A_633 : vector<1x16xf32> to vector<16xf32>
        %swap3A_635 = vector.shape_cast %mul3A_630 : vector<16xf32> to vector<1x16xf32>
        tpu.vector_store %arg7[%swap3A_631, %swap3A_632], %swap3A_635 {strides = array<i32>} : memref<50x128xf32, #tpu.memory_space<vmem>>, vector<1x16xf32>,
        %get3A_636 = arith.index_cast %scan3A_563 : i32 to index
        %get3A_637 = arith.constant 96 : index
        %get3A_638 = tpu.vector_load %arg7[%get3A_636, %get3A_637] {strides = array<i32>} : memref<50x128xf32, #tpu.memory_space<vmem>>, vector<1x16xf32>,
        %get3A_639 = vector.shape_cast %get3A_638 : vector<1x16xf32> to vector<16xf32>
        %mul3A_640 = arith.constant 1.000000e+01 : f32
        %mul3A_641 = vector.broadcast %mul3A_640 : f32 to vector<16xf32>
        %mul3A_642 = arith.mulf %get3A_639, %mul3A_641 : vector<16xf32>
        %swap3A_643 = arith.index_cast %scan3A_563 : i32 to index
        %swap3A_644 = arith.constant 96 : index
        %swap3A_645 = tpu.vector_load %arg7[%swap3A_643, %swap3A_644] {strides = array<i32>} : memref<50x128xf32, #tpu.memory_space<vmem>>, vector<1x16xf32>,
        %swap3A_646 = vector.shape_cast %swap3A_645 : vector<1x16xf32> to vector<16xf32>
        %swap3A_647 = vector.shape_cast %mul3A_642 : vector<16xf32> to vector<1x16xf32>
        tpu.vector_store %arg7[%swap3A_643, %swap3A_644], %swap3A_647 {strides = array<i32>} : memref<50x128xf32, #tpu.memory_space<vmem>>, vector<1x16xf32>,
        %get3A_648 = arith.index_cast %scan3A_563 : i32 to index
        %get3A_649 = arith.constant 112 : index
        %get3A_650 = tpu.vector_load %arg7[%get3A_648, %get3A_649] {strides = array<i32>} : memref<50x128xf32, #tpu.memory_space<vmem>>, vector<1x16xf32>,
        %get3A_651 = vector.shape_cast %get3A_650 : vector<1x16xf32> to vector<16xf32>
        %mul3A_652 = arith.constant 1.000000e+01 : f32
        %mul3A_653 = vector.broadcast %mul3A_652 : f32 to vector<16xf32>
        %mul3A_654 = arith.mulf %get3A_651, %mul3A_653 : vector<16xf32>
        %swap3A_655 = arith.index_cast %scan3A_563 : i32 to index
        %swap3A_656 = arith.constant 112 : index
        %swap3A_657 = tpu.vector_load %arg7[%swap3A_655, %swap3A_656] {strides = array<i32>} : memref<50x128xf32, #tpu.memory_space<vmem>>, vector<1x16xf32>,
        %swap3A_658 = vector.shape_cast %swap3A_657 : vector<1x16xf32> to vector<16xf32>
        %swap3A_659 = vector.shape_cast %mul3A_654 : vector<16xf32> to vector<1x16xf32>
        tpu.vector_store %arg7[%swap3A_655, %swap3A_656], %swap3A_659 {strides = array<i32>} : memref<50x128xf32, #tpu.memory_space<vmem>>, vector<1x16xf32>,
        %scan3A_660 = arith.constant 3 : i32
        %scan3A_661 = arith.addi %scan3A_369, %scan3A_660 : i32
        %get3A_662 = arith.index_cast %scan3A_661 : i32 to index
        %get3A_663 = arith.constant 0 : index
        %get3A_664 = tpu.vector_load %arg7[%get3A_662, %get3A_663] {strides = array<i32>} : memref<50x128xf32, #tpu.memory_space<vmem>>, vector<1x16xf32>,
        %get3A_665 = vector.shape_cast %get3A_664 : vector<1x16xf32> to vector<16xf32>
        %mul3A_666 = arith.constant 1.000000e+01 : f32
        %mul3A_667 = vector.broadcast %mul3A_666 : f32 to vector<16xf32>
        %mul3A_668 = arith.mulf %get3A_665, %mul3A_667 : vector<16xf32>
        %swap3A_669 = arith.index_cast %scan3A_661 : i32 to index
        %swap3A_670 = arith.constant 0 : index
        %swap3A_671 = tpu.vector_load %arg7[%swap3A_669, %swap3A_670] {strides = array<i32>} : memref<50x128xf32, #tpu.memory_space<vmem>>, vector<1x16xf32>,
        %swap3A_672 = vector.shape_cast %swap3A_671 : vector<1x16xf32> to vector<16xf32>
        %swap3A_673 = vector.shape_cast %mul3A_668 : vector<16xf32> to vector<1x16xf32>
        tpu.vector_store %arg7[%swap3A_669, %swap3A_670], %swap3A_673 {strides = array<i32>} : memref<50x128xf32, #tpu.memory_space<vmem>>, vector<1x16xf32>,
        %get3A_674 = arith.index_cast %scan3A_661 : i32 to index
        %get3A_675 = arith.constant 16 : index
        %get3A_676 = tpu.vector_load %arg7[%get3A_674, %get3A_675] {strides = array<i32>} : memref<50x128xf32, #tpu.memory_space<vmem>>, vector<1x16xf32>,
        %get3A_677 = vector.shape_cast %get3A_676 : vector<1x16xf32> to vector<16xf32>
        %mul3A_678 = arith.constant 1.000000e+01 : f32
        %mul3A_679 = vector.broadcast %mul3A_678 : f32 to vector<16xf32>
        %mul3A_680 = arith.mulf %get3A_677, %mul3A_679 : vector<16xf32>
        %swap3A_681 = arith.index_cast %scan3A_661 : i32 to index
        %swap3A_682 = arith.constant 16 : index
        %swap3A_683 = tpu.vector_load %arg7[%swap3A_681, %swap3A_682] {strides = array<i32>} : memref<50x128xf32, #tpu.memory_space<vmem>>, vector<1x16xf32>,
        %swap3A_684 = vector.shape_cast %swap3A_683 : vector<1x16xf32> to vector<16xf32>
        %swap3A_685 = vector.shape_cast %mul3A_680 : vector<16xf32> to vector<1x16xf32>
        tpu.vector_store %arg7[%swap3A_681, %swap3A_682], %swap3A_685 {strides = array<i32>} : memref<50x128xf32, #tpu.memory_space<vmem>>, vector<1x16xf32>,
        %get3A_686 = arith.index_cast %scan3A_661 : i32 to index
        %get3A_687 = arith.constant 32 : index
        %get3A_688 = tpu.vector_load %arg7[%get3A_686, %get3A_687] {strides = array<i32>} : memref<50x128xf32, #tpu.memory_space<vmem>>, vector<1x16xf32>,
        %get3A_689 = vector.shape_cast %get3A_688 : vector<1x16xf32> to vector<16xf32>
        %mul3A_690 = arith.constant 1.000000e+01 : f32
        %mul3A_691 = vector.broadcast %mul3A_690 : f32 to vector<16xf32>
        %mul3A_692 = arith.mulf %get3A_689, %mul3A_691 : vector<16xf32>
        %swap3A_693 = arith.index_cast %scan3A_661 : i32 to index
        %swap3A_694 = arith.constant 32 : index
        %swap3A_695 = tpu.vector_load %arg7[%swap3A_693, %swap3A_694] {strides = array<i32>} : memref<50x128xf32, #tpu.memory_space<vmem>>, vector<1x16xf32>,
        %swap3A_696 = vector.shape_cast %swap3A_695 : vector<1x16xf32> to vector<16xf32>
        %swap3A_697 = vector.shape_cast %mul3A_692 : vector<16xf32> to vector<1x16xf32>
        tpu.vector_store %arg7[%swap3A_693, %swap3A_694], %swap3A_697 {strides = array<i32>} : memref<50x128xf32, #tpu.memory_space<vmem>>, vector<1x16xf32>,
        %get3A_698 = arith.index_cast %scan3A_661 : i32 to index
        %get3A_699 = arith.constant 48 : index
        %get3A_700 = tpu.vector_load %arg7[%get3A_698, %get3A_699] {strides = array<i32>} : memref<50x128xf32, #tpu.memory_space<vmem>>, vector<1x16xf32>,
        %get3A_701 = vector.shape_cast %get3A_700 : vector<1x16xf32> to vector<16xf32>
        %mul3A_702 = arith.constant 1.000000e+01 : f32
        %mul3A_703 = vector.broadcast %mul3A_702 : f32 to vector<16xf32>
        %mul3A_704 = arith.mulf %get3A_701, %mul3A_703 : vector<16xf32>
        %swap3A_705 = arith.index_cast %scan3A_661 : i32 to index
        %swap3A_706 = arith.constant 48 : index
        %swap3A_707 = tpu.vector_load %arg7[%swap3A_705, %swap3A_706] {strides = array<i32>} : memref<50x128xf32, #tpu.memory_space<vmem>>, vector<1x16xf32>,
        %swap3A_708 = vector.shape_cast %swap3A_707 : vector<1x16xf32> to vector<16xf32>
        %swap3A_709 = vector.shape_cast %mul3A_704 : vector<16xf32> to vector<1x16xf32>
        tpu.vector_store %arg7[%swap3A_705, %swap3A_706], %swap3A_709 {strides = array<i32>} : memref<50x128xf32, #tpu.memory_space<vmem>>, vector<1x16xf32>,
        %get3A_710 = arith.index_cast %scan3A_661 : i32 to index
        %get3A_711 = arith.constant 64 : index
        %get3A_712 = tpu.vector_load %arg7[%get3A_710, %get3A_711] {strides = array<i32>} : memref<50x128xf32, #tpu.memory_space<vmem>>, vector<1x16xf32>,
        %get3A_713 = vector.shape_cast %get3A_712 : vector<1x16xf32> to vector<16xf32>
        %mul3A_714 = arith.constant 1.000000e+01 : f32
        %mul3A_715 = vector.broadcast %mul3A_714 : f32 to vector<16xf32>
        %mul3A_716 = arith.mulf %get3A_713, %mul3A_715 : vector<16xf32>
        %swap3A_717 = arith.index_cast %scan3A_661 : i32 to index
        %swap3A_718 = arith.constant 64 : index
        %swap3A_719 = tpu.vector_load %arg7[%swap3A_717, %swap3A_718] {strides = array<i32>} : memref<50x128xf32, #tpu.memory_space<vmem>>, vector<1x16xf32>,
        %swap3A_720 = vector.shape_cast %swap3A_719 : vector<1x16xf32> to vector<16xf32>
        %swap3A_721 = vector.shape_cast %mul3A_716 : vector<16xf32> to vector<1x16xf32>
        tpu.vector_store %arg7[%swap3A_717, %swap3A_718], %swap3A_721 {strides = array<i32>} : memref<50x128xf32, #tpu.memory_space<vmem>>, vector<1x16xf32>,
        %get3A_722 = arith.index_cast %scan3A_661 : i32 to index
        %get3A_723 = arith.constant 80 : index
        %get3A_724 = tpu.vector_load %arg7[%get3A_722, %get3A_723] {strides = array<i32>} : memref<50x128xf32, #tpu.memory_space<vmem>>, vector<1x16xf32>,
        %get3A_725 = vector.shape_cast %get3A_724 : vector<1x16xf32> to vector<16xf32>
        %mul3A_726 = arith.constant 1.000000e+01 : f32
        %mul3A_727 = vector.broadcast %mul3A_726 : f32 to vector<16xf32>
        %mul3A_728 = arith.mulf %get3A_725, %mul3A_727 : vector<16xf32>
        %swap3A_729 = arith.index_cast %scan3A_661 : i32 to index
        %swap3A_730 = arith.constant 80 : index
        %swap3A_731 = tpu.vector_load %arg7[%swap3A_729, %swap3A_730] {strides = array<i32>} : memref<50x128xf32, #tpu.memory_space<vmem>>, vector<1x16xf32>,
        %swap3A_732 = vector.shape_cast %swap3A_731 : vector<1x16xf32> to vector<16xf32>
        %swap3A_733 = vector.shape_cast %mul3A_728 : vector<16xf32> to vector<1x16xf32>
        tpu.vector_store %arg7[%swap3A_729, %swap3A_730], %swap3A_733 {strides = array<i32>} : memref<50x128xf32, #tpu.memory_space<vmem>>, vector<1x16xf32>,
        %get3A_734 = arith.index_cast %scan3A_661 : i32 to index
        %get3A_735 = arith.constant 96 : index
        %get3A_736 = tpu.vector_load %arg7[%get3A_734, %get3A_735] {strides = array<i32>} : memref<50x128xf32, #tpu.memory_space<vmem>>, vector<1x16xf32>,
        %get3A_737 = vector.shape_cast %get3A_736 : vector<1x16xf32> to vector<16xf32>
        %mul3A_738 = arith.constant 1.000000e+01 : f32
        %mul3A_739 = vector.broadcast %mul3A_738 : f32 to vector<16xf32>
        %mul3A_740 = arith.mulf %get3A_737, %mul3A_739 : vector<16xf32>
        %swap3A_741 = arith.index_cast %scan3A_661 : i32 to index
        %swap3A_742 = arith.constant 96 : index
        %swap3A_743 = tpu.vector_load %arg7[%swap3A_741, %swap3A_742] {strides = array<i32>} : memref<50x128xf32, #tpu.memory_space<vmem>>, vector<1x16xf32>,
        %swap3A_744 = vector.shape_cast %swap3A_743 : vector<1x16xf32> to vector<16xf32>
        %swap3A_745 = vector.shape_cast %mul3A_740 : vector<16xf32> to vector<1x16xf32>
        tpu.vector_store %arg7[%swap3A_741, %swap3A_742], %swap3A_745 {strides = array<i32>} : memref<50x128xf32, #tpu.memory_space<vmem>>, vector<1x16xf32>,
        %get3A_746 = arith.index_cast %scan3A_661 : i32 to index
        %get3A_747 = arith.constant 112 : index
        %get3A_748 = tpu.vector_load %arg7[%get3A_746, %get3A_747] {strides = array<i32>} : memref<50x128xf32, #tpu.memory_space<vmem>>, vector<1x16xf32>,
        %get3A_749 = vector.shape_cast %get3A_748 : vector<1x16xf32> to vector<16xf32>
        %mul3A_750 = arith.constant 1.000000e+01 : f32
        %mul3A_751 = vector.broadcast %mul3A_750 : f32 to vector<16xf32>
        %mul3A_752 = arith.mulf %get3A_749, %mul3A_751 : vector<16xf32>
        %swap3A_753 = arith.index_cast %scan3A_661 : i32 to index
        %swap3A_754 = arith.constant 112 : index
        %swap3A_755 = tpu.vector_load %arg7[%swap3A_753, %swap3A_754] {strides = array<i32>} : memref<50x128xf32, #tpu.memory_space<vmem>>, vector<1x16xf32>,
        %swap3A_756 = vector.shape_cast %swap3A_755 : vector<1x16xf32> to vector<16xf32>
        %swap3A_757 = vector.shape_cast %mul3A_752 : vector<16xf32> to vector<1x16xf32>
        tpu.vector_store %arg7[%swap3A_753, %swap3A_754], %swap3A_757 {strides = array<i32>} : memref<50x128xf32, #tpu.memory_space<vmem>>, vector<1x16xf32>,
        %scan3A_758 = arith.constant 4 : i32
        %scan3A_759 = arith.addi %scan3A_369, %scan3A_758 : i32
        %get3A_760 = arith.index_cast %scan3A_759 : i32 to index
        %get3A_761 = arith.constant 0 : index
        %get3A_762 = tpu.vector_load %arg7[%get3A_760, %get3A_761] {strides = array<i32>} : memref<50x128xf32, #tpu.memory_space<vmem>>, vector<1x16xf32>,
        %get3A_763 = vector.shape_cast %get3A_762 : vector<1x16xf32> to vector<16xf32>
        %mul3A_764 = arith.constant 1.000000e+01 : f32
        %mul3A_765 = vector.broadcast %mul3A_764 : f32 to vector<16xf32>
        %mul3A_766 = arith.mulf %get3A_763, %mul3A_765 : vector<16xf32>
        %swap3A_767 = arith.index_cast %scan3A_759 : i32 to index
        %swap3A_768 = arith.constant 0 : index
        %swap3A_769 = tpu.vector_load %arg7[%swap3A_767, %swap3A_768] {strides = array<i32>} : memref<50x128xf32, #tpu.memory_space<vmem>>, vector<1x16xf32>,
        %swap3A_770 = vector.shape_cast %swap3A_769 : vector<1x16xf32> to vector<16xf32>
        %swap3A_771 = vector.shape_cast %mul3A_766 : vector<16xf32> to vector<1x16xf32>
        tpu.vector_store %arg7[%swap3A_767, %swap3A_768], %swap3A_771 {strides = array<i32>} : memref<50x128xf32, #tpu.memory_space<vmem>>, vector<1x16xf32>,
        %get3A_772 = arith.index_cast %scan3A_759 : i32 to index
        %get3A_773 = arith.constant 16 : index
        %get3A_774 = tpu.vector_load %arg7[%get3A_772, %get3A_773] {strides = array<i32>} : memref<50x128xf32, #tpu.memory_space<vmem>>, vector<1x16xf32>,
        %get3A_775 = vector.shape_cast %get3A_774 : vector<1x16xf32> to vector<16xf32>
        %mul3A_776 = arith.constant 1.000000e+01 : f32
        %mul3A_777 = vector.broadcast %mul3A_776 : f32 to vector<16xf32>
        %mul3A_778 = arith.mulf %get3A_775, %mul3A_777 : vector<16xf32>
        %swap3A_779 = arith.index_cast %scan3A_759 : i32 to index
        %swap3A_780 = arith.constant 16 : index
        %swap3A_781 = tpu.vector_load %arg7[%swap3A_779, %swap3A_780] {strides = array<i32>} : memref<50x128xf32, #tpu.memory_space<vmem>>, vector<1x16xf32>,
        %swap3A_782 = vector.shape_cast %swap3A_781 : vector<1x16xf32> to vector<16xf32>
        %swap3A_783 = vector.shape_cast %mul3A_778 : vector<16xf32> to vector<1x16xf32>
        tpu.vector_store %arg7[%swap3A_779, %swap3A_780], %swap3A_783 {strides = array<i32>} : memref<50x128xf32, #tpu.memory_space<vmem>>, vector<1x16xf32>,
        %get3A_784 = arith.index_cast %scan3A_759 : i32 to index
        %get3A_785 = arith.constant 32 : index
        %get3A_786 = tpu.vector_load %arg7[%get3A_784, %get3A_785] {strides = array<i32>} : memref<50x128xf32, #tpu.memory_space<vmem>>, vector<1x16xf32>,
        %get3A_787 = vector.shape_cast %get3A_786 : vector<1x16xf32> to vector<16xf32>
        %mul3A_788 = arith.constant 1.000000e+01 : f32
        %mul3A_789 = vector.broadcast %mul3A_788 : f32 to vector<16xf32>
        %mul3A_790 = arith.mulf %get3A_787, %mul3A_789 : vector<16xf32>
        %swap3A_791 = arith.index_cast %scan3A_759 : i32 to index
        %swap3A_792 = arith.constant 32 : index
        %swap3A_793 = tpu.vector_load %arg7[%swap3A_791, %swap3A_792] {strides = array<i32>} : memref<50x128xf32, #tpu.memory_space<vmem>>, vector<1x16xf32>,
        %swap3A_794 = vector.shape_cast %swap3A_793 : vector<1x16xf32> to vector<16xf32>
        %swap3A_795 = vector.shape_cast %mul3A_790 : vector<16xf32> to vector<1x16xf32>
        tpu.vector_store %arg7[%swap3A_791, %swap3A_792], %swap3A_795 {strides = array<i32>} : memref<50x128xf32, #tpu.memory_space<vmem>>, vector<1x16xf32>,
        %get3A_796 = arith.index_cast %scan3A_759 : i32 to index
        %get3A_797 = arith.constant 48 : index
        %get3A_798 = tpu.vector_load %arg7[%get3A_796, %get3A_797] {strides = array<i32>} : memref<50x128xf32, #tpu.memory_space<vmem>>, vector<1x16xf32>,
        %get3A_799 = vector.shape_cast %get3A_798 : vector<1x16xf32> to vector<16xf32>
        %mul3A_800 = arith.constant 1.000000e+01 : f32
        %mul3A_801 = vector.broadcast %mul3A_800 : f32 to vector<16xf32>
        %mul3A_802 = arith.mulf %get3A_799, %mul3A_801 : vector<16xf32>
        %swap3A_803 = arith.index_cast %scan3A_759 : i32 to index
        %swap3A_804 = arith.constant 48 : index
        %swap3A_805 = tpu.vector_load %arg7[%swap3A_803, %swap3A_804] {strides = array<i32>} : memref<50x128xf32, #tpu.memory_space<vmem>>, vector<1x16xf32>,
        %swap3A_806 = vector.shape_cast %swap3A_805 : vector<1x16xf32> to vector<16xf32>
        %swap3A_807 = vector.shape_cast %mul3A_802 : vector<16xf32> to vector<1x16xf32>
        tpu.vector_store %arg7[%swap3A_803, %swap3A_804], %swap3A_807 {strides = array<i32>} : memref<50x128xf32, #tpu.memory_space<vmem>>, vector<1x16xf32>,
        %get3A_808 = arith.index_cast %scan3A_759 : i32 to index
        %get3A_809 = arith.constant 64 : index
        %get3A_810 = tpu.vector_load %arg7[%get3A_808, %get3A_809] {strides = array<i32>} : memref<50x128xf32, #tpu.memory_space<vmem>>, vector<1x16xf32>,
        %get3A_811 = vector.shape_cast %get3A_810 : vector<1x16xf32> to vector<16xf32>
        %mul3A_812 = arith.constant 1.000000e+01 : f32
        %mul3A_813 = vector.broadcast %mul3A_812 : f32 to vector<16xf32>
        %mul3A_814 = arith.mulf %get3A_811, %mul3A_813 : vector<16xf32>
        %swap3A_815 = arith.index_cast %scan3A_759 : i32 to index
        %swap3A_816 = arith.constant 64 : index
        %swap3A_817 = tpu.vector_load %arg7[%swap3A_815, %swap3A_816] {strides = array<i32>} : memref<50x128xf32, #tpu.memory_space<vmem>>, vector<1x16xf32>,
        %swap3A_818 = vector.shape_cast %swap3A_817 : vector<1x16xf32> to vector<16xf32>
        %swap3A_819 = vector.shape_cast %mul3A_814 : vector<16xf32> to vector<1x16xf32>
        tpu.vector_store %arg7[%swap3A_815, %swap3A_816], %swap3A_819 {strides = array<i32>} : memref<50x128xf32, #tpu.memory_space<vmem>>, vector<1x16xf32>,
        %get3A_820 = arith.index_cast %scan3A_759 : i32 to index
        %get3A_821 = arith.constant 80 : index
        %get3A_822 = tpu.vector_load %arg7[%get3A_820, %get3A_821] {strides = array<i32>} : memref<50x128xf32, #tpu.memory_space<vmem>>, vector<1x16xf32>,
        %get3A_823 = vector.shape_cast %get3A_822 : vector<1x16xf32> to vector<16xf32>
        %mul3A_824 = arith.constant 1.000000e+01 : f32
        %mul3A_825 = vector.broadcast %mul3A_824 : f32 to vector<16xf32>
        %mul3A_826 = arith.mulf %get3A_823, %mul3A_825 : vector<16xf32>
        %swap3A_827 = arith.index_cast %scan3A_759 : i32 to index
        %swap3A_828 = arith.constant 80 : index
        %swap3A_829 = tpu.vector_load %arg7[%swap3A_827, %swap3A_828] {strides = array<i32>} : memref<50x128xf32, #tpu.memory_space<vmem>>, vector<1x16xf32>,
        %swap3A_830 = vector.shape_cast %swap3A_829 : vector<1x16xf32> to vector<16xf32>
        %swap3A_831 = vector.shape_cast %mul3A_826 : vector<16xf32> to vector<1x16xf32>
        tpu.vector_store %arg7[%swap3A_827, %swap3A_828], %swap3A_831 {strides = array<i32>} : memref<50x128xf32, #tpu.memory_space<vmem>>, vector<1x16xf32>,
        %get3A_832 = arith.index_cast %scan3A_759 : i32 to index
        %get3A_833 = arith.constant 96 : index
        %get3A_834 = tpu.vector_load %arg7[%get3A_832, %get3A_833] {strides = array<i32>} : memref<50x128xf32, #tpu.memory_space<vmem>>, vector<1x16xf32>,
        %get3A_835 = vector.shape_cast %get3A_834 : vector<1x16xf32> to vector<16xf32>
        %mul3A_836 = arith.constant 1.000000e+01 : f32
        %mul3A_837 = vector.broadcast %mul3A_836 : f32 to vector<16xf32>
        %mul3A_838 = arith.mulf %get3A_835, %mul3A_837 : vector<16xf32>
        %swap3A_839 = arith.index_cast %scan3A_759 : i32 to index
        %swap3A_840 = arith.constant 96 : index
        %swap3A_841 = tpu.vector_load %arg7[%swap3A_839, %swap3A_840] {strides = array<i32>} : memref<50x128xf32, #tpu.memory_space<vmem>>, vector<1x16xf32>,
        %swap3A_842 = vector.shape_cast %swap3A_841 : vector<1x16xf32> to vector<16xf32>
        %swap3A_843 = vector.shape_cast %mul3A_838 : vector<16xf32> to vector<1x16xf32>
        tpu.vector_store %arg7[%swap3A_839, %swap3A_840], %swap3A_843 {strides = array<i32>} : memref<50x128xf32, #tpu.memory_space<vmem>>, vector<1x16xf32>,
        %get3A_844 = arith.index_cast %scan3A_759 : i32 to index
        %get3A_845 = arith.constant 112 : index
        %get3A_846 = tpu.vector_load %arg7[%get3A_844, %get3A_845] {strides = array<i32>} : memref<50x128xf32, #tpu.memory_space<vmem>>, vector<1x16xf32>,
        %get3A_847 = vector.shape_cast %get3A_846 : vector<1x16xf32> to vector<16xf32>
        %mul3A_848 = arith.constant 1.000000e+01 : f32
        %mul3A_849 = vector.broadcast %mul3A_848 : f32 to vector<16xf32>
        %mul3A_850 = arith.mulf %get3A_847, %mul3A_849 : vector<16xf32>
        %swap3A_851 = arith.index_cast %scan3A_759 : i32 to index
        %swap3A_852 = arith.constant 112 : index
        %swap3A_853 = tpu.vector_load %arg7[%swap3A_851, %swap3A_852] {strides = array<i32>} : memref<50x128xf32, #tpu.memory_space<vmem>>, vector<1x16xf32>,
        %swap3A_854 = vector.shape_cast %swap3A_853 : vector<1x16xf32> to vector<16xf32>
        %swap3A_855 = vector.shape_cast %mul3A_850 : vector<16xf32> to vector<1x16xf32>
        tpu.vector_store %arg7[%swap3A_851, %swap3A_852], %swap3A_855 {strides = array<i32>} : memref<50x128xf32, #tpu.memory_space<vmem>>, vector<1x16xf32>,
      }
      %scan3A_137 = arith.constant 50 : i32
      %add3A_138 = arith.addi %mul3A_4, %add3A_113 : i32
      %dma_start3A_139 = arith.constant 0 : i32
      %dma_start3A_140 = arith.constant 0 : i32
      %dma_start3A_141 = tpu.memref_slice %arg4[%add3A_138, %dma_start3A_139, %dma_start3A_140] : memref<4096x50x128xf32, #tpu.memory_space<hbm>> -> memref<1x50x128xf32, #tpu.memory_space<hbm>>
      %dma_start3A_142 = tpu.memref_squeeze %dma_start3A_141 : memref<1x50x128xf32, #tpu.memory_space<hbm>> -> memref<50x128xf32, #tpu.memory_space<hbm>>
      %dma_start3A_143 = arith.constant 0 : i32
      %dma_start3A_144 = arith.constant 0 : i32
      %dma_start3A_145 = tpu.memref_slice %arg4[%add3A_138, %dma_start3A_143, %dma_start3A_144] : memref<4096x50x128xf32, #tpu.memory_space<hbm>> -> memref<1x50x128xf32, #tpu.memory_space<hbm>>
      %dma_start3A_146 = tpu.memref_squeeze %dma_start3A_145 : memref<1x50x128xf32, #tpu.memory_space<hbm>> -> memref<50x128xf32, #tpu.memory_space<hbm>>
      tpu.enqueue_dma source(%arg7 : memref<50x128xf32, #tpu.memory_space<vmem>>) target(%dma_start3A_146 : memref<50x128xf32, #tpu.memory_space<hbm>>) target_semaphore(%arg23 : memref<!tpu.dma_semaphore, #tpu.memory_space<semaphore_mem>>)
      %mul3A_147 = arith.constant 8 : i32
      %mul3A_148 = arith.muli %mul3A_147, %scan3A_76 : i32
      %add3A_149 = arith.constant 2 : i32
      %add3A_150 = arith.addi %mul3A_148, %add3A_149 : i32
      %ge3A_151 = arith.constant 4 : i32
      %ge3A_152 = arith.cmpi sge, %add3A_150, %ge3A_151 : i32
      %convert_element_type3A_153 = arith.extui %ge3A_152 : i1 to i32
      %cond3A_154 = arith.constant 0 : i32
      %cond3A_155 = arith.cmpi ne, %convert_element_type3A_153, %cond3A_154 : i32
      scf.if %cond3A_155 {
        %sub3A = arith.constant 4 : i32
        %sub3A_369 = arith.subi %add3A_150, %sub3A : i32
        %add3A_370 = arith.addi %mul3A_4, %sub3A_369 : i32
        %dma_wait3A_371 = arith.constant 0 : i32
        %dma_wait3A_372 = arith.constant 0 : i32
        %dma_wait3A_373 = tpu.memref_slice %arg4[%add3A_370, %dma_wait3A_371, %dma_wait3A_372] : memref<4096x50x128xf32, #tpu.memory_space<hbm>> -> memref<1x50x128xf32, #tpu.memory_space<hbm>>
        %dma_wait3A_374 = tpu.memref_squeeze %dma_wait3A_373 : memref<1x50x128xf32, #tpu.memory_space<hbm>> -> memref<50x128xf32, #tpu.memory_space<hbm>>
        %dma_wait3A_375 = arith.constant 0 : i32
        %dma_wait3A_376 = arith.constant 0 : i32
        %dma_wait3A_377 = tpu.memref_slice %arg4[%add3A_370, %dma_wait3A_375, %dma_wait3A_376] : memref<4096x50x128xf32, #tpu.memory_space<hbm>> -> memref<1x50x128xf32, #tpu.memory_space<hbm>>
        %dma_wait3A_378 = tpu.memref_squeeze %dma_wait3A_377 : memref<1x50x128xf32, #tpu.memory_space<hbm>> -> memref<50x128xf32, #tpu.memory_space<hbm>>
        tpu.wait_dma2 semaphore(%arg28 : memref<!tpu.dma_semaphore, #tpu.memory_space<semaphore_mem>>) src(%arg12 : memref<50x128xf32, #tpu.memory_space<vmem>>) dst(%dma_wait3A_378 : memref<50x128xf32, #tpu.memory_space<hbm>>)
      } else {
      }
      %add3A_156 = arith.constant 4 : i32
      %add3A_157 = arith.addi %add3A_150, %add3A_156 : i32
      %lt3A_158 = arith.constant 128 : i32
      %lt3A_159 = arith.cmpi slt, %add3A_157, %lt3A_158 : i32
      %convert_element_type3A_160 = arith.extui %lt3A_159 : i1 to i32
      %cond3A_161 = arith.constant 0 : i32
      %cond3A_162 = arith.cmpi ne, %convert_element_type3A_160, %cond3A_161 : i32
      scf.if %cond3A_162 {
        %add3A_369 = arith.constant 4 : i32
        %add3A_370 = arith.addi %add3A_150, %add3A_369 : i32
        %dma_start3A_371 = arith.constant 0 : i32
        %dma_start3A_372 = tpu.memref_slice %arg5[%add3A_370, %dma_start3A_371] : memref<128x50xi32, #tpu.memory_space<vmem>> -> memref<1x50xi32, #tpu.memory_space<vmem>>
        %dma_start3A_373 = tpu.memref_squeeze %dma_start3A_372 : memref<1x50xi32, #tpu.memory_space<vmem>> -> memref<50xi32, #tpu.memory_space<vmem>>
        %dma_start3A_374 = arith.constant 0 : i32
        %dma_start3A_375 = arith.constant 0 : i32
        %dma_start3A_376 = tpu.memref_slice %arg2[%dma_start3A_374, %dma_start3A_375] : memref<100000x128xf32, #tpu.memory_space<hbm>> -> memref<100000x128xf32, #tpu.memory_space<hbm>>
        tpu.enqueue_indirect_dma source(%dma_start3A_376 : memref<100000x128xf32, #tpu.memory_space<hbm>>) target(%arg12 : memref<50x128xf32, #tpu.memory_space<vmem>>) offsets(%dma_start3A_373 : memref<50xi32, #tpu.memory_space<vmem>>) semaphore(%arg20 : memref<!tpu.dma_semaphore, #tpu.memory_space<semaphore_mem>>)
      } else {
      }
      %dma_wait3A_163 = arith.constant 0 : i32
      %dma_wait3A_164 = tpu.memref_slice %arg5[%add3A_150, %dma_wait3A_163] : memref<128x50xi32, #tpu.memory_space<vmem>> -> memref<1x50xi32, #tpu.memory_space<vmem>>
      %dma_wait3A_165 = tpu.memref_squeeze %dma_wait3A_164 : memref<1x50xi32, #tpu.memory_space<vmem>> -> memref<50xi32, #tpu.memory_space<vmem>>
      %dma_wait3A_166 = arith.constant 0 : i32
      %dma_wait3A_167 = arith.constant 0 : i32
      %dma_wait3A_168 = tpu.memref_slice %arg2[%dma_wait3A_166, %dma_wait3A_167] : memref<100000x128xf32, #tpu.memory_space<hbm>> -> memref<100000x128xf32, #tpu.memory_space<hbm>>
      tpu.wait_indirect_dma semaphore(%arg16 : memref<!tpu.dma_semaphore, #tpu.memory_space<semaphore_mem>>) src(%dma_wait3A_168 : memref<100000x128xf32, #tpu.memory_space<hbm>>) dst(%arg8 : memref<50x128xf32, #tpu.memory_space<vmem>>)
      %scan3A_169 = arith.constant 0 : i32
      %scan3A_170 = arith.constant 0 : i32
      %scan3A_171 = arith.constant 50 : i32
      %scan3A_172 = arith.addi %scan3A_170, %scan3A_171 : i32
      %scan3A_173 = arith.constant 5 : i32
      scf.for %scan3A_369 = %scan3A_170 to %scan3A_172 step %scan3A_173  : i32 {
        %get3A = arith.index_cast %scan3A_369 : i32 to index
        %get3A_370 = arith.constant 0 : index
        %get3A_371 = tpu.vector_load %arg8[%get3A, %get3A_370] {strides = array<i32>} : memref<50x128xf32, #tpu.memory_space<vmem>>, vector<1x16xf32>,
        %get3A_372 = vector.shape_cast %get3A_371 : vector<1x16xf32> to vector<16xf32>
        %mul3A_373 = arith.constant 1.000000e+01 : f32
        %mul3A_374 = vector.broadcast %mul3A_373 : f32 to vector<16xf32>
        %mul3A_375 = arith.mulf %get3A_372, %mul3A_374 : vector<16xf32>
        %swap3A = arith.index_cast %scan3A_369 : i32 to index
        %swap3A_376 = arith.constant 0 : index
        %swap3A_377 = tpu.vector_load %arg8[%swap3A, %swap3A_376] {strides = array<i32>} : memref<50x128xf32, #tpu.memory_space<vmem>>, vector<1x16xf32>,
        %swap3A_378 = vector.shape_cast %swap3A_377 : vector<1x16xf32> to vector<16xf32>
        %swap3A_379 = vector.shape_cast %mul3A_375 : vector<16xf32> to vector<1x16xf32>
        tpu.vector_store %arg8[%swap3A, %swap3A_376], %swap3A_379 {strides = array<i32>} : memref<50x128xf32, #tpu.memory_space<vmem>>, vector<1x16xf32>,
        %get3A_380 = arith.index_cast %scan3A_369 : i32 to index
        %get3A_381 = arith.constant 16 : index
        %get3A_382 = tpu.vector_load %arg8[%get3A_380, %get3A_381] {strides = array<i32>} : memref<50x128xf32, #tpu.memory_space<vmem>>, vector<1x16xf32>,
        %get3A_383 = vector.shape_cast %get3A_382 : vector<1x16xf32> to vector<16xf32>
        %mul3A_384 = arith.constant 1.000000e+01 : f32
        %mul3A_385 = vector.broadcast %mul3A_384 : f32 to vector<16xf32>
        %mul3A_386 = arith.mulf %get3A_383, %mul3A_385 : vector<16xf32>
        %swap3A_387 = arith.index_cast %scan3A_369 : i32 to index
        %swap3A_388 = arith.constant 16 : index
        %swap3A_389 = tpu.vector_load %arg8[%swap3A_387, %swap3A_388] {strides = array<i32>} : memref<50x128xf32, #tpu.memory_space<vmem>>, vector<1x16xf32>,
        %swap3A_390 = vector.shape_cast %swap3A_389 : vector<1x16xf32> to vector<16xf32>
        %swap3A_391 = vector.shape_cast %mul3A_386 : vector<16xf32> to vector<1x16xf32>
        tpu.vector_store %arg8[%swap3A_387, %swap3A_388], %swap3A_391 {strides = array<i32>} : memref<50x128xf32, #tpu.memory_space<vmem>>, vector<1x16xf32>,
        %get3A_392 = arith.index_cast %scan3A_369 : i32 to index
        %get3A_393 = arith.constant 32 : index
        %get3A_394 = tpu.vector_load %arg8[%get3A_392, %get3A_393] {strides = array<i32>} : memref<50x128xf32, #tpu.memory_space<vmem>>, vector<1x16xf32>,
        %get3A_395 = vector.shape_cast %get3A_394 : vector<1x16xf32> to vector<16xf32>
        %mul3A_396 = arith.constant 1.000000e+01 : f32
        %mul3A_397 = vector.broadcast %mul3A_396 : f32 to vector<16xf32>
        %mul3A_398 = arith.mulf %get3A_395, %mul3A_397 : vector<16xf32>
        %swap3A_399 = arith.index_cast %scan3A_369 : i32 to index
        %swap3A_400 = arith.constant 32 : index
        %swap3A_401 = tpu.vector_load %arg8[%swap3A_399, %swap3A_400] {strides = array<i32>} : memref<50x128xf32, #tpu.memory_space<vmem>>, vector<1x16xf32>,
        %swap3A_402 = vector.shape_cast %swap3A_401 : vector<1x16xf32> to vector<16xf32>
        %swap3A_403 = vector.shape_cast %mul3A_398 : vector<16xf32> to vector<1x16xf32>
        tpu.vector_store %arg8[%swap3A_399, %swap3A_400], %swap3A_403 {strides = array<i32>} : memref<50x128xf32, #tpu.memory_space<vmem>>, vector<1x16xf32>,
        %get3A_404 = arith.index_cast %scan3A_369 : i32 to index
        %get3A_405 = arith.constant 48 : index
        %get3A_406 = tpu.vector_load %arg8[%get3A_404, %get3A_405] {strides = array<i32>} : memref<50x128xf32, #tpu.memory_space<vmem>>, vector<1x16xf32>,
        %get3A_407 = vector.shape_cast %get3A_406 : vector<1x16xf32> to vector<16xf32>
        %mul3A_408 = arith.constant 1.000000e+01 : f32
        %mul3A_409 = vector.broadcast %mul3A_408 : f32 to vector<16xf32>
        %mul3A_410 = arith.mulf %get3A_407, %mul3A_409 : vector<16xf32>
        %swap3A_411 = arith.index_cast %scan3A_369 : i32 to index
        %swap3A_412 = arith.constant 48 : index
        %swap3A_413 = tpu.vector_load %arg8[%swap3A_411, %swap3A_412] {strides = array<i32>} : memref<50x128xf32, #tpu.memory_space<vmem>>, vector<1x16xf32>,
        %swap3A_414 = vector.shape_cast %swap3A_413 : vector<1x16xf32> to vector<16xf32>
        %swap3A_415 = vector.shape_cast %mul3A_410 : vector<16xf32> to vector<1x16xf32>
        tpu.vector_store %arg8[%swap3A_411, %swap3A_412], %swap3A_415 {strides = array<i32>} : memref<50x128xf32, #tpu.memory_space<vmem>>, vector<1x16xf32>,
        %get3A_416 = arith.index_cast %scan3A_369 : i32 to index
        %get3A_417 = arith.constant 64 : index
        %get3A_418 = tpu.vector_load %arg8[%get3A_416, %get3A_417] {strides = array<i32>} : memref<50x128xf32, #tpu.memory_space<vmem>>, vector<1x16xf32>,
        %get3A_419 = vector.shape_cast %get3A_418 : vector<1x16xf32> to vector<16xf32>
        %mul3A_420 = arith.constant 1.000000e+01 : f32
        %mul3A_421 = vector.broadcast %mul3A_420 : f32 to vector<16xf32>
        %mul3A_422 = arith.mulf %get3A_419, %mul3A_421 : vector<16xf32>
        %swap3A_423 = arith.index_cast %scan3A_369 : i32 to index
        %swap3A_424 = arith.constant 64 : index
        %swap3A_425 = tpu.vector_load %arg8[%swap3A_423, %swap3A_424] {strides = array<i32>} : memref<50x128xf32, #tpu.memory_space<vmem>>, vector<1x16xf32>,
        %swap3A_426 = vector.shape_cast %swap3A_425 : vector<1x16xf32> to vector<16xf32>
        %swap3A_427 = vector.shape_cast %mul3A_422 : vector<16xf32> to vector<1x16xf32>
        tpu.vector_store %arg8[%swap3A_423, %swap3A_424], %swap3A_427 {strides = array<i32>} : memref<50x128xf32, #tpu.memory_space<vmem>>, vector<1x16xf32>,
        %get3A_428 = arith.index_cast %scan3A_369 : i32 to index
        %get3A_429 = arith.constant 80 : index
        %get3A_430 = tpu.vector_load %arg8[%get3A_428, %get3A_429] {strides = array<i32>} : memref<50x128xf32, #tpu.memory_space<vmem>>, vector<1x16xf32>,
        %get3A_431 = vector.shape_cast %get3A_430 : vector<1x16xf32> to vector<16xf32>
        %mul3A_432 = arith.constant 1.000000e+01 : f32
        %mul3A_433 = vector.broadcast %mul3A_432 : f32 to vector<16xf32>
        %mul3A_434 = arith.mulf %get3A_431, %mul3A_433 : vector<16xf32>
        %swap3A_435 = arith.index_cast %scan3A_369 : i32 to index
        %swap3A_436 = arith.constant 80 : index
        %swap3A_437 = tpu.vector_load %arg8[%swap3A_435, %swap3A_436] {strides = array<i32>} : memref<50x128xf32, #tpu.memory_space<vmem>>, vector<1x16xf32>,
        %swap3A_438 = vector.shape_cast %swap3A_437 : vector<1x16xf32> to vector<16xf32>
        %swap3A_439 = vector.shape_cast %mul3A_434 : vector<16xf32> to vector<1x16xf32>
        tpu.vector_store %arg8[%swap3A_435, %swap3A_436], %swap3A_439 {strides = array<i32>} : memref<50x128xf32, #tpu.memory_space<vmem>>, vector<1x16xf32>,
        %get3A_440 = arith.index_cast %scan3A_369 : i32 to index
        %get3A_441 = arith.constant 96 : index
        %get3A_442 = tpu.vector_load %arg8[%get3A_440, %get3A_441] {strides = array<i32>} : memref<50x128xf32, #tpu.memory_space<vmem>>, vector<1x16xf32>,
        %get3A_443 = vector.shape_cast %get3A_442 : vector<1x16xf32> to vector<16xf32>
        %mul3A_444 = arith.constant 1.000000e+01 : f32
        %mul3A_445 = vector.broadcast %mul3A_444 : f32 to vector<16xf32>
        %mul3A_446 = arith.mulf %get3A_443, %mul3A_445 : vector<16xf32>
        %swap3A_447 = arith.index_cast %scan3A_369 : i32 to index
        %swap3A_448 = arith.constant 96 : index
        %swap3A_449 = tpu.vector_load %arg8[%swap3A_447, %swap3A_448] {strides = array<i32>} : memref<50x128xf32, #tpu.memory_space<vmem>>, vector<1x16xf32>,
        %swap3A_450 = vector.shape_cast %swap3A_449 : vector<1x16xf32> to vector<16xf32>
        %swap3A_451 = vector.shape_cast %mul3A_446 : vector<16xf32> to vector<1x16xf32>
        tpu.vector_store %arg8[%swap3A_447, %swap3A_448], %swap3A_451 {strides = array<i32>} : memref<50x128xf32, #tpu.memory_space<vmem>>, vector<1x16xf32>,
        %get3A_452 = arith.index_cast %scan3A_369 : i32 to index
        %get3A_453 = arith.constant 112 : index
        %get3A_454 = tpu.vector_load %arg8[%get3A_452, %get3A_453] {strides = array<i32>} : memref<50x128xf32, #tpu.memory_space<vmem>>, vector<1x16xf32>,
        %get3A_455 = vector.shape_cast %get3A_454 : vector<1x16xf32> to vector<16xf32>
        %mul3A_456 = arith.constant 1.000000e+01 : f32
        %mul3A_457 = vector.broadcast %mul3A_456 : f32 to vector<16xf32>
        %mul3A_458 = arith.mulf %get3A_455, %mul3A_457 : vector<16xf32>
        %swap3A_459 = arith.index_cast %scan3A_369 : i32 to index
        %swap3A_460 = arith.constant 112 : index
        %swap3A_461 = tpu.vector_load %arg8[%swap3A_459, %swap3A_460] {strides = array<i32>} : memref<50x128xf32, #tpu.memory_space<vmem>>, vector<1x16xf32>,
        %swap3A_462 = vector.shape_cast %swap3A_461 : vector<1x16xf32> to vector<16xf32>
        %swap3A_463 = vector.shape_cast %mul3A_458 : vector<16xf32> to vector<1x16xf32>
        tpu.vector_store %arg8[%swap3A_459, %swap3A_460], %swap3A_463 {strides = array<i32>} : memref<50x128xf32, #tpu.memory_space<vmem>>, vector<1x16xf32>,
        %scan3A_464 = arith.constant 1 : i32
        %scan3A_465 = arith.addi %scan3A_369, %scan3A_464 : i32
        %get3A_466 = arith.index_cast %scan3A_465 : i32 to index
        %get3A_467 = arith.constant 0 : index
        %get3A_468 = tpu.vector_load %arg8[%get3A_466, %get3A_467] {strides = array<i32>} : memref<50x128xf32, #tpu.memory_space<vmem>>, vector<1x16xf32>,
        %get3A_469 = vector.shape_cast %get3A_468 : vector<1x16xf32> to vector<16xf32>
        %mul3A_470 = arith.constant 1.000000e+01 : f32
        %mul3A_471 = vector.broadcast %mul3A_470 : f32 to vector<16xf32>
        %mul3A_472 = arith.mulf %get3A_469, %mul3A_471 : vector<16xf32>
        %swap3A_473 = arith.index_cast %scan3A_465 : i32 to index
        %swap3A_474 = arith.constant 0 : index
        %swap3A_475 = tpu.vector_load %arg8[%swap3A_473, %swap3A_474] {strides = array<i32>} : memref<50x128xf32, #tpu.memory_space<vmem>>, vector<1x16xf32>,
        %swap3A_476 = vector.shape_cast %swap3A_475 : vector<1x16xf32> to vector<16xf32>
        %swap3A_477 = vector.shape_cast %mul3A_472 : vector<16xf32> to vector<1x16xf32>
        tpu.vector_store %arg8[%swap3A_473, %swap3A_474], %swap3A_477 {strides = array<i32>} : memref<50x128xf32, #tpu.memory_space<vmem>>, vector<1x16xf32>,
        %get3A_478 = arith.index_cast %scan3A_465 : i32 to index
        %get3A_479 = arith.constant 16 : index
        %get3A_480 = tpu.vector_load %arg8[%get3A_478, %get3A_479] {strides = array<i32>} : memref<50x128xf32, #tpu.memory_space<vmem>>, vector<1x16xf32>,
        %get3A_481 = vector.shape_cast %get3A_480 : vector<1x16xf32> to vector<16xf32>
        %mul3A_482 = arith.constant 1.000000e+01 : f32
        %mul3A_483 = vector.broadcast %mul3A_482 : f32 to vector<16xf32>
        %mul3A_484 = arith.mulf %get3A_481, %mul3A_483 : vector<16xf32>
        %swap3A_485 = arith.index_cast %scan3A_465 : i32 to index
        %swap3A_486 = arith.constant 16 : index
        %swap3A_487 = tpu.vector_load %arg8[%swap3A_485, %swap3A_486] {strides = array<i32>} : memref<50x128xf32, #tpu.memory_space<vmem>>, vector<1x16xf32>,
        %swap3A_488 = vector.shape_cast %swap3A_487 : vector<1x16xf32> to vector<16xf32>
        %swap3A_489 = vector.shape_cast %mul3A_484 : vector<16xf32> to vector<1x16xf32>
        tpu.vector_store %arg8[%swap3A_485, %swap3A_486], %swap3A_489 {strides = array<i32>} : memref<50x128xf32, #tpu.memory_space<vmem>>, vector<1x16xf32>,
        %get3A_490 = arith.index_cast %scan3A_465 : i32 to index
        %get3A_491 = arith.constant 32 : index
        %get3A_492 = tpu.vector_load %arg8[%get3A_490, %get3A_491] {strides = array<i32>} : memref<50x128xf32, #tpu.memory_space<vmem>>, vector<1x16xf32>,
        %get3A_493 = vector.shape_cast %get3A_492 : vector<1x16xf32> to vector<16xf32>
        %mul3A_494 = arith.constant 1.000000e+01 : f32
        %mul3A_495 = vector.broadcast %mul3A_494 : f32 to vector<16xf32>
        %mul3A_496 = arith.mulf %get3A_493, %mul3A_495 : vector<16xf32>
        %swap3A_497 = arith.index_cast %scan3A_465 : i32 to index
        %swap3A_498 = arith.constant 32 : index
        %swap3A_499 = tpu.vector_load %arg8[%swap3A_497, %swap3A_498] {strides = array<i32>} : memref<50x128xf32, #tpu.memory_space<vmem>>, vector<1x16xf32>,
        %swap3A_500 = vector.shape_cast %swap3A_499 : vector<1x16xf32> to vector<16xf32>
        %swap3A_501 = vector.shape_cast %mul3A_496 : vector<16xf32> to vector<1x16xf32>
        tpu.vector_store %arg8[%swap3A_497, %swap3A_498], %swap3A_501 {strides = array<i32>} : memref<50x128xf32, #tpu.memory_space<vmem>>, vector<1x16xf32>,
        %get3A_502 = arith.index_cast %scan3A_465 : i32 to index
        %get3A_503 = arith.constant 48 : index
        %get3A_504 = tpu.vector_load %arg8[%get3A_502, %get3A_503] {strides = array<i32>} : memref<50x128xf32, #tpu.memory_space<vmem>>, vector<1x16xf32>,
        %get3A_505 = vector.shape_cast %get3A_504 : vector<1x16xf32> to vector<16xf32>
        %mul3A_506 = arith.constant 1.000000e+01 : f32
        %mul3A_507 = vector.broadcast %mul3A_506 : f32 to vector<16xf32>
        %mul3A_508 = arith.mulf %get3A_505, %mul3A_507 : vector<16xf32>
        %swap3A_509 = arith.index_cast %scan3A_465 : i32 to index
        %swap3A_510 = arith.constant 48 : index
        %swap3A_511 = tpu.vector_load %arg8[%swap3A_509, %swap3A_510] {strides = array<i32>} : memref<50x128xf32, #tpu.memory_space<vmem>>, vector<1x16xf32>,
        %swap3A_512 = vector.shape_cast %swap3A_511 : vector<1x16xf32> to vector<16xf32>
        %swap3A_513 = vector.shape_cast %mul3A_508 : vector<16xf32> to vector<1x16xf32>
        tpu.vector_store %arg8[%swap3A_509, %swap3A_510], %swap3A_513 {strides = array<i32>} : memref<50x128xf32, #tpu.memory_space<vmem>>, vector<1x16xf32>,
        %get3A_514 = arith.index_cast %scan3A_465 : i32 to index
        %get3A_515 = arith.constant 64 : index
        %get3A_516 = tpu.vector_load %arg8[%get3A_514, %get3A_515] {strides = array<i32>} : memref<50x128xf32, #tpu.memory_space<vmem>>, vector<1x16xf32>,
        %get3A_517 = vector.shape_cast %get3A_516 : vector<1x16xf32> to vector<16xf32>
        %mul3A_518 = arith.constant 1.000000e+01 : f32
        %mul3A_519 = vector.broadcast %mul3A_518 : f32 to vector<16xf32>
        %mul3A_520 = arith.mulf %get3A_517, %mul3A_519 : vector<16xf32>
        %swap3A_521 = arith.index_cast %scan3A_465 : i32 to index
        %swap3A_522 = arith.constant 64 : index
        %swap3A_523 = tpu.vector_load %arg8[%swap3A_521, %swap3A_522] {strides = array<i32>} : memref<50x128xf32, #tpu.memory_space<vmem>>, vector<1x16xf32>,
        %swap3A_524 = vector.shape_cast %swap3A_523 : vector<1x16xf32> to vector<16xf32>
        %swap3A_525 = vector.shape_cast %mul3A_520 : vector<16xf32> to vector<1x16xf32>
        tpu.vector_store %arg8[%swap3A_521, %swap3A_522], %swap3A_525 {strides = array<i32>} : memref<50x128xf32, #tpu.memory_space<vmem>>, vector<1x16xf32>,
        %get3A_526 = arith.index_cast %scan3A_465 : i32 to index
        %get3A_527 = arith.constant 80 : index
        %get3A_528 = tpu.vector_load %arg8[%get3A_526, %get3A_527] {strides = array<i32>} : memref<50x128xf32, #tpu.memory_space<vmem>>, vector<1x16xf32>,
        %get3A_529 = vector.shape_cast %get3A_528 : vector<1x16xf32> to vector<16xf32>
        %mul3A_530 = arith.constant 1.000000e+01 : f32
        %mul3A_531 = vector.broadcast %mul3A_530 : f32 to vector<16xf32>
        %mul3A_532 = arith.mulf %get3A_529, %mul3A_531 : vector<16xf32>
        %swap3A_533 = arith.index_cast %scan3A_465 : i32 to index
        %swap3A_534 = arith.constant 80 : index
        %swap3A_535 = tpu.vector_load %arg8[%swap3A_533, %swap3A_534] {strides = array<i32>} : memref<50x128xf32, #tpu.memory_space<vmem>>, vector<1x16xf32>,
        %swap3A_536 = vector.shape_cast %swap3A_535 : vector<1x16xf32> to vector<16xf32>
        %swap3A_537 = vector.shape_cast %mul3A_532 : vector<16xf32> to vector<1x16xf32>
        tpu.vector_store %arg8[%swap3A_533, %swap3A_534], %swap3A_537 {strides = array<i32>} : memref<50x128xf32, #tpu.memory_space<vmem>>, vector<1x16xf32>,
        %get3A_538 = arith.index_cast %scan3A_465 : i32 to index
        %get3A_539 = arith.constant 96 : index
        %get3A_540 = tpu.vector_load %arg8[%get3A_538, %get3A_539] {strides = array<i32>} : memref<50x128xf32, #tpu.memory_space<vmem>>, vector<1x16xf32>,
        %get3A_541 = vector.shape_cast %get3A_540 : vector<1x16xf32> to vector<16xf32>
        %mul3A_542 = arith.constant 1.000000e+01 : f32
        %mul3A_543 = vector.broadcast %mul3A_542 : f32 to vector<16xf32>
        %mul3A_544 = arith.mulf %get3A_541, %mul3A_543 : vector<16xf32>
        %swap3A_545 = arith.index_cast %scan3A_465 : i32 to index
        %swap3A_546 = arith.constant 96 : index
        %swap3A_547 = tpu.vector_load %arg8[%swap3A_545, %swap3A_546] {strides = array<i32>} : memref<50x128xf32, #tpu.memory_space<vmem>>, vector<1x16xf32>,
        %swap3A_548 = vector.shape_cast %swap3A_547 : vector<1x16xf32> to vector<16xf32>
        %swap3A_549 = vector.shape_cast %mul3A_544 : vector<16xf32> to vector<1x16xf32>
        tpu.vector_store %arg8[%swap3A_545, %swap3A_546], %swap3A_549 {strides = array<i32>} : memref<50x128xf32, #tpu.memory_space<vmem>>, vector<1x16xf32>,
        %get3A_550 = arith.index_cast %scan3A_465 : i32 to index
        %get3A_551 = arith.constant 112 : index
        %get3A_552 = tpu.vector_load %arg8[%get3A_550, %get3A_551] {strides = array<i32>} : memref<50x128xf32, #tpu.memory_space<vmem>>, vector<1x16xf32>,
        %get3A_553 = vector.shape_cast %get3A_552 : vector<1x16xf32> to vector<16xf32>
        %mul3A_554 = arith.constant 1.000000e+01 : f32
        %mul3A_555 = vector.broadcast %mul3A_554 : f32 to vector<16xf32>
        %mul3A_556 = arith.mulf %get3A_553, %mul3A_555 : vector<16xf32>
        %swap3A_557 = arith.index_cast %scan3A_465 : i32 to index
        %swap3A_558 = arith.constant 112 : index
        %swap3A_559 = tpu.vector_load %arg8[%swap3A_557, %swap3A_558] {strides = array<i32>} : memref<50x128xf32, #tpu.memory_space<vmem>>, vector<1x16xf32>,
        %swap3A_560 = vector.shape_cast %swap3A_559 : vector<1x16xf32> to vector<16xf32>
        %swap3A_561 = vector.shape_cast %mul3A_556 : vector<16xf32> to vector<1x16xf32>
        tpu.vector_store %arg8[%swap3A_557, %swap3A_558], %swap3A_561 {strides = array<i32>} : memref<50x128xf32, #tpu.memory_space<vmem>>, vector<1x16xf32>,
        %scan3A_562 = arith.constant 2 : i32
        %scan3A_563 = arith.addi %scan3A_369, %scan3A_562 : i32
        %get3A_564 = arith.index_cast %scan3A_563 : i32 to index
        %get3A_565 = arith.constant 0 : index
        %get3A_566 = tpu.vector_load %arg8[%get3A_564, %get3A_565] {strides = array<i32>} : memref<50x128xf32, #tpu.memory_space<vmem>>, vector<1x16xf32>,
        %get3A_567 = vector.shape_cast %get3A_566 : vector<1x16xf32> to vector<16xf32>
        %mul3A_568 = arith.constant 1.000000e+01 : f32
        %mul3A_569 = vector.broadcast %mul3A_568 : f32 to vector<16xf32>
        %mul3A_570 = arith.mulf %get3A_567, %mul3A_569 : vector<16xf32>
        %swap3A_571 = arith.index_cast %scan3A_563 : i32 to index
        %swap3A_572 = arith.constant 0 : index
        %swap3A_573 = tpu.vector_load %arg8[%swap3A_571, %swap3A_572] {strides = array<i32>} : memref<50x128xf32, #tpu.memory_space<vmem>>, vector<1x16xf32>,
        %swap3A_574 = vector.shape_cast %swap3A_573 : vector<1x16xf32> to vector<16xf32>
        %swap3A_575 = vector.shape_cast %mul3A_570 : vector<16xf32> to vector<1x16xf32>
        tpu.vector_store %arg8[%swap3A_571, %swap3A_572], %swap3A_575 {strides = array<i32>} : memref<50x128xf32, #tpu.memory_space<vmem>>, vector<1x16xf32>,
        %get3A_576 = arith.index_cast %scan3A_563 : i32 to index
        %get3A_577 = arith.constant 16 : index
        %get3A_578 = tpu.vector_load %arg8[%get3A_576, %get3A_577] {strides = array<i32>} : memref<50x128xf32, #tpu.memory_space<vmem>>, vector<1x16xf32>,
        %get3A_579 = vector.shape_cast %get3A_578 : vector<1x16xf32> to vector<16xf32>
        %mul3A_580 = arith.constant 1.000000e+01 : f32
        %mul3A_581 = vector.broadcast %mul3A_580 : f32 to vector<16xf32>
        %mul3A_582 = arith.mulf %get3A_579, %mul3A_581 : vector<16xf32>
        %swap3A_583 = arith.index_cast %scan3A_563 : i32 to index
        %swap3A_584 = arith.constant 16 : index
        %swap3A_585 = tpu.vector_load %arg8[%swap3A_583, %swap3A_584] {strides = array<i32>} : memref<50x128xf32, #tpu.memory_space<vmem>>, vector<1x16xf32>,
        %swap3A_586 = vector.shape_cast %swap3A_585 : vector<1x16xf32> to vector<16xf32>
        %swap3A_587 = vector.shape_cast %mul3A_582 : vector<16xf32> to vector<1x16xf32>
        tpu.vector_store %arg8[%swap3A_583, %swap3A_584], %swap3A_587 {strides = array<i32>} : memref<50x128xf32, #tpu.memory_space<vmem>>, vector<1x16xf32>,
        %get3A_588 = arith.index_cast %scan3A_563 : i32 to index
        %get3A_589 = arith.constant 32 : index
        %get3A_590 = tpu.vector_load %arg8[%get3A_588, %get3A_589] {strides = array<i32>} : memref<50x128xf32, #tpu.memory_space<vmem>>, vector<1x16xf32>,
        %get3A_591 = vector.shape_cast %get3A_590 : vector<1x16xf32> to vector<16xf32>
        %mul3A_592 = arith.constant 1.000000e+01 : f32
        %mul3A_593 = vector.broadcast %mul3A_592 : f32 to vector<16xf32>
        %mul3A_594 = arith.mulf %get3A_591, %mul3A_593 : vector<16xf32>
        %swap3A_595 = arith.index_cast %scan3A_563 : i32 to index
        %swap3A_596 = arith.constant 32 : index
        %swap3A_597 = tpu.vector_load %arg8[%swap3A_595, %swap3A_596] {strides = array<i32>} : memref<50x128xf32, #tpu.memory_space<vmem>>, vector<1x16xf32>,
        %swap3A_598 = vector.shape_cast %swap3A_597 : vector<1x16xf32> to vector<16xf32>
        %swap3A_599 = vector.shape_cast %mul3A_594 : vector<16xf32> to vector<1x16xf32>
        tpu.vector_store %arg8[%swap3A_595, %swap3A_596], %swap3A_599 {strides = array<i32>} : memref<50x128xf32, #tpu.memory_space<vmem>>, vector<1x16xf32>,
        %get3A_600 = arith.index_cast %scan3A_563 : i32 to index
        %get3A_601 = arith.constant 48 : index
        %get3A_602 = tpu.vector_load %arg8[%get3A_600, %get3A_601] {strides = array<i32>} : memref<50x128xf32, #tpu.memory_space<vmem>>, vector<1x16xf32>,
        %get3A_603 = vector.shape_cast %get3A_602 : vector<1x16xf32> to vector<16xf32>
        %mul3A_604 = arith.constant 1.000000e+01 : f32
        %mul3A_605 = vector.broadcast %mul3A_604 : f32 to vector<16xf32>
        %mul3A_606 = arith.mulf %get3A_603, %mul3A_605 : vector<16xf32>
        %swap3A_607 = arith.index_cast %scan3A_563 : i32 to index
        %swap3A_608 = arith.constant 48 : index
        %swap3A_609 = tpu.vector_load %arg8[%swap3A_607, %swap3A_608] {strides = array<i32>} : memref<50x128xf32, #tpu.memory_space<vmem>>, vector<1x16xf32>,
        %swap3A_610 = vector.shape_cast %swap3A_609 : vector<1x16xf32> to vector<16xf32>
        %swap3A_611 = vector.shape_cast %mul3A_606 : vector<16xf32> to vector<1x16xf32>
        tpu.vector_store %arg8[%swap3A_607, %swap3A_608], %swap3A_611 {strides = array<i32>} : memref<50x128xf32, #tpu.memory_space<vmem>>, vector<1x16xf32>,
        %get3A_612 = arith.index_cast %scan3A_563 : i32 to index
        %get3A_613 = arith.constant 64 : index
        %get3A_614 = tpu.vector_load %arg8[%get3A_612, %get3A_613] {strides = array<i32>} : memref<50x128xf32, #tpu.memory_space<vmem>>, vector<1x16xf32>,
        %get3A_615 = vector.shape_cast %get3A_614 : vector<1x16xf32> to vector<16xf32>
        %mul3A_616 = arith.constant 1.000000e+01 : f32
        %mul3A_617 = vector.broadcast %mul3A_616 : f32 to vector<16xf32>
        %mul3A_618 = arith.mulf %get3A_615, %mul3A_617 : vector<16xf32>
        %swap3A_619 = arith.index_cast %scan3A_563 : i32 to index
        %swap3A_620 = arith.constant 64 : index
        %swap3A_621 = tpu.vector_load %arg8[%swap3A_619, %swap3A_620] {strides = array<i32>} : memref<50x128xf32, #tpu.memory_space<vmem>>, vector<1x16xf32>,
        %swap3A_622 = vector.shape_cast %swap3A_621 : vector<1x16xf32> to vector<16xf32>
        %swap3A_623 = vector.shape_cast %mul3A_618 : vector<16xf32> to vector<1x16xf32>
        tpu.vector_store %arg8[%swap3A_619, %swap3A_620], %swap3A_623 {strides = array<i32>} : memref<50x128xf32, #tpu.memory_space<vmem>>, vector<1x16xf32>,
        %get3A_624 = arith.index_cast %scan3A_563 : i32 to index
        %get3A_625 = arith.constant 80 : index
        %get3A_626 = tpu.vector_load %arg8[%get3A_624, %get3A_625] {strides = array<i32>} : memref<50x128xf32, #tpu.memory_space<vmem>>, vector<1x16xf32>,
        %get3A_627 = vector.shape_cast %get3A_626 : vector<1x16xf32> to vector<16xf32>
        %mul3A_628 = arith.constant 1.000000e+01 : f32
        %mul3A_629 = vector.broadcast %mul3A_628 : f32 to vector<16xf32>
        %mul3A_630 = arith.mulf %get3A_627, %mul3A_629 : vector<16xf32>
        %swap3A_631 = arith.index_cast %scan3A_563 : i32 to index
        %swap3A_632 = arith.constant 80 : index
        %swap3A_633 = tpu.vector_load %arg8[%swap3A_631, %swap3A_632] {strides = array<i32>} : memref<50x128xf32, #tpu.memory_space<vmem>>, vector<1x16xf32>,
        %swap3A_634 = vector.shape_cast %swap3A_633 : vector<1x16xf32> to vector<16xf32>
        %swap3A_635 = vector.shape_cast %mul3A_630 : vector<16xf32> to vector<1x16xf32>
        tpu.vector_store %arg8[%swap3A_631, %swap3A_632], %swap3A_635 {strides = array<i32>} : memref<50x128xf32, #tpu.memory_space<vmem>>, vector<1x16xf32>,
        %get3A_636 = arith.index_cast %scan3A_563 : i32 to index
        %get3A_637 = arith.constant 96 : index
        %get3A_638 = tpu.vector_load %arg8[%get3A_636, %get3A_637] {strides = array<i32>} : memref<50x128xf32, #tpu.memory_space<vmem>>, vector<1x16xf32>,
        %get3A_639 = vector.shape_cast %get3A_638 : vector<1x16xf32> to vector<16xf32>
        %mul3A_640 = arith.constant 1.000000e+01 : f32
        %mul3A_641 = vector.broadcast %mul3A_640 : f32 to vector<16xf32>
        %mul3A_642 = arith.mulf %get3A_639, %mul3A_641 : vector<16xf32>
        %swap3A_643 = arith.index_cast %scan3A_563 : i32 to index
        %swap3A_644 = arith.constant 96 : index
        %swap3A_645 = tpu.vector_load %arg8[%swap3A_643, %swap3A_644] {strides = array<i32>} : memref<50x128xf32, #tpu.memory_space<vmem>>, vector<1x16xf32>,
        %swap3A_646 = vector.shape_cast %swap3A_645 : vector<1x16xf32> to vector<16xf32>
        %swap3A_647 = vector.shape_cast %mul3A_642 : vector<16xf32> to vector<1x16xf32>
        tpu.vector_store %arg8[%swap3A_643, %swap3A_644], %swap3A_647 {strides = array<i32>} : memref<50x128xf32, #tpu.memory_space<vmem>>, vector<1x16xf32>,
        %get3A_648 = arith.index_cast %scan3A_563 : i32 to index
        %get3A_649 = arith.constant 112 : index
        %get3A_650 = tpu.vector_load %arg8[%get3A_648, %get3A_649] {strides = array<i32>} : memref<50x128xf32, #tpu.memory_space<vmem>>, vector<1x16xf32>,
        %get3A_651 = vector.shape_cast %get3A_650 : vector<1x16xf32> to vector<16xf32>
        %mul3A_652 = arith.constant 1.000000e+01 : f32
        %mul3A_653 = vector.broadcast %mul3A_652 : f32 to vector<16xf32>
        %mul3A_654 = arith.mulf %get3A_651, %mul3A_653 : vector<16xf32>
        %swap3A_655 = arith.index_cast %scan3A_563 : i32 to index
        %swap3A_656 = arith.constant 112 : index
        %swap3A_657 = tpu.vector_load %arg8[%swap3A_655, %swap3A_656] {strides = array<i32>} : memref<50x128xf32, #tpu.memory_space<vmem>>, vector<1x16xf32>,
        %swap3A_658 = vector.shape_cast %swap3A_657 : vector<1x16xf32> to vector<16xf32>
        %swap3A_659 = vector.shape_cast %mul3A_654 : vector<16xf32> to vector<1x16xf32>
        tpu.vector_store %arg8[%swap3A_655, %swap3A_656], %swap3A_659 {strides = array<i32>} : memref<50x128xf32, #tpu.memory_space<vmem>>, vector<1x16xf32>,
        %scan3A_660 = arith.constant 3 : i32
        %scan3A_661 = arith.addi %scan3A_369, %scan3A_660 : i32
        %get3A_662 = arith.index_cast %scan3A_661 : i32 to index
        %get3A_663 = arith.constant 0 : index
        %get3A_664 = tpu.vector_load %arg8[%get3A_662, %get3A_663] {strides = array<i32>} : memref<50x128xf32, #tpu.memory_space<vmem>>, vector<1x16xf32>,
        %get3A_665 = vector.shape_cast %get3A_664 : vector<1x16xf32> to vector<16xf32>
        %mul3A_666 = arith.constant 1.000000e+01 : f32
        %mul3A_667 = vector.broadcast %mul3A_666 : f32 to vector<16xf32>
        %mul3A_668 = arith.mulf %get3A_665, %mul3A_667 : vector<16xf32>
        %swap3A_669 = arith.index_cast %scan3A_661 : i32 to index
        %swap3A_670 = arith.constant 0 : index
        %swap3A_671 = tpu.vector_load %arg8[%swap3A_669, %swap3A_670] {strides = array<i32>} : memref<50x128xf32, #tpu.memory_space<vmem>>, vector<1x16xf32>,
        %swap3A_672 = vector.shape_cast %swap3A_671 : vector<1x16xf32> to vector<16xf32>
        %swap3A_673 = vector.shape_cast %mul3A_668 : vector<16xf32> to vector<1x16xf32>
        tpu.vector_store %arg8[%swap3A_669, %swap3A_670], %swap3A_673 {strides = array<i32>} : memref<50x128xf32, #tpu.memory_space<vmem>>, vector<1x16xf32>,
        %get3A_674 = arith.index_cast %scan3A_661 : i32 to index
        %get3A_675 = arith.constant 16 : index
        %get3A_676 = tpu.vector_load %arg8[%get3A_674, %get3A_675] {strides = array<i32>} : memref<50x128xf32, #tpu.memory_space<vmem>>, vector<1x16xf32>,
        %get3A_677 = vector.shape_cast %get3A_676 : vector<1x16xf32> to vector<16xf32>
        %mul3A_678 = arith.constant 1.000000e+01 : f32
        %mul3A_679 = vector.broadcast %mul3A_678 : f32 to vector<16xf32>
        %mul3A_680 = arith.mulf %get3A_677, %mul3A_679 : vector<16xf32>
        %swap3A_681 = arith.index_cast %scan3A_661 : i32 to index
        %swap3A_682 = arith.constant 16 : index
        %swap3A_683 = tpu.vector_load %arg8[%swap3A_681, %swap3A_682] {strides = array<i32>} : memref<50x128xf32, #tpu.memory_space<vmem>>, vector<1x16xf32>,
        %swap3A_684 = vector.shape_cast %swap3A_683 : vector<1x16xf32> to vector<16xf32>
        %swap3A_685 = vector.shape_cast %mul3A_680 : vector<16xf32> to vector<1x16xf32>
        tpu.vector_store %arg8[%swap3A_681, %swap3A_682], %swap3A_685 {strides = array<i32>} : memref<50x128xf32, #tpu.memory_space<vmem>>, vector<1x16xf32>,
        %get3A_686 = arith.index_cast %scan3A_661 : i32 to index
        %get3A_687 = arith.constant 32 : index
        %get3A_688 = tpu.vector_load %arg8[%get3A_686, %get3A_687] {strides = array<i32>} : memref<50x128xf32, #tpu.memory_space<vmem>>, vector<1x16xf32>,
        %get3A_689 = vector.shape_cast %get3A_688 : vector<1x16xf32> to vector<16xf32>
        %mul3A_690 = arith.constant 1.000000e+01 : f32
        %mul3A_691 = vector.broadcast %mul3A_690 : f32 to vector<16xf32>
        %mul3A_692 = arith.mulf %get3A_689, %mul3A_691 : vector<16xf32>
        %swap3A_693 = arith.index_cast %scan3A_661 : i32 to index
        %swap3A_694 = arith.constant 32 : index
        %swap3A_695 = tpu.vector_load %arg8[%swap3A_693, %swap3A_694] {strides = array<i32>} : memref<50x128xf32, #tpu.memory_space<vmem>>, vector<1x16xf32>,
        %swap3A_696 = vector.shape_cast %swap3A_695 : vector<1x16xf32> to vector<16xf32>
        %swap3A_697 = vector.shape_cast %mul3A_692 : vector<16xf32> to vector<1x16xf32>
        tpu.vector_store %arg8[%swap3A_693, %swap3A_694], %swap3A_697 {strides = array<i32>} : memref<50x128xf32, #tpu.memory_space<vmem>>, vector<1x16xf32>,
        %get3A_698 = arith.index_cast %scan3A_661 : i32 to index
        %get3A_699 = arith.constant 48 : index
        %get3A_700 = tpu.vector_load %arg8[%get3A_698, %get3A_699] {strides = array<i32>} : memref<50x128xf32, #tpu.memory_space<vmem>>, vector<1x16xf32>,
        %get3A_701 = vector.shape_cast %get3A_700 : vector<1x16xf32> to vector<16xf32>
        %mul3A_702 = arith.constant 1.000000e+01 : f32
        %mul3A_703 = vector.broadcast %mul3A_702 : f32 to vector<16xf32>
        %mul3A_704 = arith.mulf %get3A_701, %mul3A_703 : vector<16xf32>
        %swap3A_705 = arith.index_cast %scan3A_661 : i32 to index
        %swap3A_706 = arith.constant 48 : index
        %swap3A_707 = tpu.vector_load %arg8[%swap3A_705, %swap3A_706] {strides = array<i32>} : memref<50x128xf32, #tpu.memory_space<vmem>>, vector<1x16xf32>,
        %swap3A_708 = vector.shape_cast %swap3A_707 : vector<1x16xf32> to vector<16xf32>
        %swap3A_709 = vector.shape_cast %mul3A_704 : vector<16xf32> to vector<1x16xf32>
        tpu.vector_store %arg8[%swap3A_705, %swap3A_706], %swap3A_709 {strides = array<i32>} : memref<50x128xf32, #tpu.memory_space<vmem>>, vector<1x16xf32>,
        %get3A_710 = arith.index_cast %scan3A_661 : i32 to index
        %get3A_711 = arith.constant 64 : index
        %get3A_712 = tpu.vector_load %arg8[%get3A_710, %get3A_711] {strides = array<i32>} : memref<50x128xf32, #tpu.memory_space<vmem>>, vector<1x16xf32>,
        %get3A_713 = vector.shape_cast %get3A_712 : vector<1x16xf32> to vector<16xf32>
        %mul3A_714 = arith.constant 1.000000e+01 : f32
        %mul3A_715 = vector.broadcast %mul3A_714 : f32 to vector<16xf32>
        %mul3A_716 = arith.mulf %get3A_713, %mul3A_715 : vector<16xf32>
        %swap3A_717 = arith.index_cast %scan3A_661 : i32 to index
        %swap3A_718 = arith.constant 64 : index
        %swap3A_719 = tpu.vector_load %arg8[%swap3A_717, %swap3A_718] {strides = array<i32>} : memref<50x128xf32, #tpu.memory_space<vmem>>, vector<1x16xf32>,
        %swap3A_720 = vector.shape_cast %swap3A_719 : vector<1x16xf32> to vector<16xf32>
        %swap3A_721 = vector.shape_cast %mul3A_716 : vector<16xf32> to vector<1x16xf32>
        tpu.vector_store %arg8[%swap3A_717, %swap3A_718], %swap3A_721 {strides = array<i32>} : memref<50x128xf32, #tpu.memory_space<vmem>>, vector<1x16xf32>,
        %get3A_722 = arith.index_cast %scan3A_661 : i32 to index
        %get3A_723 = arith.constant 80 : index
        %get3A_724 = tpu.vector_load %arg8[%get3A_722, %get3A_723] {strides = array<i32>} : memref<50x128xf32, #tpu.memory_space<vmem>>, vector<1x16xf32>,
        %get3A_725 = vector.shape_cast %get3A_724 : vector<1x16xf32> to vector<16xf32>
        %mul3A_726 = arith.constant 1.000000e+01 : f32
        %mul3A_727 = vector.broadcast %mul3A_726 : f32 to vector<16xf32>
        %mul3A_728 = arith.mulf %get3A_725, %mul3A_727 : vector<16xf32>
        %swap3A_729 = arith.index_cast %scan3A_661 : i32 to index
        %swap3A_730 = arith.constant 80 : index
        %swap3A_731 = tpu.vector_load %arg8[%swap3A_729, %swap3A_730] {strides = array<i32>} : memref<50x128xf32, #tpu.memory_space<vmem>>, vector<1x16xf32>,
        %swap3A_732 = vector.shape_cast %swap3A_731 : vector<1x16xf32> to vector<16xf32>
        %swap3A_733 = vector.shape_cast %mul3A_728 : vector<16xf32> to vector<1x16xf32>
        tpu.vector_store %arg8[%swap3A_729, %swap3A_730], %swap3A_733 {strides = array<i32>} : memref<50x128xf32, #tpu.memory_space<vmem>>, vector<1x16xf32>,
        %get3A_734 = arith.index_cast %scan3A_661 : i32 to index
        %get3A_735 = arith.constant 96 : index
        %get3A_736 = tpu.vector_load %arg8[%get3A_734, %get3A_735] {strides = array<i32>} : memref<50x128xf32, #tpu.memory_space<vmem>>, vector<1x16xf32>,
        %get3A_737 = vector.shape_cast %get3A_736 : vector<1x16xf32> to vector<16xf32>
        %mul3A_738 = arith.constant 1.000000e+01 : f32
        %mul3A_739 = vector.broadcast %mul3A_738 : f32 to vector<16xf32>
        %mul3A_740 = arith.mulf %get3A_737, %mul3A_739 : vector<16xf32>
        %swap3A_741 = arith.index_cast %scan3A_661 : i32 to index
        %swap3A_742 = arith.constant 96 : index
        %swap3A_743 = tpu.vector_load %arg8[%swap3A_741, %swap3A_742] {strides = array<i32>} : memref<50x128xf32, #tpu.memory_space<vmem>>, vector<1x16xf32>,
        %swap3A_744 = vector.shape_cast %swap3A_743 : vector<1x16xf32> to vector<16xf32>
        %swap3A_745 = vector.shape_cast %mul3A_740 : vector<16xf32> to vector<1x16xf32>
        tpu.vector_store %arg8[%swap3A_741, %swap3A_742], %swap3A_745 {strides = array<i32>} : memref<50x128xf32, #tpu.memory_space<vmem>>, vector<1x16xf32>,
        %get3A_746 = arith.index_cast %scan3A_661 : i32 to index
        %get3A_747 = arith.constant 112 : index
        %get3A_748 = tpu.vector_load %arg8[%get3A_746, %get3A_747] {strides = array<i32>} : memref<50x128xf32, #tpu.memory_space<vmem>>, vector<1x16xf32>,
        %get3A_749 = vector.shape_cast %get3A_748 : vector<1x16xf32> to vector<16xf32>
        %mul3A_750 = arith.constant 1.000000e+01 : f32
        %mul3A_751 = vector.broadcast %mul3A_750 : f32 to vector<16xf32>
        %mul3A_752 = arith.mulf %get3A_749, %mul3A_751 : vector<16xf32>
        %swap3A_753 = arith.index_cast %scan3A_661 : i32 to index
        %swap3A_754 = arith.constant 112 : index
        %swap3A_755 = tpu.vector_load %arg8[%swap3A_753, %swap3A_754] {strides = array<i32>} : memref<50x128xf32, #tpu.memory_space<vmem>>, vector<1x16xf32>,
        %swap3A_756 = vector.shape_cast %swap3A_755 : vector<1x16xf32> to vector<16xf32>
        %swap3A_757 = vector.shape_cast %mul3A_752 : vector<16xf32> to vector<1x16xf32>
        tpu.vector_store %arg8[%swap3A_753, %swap3A_754], %swap3A_757 {strides = array<i32>} : memref<50x128xf32, #tpu.memory_space<vmem>>, vector<1x16xf32>,
        %scan3A_758 = arith.constant 4 : i32
        %scan3A_759 = arith.addi %scan3A_369, %scan3A_758 : i32
        %get3A_760 = arith.index_cast %scan3A_759 : i32 to index
        %get3A_761 = arith.constant 0 : index
        %get3A_762 = tpu.vector_load %arg8[%get3A_760, %get3A_761] {strides = array<i32>} : memref<50x128xf32, #tpu.memory_space<vmem>>, vector<1x16xf32>,
        %get3A_763 = vector.shape_cast %get3A_762 : vector<1x16xf32> to vector<16xf32>
        %mul3A_764 = arith.constant 1.000000e+01 : f32
        %mul3A_765 = vector.broadcast %mul3A_764 : f32 to vector<16xf32>
        %mul3A_766 = arith.mulf %get3A_763, %mul3A_765 : vector<16xf32>
        %swap3A_767 = arith.index_cast %scan3A_759 : i32 to index
        %swap3A_768 = arith.constant 0 : index
        %swap3A_769 = tpu.vector_load %arg8[%swap3A_767, %swap3A_768] {strides = array<i32>} : memref<50x128xf32, #tpu.memory_space<vmem>>, vector<1x16xf32>,
        %swap3A_770 = vector.shape_cast %swap3A_769 : vector<1x16xf32> to vector<16xf32>
        %swap3A_771 = vector.shape_cast %mul3A_766 : vector<16xf32> to vector<1x16xf32>
        tpu.vector_store %arg8[%swap3A_767, %swap3A_768], %swap3A_771 {strides = array<i32>} : memref<50x128xf32, #tpu.memory_space<vmem>>, vector<1x16xf32>,
        %get3A_772 = arith.index_cast %scan3A_759 : i32 to index
        %get3A_773 = arith.constant 16 : index
        %get3A_774 = tpu.vector_load %arg8[%get3A_772, %get3A_773] {strides = array<i32>} : memref<50x128xf32, #tpu.memory_space<vmem>>, vector<1x16xf32>,
        %get3A_775 = vector.shape_cast %get3A_774 : vector<1x16xf32> to vector<16xf32>
        %mul3A_776 = arith.constant 1.000000e+01 : f32
        %mul3A_777 = vector.broadcast %mul3A_776 : f32 to vector<16xf32>
        %mul3A_778 = arith.mulf %get3A_775, %mul3A_777 : vector<16xf32>
        %swap3A_779 = arith.index_cast %scan3A_759 : i32 to index
        %swap3A_780 = arith.constant 16 : index
        %swap3A_781 = tpu.vector_load %arg8[%swap3A_779, %swap3A_780] {strides = array<i32>} : memref<50x128xf32, #tpu.memory_space<vmem>>, vector<1x16xf32>,
        %swap3A_782 = vector.shape_cast %swap3A_781 : vector<1x16xf32> to vector<16xf32>
        %swap3A_783 = vector.shape_cast %mul3A_778 : vector<16xf32> to vector<1x16xf32>
        tpu.vector_store %arg8[%swap3A_779, %swap3A_780], %swap3A_783 {strides = array<i32>} : memref<50x128xf32, #tpu.memory_space<vmem>>, vector<1x16xf32>,
        %get3A_784 = arith.index_cast %scan3A_759 : i32 to index
        %get3A_785 = arith.constant 32 : index
        %get3A_786 = tpu.vector_load %arg8[%get3A_784, %get3A_785] {strides = array<i32>} : memref<50x128xf32, #tpu.memory_space<vmem>>, vector<1x16xf32>,
        %get3A_787 = vector.shape_cast %get3A_786 : vector<1x16xf32> to vector<16xf32>
        %mul3A_788 = arith.constant 1.000000e+01 : f32
        %mul3A_789 = vector.broadcast %mul3A_788 : f32 to vector<16xf32>
        %mul3A_790 = arith.mulf %get3A_787, %mul3A_789 : vector<16xf32>
        %swap3A_791 = arith.index_cast %scan3A_759 : i32 to index
        %swap3A_792 = arith.constant 32 : index
        %swap3A_793 = tpu.vector_load %arg8[%swap3A_791, %swap3A_792] {strides = array<i32>} : memref<50x128xf32, #tpu.memory_space<vmem>>, vector<1x16xf32>,
        %swap3A_794 = vector.shape_cast %swap3A_793 : vector<1x16xf32> to vector<16xf32>
        %swap3A_795 = vector.shape_cast %mul3A_790 : vector<16xf32> to vector<1x16xf32>
        tpu.vector_store %arg8[%swap3A_791, %swap3A_792], %swap3A_795 {strides = array<i32>} : memref<50x128xf32, #tpu.memory_space<vmem>>, vector<1x16xf32>,
        %get3A_796 = arith.index_cast %scan3A_759 : i32 to index
        %get3A_797 = arith.constant 48 : index
        %get3A_798 = tpu.vector_load %arg8[%get3A_796, %get3A_797] {strides = array<i32>} : memref<50x128xf32, #tpu.memory_space<vmem>>, vector<1x16xf32>,
        %get3A_799 = vector.shape_cast %get3A_798 : vector<1x16xf32> to vector<16xf32>
        %mul3A_800 = arith.constant 1.000000e+01 : f32
        %mul3A_801 = vector.broadcast %mul3A_800 : f32 to vector<16xf32>
        %mul3A_802 = arith.mulf %get3A_799, %mul3A_801 : vector<16xf32>
        %swap3A_803 = arith.index_cast %scan3A_759 : i32 to index
        %swap3A_804 = arith.constant 48 : index
        %swap3A_805 = tpu.vector_load %arg8[%swap3A_803, %swap3A_804] {strides = array<i32>} : memref<50x128xf32, #tpu.memory_space<vmem>>, vector<1x16xf32>,
        %swap3A_806 = vector.shape_cast %swap3A_805 : vector<1x16xf32> to vector<16xf32>
        %swap3A_807 = vector.shape_cast %mul3A_802 : vector<16xf32> to vector<1x16xf32>
        tpu.vector_store %arg8[%swap3A_803, %swap3A_804], %swap3A_807 {strides = array<i32>} : memref<50x128xf32, #tpu.memory_space<vmem>>, vector<1x16xf32>,
        %get3A_808 = arith.index_cast %scan3A_759 : i32 to index
        %get3A_809 = arith.constant 64 : index
        %get3A_810 = tpu.vector_load %arg8[%get3A_808, %get3A_809] {strides = array<i32>} : memref<50x128xf32, #tpu.memory_space<vmem>>, vector<1x16xf32>,
        %get3A_811 = vector.shape_cast %get3A_810 : vector<1x16xf32> to vector<16xf32>
        %mul3A_812 = arith.constant 1.000000e+01 : f32
        %mul3A_813 = vector.broadcast %mul3A_812 : f32 to vector<16xf32>
        %mul3A_814 = arith.mulf %get3A_811, %mul3A_813 : vector<16xf32>
        %swap3A_815 = arith.index_cast %scan3A_759 : i32 to index
        %swap3A_816 = arith.constant 64 : index
        %swap3A_817 = tpu.vector_load %arg8[%swap3A_815, %swap3A_816] {strides = array<i32>} : memref<50x128xf32, #tpu.memory_space<vmem>>, vector<1x16xf32>,
        %swap3A_818 = vector.shape_cast %swap3A_817 : vector<1x16xf32> to vector<16xf32>
        %swap3A_819 = vector.shape_cast %mul3A_814 : vector<16xf32> to vector<1x16xf32>
        tpu.vector_store %arg8[%swap3A_815, %swap3A_816], %swap3A_819 {strides = array<i32>} : memref<50x128xf32, #tpu.memory_space<vmem>>, vector<1x16xf32>,
        %get3A_820 = arith.index_cast %scan3A_759 : i32 to index
        %get3A_821 = arith.constant 80 : index
        %get3A_822 = tpu.vector_load %arg8[%get3A_820, %get3A_821] {strides = array<i32>} : memref<50x128xf32, #tpu.memory_space<vmem>>, vector<1x16xf32>,
        %get3A_823 = vector.shape_cast %get3A_822 : vector<1x16xf32> to vector<16xf32>
        %mul3A_824 = arith.constant 1.000000e+01 : f32
        %mul3A_825 = vector.broadcast %mul3A_824 : f32 to vector<16xf32>
        %mul3A_826 = arith.mulf %get3A_823, %mul3A_825 : vector<16xf32>
        %swap3A_827 = arith.index_cast %scan3A_759 : i32 to index
        %swap3A_828 = arith.constant 80 : index
        %swap3A_829 = tpu.vector_load %arg8[%swap3A_827, %swap3A_828] {strides = array<i32>} : memref<50x128xf32, #tpu.memory_space<vmem>>, vector<1x16xf32>,
        %swap3A_830 = vector.shape_cast %swap3A_829 : vector<1x16xf32> to vector<16xf32>
        %swap3A_831 = vector.shape_cast %mul3A_826 : vector<16xf32> to vector<1x16xf32>
        tpu.vector_store %arg8[%swap3A_827, %swap3A_828], %swap3A_831 {strides = array<i32>} : memref<50x128xf32, #tpu.memory_space<vmem>>, vector<1x16xf32>,
        %get3A_832 = arith.index_cast %scan3A_759 : i32 to index
        %get3A_833 = arith.constant 96 : index
        %get3A_834 = tpu.vector_load %arg8[%get3A_832, %get3A_833] {strides = array<i32>} : memref<50x128xf32, #tpu.memory_space<vmem>>, vector<1x16xf32>,
        %get3A_835 = vector.shape_cast %get3A_834 : vector<1x16xf32> to vector<16xf32>
        %mul3A_836 = arith.constant 1.000000e+01 : f32
        %mul3A_837 = vector.broadcast %mul3A_836 : f32 to vector<16xf32>
        %mul3A_838 = arith.mulf %get3A_835, %mul3A_837 : vector<16xf32>
        %swap3A_839 = arith.index_cast %scan3A_759 : i32 to index
        %swap3A_840 = arith.constant 96 : index
        %swap3A_841 = tpu.vector_load %arg8[%swap3A_839, %swap3A_840] {strides = array<i32>} : memref<50x128xf32, #tpu.memory_space<vmem>>, vector<1x16xf32>,
        %swap3A_842 = vector.shape_cast %swap3A_841 : vector<1x16xf32> to vector<16xf32>
        %swap3A_843 = vector.shape_cast %mul3A_838 : vector<16xf32> to vector<1x16xf32>
        tpu.vector_store %arg8[%swap3A_839, %swap3A_840], %swap3A_843 {strides = array<i32>} : memref<50x128xf32, #tpu.memory_space<vmem>>, vector<1x16xf32>,
        %get3A_844 = arith.index_cast %scan3A_759 : i32 to index
        %get3A_845 = arith.constant 112 : index
        %get3A_846 = tpu.vector_load %arg8[%get3A_844, %get3A_845] {strides = array<i32>} : memref<50x128xf32, #tpu.memory_space<vmem>>, vector<1x16xf32>,
        %get3A_847 = vector.shape_cast %get3A_846 : vector<1x16xf32> to vector<16xf32>
        %mul3A_848 = arith.constant 1.000000e+01 : f32
        %mul3A_849 = vector.broadcast %mul3A_848 : f32 to vector<16xf32>
        %mul3A_850 = arith.mulf %get3A_847, %mul3A_849 : vector<16xf32>
        %swap3A_851 = arith.index_cast %scan3A_759 : i32 to index
        %swap3A_852 = arith.constant 112 : index
        %swap3A_853 = tpu.vector_load %arg8[%swap3A_851, %swap3A_852] {strides = array<i32>} : memref<50x128xf32, #tpu.memory_space<vmem>>, vector<1x16xf32>,
        %swap3A_854 = vector.shape_cast %swap3A_853 : vector<1x16xf32> to vector<16xf32>
        %swap3A_855 = vector.shape_cast %mul3A_850 : vector<16xf32> to vector<1x16xf32>
        tpu.vector_store %arg8[%swap3A_851, %swap3A_852], %swap3A_855 {strides = array<i32>} : memref<50x128xf32, #tpu.memory_space<vmem>>, vector<1x16xf32>,
      }
      %scan3A_174 = arith.constant 50 : i32
      %add3A_175 = arith.addi %mul3A_4, %add3A_150 : i32
      %dma_start3A_176 = arith.constant 0 : i32
      %dma_start3A_177 = arith.constant 0 : i32
      %dma_start3A_178 = tpu.memref_slice %arg4[%add3A_175, %dma_start3A_176, %dma_start3A_177] : memref<4096x50x128xf32, #tpu.memory_space<hbm>> -> memref<1x50x128xf32, #tpu.memory_space<hbm>>
      %dma_start3A_179 = tpu.memref_squeeze %dma_start3A_178 : memref<1x50x128xf32, #tpu.memory_space<hbm>> -> memref<50x128xf32, #tpu.memory_space<hbm>>
      %dma_start3A_180 = arith.constant 0 : i32
      %dma_start3A_181 = arith.constant 0 : i32
      %dma_start3A_182 = tpu.memref_slice %arg4[%add3A_175, %dma_start3A_180, %dma_start3A_181] : memref<4096x50x128xf32, #tpu.memory_space<hbm>> -> memref<1x50x128xf32, #tpu.memory_space<hbm>>
      %dma_start3A_183 = tpu.memref_squeeze %dma_start3A_182 : memref<1x50x128xf32, #tpu.memory_space<hbm>> -> memref<50x128xf32, #tpu.memory_space<hbm>>
      tpu.enqueue_dma source(%arg8 : memref<50x128xf32, #tpu.memory_space<vmem>>) target(%dma_start3A_183 : memref<50x128xf32, #tpu.memory_space<hbm>>) target_semaphore(%arg24 : memref<!tpu.dma_semaphore, #tpu.memory_space<semaphore_mem>>)
      %mul3A_184 = arith.constant 8 : i32
      %mul3A_185 = arith.muli %mul3A_184, %scan3A_76 : i32
      %add3A_186 = arith.constant 3 : i32
      %add3A_187 = arith.addi %mul3A_185, %add3A_186 : i32
      %ge3A_188 = arith.constant 4 : i32
      %ge3A_189 = arith.cmpi sge, %add3A_187, %ge3A_188 : i32
      %convert_element_type3A_190 = arith.extui %ge3A_189 : i1 to i32
      %cond3A_191 = arith.constant 0 : i32
      %cond3A_192 = arith.cmpi ne, %convert_element_type3A_190, %cond3A_191 : i32
      scf.if %cond3A_192 {
        %sub3A = arith.constant 4 : i32
        %sub3A_369 = arith.subi %add3A_187, %sub3A : i32
        %add3A_370 = arith.addi %mul3A_4, %sub3A_369 : i32
        %dma_wait3A_371 = arith.constant 0 : i32
        %dma_wait3A_372 = arith.constant 0 : i32
        %dma_wait3A_373 = tpu.memref_slice %arg4[%add3A_370, %dma_wait3A_371, %dma_wait3A_372] : memref<4096x50x128xf32, #tpu.memory_space<hbm>> -> memref<1x50x128xf32, #tpu.memory_space<hbm>>
        %dma_wait3A_374 = tpu.memref_squeeze %dma_wait3A_373 : memref<1x50x128xf32, #tpu.memory_space<hbm>> -> memref<50x128xf32, #tpu.memory_space<hbm>>
        %dma_wait3A_375 = arith.constant 0 : i32
        %dma_wait3A_376 = arith.constant 0 : i32
        %dma_wait3A_377 = tpu.memref_slice %arg4[%add3A_370, %dma_wait3A_375, %dma_wait3A_376] : memref<4096x50x128xf32, #tpu.memory_space<hbm>> -> memref<1x50x128xf32, #tpu.memory_space<hbm>>
        %dma_wait3A_378 = tpu.memref_squeeze %dma_wait3A_377 : memref<1x50x128xf32, #tpu.memory_space<hbm>> -> memref<50x128xf32, #tpu.memory_space<hbm>>
        tpu.wait_dma2 semaphore(%arg29 : memref<!tpu.dma_semaphore, #tpu.memory_space<semaphore_mem>>) src(%arg13 : memref<50x128xf32, #tpu.memory_space<vmem>>) dst(%dma_wait3A_378 : memref<50x128xf32, #tpu.memory_space<hbm>>)
      } else {
      }
      %add3A_193 = arith.constant 4 : i32
      %add3A_194 = arith.addi %add3A_187, %add3A_193 : i32
      %lt3A_195 = arith.constant 128 : i32
      %lt3A_196 = arith.cmpi slt, %add3A_194, %lt3A_195 : i32
      %convert_element_type3A_197 = arith.extui %lt3A_196 : i1 to i32
      %cond3A_198 = arith.constant 0 : i32
      %cond3A_199 = arith.cmpi ne, %convert_element_type3A_197, %cond3A_198 : i32
      scf.if %cond3A_199 {
        %add3A_369 = arith.constant 4 : i32
        %add3A_370 = arith.addi %add3A_187, %add3A_369 : i32
        %dma_start3A_371 = arith.constant 0 : i32
        %dma_start3A_372 = tpu.memref_slice %arg5[%add3A_370, %dma_start3A_371] : memref<128x50xi32, #tpu.memory_space<vmem>> -> memref<1x50xi32, #tpu.memory_space<vmem>>
        %dma_start3A_373 = tpu.memref_squeeze %dma_start3A_372 : memref<1x50xi32, #tpu.memory_space<vmem>> -> memref<50xi32, #tpu.memory_space<vmem>>
        %dma_start3A_374 = arith.constant 0 : i32
        %dma_start3A_375 = arith.constant 0 : i32
        %dma_start3A_376 = tpu.memref_slice %arg2[%dma_start3A_374, %dma_start3A_375] : memref<100000x128xf32, #tpu.memory_space<hbm>> -> memref<100000x128xf32, #tpu.memory_space<hbm>>
        tpu.enqueue_indirect_dma source(%dma_start3A_376 : memref<100000x128xf32, #tpu.memory_space<hbm>>) target(%arg13 : memref<50x128xf32, #tpu.memory_space<vmem>>) offsets(%dma_start3A_373 : memref<50xi32, #tpu.memory_space<vmem>>) semaphore(%arg21 : memref<!tpu.dma_semaphore, #tpu.memory_space<semaphore_mem>>)
      } else {
      }
      %dma_wait3A_200 = arith.constant 0 : i32
      %dma_wait3A_201 = tpu.memref_slice %arg5[%add3A_187, %dma_wait3A_200] : memref<128x50xi32, #tpu.memory_space<vmem>> -> memref<1x50xi32, #tpu.memory_space<vmem>>
      %dma_wait3A_202 = tpu.memref_squeeze %dma_wait3A_201 : memref<1x50xi32, #tpu.memory_space<vmem>> -> memref<50xi32, #tpu.memory_space<vmem>>
      %dma_wait3A_203 = arith.constant 0 : i32
      %dma_wait3A_204 = arith.constant 0 : i32
      %dma_wait3A_205 = tpu.memref_slice %arg2[%dma_wait3A_203, %dma_wait3A_204] : memref<100000x128xf32, #tpu.memory_space<hbm>> -> memref<100000x128xf32, #tpu.memory_space<hbm>>
      tpu.wait_indirect_dma semaphore(%arg17 : memref<!tpu.dma_semaphore, #tpu.memory_space<semaphore_mem>>) src(%dma_wait3A_205 : memref<100000x128xf32, #tpu.memory_space<hbm>>) dst(%arg9 : memref<50x128xf32, #tpu.memory_space<vmem>>)
      %scan3A_206 = arith.constant 0 : i32
      %scan3A_207 = arith.constant 0 : i32
      %scan3A_208 = arith.constant 50 : i32
      %scan3A_209 = arith.addi %scan3A_207, %scan3A_208 : i32
      %scan3A_210 = arith.constant 5 : i32
      scf.for %scan3A_369 = %scan3A_207 to %scan3A_209 step %scan3A_210  : i32 {
        %get3A = arith.index_cast %scan3A_369 : i32 to index
        %get3A_370 = arith.constant 0 : index
        %get3A_371 = tpu.vector_load %arg9[%get3A, %get3A_370] {strides = array<i32>} : memref<50x128xf32, #tpu.memory_space<vmem>>, vector<1x16xf32>,
        %get3A_372 = vector.shape_cast %get3A_371 : vector<1x16xf32> to vector<16xf32>
        %mul3A_373 = arith.constant 1.000000e+01 : f32
        %mul3A_374 = vector.broadcast %mul3A_373 : f32 to vector<16xf32>
        %mul3A_375 = arith.mulf %get3A_372, %mul3A_374 : vector<16xf32>
        %swap3A = arith.index_cast %scan3A_369 : i32 to index
        %swap3A_376 = arith.constant 0 : index
        %swap3A_377 = tpu.vector_load %arg9[%swap3A, %swap3A_376] {strides = array<i32>} : memref<50x128xf32, #tpu.memory_space<vmem>>, vector<1x16xf32>,
        %swap3A_378 = vector.shape_cast %swap3A_377 : vector<1x16xf32> to vector<16xf32>
        %swap3A_379 = vector.shape_cast %mul3A_375 : vector<16xf32> to vector<1x16xf32>
        tpu.vector_store %arg9[%swap3A, %swap3A_376], %swap3A_379 {strides = array<i32>} : memref<50x128xf32, #tpu.memory_space<vmem>>, vector<1x16xf32>,
        %get3A_380 = arith.index_cast %scan3A_369 : i32 to index
        %get3A_381 = arith.constant 16 : index
        %get3A_382 = tpu.vector_load %arg9[%get3A_380, %get3A_381] {strides = array<i32>} : memref<50x128xf32, #tpu.memory_space<vmem>>, vector<1x16xf32>,
        %get3A_383 = vector.shape_cast %get3A_382 : vector<1x16xf32> to vector<16xf32>
        %mul3A_384 = arith.constant 1.000000e+01 : f32
        %mul3A_385 = vector.broadcast %mul3A_384 : f32 to vector<16xf32>
        %mul3A_386 = arith.mulf %get3A_383, %mul3A_385 : vector<16xf32>
        %swap3A_387 = arith.index_cast %scan3A_369 : i32 to index
        %swap3A_388 = arith.constant 16 : index
        %swap3A_389 = tpu.vector_load %arg9[%swap3A_387, %swap3A_388] {strides = array<i32>} : memref<50x128xf32, #tpu.memory_space<vmem>>, vector<1x16xf32>,
        %swap3A_390 = vector.shape_cast %swap3A_389 : vector<1x16xf32> to vector<16xf32>
        %swap3A_391 = vector.shape_cast %mul3A_386 : vector<16xf32> to vector<1x16xf32>
        tpu.vector_store %arg9[%swap3A_387, %swap3A_388], %swap3A_391 {strides = array<i32>} : memref<50x128xf32, #tpu.memory_space<vmem>>, vector<1x16xf32>,
        %get3A_392 = arith.index_cast %scan3A_369 : i32 to index
        %get3A_393 = arith.constant 32 : index
        %get3A_394 = tpu.vector_load %arg9[%get3A_392, %get3A_393] {strides = array<i32>} : memref<50x128xf32, #tpu.memory_space<vmem>>, vector<1x16xf32>,
        %get3A_395 = vector.shape_cast %get3A_394 : vector<1x16xf32> to vector<16xf32>
        %mul3A_396 = arith.constant 1.000000e+01 : f32
        %mul3A_397 = vector.broadcast %mul3A_396 : f32 to vector<16xf32>
        %mul3A_398 = arith.mulf %get3A_395, %mul3A_397 : vector<16xf32>
        %swap3A_399 = arith.index_cast %scan3A_369 : i32 to index
        %swap3A_400 = arith.constant 32 : index
        %swap3A_401 = tpu.vector_load %arg9[%swap3A_399, %swap3A_400] {strides = array<i32>} : memref<50x128xf32, #tpu.memory_space<vmem>>, vector<1x16xf32>,
        %swap3A_402 = vector.shape_cast %swap3A_401 : vector<1x16xf32> to vector<16xf32>
        %swap3A_403 = vector.shape_cast %mul3A_398 : vector<16xf32> to vector<1x16xf32>
        tpu.vector_store %arg9[%swap3A_399, %swap3A_400], %swap3A_403 {strides = array<i32>} : memref<50x128xf32, #tpu.memory_space<vmem>>, vector<1x16xf32>,
        %get3A_404 = arith.index_cast %scan3A_369 : i32 to index
        %get3A_405 = arith.constant 48 : index
        %get3A_406 = tpu.vector_load %arg9[%get3A_404, %get3A_405] {strides = array<i32>} : memref<50x128xf32, #tpu.memory_space<vmem>>, vector<1x16xf32>,
        %get3A_407 = vector.shape_cast %get3A_406 : vector<1x16xf32> to vector<16xf32>
        %mul3A_408 = arith.constant 1.000000e+01 : f32
        %mul3A_409 = vector.broadcast %mul3A_408 : f32 to vector<16xf32>
        %mul3A_410 = arith.mulf %get3A_407, %mul3A_409 : vector<16xf32>
        %swap3A_411 = arith.index_cast %scan3A_369 : i32 to index
        %swap3A_412 = arith.constant 48 : index
        %swap3A_413 = tpu.vector_load %arg9[%swap3A_411, %swap3A_412] {strides = array<i32>} : memref<50x128xf32, #tpu.memory_space<vmem>>, vector<1x16xf32>,
        %swap3A_414 = vector.shape_cast %swap3A_413 : vector<1x16xf32> to vector<16xf32>
        %swap3A_415 = vector.shape_cast %mul3A_410 : vector<16xf32> to vector<1x16xf32>
        tpu.vector_store %arg9[%swap3A_411, %swap3A_412], %swap3A_415 {strides = array<i32>} : memref<50x128xf32, #tpu.memory_space<vmem>>, vector<1x16xf32>,
        %get3A_416 = arith.index_cast %scan3A_369 : i32 to index
        %get3A_417 = arith.constant 64 : index
        %get3A_418 = tpu.vector_load %arg9[%get3A_416, %get3A_417] {strides = array<i32>} : memref<50x128xf32, #tpu.memory_space<vmem>>, vector<1x16xf32>,
        %get3A_419 = vector.shape_cast %get3A_418 : vector<1x16xf32> to vector<16xf32>
        %mul3A_420 = arith.constant 1.000000e+01 : f32
        %mul3A_421 = vector.broadcast %mul3A_420 : f32 to vector<16xf32>
        %mul3A_422 = arith.mulf %get3A_419, %mul3A_421 : vector<16xf32>
        %swap3A_423 = arith.index_cast %scan3A_369 : i32 to index
        %swap3A_424 = arith.constant 64 : index
        %swap3A_425 = tpu.vector_load %arg9[%swap3A_423, %swap3A_424] {strides = array<i32>} : memref<50x128xf32, #tpu.memory_space<vmem>>, vector<1x16xf32>,
        %swap3A_426 = vector.shape_cast %swap3A_425 : vector<1x16xf32> to vector<16xf32>
        %swap3A_427 = vector.shape_cast %mul3A_422 : vector<16xf32> to vector<1x16xf32>
        tpu.vector_store %arg9[%swap3A_423, %swap3A_424], %swap3A_427 {strides = array<i32>} : memref<50x128xf32, #tpu.memory_space<vmem>>, vector<1x16xf32>,
        %get3A_428 = arith.index_cast %scan3A_369 : i32 to index
        %get3A_429 = arith.constant 80 : index
        %get3A_430 = tpu.vector_load %arg9[%get3A_428, %get3A_429] {strides = array<i32>} : memref<50x128xf32, #tpu.memory_space<vmem>>, vector<1x16xf32>,
        %get3A_431 = vector.shape_cast %get3A_430 : vector<1x16xf32> to vector<16xf32>
        %mul3A_432 = arith.constant 1.000000e+01 : f32
        %mul3A_433 = vector.broadcast %mul3A_432 : f32 to vector<16xf32>
        %mul3A_434 = arith.mulf %get3A_431, %mul3A_433 : vector<16xf32>
        %swap3A_435 = arith.index_cast %scan3A_369 : i32 to index
        %swap3A_436 = arith.constant 80 : index
        %swap3A_437 = tpu.vector_load %arg9[%swap3A_435, %swap3A_436] {strides = array<i32>} : memref<50x128xf32, #tpu.memory_space<vmem>>, vector<1x16xf32>,
        %swap3A_438 = vector.shape_cast %swap3A_437 : vector<1x16xf32> to vector<16xf32>
        %swap3A_439 = vector.shape_cast %mul3A_434 : vector<16xf32> to vector<1x16xf32>
        tpu.vector_store %arg9[%swap3A_435, %swap3A_436], %swap3A_439 {strides = array<i32>} : memref<50x128xf32, #tpu.memory_space<vmem>>, vector<1x16xf32>,
        %get3A_440 = arith.index_cast %scan3A_369 : i32 to index
        %get3A_441 = arith.constant 96 : index
        %get3A_442 = tpu.vector_load %arg9[%get3A_440, %get3A_441] {strides = array<i32>} : memref<50x128xf32, #tpu.memory_space<vmem>>, vector<1x16xf32>,
        %get3A_443 = vector.shape_cast %get3A_442 : vector<1x16xf32> to vector<16xf32>
        %mul3A_444 = arith.constant 1.000000e+01 : f32
        %mul3A_445 = vector.broadcast %mul3A_444 : f32 to vector<16xf32>
        %mul3A_446 = arith.mulf %get3A_443, %mul3A_445 : vector<16xf32>
        %swap3A_447 = arith.index_cast %scan3A_369 : i32 to index
        %swap3A_448 = arith.constant 96 : index
        %swap3A_449 = tpu.vector_load %arg9[%swap3A_447, %swap3A_448] {strides = array<i32>} : memref<50x128xf32, #tpu.memory_space<vmem>>, vector<1x16xf32>,
        %swap3A_450 = vector.shape_cast %swap3A_449 : vector<1x16xf32> to vector<16xf32>
        %swap3A_451 = vector.shape_cast %mul3A_446 : vector<16xf32> to vector<1x16xf32>
        tpu.vector_store %arg9[%swap3A_447, %swap3A_448], %swap3A_451 {strides = array<i32>} : memref<50x128xf32, #tpu.memory_space<vmem>>, vector<1x16xf32>,
        %get3A_452 = arith.index_cast %scan3A_369 : i32 to index
        %get3A_453 = arith.constant 112 : index
        %get3A_454 = tpu.vector_load %arg9[%get3A_452, %get3A_453] {strides = array<i32>} : memref<50x128xf32, #tpu.memory_space<vmem>>, vector<1x16xf32>,
        %get3A_455 = vector.shape_cast %get3A_454 : vector<1x16xf32> to vector<16xf32>
        %mul3A_456 = arith.constant 1.000000e+01 : f32
        %mul3A_457 = vector.broadcast %mul3A_456 : f32 to vector<16xf32>
        %mul3A_458 = arith.mulf %get3A_455, %mul3A_457 : vector<16xf32>
        %swap3A_459 = arith.index_cast %scan3A_369 : i32 to index
        %swap3A_460 = arith.constant 112 : index
        %swap3A_461 = tpu.vector_load %arg9[%swap3A_459, %swap3A_460] {strides = array<i32>} : memref<50x128xf32, #tpu.memory_space<vmem>>, vector<1x16xf32>,
        %swap3A_462 = vector.shape_cast %swap3A_461 : vector<1x16xf32> to vector<16xf32>
        %swap3A_463 = vector.shape_cast %mul3A_458 : vector<16xf32> to vector<1x16xf32>
        tpu.vector_store %arg9[%swap3A_459, %swap3A_460], %swap3A_463 {strides = array<i32>} : memref<50x128xf32, #tpu.memory_space<vmem>>, vector<1x16xf32>,
        %scan3A_464 = arith.constant 1 : i32
        %scan3A_465 = arith.addi %scan3A_369, %scan3A_464 : i32
        %get3A_466 = arith.index_cast %scan3A_465 : i32 to index
        %get3A_467 = arith.constant 0 : index
        %get3A_468 = tpu.vector_load %arg9[%get3A_466, %get3A_467] {strides = array<i32>} : memref<50x128xf32, #tpu.memory_space<vmem>>, vector<1x16xf32>,
        %get3A_469 = vector.shape_cast %get3A_468 : vector<1x16xf32> to vector<16xf32>
        %mul3A_470 = arith.constant 1.000000e+01 : f32
        %mul3A_471 = vector.broadcast %mul3A_470 : f32 to vector<16xf32>
        %mul3A_472 = arith.mulf %get3A_469, %mul3A_471 : vector<16xf32>
        %swap3A_473 = arith.index_cast %scan3A_465 : i32 to index
        %swap3A_474 = arith.constant 0 : index
        %swap3A_475 = tpu.vector_load %arg9[%swap3A_473, %swap3A_474] {strides = array<i32>} : memref<50x128xf32, #tpu.memory_space<vmem>>, vector<1x16xf32>,
        %swap3A_476 = vector.shape_cast %swap3A_475 : vector<1x16xf32> to vector<16xf32>
        %swap3A_477 = vector.shape_cast %mul3A_472 : vector<16xf32> to vector<1x16xf32>
        tpu.vector_store %arg9[%swap3A_473, %swap3A_474], %swap3A_477 {strides = array<i32>} : memref<50x128xf32, #tpu.memory_space<vmem>>, vector<1x16xf32>,
        %get3A_478 = arith.index_cast %scan3A_465 : i32 to index
        %get3A_479 = arith.constant 16 : index
        %get3A_480 = tpu.vector_load %arg9[%get3A_478, %get3A_479] {strides = array<i32>} : memref<50x128xf32, #tpu.memory_space<vmem>>, vector<1x16xf32>,
        %get3A_481 = vector.shape_cast %get3A_480 : vector<1x16xf32> to vector<16xf32>
        %mul3A_482 = arith.constant 1.000000e+01 : f32
        %mul3A_483 = vector.broadcast %mul3A_482 : f32 to vector<16xf32>
        %mul3A_484 = arith.mulf %get3A_481, %mul3A_483 : vector<16xf32>
        %swap3A_485 = arith.index_cast %scan3A_465 : i32 to index
        %swap3A_486 = arith.constant 16 : index
        %swap3A_487 = tpu.vector_load %arg9[%swap3A_485, %swap3A_486] {strides = array<i32>} : memref<50x128xf32, #tpu.memory_space<vmem>>, vector<1x16xf32>,
        %swap3A_488 = vector.shape_cast %swap3A_487 : vector<1x16xf32> to vector<16xf32>
        %swap3A_489 = vector.shape_cast %mul3A_484 : vector<16xf32> to vector<1x16xf32>
        tpu.vector_store %arg9[%swap3A_485, %swap3A_486], %swap3A_489 {strides = array<i32>} : memref<50x128xf32, #tpu.memory_space<vmem>>, vector<1x16xf32>,
        %get3A_490 = arith.index_cast %scan3A_465 : i32 to index
        %get3A_491 = arith.constant 32 : index
        %get3A_492 = tpu.vector_load %arg9[%get3A_490, %get3A_491] {strides = array<i32>} : memref<50x128xf32, #tpu.memory_space<vmem>>, vector<1x16xf32>,
        %get3A_493 = vector.shape_cast %get3A_492 : vector<1x16xf32> to vector<16xf32>
        %mul3A_494 = arith.constant 1.000000e+01 : f32
        %mul3A_495 = vector.broadcast %mul3A_494 : f32 to vector<16xf32>
        %mul3A_496 = arith.mulf %get3A_493, %mul3A_495 : vector<16xf32>
        %swap3A_497 = arith.index_cast %scan3A_465 : i32 to index
        %swap3A_498 = arith.constant 32 : index
        %swap3A_499 = tpu.vector_load %arg9[%swap3A_497, %swap3A_498] {strides = array<i32>} : memref<50x128xf32, #tpu.memory_space<vmem>>, vector<1x16xf32>,
        %swap3A_500 = vector.shape_cast %swap3A_499 : vector<1x16xf32> to vector<16xf32>
        %swap3A_501 = vector.shape_cast %mul3A_496 : vector<16xf32> to vector<1x16xf32>
        tpu.vector_store %arg9[%swap3A_497, %swap3A_498], %swap3A_501 {strides = array<i32>} : memref<50x128xf32, #tpu.memory_space<vmem>>, vector<1x16xf32>,
        %get3A_502 = arith.index_cast %scan3A_465 : i32 to index
        %get3A_503 = arith.constant 48 : index
        %get3A_504 = tpu.vector_load %arg9[%get3A_502, %get3A_503] {strides = array<i32>} : memref<50x128xf32, #tpu.memory_space<vmem>>, vector<1x16xf32>,
        %get3A_505 = vector.shape_cast %get3A_504 : vector<1x16xf32> to vector<16xf32>
        %mul3A_506 = arith.constant 1.000000e+01 : f32
        %mul3A_507 = vector.broadcast %mul3A_506 : f32 to vector<16xf32>
        %mul3A_508 = arith.mulf %get3A_505, %mul3A_507 : vector<16xf32>
        %swap3A_509 = arith.index_cast %scan3A_465 : i32 to index
        %swap3A_510 = arith.constant 48 : index
        %swap3A_511 = tpu.vector_load %arg9[%swap3A_509, %swap3A_510] {strides = array<i32>} : memref<50x128xf32, #tpu.memory_space<vmem>>, vector<1x16xf32>,
        %swap3A_512 = vector.shape_cast %swap3A_511 : vector<1x16xf32> to vector<16xf32>
        %swap3A_513 = vector.shape_cast %mul3A_508 : vector<16xf32> to vector<1x16xf32>
        tpu.vector_store %arg9[%swap3A_509, %swap3A_510], %swap3A_513 {strides = array<i32>} : memref<50x128xf32, #tpu.memory_space<vmem>>, vector<1x16xf32>,
        %get3A_514 = arith.index_cast %scan3A_465 : i32 to index
        %get3A_515 = arith.constant 64 : index
        %get3A_516 = tpu.vector_load %arg9[%get3A_514, %get3A_515] {strides = array<i32>} : memref<50x128xf32, #tpu.memory_space<vmem>>, vector<1x16xf32>,
        %get3A_517 = vector.shape_cast %get3A_516 : vector<1x16xf32> to vector<16xf32>
        %mul3A_518 = arith.constant 1.000000e+01 : f32
        %mul3A_519 = vector.broadcast %mul3A_518 : f32 to vector<16xf32>
        %mul3A_520 = arith.mulf %get3A_517, %mul3A_519 : vector<16xf32>
        %swap3A_521 = arith.index_cast %scan3A_465 : i32 to index
        %swap3A_522 = arith.constant 64 : index
        %swap3A_523 = tpu.vector_load %arg9[%swap3A_521, %swap3A_522] {strides = array<i32>} : memref<50x128xf32, #tpu.memory_space<vmem>>, vector<1x16xf32>,
        %swap3A_524 = vector.shape_cast %swap3A_523 : vector<1x16xf32> to vector<16xf32>
        %swap3A_525 = vector.shape_cast %mul3A_520 : vector<16xf32> to vector<1x16xf32>
        tpu.vector_store %arg9[%swap3A_521, %swap3A_522], %swap3A_525 {strides = array<i32>} : memref<50x128xf32, #tpu.memory_space<vmem>>, vector<1x16xf32>,
        %get3A_526 = arith.index_cast %scan3A_465 : i32 to index
        %get3A_527 = arith.constant 80 : index
        %get3A_528 = tpu.vector_load %arg9[%get3A_526, %get3A_527] {strides = array<i32>} : memref<50x128xf32, #tpu.memory_space<vmem>>, vector<1x16xf32>,
        %get3A_529 = vector.shape_cast %get3A_528 : vector<1x16xf32> to vector<16xf32>
        %mul3A_530 = arith.constant 1.000000e+01 : f32
        %mul3A_531 = vector.broadcast %mul3A_530 : f32 to vector<16xf32>
        %mul3A_532 = arith.mulf %get3A_529, %mul3A_531 : vector<16xf32>
        %swap3A_533 = arith.index_cast %scan3A_465 : i32 to index
        %swap3A_534 = arith.constant 80 : index
        %swap3A_535 = tpu.vector_load %arg9[%swap3A_533, %swap3A_534] {strides = array<i32>} : memref<50x128xf32, #tpu.memory_space<vmem>>, vector<1x16xf32>,
        %swap3A_536 = vector.shape_cast %swap3A_535 : vector<1x16xf32> to vector<16xf32>
        %swap3A_537 = vector.shape_cast %mul3A_532 : vector<16xf32> to vector<1x16xf32>
        tpu.vector_store %arg9[%swap3A_533, %swap3A_534], %swap3A_537 {strides = array<i32>} : memref<50x128xf32, #tpu.memory_space<vmem>>, vector<1x16xf32>,
        %get3A_538 = arith.index_cast %scan3A_465 : i32 to index
        %get3A_539 = arith.constant 96 : index
        %get3A_540 = tpu.vector_load %arg9[%get3A_538, %get3A_539] {strides = array<i32>} : memref<50x128xf32, #tpu.memory_space<vmem>>, vector<1x16xf32>,
        %get3A_541 = vector.shape_cast %get3A_540 : vector<1x16xf32> to vector<16xf32>
        %mul3A_542 = arith.constant 1.000000e+01 : f32
        %mul3A_543 = vector.broadcast %mul3A_542 : f32 to vector<16xf32>
        %mul3A_544 = arith.mulf %get3A_541, %mul3A_543 : vector<16xf32>
        %swap3A_545 = arith.index_cast %scan3A_465 : i32 to index
        %swap3A_546 = arith.constant 96 : index
        %swap3A_547 = tpu.vector_load %arg9[%swap3A_545, %swap3A_546] {strides = array<i32>} : memref<50x128xf32, #tpu.memory_space<vmem>>, vector<1x16xf32>,
        %swap3A_548 = vector.shape_cast %swap3A_547 : vector<1x16xf32> to vector<16xf32>
        %swap3A_549 = vector.shape_cast %mul3A_544 : vector<16xf32> to vector<1x16xf32>
        tpu.vector_store %arg9[%swap3A_545, %swap3A_546], %swap3A_549 {strides = array<i32>} : memref<50x128xf32, #tpu.memory_space<vmem>>, vector<1x16xf32>,
        %get3A_550 = arith.index_cast %scan3A_465 : i32 to index
        %get3A_551 = arith.constant 112 : index
        %get3A_552 = tpu.vector_load %arg9[%get3A_550, %get3A_551] {strides = array<i32>} : memref<50x128xf32, #tpu.memory_space<vmem>>, vector<1x16xf32>,
        %get3A_553 = vector.shape_cast %get3A_552 : vector<1x16xf32> to vector<16xf32>
        %mul3A_554 = arith.constant 1.000000e+01 : f32
        %mul3A_555 = vector.broadcast %mul3A_554 : f32 to vector<16xf32>
        %mul3A_556 = arith.mulf %get3A_553, %mul3A_555 : vector<16xf32>
        %swap3A_557 = arith.index_cast %scan3A_465 : i32 to index
        %swap3A_558 = arith.constant 112 : index
        %swap3A_559 = tpu.vector_load %arg9[%swap3A_557, %swap3A_558] {strides = array<i32>} : memref<50x128xf32, #tpu.memory_space<vmem>>, vector<1x16xf32>,
        %swap3A_560 = vector.shape_cast %swap3A_559 : vector<1x16xf32> to vector<16xf32>
        %swap3A_561 = vector.shape_cast %mul3A_556 : vector<16xf32> to vector<1x16xf32>
        tpu.vector_store %arg9[%swap3A_557, %swap3A_558], %swap3A_561 {strides = array<i32>} : memref<50x128xf32, #tpu.memory_space<vmem>>, vector<1x16xf32>,
        %scan3A_562 = arith.constant 2 : i32
        %scan3A_563 = arith.addi %scan3A_369, %scan3A_562 : i32
        %get3A_564 = arith.index_cast %scan3A_563 : i32 to index
        %get3A_565 = arith.constant 0 : index
        %get3A_566 = tpu.vector_load %arg9[%get3A_564, %get3A_565] {strides = array<i32>} : memref<50x128xf32, #tpu.memory_space<vmem>>, vector<1x16xf32>,
        %get3A_567 = vector.shape_cast %get3A_566 : vector<1x16xf32> to vector<16xf32>
        %mul3A_568 = arith.constant 1.000000e+01 : f32
        %mul3A_569 = vector.broadcast %mul3A_568 : f32 to vector<16xf32>
        %mul3A_570 = arith.mulf %get3A_567, %mul3A_569 : vector<16xf32>
        %swap3A_571 = arith.index_cast %scan3A_563 : i32 to index
        %swap3A_572 = arith.constant 0 : index
        %swap3A_573 = tpu.vector_load %arg9[%swap3A_571, %swap3A_572] {strides = array<i32>} : memref<50x128xf32, #tpu.memory_space<vmem>>, vector<1x16xf32>,
        %swap3A_574 = vector.shape_cast %swap3A_573 : vector<1x16xf32> to vector<16xf32>
        %swap3A_575 = vector.shape_cast %mul3A_570 : vector<16xf32> to vector<1x16xf32>
        tpu.vector_store %arg9[%swap3A_571, %swap3A_572], %swap3A_575 {strides = array<i32>} : memref<50x128xf32, #tpu.memory_space<vmem>>, vector<1x16xf32>,
        %get3A_576 = arith.index_cast %scan3A_563 : i32 to index
        %get3A_577 = arith.constant 16 : index
        %get3A_578 = tpu.vector_load %arg9[%get3A_576, %get3A_577] {strides = array<i32>} : memref<50x128xf32, #tpu.memory_space<vmem>>, vector<1x16xf32>,
        %get3A_579 = vector.shape_cast %get3A_578 : vector<1x16xf32> to vector<16xf32>
        %mul3A_580 = arith.constant 1.000000e+01 : f32
        %mul3A_581 = vector.broadcast %mul3A_580 : f32 to vector<16xf32>
        %mul3A_582 = arith.mulf %get3A_579, %mul3A_581 : vector<16xf32>
        %swap3A_583 = arith.index_cast %scan3A_563 : i32 to index
        %swap3A_584 = arith.constant 16 : index
        %swap3A_585 = tpu.vector_load %arg9[%swap3A_583, %swap3A_584] {strides = array<i32>} : memref<50x128xf32, #tpu.memory_space<vmem>>, vector<1x16xf32>,
        %swap3A_586 = vector.shape_cast %swap3A_585 : vector<1x16xf32> to vector<16xf32>
        %swap3A_587 = vector.shape_cast %mul3A_582 : vector<16xf32> to vector<1x16xf32>
        tpu.vector_store %arg9[%swap3A_583, %swap3A_584], %swap3A_587 {strides = array<i32>} : memref<50x128xf32, #tpu.memory_space<vmem>>, vector<1x16xf32>,
        %get3A_588 = arith.index_cast %scan3A_563 : i32 to index
        %get3A_589 = arith.constant 32 : index
        %get3A_590 = tpu.vector_load %arg9[%get3A_588, %get3A_589] {strides = array<i32>} : memref<50x128xf32, #tpu.memory_space<vmem>>, vector<1x16xf32>,
        %get3A_591 = vector.shape_cast %get3A_590 : vector<1x16xf32> to vector<16xf32>
        %mul3A_592 = arith.constant 1.000000e+01 : f32
        %mul3A_593 = vector.broadcast %mul3A_592 : f32 to vector<16xf32>
        %mul3A_594 = arith.mulf %get3A_591, %mul3A_593 : vector<16xf32>
        %swap3A_595 = arith.index_cast %scan3A_563 : i32 to index
        %swap3A_596 = arith.constant 32 : index
        %swap3A_597 = tpu.vector_load %arg9[%swap3A_595, %swap3A_596] {strides = array<i32>} : memref<50x128xf32, #tpu.memory_space<vmem>>, vector<1x16xf32>,
        %swap3A_598 = vector.shape_cast %swap3A_597 : vector<1x16xf32> to vector<16xf32>
        %swap3A_599 = vector.shape_cast %mul3A_594 : vector<16xf32> to vector<1x16xf32>
        tpu.vector_store %arg9[%swap3A_595, %swap3A_596], %swap3A_599 {strides = array<i32>} : memref<50x128xf32, #tpu.memory_space<vmem>>, vector<1x16xf32>,
        %get3A_600 = arith.index_cast %scan3A_563 : i32 to index
        %get3A_601 = arith.constant 48 : index
        %get3A_602 = tpu.vector_load %arg9[%get3A_600, %get3A_601] {strides = array<i32>} : memref<50x128xf32, #tpu.memory_space<vmem>>, vector<1x16xf32>,
        %get3A_603 = vector.shape_cast %get3A_602 : vector<1x16xf32> to vector<16xf32>
        %mul3A_604 = arith.constant 1.000000e+01 : f32
        %mul3A_605 = vector.broadcast %mul3A_604 : f32 to vector<16xf32>
        %mul3A_606 = arith.mulf %get3A_603, %mul3A_605 : vector<16xf32>
        %swap3A_607 = arith.index_cast %scan3A_563 : i32 to index
        %swap3A_608 = arith.constant 48 : index
        %swap3A_609 = tpu.vector_load %arg9[%swap3A_607, %swap3A_608] {strides = array<i32>} : memref<50x128xf32, #tpu.memory_space<vmem>>, vector<1x16xf32>,
        %swap3A_610 = vector.shape_cast %swap3A_609 : vector<1x16xf32> to vector<16xf32>
        %swap3A_611 = vector.shape_cast %mul3A_606 : vector<16xf32> to vector<1x16xf32>
        tpu.vector_store %arg9[%swap3A_607, %swap3A_608], %swap3A_611 {strides = array<i32>} : memref<50x128xf32, #tpu.memory_space<vmem>>, vector<1x16xf32>,
        %get3A_612 = arith.index_cast %scan3A_563 : i32 to index
        %get3A_613 = arith.constant 64 : index
        %get3A_614 = tpu.vector_load %arg9[%get3A_612, %get3A_613] {strides = array<i32>} : memref<50x128xf32, #tpu.memory_space<vmem>>, vector<1x16xf32>,
        %get3A_615 = vector.shape_cast %get3A_614 : vector<1x16xf32> to vector<16xf32>
        %mul3A_616 = arith.constant 1.000000e+01 : f32
        %mul3A_617 = vector.broadcast %mul3A_616 : f32 to vector<16xf32>
        %mul3A_618 = arith.mulf %get3A_615, %mul3A_617 : vector<16xf32>
        %swap3A_619 = arith.index_cast %scan3A_563 : i32 to index
        %swap3A_620 = arith.constant 64 : index
        %swap3A_621 = tpu.vector_load %arg9[%swap3A_619, %swap3A_620] {strides = array<i32>} : memref<50x128xf32, #tpu.memory_space<vmem>>, vector<1x16xf32>,
        %swap3A_622 = vector.shape_cast %swap3A_621 : vector<1x16xf32> to vector<16xf32>
        %swap3A_623 = vector.shape_cast %mul3A_618 : vector<16xf32> to vector<1x16xf32>
        tpu.vector_store %arg9[%swap3A_619, %swap3A_620], %swap3A_623 {strides = array<i32>} : memref<50x128xf32, #tpu.memory_space<vmem>>, vector<1x16xf32>,
        %get3A_624 = arith.index_cast %scan3A_563 : i32 to index
        %get3A_625 = arith.constant 80 : index
        %get3A_626 = tpu.vector_load %arg9[%get3A_624, %get3A_625] {strides = array<i32>} : memref<50x128xf32, #tpu.memory_space<vmem>>, vector<1x16xf32>,
        %get3A_627 = vector.shape_cast %get3A_626 : vector<1x16xf32> to vector<16xf32>
        %mul3A_628 = arith.constant 1.000000e+01 : f32
        %mul3A_629 = vector.broadcast %mul3A_628 : f32 to vector<16xf32>
        %mul3A_630 = arith.mulf %get3A_627, %mul3A_629 : vector<16xf32>
        %swap3A_631 = arith.index_cast %scan3A_563 : i32 to index
        %swap3A_632 = arith.constant 80 : index
        %swap3A_633 = tpu.vector_load %arg9[%swap3A_631, %swap3A_632] {strides = array<i32>} : memref<50x128xf32, #tpu.memory_space<vmem>>, vector<1x16xf32>,
        %swap3A_634 = vector.shape_cast %swap3A_633 : vector<1x16xf32> to vector<16xf32>
        %swap3A_635 = vector.shape_cast %mul3A_630 : vector<16xf32> to vector<1x16xf32>
        tpu.vector_store %arg9[%swap3A_631, %swap3A_632], %swap3A_635 {strides = array<i32>} : memref<50x128xf32, #tpu.memory_space<vmem>>, vector<1x16xf32>,
        %get3A_636 = arith.index_cast %scan3A_563 : i32 to index
        %get3A_637 = arith.constant 96 : index
        %get3A_638 = tpu.vector_load %arg9[%get3A_636, %get3A_637] {strides = array<i32>} : memref<50x128xf32, #tpu.memory_space<vmem>>, vector<1x16xf32>,
        %get3A_639 = vector.shape_cast %get3A_638 : vector<1x16xf32> to vector<16xf32>
        %mul3A_640 = arith.constant 1.000000e+01 : f32
        %mul3A_641 = vector.broadcast %mul3A_640 : f32 to vector<16xf32>
        %mul3A_642 = arith.mulf %get3A_639, %mul3A_641 : vector<16xf32>
        %swap3A_643 = arith.index_cast %scan3A_563 : i32 to index
        %swap3A_644 = arith.constant 96 : index
        %swap3A_645 = tpu.vector_load %arg9[%swap3A_643, %swap3A_644] {strides = array<i32>} : memref<50x128xf32, #tpu.memory_space<vmem>>, vector<1x16xf32>,
        %swap3A_646 = vector.shape_cast %swap3A_645 : vector<1x16xf32> to vector<16xf32>
        %swap3A_647 = vector.shape_cast %mul3A_642 : vector<16xf32> to vector<1x16xf32>
        tpu.vector_store %arg9[%swap3A_643, %swap3A_644], %swap3A_647 {strides = array<i32>} : memref<50x128xf32, #tpu.memory_space<vmem>>, vector<1x16xf32>,
        %get3A_648 = arith.index_cast %scan3A_563 : i32 to index
        %get3A_649 = arith.constant 112 : index
        %get3A_650 = tpu.vector_load %arg9[%get3A_648, %get3A_649] {strides = array<i32>} : memref<50x128xf32, #tpu.memory_space<vmem>>, vector<1x16xf32>,
        %get3A_651 = vector.shape_cast %get3A_650 : vector<1x16xf32> to vector<16xf32>
        %mul3A_652 = arith.constant 1.000000e+01 : f32
        %mul3A_653 = vector.broadcast %mul3A_652 : f32 to vector<16xf32>
        %mul3A_654 = arith.mulf %get3A_651, %mul3A_653 : vector<16xf32>
        %swap3A_655 = arith.index_cast %scan3A_563 : i32 to index
        %swap3A_656 = arith.constant 112 : index
        %swap3A_657 = tpu.vector_load %arg9[%swap3A_655, %swap3A_656] {strides = array<i32>} : memref<50x128xf32, #tpu.memory_space<vmem>>, vector<1x16xf32>,
        %swap3A_658 = vector.shape_cast %swap3A_657 : vector<1x16xf32> to vector<16xf32>
        %swap3A_659 = vector.shape_cast %mul3A_654 : vector<16xf32> to vector<1x16xf32>
        tpu.vector_store %arg9[%swap3A_655, %swap3A_656], %swap3A_659 {strides = array<i32>} : memref<50x128xf32, #tpu.memory_space<vmem>>, vector<1x16xf32>,
        %scan3A_660 = arith.constant 3 : i32
        %scan3A_661 = arith.addi %scan3A_369, %scan3A_660 : i32
        %get3A_662 = arith.index_cast %scan3A_661 : i32 to index
        %get3A_663 = arith.constant 0 : index
        %get3A_664 = tpu.vector_load %arg9[%get3A_662, %get3A_663] {strides = array<i32>} : memref<50x128xf32, #tpu.memory_space<vmem>>, vector<1x16xf32>,
        %get3A_665 = vector.shape_cast %get3A_664 : vector<1x16xf32> to vector<16xf32>
        %mul3A_666 = arith.constant 1.000000e+01 : f32
        %mul3A_667 = vector.broadcast %mul3A_666 : f32 to vector<16xf32>
        %mul3A_668 = arith.mulf %get3A_665, %mul3A_667 : vector<16xf32>
        %swap3A_669 = arith.index_cast %scan3A_661 : i32 to index
        %swap3A_670 = arith.constant 0 : index
        %swap3A_671 = tpu.vector_load %arg9[%swap3A_669, %swap3A_670] {strides = array<i32>} : memref<50x128xf32, #tpu.memory_space<vmem>>, vector<1x16xf32>,
        %swap3A_672 = vector.shape_cast %swap3A_671 : vector<1x16xf32> to vector<16xf32>
        %swap3A_673 = vector.shape_cast %mul3A_668 : vector<16xf32> to vector<1x16xf32>
        tpu.vector_store %arg9[%swap3A_669, %swap3A_670], %swap3A_673 {strides = array<i32>} : memref<50x128xf32, #tpu.memory_space<vmem>>, vector<1x16xf32>,
        %get3A_674 = arith.index_cast %scan3A_661 : i32 to index
        %get3A_675 = arith.constant 16 : index
        %get3A_676 = tpu.vector_load %arg9[%get3A_674, %get3A_675] {strides = array<i32>} : memref<50x128xf32, #tpu.memory_space<vmem>>, vector<1x16xf32>,
        %get3A_677 = vector.shape_cast %get3A_676 : vector<1x16xf32> to vector<16xf32>
        %mul3A_678 = arith.constant 1.000000e+01 : f32
        %mul3A_679 = vector.broadcast %mul3A_678 : f32 to vector<16xf32>
        %mul3A_680 = arith.mulf %get3A_677, %mul3A_679 : vector<16xf32>
        %swap3A_681 = arith.index_cast %scan3A_661 : i32 to index
        %swap3A_682 = arith.constant 16 : index
        %swap3A_683 = tpu.vector_load %arg9[%swap3A_681, %swap3A_682] {strides = array<i32>} : memref<50x128xf32, #tpu.memory_space<vmem>>, vector<1x16xf32>,
        %swap3A_684 = vector.shape_cast %swap3A_683 : vector<1x16xf32> to vector<16xf32>
        %swap3A_685 = vector.shape_cast %mul3A_680 : vector<16xf32> to vector<1x16xf32>
        tpu.vector_store %arg9[%swap3A_681, %swap3A_682], %swap3A_685 {strides = array<i32>} : memref<50x128xf32, #tpu.memory_space<vmem>>, vector<1x16xf32>,
        %get3A_686 = arith.index_cast %scan3A_661 : i32 to index
        %get3A_687 = arith.constant 32 : index
        %get3A_688 = tpu.vector_load %arg9[%get3A_686, %get3A_687] {strides = array<i32>} : memref<50x128xf32, #tpu.memory_space<vmem>>, vector<1x16xf32>,
        %get3A_689 = vector.shape_cast %get3A_688 : vector<1x16xf32> to vector<16xf32>
        %mul3A_690 = arith.constant 1.000000e+01 : f32
        %mul3A_691 = vector.broadcast %mul3A_690 : f32 to vector<16xf32>
        %mul3A_692 = arith.mulf %get3A_689, %mul3A_691 : vector<16xf32>
        %swap3A_693 = arith.index_cast %scan3A_661 : i32 to index
        %swap3A_694 = arith.constant 32 : index
        %swap3A_695 = tpu.vector_load %arg9[%swap3A_693, %swap3A_694] {strides = array<i32>} : memref<50x128xf32, #tpu.memory_space<vmem>>, vector<1x16xf32>,
        %swap3A_696 = vector.shape_cast %swap3A_695 : vector<1x16xf32> to vector<16xf32>
        %swap3A_697 = vector.shape_cast %mul3A_692 : vector<16xf32> to vector<1x16xf32>
        tpu.vector_store %arg9[%swap3A_693, %swap3A_694], %swap3A_697 {strides = array<i32>} : memref<50x128xf32, #tpu.memory_space<vmem>>, vector<1x16xf32>,
        %get3A_698 = arith.index_cast %scan3A_661 : i32 to index
        %get3A_699 = arith.constant 48 : index
        %get3A_700 = tpu.vector_load %arg9[%get3A_698, %get3A_699] {strides = array<i32>} : memref<50x128xf32, #tpu.memory_space<vmem>>, vector<1x16xf32>,
        %get3A_701 = vector.shape_cast %get3A_700 : vector<1x16xf32> to vector<16xf32>
        %mul3A_702 = arith.constant 1.000000e+01 : f32
        %mul3A_703 = vector.broadcast %mul3A_702 : f32 to vector<16xf32>
        %mul3A_704 = arith.mulf %get3A_701, %mul3A_703 : vector<16xf32>
        %swap3A_705 = arith.index_cast %scan3A_661 : i32 to index
        %swap3A_706 = arith.constant 48 : index
        %swap3A_707 = tpu.vector_load %arg9[%swap3A_705, %swap3A_706] {strides = array<i32>} : memref<50x128xf32, #tpu.memory_space<vmem>>, vector<1x16xf32>,
        %swap3A_708 = vector.shape_cast %swap3A_707 : vector<1x16xf32> to vector<16xf32>
        %swap3A_709 = vector.shape_cast %mul3A_704 : vector<16xf32> to vector<1x16xf32>
        tpu.vector_store %arg9[%swap3A_705, %swap3A_706], %swap3A_709 {strides = array<i32>} : memref<50x128xf32, #tpu.memory_space<vmem>>, vector<1x16xf32>,
        %get3A_710 = arith.index_cast %scan3A_661 : i32 to index
        %get3A_711 = arith.constant 64 : index
        %get3A_712 = tpu.vector_load %arg9[%get3A_710, %get3A_711] {strides = array<i32>} : memref<50x128xf32, #tpu.memory_space<vmem>>, vector<1x16xf32>,
        %get3A_713 = vector.shape_cast %get3A_712 : vector<1x16xf32> to vector<16xf32>
        %mul3A_714 = arith.constant 1.000000e+01 : f32
        %mul3A_715 = vector.broadcast %mul3A_714 : f32 to vector<16xf32>
        %mul3A_716 = arith.mulf %get3A_713, %mul3A_715 : vector<16xf32>
        %swap3A_717 = arith.index_cast %scan3A_661 : i32 to index
        %swap3A_718 = arith.constant 64 : index
        %swap3A_719 = tpu.vector_load %arg9[%swap3A_717, %swap3A_718] {strides = array<i32>} : memref<50x128xf32, #tpu.memory_space<vmem>>, vector<1x16xf32>,
        %swap3A_720 = vector.shape_cast %swap3A_719 : vector<1x16xf32> to vector<16xf32>
        %swap3A_721 = vector.shape_cast %mul3A_716 : vector<16xf32> to vector<1x16xf32>
        tpu.vector_store %arg9[%swap3A_717, %swap3A_718], %swap3A_721 {strides = array<i32>} : memref<50x128xf32, #tpu.memory_space<vmem>>, vector<1x16xf32>,
        %get3A_722 = arith.index_cast %scan3A_661 : i32 to index
        %get3A_723 = arith.constant 80 : index
        %get3A_724 = tpu.vector_load %arg9[%get3A_722, %get3A_723] {strides = array<i32>} : memref<50x128xf32, #tpu.memory_space<vmem>>, vector<1x16xf32>,
        %get3A_725 = vector.shape_cast %get3A_724 : vector<1x16xf32> to vector<16xf32>
        %mul3A_726 = arith.constant 1.000000e+01 : f32
        %mul3A_727 = vector.broadcast %mul3A_726 : f32 to vector<16xf32>
        %mul3A_728 = arith.mulf %get3A_725, %mul3A_727 : vector<16xf32>
        %swap3A_729 = arith.index_cast %scan3A_661 : i32 to index
        %swap3A_730 = arith.constant 80 : index
        %swap3A_731 = tpu.vector_load %arg9[%swap3A_729, %swap3A_730] {strides = array<i32>} : memref<50x128xf32, #tpu.memory_space<vmem>>, vector<1x16xf32>,
        %swap3A_732 = vector.shape_cast %swap3A_731 : vector<1x16xf32> to vector<16xf32>
        %swap3A_733 = vector.shape_cast %mul3A_728 : vector<16xf32> to vector<1x16xf32>
        tpu.vector_store %arg9[%swap3A_729, %swap3A_730], %swap3A_733 {strides = array<i32>} : memref<50x128xf32, #tpu.memory_space<vmem>>, vector<1x16xf32>,
        %get3A_734 = arith.index_cast %scan3A_661 : i32 to index
        %get3A_735 = arith.constant 96 : index
        %get3A_736 = tpu.vector_load %arg9[%get3A_734, %get3A_735] {strides = array<i32>} : memref<50x128xf32, #tpu.memory_space<vmem>>, vector<1x16xf32>,
        %get3A_737 = vector.shape_cast %get3A_736 : vector<1x16xf32> to vector<16xf32>
        %mul3A_738 = arith.constant 1.000000e+01 : f32
        %mul3A_739 = vector.broadcast %mul3A_738 : f32 to vector<16xf32>
        %mul3A_740 = arith.mulf %get3A_737, %mul3A_739 : vector<16xf32>
        %swap3A_741 = arith.index_cast %scan3A_661 : i32 to index
        %swap3A_742 = arith.constant 96 : index
        %swap3A_743 = tpu.vector_load %arg9[%swap3A_741, %swap3A_742] {strides = array<i32>} : memref<50x128xf32, #tpu.memory_space<vmem>>, vector<1x16xf32>,
        %swap3A_744 = vector.shape_cast %swap3A_743 : vector<1x16xf32> to vector<16xf32>
        %swap3A_745 = vector.shape_cast %mul3A_740 : vector<16xf32> to vector<1x16xf32>
        tpu.vector_store %arg9[%swap3A_741, %swap3A_742], %swap3A_745 {strides = array<i32>} : memref<50x128xf32, #tpu.memory_space<vmem>>, vector<1x16xf32>,
        %get3A_746 = arith.index_cast %scan3A_661 : i32 to index
        %get3A_747 = arith.constant 112 : index
        %get3A_748 = tpu.vector_load %arg9[%get3A_746, %get3A_747] {strides = array<i32>} : memref<50x128xf32, #tpu.memory_space<vmem>>, vector<1x16xf32>,
        %get3A_749 = vector.shape_cast %get3A_748 : vector<1x16xf32> to vector<16xf32>
        %mul3A_750 = arith.constant 1.000000e+01 : f32
        %mul3A_751 = vector.broadcast %mul3A_750 : f32 to vector<16xf32>
        %mul3A_752 = arith.mulf %get3A_749, %mul3A_751 : vector<16xf32>
        %swap3A_753 = arith.index_cast %scan3A_661 : i32 to index
        %swap3A_754 = arith.constant 112 : index
        %swap3A_755 = tpu.vector_load %arg9[%swap3A_753, %swap3A_754] {strides = array<i32>} : memref<50x128xf32, #tpu.memory_space<vmem>>, vector<1x16xf32>,
        %swap3A_756 = vector.shape_cast %swap3A_755 : vector<1x16xf32> to vector<16xf32>
        %swap3A_757 = vector.shape_cast %mul3A_752 : vector<16xf32> to vector<1x16xf32>
        tpu.vector_store %arg9[%swap3A_753, %swap3A_754], %swap3A_757 {strides = array<i32>} : memref<50x128xf32, #tpu.memory_space<vmem>>, vector<1x16xf32>,
        %scan3A_758 = arith.constant 4 : i32
        %scan3A_759 = arith.addi %scan3A_369, %scan3A_758 : i32
        %get3A_760 = arith.index_cast %scan3A_759 : i32 to index
        %get3A_761 = arith.constant 0 : index
        %get3A_762 = tpu.vector_load %arg9[%get3A_760, %get3A_761] {strides = array<i32>} : memref<50x128xf32, #tpu.memory_space<vmem>>, vector<1x16xf32>,
        %get3A_763 = vector.shape_cast %get3A_762 : vector<1x16xf32> to vector<16xf32>
        %mul3A_764 = arith.constant 1.000000e+01 : f32
        %mul3A_765 = vector.broadcast %mul3A_764 : f32 to vector<16xf32>
        %mul3A_766 = arith.mulf %get3A_763, %mul3A_765 : vector<16xf32>
        %swap3A_767 = arith.index_cast %scan3A_759 : i32 to index
        %swap3A_768 = arith.constant 0 : index
        %swap3A_769 = tpu.vector_load %arg9[%swap3A_767, %swap3A_768] {strides = array<i32>} : memref<50x128xf32, #tpu.memory_space<vmem>>, vector<1x16xf32>,
        %swap3A_770 = vector.shape_cast %swap3A_769 : vector<1x16xf32> to vector<16xf32>
        %swap3A_771 = vector.shape_cast %mul3A_766 : vector<16xf32> to vector<1x16xf32>
        tpu.vector_store %arg9[%swap3A_767, %swap3A_768], %swap3A_771 {strides = array<i32>} : memref<50x128xf32, #tpu.memory_space<vmem>>, vector<1x16xf32>,
        %get3A_772 = arith.index_cast %scan3A_759 : i32 to index
        %get3A_773 = arith.constant 16 : index
        %get3A_774 = tpu.vector_load %arg9[%get3A_772, %get3A_773] {strides = array<i32>} : memref<50x128xf32, #tpu.memory_space<vmem>>, vector<1x16xf32>,
        %get3A_775 = vector.shape_cast %get3A_774 : vector<1x16xf32> to vector<16xf32>
        %mul3A_776 = arith.constant 1.000000e+01 : f32
        %mul3A_777 = vector.broadcast %mul3A_776 : f32 to vector<16xf32>
        %mul3A_778 = arith.mulf %get3A_775, %mul3A_777 : vector<16xf32>
        %swap3A_779 = arith.index_cast %scan3A_759 : i32 to index
        %swap3A_780 = arith.constant 16 : index
        %swap3A_781 = tpu.vector_load %arg9[%swap3A_779, %swap3A_780] {strides = array<i32>} : memref<50x128xf32, #tpu.memory_space<vmem>>, vector<1x16xf32>,
        %swap3A_782 = vector.shape_cast %swap3A_781 : vector<1x16xf32> to vector<16xf32>
        %swap3A_783 = vector.shape_cast %mul3A_778 : vector<16xf32> to vector<1x16xf32>
        tpu.vector_store %arg9[%swap3A_779, %swap3A_780], %swap3A_783 {strides = array<i32>} : memref<50x128xf32, #tpu.memory_space<vmem>>, vector<1x16xf32>,
        %get3A_784 = arith.index_cast %scan3A_759 : i32 to index
        %get3A_785 = arith.constant 32 : index
        %get3A_786 = tpu.vector_load %arg9[%get3A_784, %get3A_785] {strides = array<i32>} : memref<50x128xf32, #tpu.memory_space<vmem>>, vector<1x16xf32>,
        %get3A_787 = vector.shape_cast %get3A_786 : vector<1x16xf32> to vector<16xf32>
        %mul3A_788 = arith.constant 1.000000e+01 : f32
        %mul3A_789 = vector.broadcast %mul3A_788 : f32 to vector<16xf32>
        %mul3A_790 = arith.mulf %get3A_787, %mul3A_789 : vector<16xf32>
        %swap3A_791 = arith.index_cast %scan3A_759 : i32 to index
        %swap3A_792 = arith.constant 32 : index
        %swap3A_793 = tpu.vector_load %arg9[%swap3A_791, %swap3A_792] {strides = array<i32>} : memref<50x128xf32, #tpu.memory_space<vmem>>, vector<1x16xf32>,
        %swap3A_794 = vector.shape_cast %swap3A_793 : vector<1x16xf32> to vector<16xf32>
        %swap3A_795 = vector.shape_cast %mul3A_790 : vector<16xf32> to vector<1x16xf32>
        tpu.vector_store %arg9[%swap3A_791, %swap3A_792], %swap3A_795 {strides = array<i32>} : memref<50x128xf32, #tpu.memory_space<vmem>>, vector<1x16xf32>,
        %get3A_796 = arith.index_cast %scan3A_759 : i32 to index
        %get3A_797 = arith.constant 48 : index
        %get3A_798 = tpu.vector_load %arg9[%get3A_796, %get3A_797] {strides = array<i32>} : memref<50x128xf32, #tpu.memory_space<vmem>>, vector<1x16xf32>,
        %get3A_799 = vector.shape_cast %get3A_798 : vector<1x16xf32> to vector<16xf32>
        %mul3A_800 = arith.constant 1.000000e+01 : f32
        %mul3A_801 = vector.broadcast %mul3A_800 : f32 to vector<16xf32>
        %mul3A_802 = arith.mulf %get3A_799, %mul3A_801 : vector<16xf32>
        %swap3A_803 = arith.index_cast %scan3A_759 : i32 to index
        %swap3A_804 = arith.constant 48 : index
        %swap3A_805 = tpu.vector_load %arg9[%swap3A_803, %swap3A_804] {strides = array<i32>} : memref<50x128xf32, #tpu.memory_space<vmem>>, vector<1x16xf32>,
        %swap3A_806 = vector.shape_cast %swap3A_805 : vector<1x16xf32> to vector<16xf32>
        %swap3A_807 = vector.shape_cast %mul3A_802 : vector<16xf32> to vector<1x16xf32>
        tpu.vector_store %arg9[%swap3A_803, %swap3A_804], %swap3A_807 {strides = array<i32>} : memref<50x128xf32, #tpu.memory_space<vmem>>, vector<1x16xf32>,
        %get3A_808 = arith.index_cast %scan3A_759 : i32 to index
        %get3A_809 = arith.constant 64 : index
        %get3A_810 = tpu.vector_load %arg9[%get3A_808, %get3A_809] {strides = array<i32>} : memref<50x128xf32, #tpu.memory_space<vmem>>, vector<1x16xf32>,
        %get3A_811 = vector.shape_cast %get3A_810 : vector<1x16xf32> to vector<16xf32>
        %mul3A_812 = arith.constant 1.000000e+01 : f32
        %mul3A_813 = vector.broadcast %mul3A_812 : f32 to vector<16xf32>
        %mul3A_814 = arith.mulf %get3A_811, %mul3A_813 : vector<16xf32>
        %swap3A_815 = arith.index_cast %scan3A_759 : i32 to index
        %swap3A_816 = arith.constant 64 : index
        %swap3A_817 = tpu.vector_load %arg9[%swap3A_815, %swap3A_816] {strides = array<i32>} : memref<50x128xf32, #tpu.memory_space<vmem>>, vector<1x16xf32>,
        %swap3A_818 = vector.shape_cast %swap3A_817 : vector<1x16xf32> to vector<16xf32>
        %swap3A_819 = vector.shape_cast %mul3A_814 : vector<16xf32> to vector<1x16xf32>
        tpu.vector_store %arg9[%swap3A_815, %swap3A_816], %swap3A_819 {strides = array<i32>} : memref<50x128xf32, #tpu.memory_space<vmem>>, vector<1x16xf32>,
        %get3A_820 = arith.index_cast %scan3A_759 : i32 to index
        %get3A_821 = arith.constant 80 : index
        %get3A_822 = tpu.vector_load %arg9[%get3A_820, %get3A_821] {strides = array<i32>} : memref<50x128xf32, #tpu.memory_space<vmem>>, vector<1x16xf32>,
        %get3A_823 = vector.shape_cast %get3A_822 : vector<1x16xf32> to vector<16xf32>
        %mul3A_824 = arith.constant 1.000000e+01 : f32
        %mul3A_825 = vector.broadcast %mul3A_824 : f32 to vector<16xf32>
        %mul3A_826 = arith.mulf %get3A_823, %mul3A_825 : vector<16xf32>
        %swap3A_827 = arith.index_cast %scan3A_759 : i32 to index
        %swap3A_828 = arith.constant 80 : index
        %swap3A_829 = tpu.vector_load %arg9[%swap3A_827, %swap3A_828] {strides = array<i32>} : memref<50x128xf32, #tpu.memory_space<vmem>>, vector<1x16xf32>,
        %swap3A_830 = vector.shape_cast %swap3A_829 : vector<1x16xf32> to vector<16xf32>
        %swap3A_831 = vector.shape_cast %mul3A_826 : vector<16xf32> to vector<1x16xf32>
        tpu.vector_store %arg9[%swap3A_827, %swap3A_828], %swap3A_831 {strides = array<i32>} : memref<50x128xf32, #tpu.memory_space<vmem>>, vector<1x16xf32>,
        %get3A_832 = arith.index_cast %scan3A_759 : i32 to index
        %get3A_833 = arith.constant 96 : index
        %get3A_834 = tpu.vector_load %arg9[%get3A_832, %get3A_833] {strides = array<i32>} : memref<50x128xf32, #tpu.memory_space<vmem>>, vector<1x16xf32>,
        %get3A_835 = vector.shape_cast %get3A_834 : vector<1x16xf32> to vector<16xf32>
        %mul3A_836 = arith.constant 1.000000e+01 : f32
        %mul3A_837 = vector.broadcast %mul3A_836 : f32 to vector<16xf32>
        %mul3A_838 = arith.mulf %get3A_835, %mul3A_837 : vector<16xf32>
        %swap3A_839 = arith.index_cast %scan3A_759 : i32 to index
        %swap3A_840 = arith.constant 96 : index
        %swap3A_841 = tpu.vector_load %arg9[%swap3A_839, %swap3A_840] {strides = array<i32>} : memref<50x128xf32, #tpu.memory_space<vmem>>, vector<1x16xf32>,
        %swap3A_842 = vector.shape_cast %swap3A_841 : vector<1x16xf32> to vector<16xf32>
        %swap3A_843 = vector.shape_cast %mul3A_838 : vector<16xf32> to vector<1x16xf32>
        tpu.vector_store %arg9[%swap3A_839, %swap3A_840], %swap3A_843 {strides = array<i32>} : memref<50x128xf32, #tpu.memory_space<vmem>>, vector<1x16xf32>,
        %get3A_844 = arith.index_cast %scan3A_759 : i32 to index
        %get3A_845 = arith.constant 112 : index
        %get3A_846 = tpu.vector_load %arg9[%get3A_844, %get3A_845] {strides = array<i32>} : memref<50x128xf32, #tpu.memory_space<vmem>>, vector<1x16xf32>,
        %get3A_847 = vector.shape_cast %get3A_846 : vector<1x16xf32> to vector<16xf32>
        %mul3A_848 = arith.constant 1.000000e+01 : f32
        %mul3A_849 = vector.broadcast %mul3A_848 : f32 to vector<16xf32>
        %mul3A_850 = arith.mulf %get3A_847, %mul3A_849 : vector<16xf32>
        %swap3A_851 = arith.index_cast %scan3A_759 : i32 to index
        %swap3A_852 = arith.constant 112 : index
        %swap3A_853 = tpu.vector_load %arg9[%swap3A_851, %swap3A_852] {strides = array<i32>} : memref<50x128xf32, #tpu.memory_space<vmem>>, vector<1x16xf32>,
        %swap3A_854 = vector.shape_cast %swap3A_853 : vector<1x16xf32> to vector<16xf32>
        %swap3A_855 = vector.shape_cast %mul3A_850 : vector<16xf32> to vector<1x16xf32>
        tpu.vector_store %arg9[%swap3A_851, %swap3A_852], %swap3A_855 {strides = array<i32>} : memref<50x128xf32, #tpu.memory_space<vmem>>, vector<1x16xf32>,
      }
      %scan3A_211 = arith.constant 50 : i32
      %add3A_212 = arith.addi %mul3A_4, %add3A_187 : i32
      %dma_start3A_213 = arith.constant 0 : i32
      %dma_start3A_214 = arith.constant 0 : i32
      %dma_start3A_215 = tpu.memref_slice %arg4[%add3A_212, %dma_start3A_213, %dma_start3A_214] : memref<4096x50x128xf32, #tpu.memory_space<hbm>> -> memref<1x50x128xf32, #tpu.memory_space<hbm>>
      %dma_start3A_216 = tpu.memref_squeeze %dma_start3A_215 : memref<1x50x128xf32, #tpu.memory_space<hbm>> -> memref<50x128xf32, #tpu.memory_space<hbm>>
      %dma_start3A_217 = arith.constant 0 : i32
      %dma_start3A_218 = arith.constant 0 : i32
      %dma_start3A_219 = tpu.memref_slice %arg4[%add3A_212, %dma_start3A_217, %dma_start3A_218] : memref<4096x50x128xf32, #tpu.memory_space<hbm>> -> memref<1x50x128xf32, #tpu.memory_space<hbm>>
      %dma_start3A_220 = tpu.memref_squeeze %dma_start3A_219 : memref<1x50x128xf32, #tpu.memory_space<hbm>> -> memref<50x128xf32, #tpu.memory_space<hbm>>
      tpu.enqueue_dma source(%arg9 : memref<50x128xf32, #tpu.memory_space<vmem>>) target(%dma_start3A_220 : memref<50x128xf32, #tpu.memory_space<hbm>>) target_semaphore(%arg25 : memref<!tpu.dma_semaphore, #tpu.memory_space<semaphore_mem>>)
      %mul3A_221 = arith.constant 8 : i32
      %mul3A_222 = arith.muli %mul3A_221, %scan3A_76 : i32
      %add3A_223 = arith.constant 4 : i32
      %add3A_224 = arith.addi %mul3A_222, %add3A_223 : i32
      %ge3A_225 = arith.constant 4 : i32
      %ge3A_226 = arith.cmpi sge, %add3A_224, %ge3A_225 : i32
      %convert_element_type3A_227 = arith.extui %ge3A_226 : i1 to i32
      %cond3A_228 = arith.constant 0 : i32
      %cond3A_229 = arith.cmpi ne, %convert_element_type3A_227, %cond3A_228 : i32
      scf.if %cond3A_229 {
        %sub3A = arith.constant 4 : i32
        %sub3A_369 = arith.subi %add3A_224, %sub3A : i32
        %add3A_370 = arith.addi %mul3A_4, %sub3A_369 : i32
        %dma_wait3A_371 = arith.constant 0 : i32
        %dma_wait3A_372 = arith.constant 0 : i32
        %dma_wait3A_373 = tpu.memref_slice %arg4[%add3A_370, %dma_wait3A_371, %dma_wait3A_372] : memref<4096x50x128xf32, #tpu.memory_space<hbm>> -> memref<1x50x128xf32, #tpu.memory_space<hbm>>
        %dma_wait3A_374 = tpu.memref_squeeze %dma_wait3A_373 : memref<1x50x128xf32, #tpu.memory_space<hbm>> -> memref<50x128xf32, #tpu.memory_space<hbm>>
        %dma_wait3A_375 = arith.constant 0 : i32
        %dma_wait3A_376 = arith.constant 0 : i32
        %dma_wait3A_377 = tpu.memref_slice %arg4[%add3A_370, %dma_wait3A_375, %dma_wait3A_376] : memref<4096x50x128xf32, #tpu.memory_space<hbm>> -> memref<1x50x128xf32, #tpu.memory_space<hbm>>
        %dma_wait3A_378 = tpu.memref_squeeze %dma_wait3A_377 : memref<1x50x128xf32, #tpu.memory_space<hbm>> -> memref<50x128xf32, #tpu.memory_space<hbm>>
        tpu.wait_dma2 semaphore(%arg22 : memref<!tpu.dma_semaphore, #tpu.memory_space<semaphore_mem>>) src(%arg6 : memref<50x128xf32, #tpu.memory_space<vmem>>) dst(%dma_wait3A_378 : memref<50x128xf32, #tpu.memory_space<hbm>>)
      } else {
      }
      %add3A_230 = arith.constant 4 : i32
      %add3A_231 = arith.addi %add3A_224, %add3A_230 : i32
      %lt3A_232 = arith.constant 128 : i32
      %lt3A_233 = arith.cmpi slt, %add3A_231, %lt3A_232 : i32
      %convert_element_type3A_234 = arith.extui %lt3A_233 : i1 to i32
      %cond3A_235 = arith.constant 0 : i32
      %cond3A_236 = arith.cmpi ne, %convert_element_type3A_234, %cond3A_235 : i32
      scf.if %cond3A_236 {
        %add3A_369 = arith.constant 4 : i32
        %add3A_370 = arith.addi %add3A_224, %add3A_369 : i32
        %dma_start3A_371 = arith.constant 0 : i32
        %dma_start3A_372 = tpu.memref_slice %arg5[%add3A_370, %dma_start3A_371] : memref<128x50xi32, #tpu.memory_space<vmem>> -> memref<1x50xi32, #tpu.memory_space<vmem>>
        %dma_start3A_373 = tpu.memref_squeeze %dma_start3A_372 : memref<1x50xi32, #tpu.memory_space<vmem>> -> memref<50xi32, #tpu.memory_space<vmem>>
        %dma_start3A_374 = arith.constant 0 : i32
        %dma_start3A_375 = arith.constant 0 : i32
        %dma_start3A_376 = tpu.memref_slice %arg2[%dma_start3A_374, %dma_start3A_375] : memref<100000x128xf32, #tpu.memory_space<hbm>> -> memref<100000x128xf32, #tpu.memory_space<hbm>>
        tpu.enqueue_indirect_dma source(%dma_start3A_376 : memref<100000x128xf32, #tpu.memory_space<hbm>>) target(%arg6 : memref<50x128xf32, #tpu.memory_space<vmem>>) offsets(%dma_start3A_373 : memref<50xi32, #tpu.memory_space<vmem>>) semaphore(%arg14 : memref<!tpu.dma_semaphore, #tpu.memory_space<semaphore_mem>>)
      } else {
      }
      %dma_wait3A_237 = arith.constant 0 : i32
      %dma_wait3A_238 = tpu.memref_slice %arg5[%add3A_224, %dma_wait3A_237] : memref<128x50xi32, #tpu.memory_space<vmem>> -> memref<1x50xi32, #tpu.memory_space<vmem>>
      %dma_wait3A_239 = tpu.memref_squeeze %dma_wait3A_238 : memref<1x50xi32, #tpu.memory_space<vmem>> -> memref<50xi32, #tpu.memory_space<vmem>>
      %dma_wait3A_240 = arith.constant 0 : i32
      %dma_wait3A_241 = arith.constant 0 : i32
      %dma_wait3A_242 = tpu.memref_slice %arg2[%dma_wait3A_240, %dma_wait3A_241] : memref<100000x128xf32, #tpu.memory_space<hbm>> -> memref<100000x128xf32, #tpu.memory_space<hbm>>
      tpu.wait_indirect_dma semaphore(%arg18 : memref<!tpu.dma_semaphore, #tpu.memory_space<semaphore_mem>>) src(%dma_wait3A_242 : memref<100000x128xf32, #tpu.memory_space<hbm>>) dst(%arg10 : memref<50x128xf32, #tpu.memory_space<vmem>>)
      %scan3A_243 = arith.constant 0 : i32
      %scan3A_244 = arith.constant 0 : i32
      %scan3A_245 = arith.constant 50 : i32
      %scan3A_246 = arith.addi %scan3A_244, %scan3A_245 : i32
      %scan3A_247 = arith.constant 5 : i32
      scf.for %scan3A_369 = %scan3A_244 to %scan3A_246 step %scan3A_247  : i32 {
        %get3A = arith.index_cast %scan3A_369 : i32 to index
        %get3A_370 = arith.constant 0 : index
        %get3A_371 = tpu.vector_load %arg10[%get3A, %get3A_370] {strides = array<i32>} : memref<50x128xf32, #tpu.memory_space<vmem>>, vector<1x16xf32>,
        %get3A_372 = vector.shape_cast %get3A_371 : vector<1x16xf32> to vector<16xf32>
        %mul3A_373 = arith.constant 1.000000e+01 : f32
        %mul3A_374 = vector.broadcast %mul3A_373 : f32 to vector<16xf32>
        %mul3A_375 = arith.mulf %get3A_372, %mul3A_374 : vector<16xf32>
        %swap3A = arith.index_cast %scan3A_369 : i32 to index
        %swap3A_376 = arith.constant 0 : index
        %swap3A_377 = tpu.vector_load %arg10[%swap3A, %swap3A_376] {strides = array<i32>} : memref<50x128xf32, #tpu.memory_space<vmem>>, vector<1x16xf32>,
        %swap3A_378 = vector.shape_cast %swap3A_377 : vector<1x16xf32> to vector<16xf32>
        %swap3A_379 = vector.shape_cast %mul3A_375 : vector<16xf32> to vector<1x16xf32>
        tpu.vector_store %arg10[%swap3A, %swap3A_376], %swap3A_379 {strides = array<i32>} : memref<50x128xf32, #tpu.memory_space<vmem>>, vector<1x16xf32>,
        %get3A_380 = arith.index_cast %scan3A_369 : i32 to index
        %get3A_381 = arith.constant 16 : index
        %get3A_382 = tpu.vector_load %arg10[%get3A_380, %get3A_381] {strides = array<i32>} : memref<50x128xf32, #tpu.memory_space<vmem>>, vector<1x16xf32>,
        %get3A_383 = vector.shape_cast %get3A_382 : vector<1x16xf32> to vector<16xf32>
        %mul3A_384 = arith.constant 1.000000e+01 : f32
        %mul3A_385 = vector.broadcast %mul3A_384 : f32 to vector<16xf32>
        %mul3A_386 = arith.mulf %get3A_383, %mul3A_385 : vector<16xf32>
        %swap3A_387 = arith.index_cast %scan3A_369 : i32 to index
        %swap3A_388 = arith.constant 16 : index
        %swap3A_389 = tpu.vector_load %arg10[%swap3A_387, %swap3A_388] {strides = array<i32>} : memref<50x128xf32, #tpu.memory_space<vmem>>, vector<1x16xf32>,
        %swap3A_390 = vector.shape_cast %swap3A_389 : vector<1x16xf32> to vector<16xf32>
        %swap3A_391 = vector.shape_cast %mul3A_386 : vector<16xf32> to vector<1x16xf32>
        tpu.vector_store %arg10[%swap3A_387, %swap3A_388], %swap3A_391 {strides = array<i32>} : memref<50x128xf32, #tpu.memory_space<vmem>>, vector<1x16xf32>,
        %get3A_392 = arith.index_cast %scan3A_369 : i32 to index
        %get3A_393 = arith.constant 32 : index
        %get3A_394 = tpu.vector_load %arg10[%get3A_392, %get3A_393] {strides = array<i32>} : memref<50x128xf32, #tpu.memory_space<vmem>>, vector<1x16xf32>,
        %get3A_395 = vector.shape_cast %get3A_394 : vector<1x16xf32> to vector<16xf32>
        %mul3A_396 = arith.constant 1.000000e+01 : f32
        %mul3A_397 = vector.broadcast %mul3A_396 : f32 to vector<16xf32>
        %mul3A_398 = arith.mulf %get3A_395, %mul3A_397 : vector<16xf32>
        %swap3A_399 = arith.index_cast %scan3A_369 : i32 to index
        %swap3A_400 = arith.constant 32 : index
        %swap3A_401 = tpu.vector_load %arg10[%swap3A_399, %swap3A_400] {strides = array<i32>} : memref<50x128xf32, #tpu.memory_space<vmem>>, vector<1x16xf32>,
        %swap3A_402 = vector.shape_cast %swap3A_401 : vector<1x16xf32> to vector<16xf32>
        %swap3A_403 = vector.shape_cast %mul3A_398 : vector<16xf32> to vector<1x16xf32>
        tpu.vector_store %arg10[%swap3A_399, %swap3A_400], %swap3A_403 {strides = array<i32>} : memref<50x128xf32, #tpu.memory_space<vmem>>, vector<1x16xf32>,
        %get3A_404 = arith.index_cast %scan3A_369 : i32 to index
        %get3A_405 = arith.constant 48 : index
        %get3A_406 = tpu.vector_load %arg10[%get3A_404, %get3A_405] {strides = array<i32>} : memref<50x128xf32, #tpu.memory_space<vmem>>, vector<1x16xf32>,
        %get3A_407 = vector.shape_cast %get3A_406 : vector<1x16xf32> to vector<16xf32>
        %mul3A_408 = arith.constant 1.000000e+01 : f32
        %mul3A_409 = vector.broadcast %mul3A_408 : f32 to vector<16xf32>
        %mul3A_410 = arith.mulf %get3A_407, %mul3A_409 : vector<16xf32>
        %swap3A_411 = arith.index_cast %scan3A_369 : i32 to index
        %swap3A_412 = arith.constant 48 : index
        %swap3A_413 = tpu.vector_load %arg10[%swap3A_411, %swap3A_412] {strides = array<i32>} : memref<50x128xf32, #tpu.memory_space<vmem>>, vector<1x16xf32>,
        %swap3A_414 = vector.shape_cast %swap3A_413 : vector<1x16xf32> to vector<16xf32>
        %swap3A_415 = vector.shape_cast %mul3A_410 : vector<16xf32> to vector<1x16xf32>
        tpu.vector_store %arg10[%swap3A_411, %swap3A_412], %swap3A_415 {strides = array<i32>} : memref<50x128xf32, #tpu.memory_space<vmem>>, vector<1x16xf32>,
        %get3A_416 = arith.index_cast %scan3A_369 : i32 to index
        %get3A_417 = arith.constant 64 : index
        %get3A_418 = tpu.vector_load %arg10[%get3A_416, %get3A_417] {strides = array<i32>} : memref<50x128xf32, #tpu.memory_space<vmem>>, vector<1x16xf32>,
        %get3A_419 = vector.shape_cast %get3A_418 : vector<1x16xf32> to vector<16xf32>
        %mul3A_420 = arith.constant 1.000000e+01 : f32
        %mul3A_421 = vector.broadcast %mul3A_420 : f32 to vector<16xf32>
        %mul3A_422 = arith.mulf %get3A_419, %mul3A_421 : vector<16xf32>
        %swap3A_423 = arith.index_cast %scan3A_369 : i32 to index
        %swap3A_424 = arith.constant 64 : index
        %swap3A_425 = tpu.vector_load %arg10[%swap3A_423, %swap3A_424] {strides = array<i32>} : memref<50x128xf32, #tpu.memory_space<vmem>>, vector<1x16xf32>,
        %swap3A_426 = vector.shape_cast %swap3A_425 : vector<1x16xf32> to vector<16xf32>
        %swap3A_427 = vector.shape_cast %mul3A_422 : vector<16xf32> to vector<1x16xf32>
        tpu.vector_store %arg10[%swap3A_423, %swap3A_424], %swap3A_427 {strides = array<i32>} : memref<50x128xf32, #tpu.memory_space<vmem>>, vector<1x16xf32>,
        %get3A_428 = arith.index_cast %scan3A_369 : i32 to index
        %get3A_429 = arith.constant 80 : index
        %get3A_430 = tpu.vector_load %arg10[%get3A_428, %get3A_429] {strides = array<i32>} : memref<50x128xf32, #tpu.memory_space<vmem>>, vector<1x16xf32>,
        %get3A_431 = vector.shape_cast %get3A_430 : vector<1x16xf32> to vector<16xf32>
        %mul3A_432 = arith.constant 1.000000e+01 : f32
        %mul3A_433 = vector.broadcast %mul3A_432 : f32 to vector<16xf32>
        %mul3A_434 = arith.mulf %get3A_431, %mul3A_433 : vector<16xf32>
        %swap3A_435 = arith.index_cast %scan3A_369 : i32 to index
        %swap3A_436 = arith.constant 80 : index
        %swap3A_437 = tpu.vector_load %arg10[%swap3A_435, %swap3A_436] {strides = array<i32>} : memref<50x128xf32, #tpu.memory_space<vmem>>, vector<1x16xf32>,
        %swap3A_438 = vector.shape_cast %swap3A_437 : vector<1x16xf32> to vector<16xf32>
        %swap3A_439 = vector.shape_cast %mul3A_434 : vector<16xf32> to vector<1x16xf32>
        tpu.vector_store %arg10[%swap3A_435, %swap3A_436], %swap3A_439 {strides = array<i32>} : memref<50x128xf32, #tpu.memory_space<vmem>>, vector<1x16xf32>,
        %get3A_440 = arith.index_cast %scan3A_369 : i32 to index
        %get3A_441 = arith.constant 96 : index
        %get3A_442 = tpu.vector_load %arg10[%get3A_440, %get3A_441] {strides = array<i32>} : memref<50x128xf32, #tpu.memory_space<vmem>>, vector<1x16xf32>,
        %get3A_443 = vector.shape_cast %get3A_442 : vector<1x16xf32> to vector<16xf32>
        %mul3A_444 = arith.constant 1.000000e+01 : f32
        %mul3A_445 = vector.broadcast %mul3A_444 : f32 to vector<16xf32>
        %mul3A_446 = arith.mulf %get3A_443, %mul3A_445 : vector<16xf32>
        %swap3A_447 = arith.index_cast %scan3A_369 : i32 to index
        %swap3A_448 = arith.constant 96 : index
        %swap3A_449 = tpu.vector_load %arg10[%swap3A_447, %swap3A_448] {strides = array<i32>} : memref<50x128xf32, #tpu.memory_space<vmem>>, vector<1x16xf32>,
        %swap3A_450 = vector.shape_cast %swap3A_449 : vector<1x16xf32> to vector<16xf32>
        %swap3A_451 = vector.shape_cast %mul3A_446 : vector<16xf32> to vector<1x16xf32>
        tpu.vector_store %arg10[%swap3A_447, %swap3A_448], %swap3A_451 {strides = array<i32>} : memref<50x128xf32, #tpu.memory_space<vmem>>, vector<1x16xf32>,
        %get3A_452 = arith.index_cast %scan3A_369 : i32 to index
        %get3A_453 = arith.constant 112 : index
        %get3A_454 = tpu.vector_load %arg10[%get3A_452, %get3A_453] {strides = array<i32>} : memref<50x128xf32, #tpu.memory_space<vmem>>, vector<1x16xf32>,
        %get3A_455 = vector.shape_cast %get3A_454 : vector<1x16xf32> to vector<16xf32>
        %mul3A_456 = arith.constant 1.000000e+01 : f32
        %mul3A_457 = vector.broadcast %mul3A_456 : f32 to vector<16xf32>
        %mul3A_458 = arith.mulf %get3A_455, %mul3A_457 : vector<16xf32>
        %swap3A_459 = arith.index_cast %scan3A_369 : i32 to index
        %swap3A_460 = arith.constant 112 : index
        %swap3A_461 = tpu.vector_load %arg10[%swap3A_459, %swap3A_460] {strides = array<i32>} : memref<50x128xf32, #tpu.memory_space<vmem>>, vector<1x16xf32>,
        %swap3A_462 = vector.shape_cast %swap3A_461 : vector<1x16xf32> to vector<16xf32>
        %swap3A_463 = vector.shape_cast %mul3A_458 : vector<16xf32> to vector<1x16xf32>
        tpu.vector_store %arg10[%swap3A_459, %swap3A_460], %swap3A_463 {strides = array<i32>} : memref<50x128xf32, #tpu.memory_space<vmem>>, vector<1x16xf32>,
        %scan3A_464 = arith.constant 1 : i32
        %scan3A_465 = arith.addi %scan3A_369, %scan3A_464 : i32
        %get3A_466 = arith.index_cast %scan3A_465 : i32 to index
        %get3A_467 = arith.constant 0 : index
        %get3A_468 = tpu.vector_load %arg10[%get3A_466, %get3A_467] {strides = array<i32>} : memref<50x128xf32, #tpu.memory_space<vmem>>, vector<1x16xf32>,
        %get3A_469 = vector.shape_cast %get3A_468 : vector<1x16xf32> to vector<16xf32>
        %mul3A_470 = arith.constant 1.000000e+01 : f32
        %mul3A_471 = vector.broadcast %mul3A_470 : f32 to vector<16xf32>
        %mul3A_472 = arith.mulf %get3A_469, %mul3A_471 : vector<16xf32>
        %swap3A_473 = arith.index_cast %scan3A_465 : i32 to index
        %swap3A_474 = arith.constant 0 : index
        %swap3A_475 = tpu.vector_load %arg10[%swap3A_473, %swap3A_474] {strides = array<i32>} : memref<50x128xf32, #tpu.memory_space<vmem>>, vector<1x16xf32>,
        %swap3A_476 = vector.shape_cast %swap3A_475 : vector<1x16xf32> to vector<16xf32>
        %swap3A_477 = vector.shape_cast %mul3A_472 : vector<16xf32> to vector<1x16xf32>
        tpu.vector_store %arg10[%swap3A_473, %swap3A_474], %swap3A_477 {strides = array<i32>} : memref<50x128xf32, #tpu.memory_space<vmem>>, vector<1x16xf32>,
        %get3A_478 = arith.index_cast %scan3A_465 : i32 to index
        %get3A_479 = arith.constant 16 : index
        %get3A_480 = tpu.vector_load %arg10[%get3A_478, %get3A_479] {strides = array<i32>} : memref<50x128xf32, #tpu.memory_space<vmem>>, vector<1x16xf32>,
        %get3A_481 = vector.shape_cast %get3A_480 : vector<1x16xf32> to vector<16xf32>
        %mul3A_482 = arith.constant 1.000000e+01 : f32
        %mul3A_483 = vector.broadcast %mul3A_482 : f32 to vector<16xf32>
        %mul3A_484 = arith.mulf %get3A_481, %mul3A_483 : vector<16xf32>
        %swap3A_485 = arith.index_cast %scan3A_465 : i32 to index
        %swap3A_486 = arith.constant 16 : index
        %swap3A_487 = tpu.vector_load %arg10[%swap3A_485, %swap3A_486] {strides = array<i32>} : memref<50x128xf32, #tpu.memory_space<vmem>>, vector<1x16xf32>,
        %swap3A_488 = vector.shape_cast %swap3A_487 : vector<1x16xf32> to vector<16xf32>
        %swap3A_489 = vector.shape_cast %mul3A_484 : vector<16xf32> to vector<1x16xf32>
        tpu.vector_store %arg10[%swap3A_485, %swap3A_486], %swap3A_489 {strides = array<i32>} : memref<50x128xf32, #tpu.memory_space<vmem>>, vector<1x16xf32>,
        %get3A_490 = arith.index_cast %scan3A_465 : i32 to index
        %get3A_491 = arith.constant 32 : index
        %get3A_492 = tpu.vector_load %arg10[%get3A_490, %get3A_491] {strides = array<i32>} : memref<50x128xf32, #tpu.memory_space<vmem>>, vector<1x16xf32>,
        %get3A_493 = vector.shape_cast %get3A_492 : vector<1x16xf32> to vector<16xf32>
        %mul3A_494 = arith.constant 1.000000e+01 : f32
        %mul3A_495 = vector.broadcast %mul3A_494 : f32 to vector<16xf32>
        %mul3A_496 = arith.mulf %get3A_493, %mul3A_495 : vector<16xf32>
        %swap3A_497 = arith.index_cast %scan3A_465 : i32 to index
        %swap3A_498 = arith.constant 32 : index
        %swap3A_499 = tpu.vector_load %arg10[%swap3A_497, %swap3A_498] {strides = array<i32>} : memref<50x128xf32, #tpu.memory_space<vmem>>, vector<1x16xf32>,
        %swap3A_500 = vector.shape_cast %swap3A_499 : vector<1x16xf32> to vector<16xf32>
        %swap3A_501 = vector.shape_cast %mul3A_496 : vector<16xf32> to vector<1x16xf32>
        tpu.vector_store %arg10[%swap3A_497, %swap3A_498], %swap3A_501 {strides = array<i32>} : memref<50x128xf32, #tpu.memory_space<vmem>>, vector<1x16xf32>,
        %get3A_502 = arith.index_cast %scan3A_465 : i32 to index
        %get3A_503 = arith.constant 48 : index
        %get3A_504 = tpu.vector_load %arg10[%get3A_502, %get3A_503] {strides = array<i32>} : memref<50x128xf32, #tpu.memory_space<vmem>>, vector<1x16xf32>,
        %get3A_505 = vector.shape_cast %get3A_504 : vector<1x16xf32> to vector<16xf32>
        %mul3A_506 = arith.constant 1.000000e+01 : f32
        %mul3A_507 = vector.broadcast %mul3A_506 : f32 to vector<16xf32>
        %mul3A_508 = arith.mulf %get3A_505, %mul3A_507 : vector<16xf32>
        %swap3A_509 = arith.index_cast %scan3A_465 : i32 to index
        %swap3A_510 = arith.constant 48 : index
        %swap3A_511 = tpu.vector_load %arg10[%swap3A_509, %swap3A_510] {strides = array<i32>} : memref<50x128xf32, #tpu.memory_space<vmem>>, vector<1x16xf32>,
        %swap3A_512 = vector.shape_cast %swap3A_511 : vector<1x16xf32> to vector<16xf32>
        %swap3A_513 = vector.shape_cast %mul3A_508 : vector<16xf32> to vector<1x16xf32>
        tpu.vector_store %arg10[%swap3A_509, %swap3A_510], %swap3A_513 {strides = array<i32>} : memref<50x128xf32, #tpu.memory_space<vmem>>, vector<1x16xf32>,
        %get3A_514 = arith.index_cast %scan3A_465 : i32 to index
        %get3A_515 = arith.constant 64 : index
        %get3A_516 = tpu.vector_load %arg10[%get3A_514, %get3A_515] {strides = array<i32>} : memref<50x128xf32, #tpu.memory_space<vmem>>, vector<1x16xf32>,
        %get3A_517 = vector.shape_cast %get3A_516 : vector<1x16xf32> to vector<16xf32>
        %mul3A_518 = arith.constant 1.000000e+01 : f32
        %mul3A_519 = vector.broadcast %mul3A_518 : f32 to vector<16xf32>
        %mul3A_520 = arith.mulf %get3A_517, %mul3A_519 : vector<16xf32>
        %swap3A_521 = arith.index_cast %scan3A_465 : i32 to index
        %swap3A_522 = arith.constant 64 : index
        %swap3A_523 = tpu.vector_load %arg10[%swap3A_521, %swap3A_522] {strides = array<i32>} : memref<50x128xf32, #tpu.memory_space<vmem>>, vector<1x16xf32>,
        %swap3A_524 = vector.shape_cast %swap3A_523 : vector<1x16xf32> to vector<16xf32>
        %swap3A_525 = vector.shape_cast %mul3A_520 : vector<16xf32> to vector<1x16xf32>
        tpu.vector_store %arg10[%swap3A_521, %swap3A_522], %swap3A_525 {strides = array<i32>} : memref<50x128xf32, #tpu.memory_space<vmem>>, vector<1x16xf32>,
        %get3A_526 = arith.index_cast %scan3A_465 : i32 to index
        %get3A_527 = arith.constant 80 : index
        %get3A_528 = tpu.vector_load %arg10[%get3A_526, %get3A_527] {strides = array<i32>} : memref<50x128xf32, #tpu.memory_space<vmem>>, vector<1x16xf32>,
        %get3A_529 = vector.shape_cast %get3A_528 : vector<1x16xf32> to vector<16xf32>
        %mul3A_530 = arith.constant 1.000000e+01 : f32
        %mul3A_531 = vector.broadcast %mul3A_530 : f32 to vector<16xf32>
        %mul3A_532 = arith.mulf %get3A_529, %mul3A_531 : vector<16xf32>
        %swap3A_533 = arith.index_cast %scan3A_465 : i32 to index
        %swap3A_534 = arith.constant 80 : index
        %swap3A_535 = tpu.vector_load %arg10[%swap3A_533, %swap3A_534] {strides = array<i32>} : memref<50x128xf32, #tpu.memory_space<vmem>>, vector<1x16xf32>,
        %swap3A_536 = vector.shape_cast %swap3A_535 : vector<1x16xf32> to vector<16xf32>
        %swap3A_537 = vector.shape_cast %mul3A_532 : vector<16xf32> to vector<1x16xf32>
        tpu.vector_store %arg10[%swap3A_533, %swap3A_534], %swap3A_537 {strides = array<i32>} : memref<50x128xf32, #tpu.memory_space<vmem>>, vector<1x16xf32>,
        %get3A_538 = arith.index_cast %scan3A_465 : i32 to index
        %get3A_539 = arith.constant 96 : index
        %get3A_540 = tpu.vector_load %arg10[%get3A_538, %get3A_539] {strides = array<i32>} : memref<50x128xf32, #tpu.memory_space<vmem>>, vector<1x16xf32>,
        %get3A_541 = vector.shape_cast %get3A_540 : vector<1x16xf32> to vector<16xf32>
        %mul3A_542 = arith.constant 1.000000e+01 : f32
        %mul3A_543 = vector.broadcast %mul3A_542 : f32 to vector<16xf32>
        %mul3A_544 = arith.mulf %get3A_541, %mul3A_543 : vector<16xf32>
        %swap3A_545 = arith.index_cast %scan3A_465 : i32 to index
        %swap3A_546 = arith.constant 96 : index
        %swap3A_547 = tpu.vector_load %arg10[%swap3A_545, %swap3A_546] {strides = array<i32>} : memref<50x128xf32, #tpu.memory_space<vmem>>, vector<1x16xf32>,
        %swap3A_548 = vector.shape_cast %swap3A_547 : vector<1x16xf32> to vector<16xf32>
        %swap3A_549 = vector.shape_cast %mul3A_544 : vector<16xf32> to vector<1x16xf32>
        tpu.vector_store %arg10[%swap3A_545, %swap3A_546], %swap3A_549 {strides = array<i32>} : memref<50x128xf32, #tpu.memory_space<vmem>>, vector<1x16xf32>,
        %get3A_550 = arith.index_cast %scan3A_465 : i32 to index
        %get3A_551 = arith.constant 112 : index
        %get3A_552 = tpu.vector_load %arg10[%get3A_550, %get3A_551] {strides = array<i32>} : memref<50x128xf32, #tpu.memory_space<vmem>>, vector<1x16xf32>,
        %get3A_553 = vector.shape_cast %get3A_552 : vector<1x16xf32> to vector<16xf32>
        %mul3A_554 = arith.constant 1.000000e+01 : f32
        %mul3A_555 = vector.broadcast %mul3A_554 : f32 to vector<16xf32>
        %mul3A_556 = arith.mulf %get3A_553, %mul3A_555 : vector<16xf32>
        %swap3A_557 = arith.index_cast %scan3A_465 : i32 to index
        %swap3A_558 = arith.constant 112 : index
        %swap3A_559 = tpu.vector_load %arg10[%swap3A_557, %swap3A_558] {strides = array<i32>} : memref<50x128xf32, #tpu.memory_space<vmem>>, vector<1x16xf32>,
        %swap3A_560 = vector.shape_cast %swap3A_559 : vector<1x16xf32> to vector<16xf32>
        %swap3A_561 = vector.shape_cast %mul3A_556 : vector<16xf32> to vector<1x16xf32>
        tpu.vector_store %arg10[%swap3A_557, %swap3A_558], %swap3A_561 {strides = array<i32>} : memref<50x128xf32, #tpu.memory_space<vmem>>, vector<1x16xf32>,
        %scan3A_562 = arith.constant 2 : i32
        %scan3A_563 = arith.addi %scan3A_369, %scan3A_562 : i32
        %get3A_564 = arith.index_cast %scan3A_563 : i32 to index
        %get3A_565 = arith.constant 0 : index
        %get3A_566 = tpu.vector_load %arg10[%get3A_564, %get3A_565] {strides = array<i32>} : memref<50x128xf32, #tpu.memory_space<vmem>>, vector<1x16xf32>,
        %get3A_567 = vector.shape_cast %get3A_566 : vector<1x16xf32> to vector<16xf32>
        %mul3A_568 = arith.constant 1.000000e+01 : f32
        %mul3A_569 = vector.broadcast %mul3A_568 : f32 to vector<16xf32>
        %mul3A_570 = arith.mulf %get3A_567, %mul3A_569 : vector<16xf32>
        %swap3A_571 = arith.index_cast %scan3A_563 : i32 to index
        %swap3A_572 = arith.constant 0 : index
        %swap3A_573 = tpu.vector_load %arg10[%swap3A_571, %swap3A_572] {strides = array<i32>} : memref<50x128xf32, #tpu.memory_space<vmem>>, vector<1x16xf32>,
        %swap3A_574 = vector.shape_cast %swap3A_573 : vector<1x16xf32> to vector<16xf32>
        %swap3A_575 = vector.shape_cast %mul3A_570 : vector<16xf32> to vector<1x16xf32>
        tpu.vector_store %arg10[%swap3A_571, %swap3A_572], %swap3A_575 {strides = array<i32>} : memref<50x128xf32, #tpu.memory_space<vmem>>, vector<1x16xf32>,
        %get3A_576 = arith.index_cast %scan3A_563 : i32 to index
        %get3A_577 = arith.constant 16 : index
        %get3A_578 = tpu.vector_load %arg10[%get3A_576, %get3A_577] {strides = array<i32>} : memref<50x128xf32, #tpu.memory_space<vmem>>, vector<1x16xf32>,
        %get3A_579 = vector.shape_cast %get3A_578 : vector<1x16xf32> to vector<16xf32>
        %mul3A_580 = arith.constant 1.000000e+01 : f32
        %mul3A_581 = vector.broadcast %mul3A_580 : f32 to vector<16xf32>
        %mul3A_582 = arith.mulf %get3A_579, %mul3A_581 : vector<16xf32>
        %swap3A_583 = arith.index_cast %scan3A_563 : i32 to index
        %swap3A_584 = arith.constant 16 : index
        %swap3A_585 = tpu.vector_load %arg10[%swap3A_583, %swap3A_584] {strides = array<i32>} : memref<50x128xf32, #tpu.memory_space<vmem>>, vector<1x16xf32>,
        %swap3A_586 = vector.shape_cast %swap3A_585 : vector<1x16xf32> to vector<16xf32>
        %swap3A_587 = vector.shape_cast %mul3A_582 : vector<16xf32> to vector<1x16xf32>
        tpu.vector_store %arg10[%swap3A_583, %swap3A_584], %swap3A_587 {strides = array<i32>} : memref<50x128xf32, #tpu.memory_space<vmem>>, vector<1x16xf32>,
        %get3A_588 = arith.index_cast %scan3A_563 : i32 to index
        %get3A_589 = arith.constant 32 : index
        %get3A_590 = tpu.vector_load %arg10[%get3A_588, %get3A_589] {strides = array<i32>} : memref<50x128xf32, #tpu.memory_space<vmem>>, vector<1x16xf32>,
        %get3A_591 = vector.shape_cast %get3A_590 : vector<1x16xf32> to vector<16xf32>
        %mul3A_592 = arith.constant 1.000000e+01 : f32
        %mul3A_593 = vector.broadcast %mul3A_592 : f32 to vector<16xf32>
        %mul3A_594 = arith.mulf %get3A_591, %mul3A_593 : vector<16xf32>
        %swap3A_595 = arith.index_cast %scan3A_563 : i32 to index
        %swap3A_596 = arith.constant 32 : index
        %swap3A_597 = tpu.vector_load %arg10[%swap3A_595, %swap3A_596] {strides = array<i32>} : memref<50x128xf32, #tpu.memory_space<vmem>>, vector<1x16xf32>,
        %swap3A_598 = vector.shape_cast %swap3A_597 : vector<1x16xf32> to vector<16xf32>
        %swap3A_599 = vector.shape_cast %mul3A_594 : vector<16xf32> to vector<1x16xf32>
        tpu.vector_store %arg10[%swap3A_595, %swap3A_596], %swap3A_599 {strides = array<i32>} : memref<50x128xf32, #tpu.memory_space<vmem>>, vector<1x16xf32>,
        %get3A_600 = arith.index_cast %scan3A_563 : i32 to index
        %get3A_601 = arith.constant 48 : index
        %get3A_602 = tpu.vector_load %arg10[%get3A_600, %get3A_601] {strides = array<i32>} : memref<50x128xf32, #tpu.memory_space<vmem>>, vector<1x16xf32>,
        %get3A_603 = vector.shape_cast %get3A_602 : vector<1x16xf32> to vector<16xf32>
        %mul3A_604 = arith.constant 1.000000e+01 : f32
        %mul3A_605 = vector.broadcast %mul3A_604 : f32 to vector<16xf32>
        %mul3A_606 = arith.mulf %get3A_603, %mul3A_605 : vector<16xf32>
        %swap3A_607 = arith.index_cast %scan3A_563 : i32 to index
        %swap3A_608 = arith.constant 48 : index
        %swap3A_609 = tpu.vector_load %arg10[%swap3A_607, %swap3A_608] {strides = array<i32>} : memref<50x128xf32, #tpu.memory_space<vmem>>, vector<1x16xf32>,
        %swap3A_610 = vector.shape_cast %swap3A_609 : vector<1x16xf32> to vector<16xf32>
        %swap3A_611 = vector.shape_cast %mul3A_606 : vector<16xf32> to vector<1x16xf32>
        tpu.vector_store %arg10[%swap3A_607, %swap3A_608], %swap3A_611 {strides = array<i32>} : memref<50x128xf32, #tpu.memory_space<vmem>>, vector<1x16xf32>,
        %get3A_612 = arith.index_cast %scan3A_563 : i32 to index
        %get3A_613 = arith.constant 64 : index
        %get3A_614 = tpu.vector_load %arg10[%get3A_612, %get3A_613] {strides = array<i32>} : memref<50x128xf32, #tpu.memory_space<vmem>>, vector<1x16xf32>,
        %get3A_615 = vector.shape_cast %get3A_614 : vector<1x16xf32> to vector<16xf32>
        %mul3A_616 = arith.constant 1.000000e+01 : f32
        %mul3A_617 = vector.broadcast %mul3A_616 : f32 to vector<16xf32>
        %mul3A_618 = arith.mulf %get3A_615, %mul3A_617 : vector<16xf32>
        %swap3A_619 = arith.index_cast %scan3A_563 : i32 to index
        %swap3A_620 = arith.constant 64 : index
        %swap3A_621 = tpu.vector_load %arg10[%swap3A_619, %swap3A_620] {strides = array<i32>} : memref<50x128xf32, #tpu.memory_space<vmem>>, vector<1x16xf32>,
        %swap3A_622 = vector.shape_cast %swap3A_621 : vector<1x16xf32> to vector<16xf32>
        %swap3A_623 = vector.shape_cast %mul3A_618 : vector<16xf32> to vector<1x16xf32>
        tpu.vector_store %arg10[%swap3A_619, %swap3A_620], %swap3A_623 {strides = array<i32>} : memref<50x128xf32, #tpu.memory_space<vmem>>, vector<1x16xf32>,
        %get3A_624 = arith.index_cast %scan3A_563 : i32 to index
        %get3A_625 = arith.constant 80 : index
        %get3A_626 = tpu.vector_load %arg10[%get3A_624, %get3A_625] {strides = array<i32>} : memref<50x128xf32, #tpu.memory_space<vmem>>, vector<1x16xf32>,
        %get3A_627 = vector.shape_cast %get3A_626 : vector<1x16xf32> to vector<16xf32>
        %mul3A_628 = arith.constant 1.000000e+01 : f32
        %mul3A_629 = vector.broadcast %mul3A_628 : f32 to vector<16xf32>
        %mul3A_630 = arith.mulf %get3A_627, %mul3A_629 : vector<16xf32>
        %swap3A_631 = arith.index_cast %scan3A_563 : i32 to index
        %swap3A_632 = arith.constant 80 : index
        %swap3A_633 = tpu.vector_load %arg10[%swap3A_631, %swap3A_632] {strides = array<i32>} : memref<50x128xf32, #tpu.memory_space<vmem>>, vector<1x16xf32>,
        %swap3A_634 = vector.shape_cast %swap3A_633 : vector<1x16xf32> to vector<16xf32>
        %swap3A_635 = vector.shape_cast %mul3A_630 : vector<16xf32> to vector<1x16xf32>
        tpu.vector_store %arg10[%swap3A_631, %swap3A_632], %swap3A_635 {strides = array<i32>} : memref<50x128xf32, #tpu.memory_space<vmem>>, vector<1x16xf32>,
        %get3A_636 = arith.index_cast %scan3A_563 : i32 to index
        %get3A_637 = arith.constant 96 : index
        %get3A_638 = tpu.vector_load %arg10[%get3A_636, %get3A_637] {strides = array<i32>} : memref<50x128xf32, #tpu.memory_space<vmem>>, vector<1x16xf32>,
        %get3A_639 = vector.shape_cast %get3A_638 : vector<1x16xf32> to vector<16xf32>
        %mul3A_640 = arith.constant 1.000000e+01 : f32
        %mul3A_641 = vector.broadcast %mul3A_640 : f32 to vector<16xf32>
        %mul3A_642 = arith.mulf %get3A_639, %mul3A_641 : vector<16xf32>
        %swap3A_643 = arith.index_cast %scan3A_563 : i32 to index
        %swap3A_644 = arith.constant 96 : index
        %swap3A_645 = tpu.vector_load %arg10[%swap3A_643, %swap3A_644] {strides = array<i32>} : memref<50x128xf32, #tpu.memory_space<vmem>>, vector<1x16xf32>,
        %swap3A_646 = vector.shape_cast %swap3A_645 : vector<1x16xf32> to vector<16xf32>
        %swap3A_647 = vector.shape_cast %mul3A_642 : vector<16xf32> to vector<1x16xf32>
        tpu.vector_store %arg10[%swap3A_643, %swap3A_644], %swap3A_647 {strides = array<i32>} : memref<50x128xf32, #tpu.memory_space<vmem>>, vector<1x16xf32>,
        %get3A_648 = arith.index_cast %scan3A_563 : i32 to index
        %get3A_649 = arith.constant 112 : index
        %get3A_650 = tpu.vector_load %arg10[%get3A_648, %get3A_649] {strides = array<i32>} : memref<50x128xf32, #tpu.memory_space<vmem>>, vector<1x16xf32>,
        %get3A_651 = vector.shape_cast %get3A_650 : vector<1x16xf32> to vector<16xf32>
        %mul3A_652 = arith.constant 1.000000e+01 : f32
        %mul3A_653 = vector.broadcast %mul3A_652 : f32 to vector<16xf32>
        %mul3A_654 = arith.mulf %get3A_651, %mul3A_653 : vector<16xf32>
        %swap3A_655 = arith.index_cast %scan3A_563 : i32 to index
        %swap3A_656 = arith.constant 112 : index
        %swap3A_657 = tpu.vector_load %arg10[%swap3A_655, %swap3A_656] {strides = array<i32>} : memref<50x128xf32, #tpu.memory_space<vmem>>, vector<1x16xf32>,
        %swap3A_658 = vector.shape_cast %swap3A_657 : vector<1x16xf32> to vector<16xf32>
        %swap3A_659 = vector.shape_cast %mul3A_654 : vector<16xf32> to vector<1x16xf32>
        tpu.vector_store %arg10[%swap3A_655, %swap3A_656], %swap3A_659 {strides = array<i32>} : memref<50x128xf32, #tpu.memory_space<vmem>>, vector<1x16xf32>,
        %scan3A_660 = arith.constant 3 : i32
        %scan3A_661 = arith.addi %scan3A_369, %scan3A_660 : i32
        %get3A_662 = arith.index_cast %scan3A_661 : i32 to index
        %get3A_663 = arith.constant 0 : index
        %get3A_664 = tpu.vector_load %arg10[%get3A_662, %get3A_663] {strides = array<i32>} : memref<50x128xf32, #tpu.memory_space<vmem>>, vector<1x16xf32>,
        %get3A_665 = vector.shape_cast %get3A_664 : vector<1x16xf32> to vector<16xf32>
        %mul3A_666 = arith.constant 1.000000e+01 : f32
        %mul3A_667 = vector.broadcast %mul3A_666 : f32 to vector<16xf32>
        %mul3A_668 = arith.mulf %get3A_665, %mul3A_667 : vector<16xf32>
        %swap3A_669 = arith.index_cast %scan3A_661 : i32 to index
        %swap3A_670 = arith.constant 0 : index
        %swap3A_671 = tpu.vector_load %arg10[%swap3A_669, %swap3A_670] {strides = array<i32>} : memref<50x128xf32, #tpu.memory_space<vmem>>, vector<1x16xf32>,
        %swap3A_672 = vector.shape_cast %swap3A_671 : vector<1x16xf32> to vector<16xf32>
        %swap3A_673 = vector.shape_cast %mul3A_668 : vector<16xf32> to vector<1x16xf32>
        tpu.vector_store %arg10[%swap3A_669, %swap3A_670], %swap3A_673 {strides = array<i32>} : memref<50x128xf32, #tpu.memory_space<vmem>>, vector<1x16xf32>,
        %get3A_674 = arith.index_cast %scan3A_661 : i32 to index
        %get3A_675 = arith.constant 16 : index
        %get3A_676 = tpu.vector_load %arg10[%get3A_674, %get3A_675] {strides = array<i32>} : memref<50x128xf32, #tpu.memory_space<vmem>>, vector<1x16xf32>,
        %get3A_677 = vector.shape_cast %get3A_676 : vector<1x16xf32> to vector<16xf32>
        %mul3A_678 = arith.constant 1.000000e+01 : f32
        %mul3A_679 = vector.broadcast %mul3A_678 : f32 to vector<16xf32>
        %mul3A_680 = arith.mulf %get3A_677, %mul3A_679 : vector<16xf32>
        %swap3A_681 = arith.index_cast %scan3A_661 : i32 to index
        %swap3A_682 = arith.constant 16 : index
        %swap3A_683 = tpu.vector_load %arg10[%swap3A_681, %swap3A_682] {strides = array<i32>} : memref<50x128xf32, #tpu.memory_space<vmem>>, vector<1x16xf32>,
        %swap3A_684 = vector.shape_cast %swap3A_683 : vector<1x16xf32> to vector<16xf32>
        %swap3A_685 = vector.shape_cast %mul3A_680 : vector<16xf32> to vector<1x16xf32>
        tpu.vector_store %arg10[%swap3A_681, %swap3A_682], %swap3A_685 {strides = array<i32>} : memref<50x128xf32, #tpu.memory_space<vmem>>, vector<1x16xf32>,
        %get3A_686 = arith.index_cast %scan3A_661 : i32 to index
        %get3A_687 = arith.constant 32 : index
        %get3A_688 = tpu.vector_load %arg10[%get3A_686, %get3A_687] {strides = array<i32>} : memref<50x128xf32, #tpu.memory_space<vmem>>, vector<1x16xf32>,
        %get3A_689 = vector.shape_cast %get3A_688 : vector<1x16xf32> to vector<16xf32>
        %mul3A_690 = arith.constant 1.000000e+01 : f32
        %mul3A_691 = vector.broadcast %mul3A_690 : f32 to vector<16xf32>
        %mul3A_692 = arith.mulf %get3A_689, %mul3A_691 : vector<16xf32>
        %swap3A_693 = arith.index_cast %scan3A_661 : i32 to index
        %swap3A_694 = arith.constant 32 : index
        %swap3A_695 = tpu.vector_load %arg10[%swap3A_693, %swap3A_694] {strides = array<i32>} : memref<50x128xf32, #tpu.memory_space<vmem>>, vector<1x16xf32>,
        %swap3A_696 = vector.shape_cast %swap3A_695 : vector<1x16xf32> to vector<16xf32>
        %swap3A_697 = vector.shape_cast %mul3A_692 : vector<16xf32> to vector<1x16xf32>
        tpu.vector_store %arg10[%swap3A_693, %swap3A_694], %swap3A_697 {strides = array<i32>} : memref<50x128xf32, #tpu.memory_space<vmem>>, vector<1x16xf32>,
        %get3A_698 = arith.index_cast %scan3A_661 : i32 to index
        %get3A_699 = arith.constant 48 : index
        %get3A_700 = tpu.vector_load %arg10[%get3A_698, %get3A_699] {strides = array<i32>} : memref<50x128xf32, #tpu.memory_space<vmem>>, vector<1x16xf32>,
        %get3A_701 = vector.shape_cast %get3A_700 : vector<1x16xf32> to vector<16xf32>
        %mul3A_702 = arith.constant 1.000000e+01 : f32
        %mul3A_703 = vector.broadcast %mul3A_702 : f32 to vector<16xf32>
        %mul3A_704 = arith.mulf %get3A_701, %mul3A_703 : vector<16xf32>
        %swap3A_705 = arith.index_cast %scan3A_661 : i32 to index
        %swap3A_706 = arith.constant 48 : index
        %swap3A_707 = tpu.vector_load %arg10[%swap3A_705, %swap3A_706] {strides = array<i32>} : memref<50x128xf32, #tpu.memory_space<vmem>>, vector<1x16xf32>,
        %swap3A_708 = vector.shape_cast %swap3A_707 : vector<1x16xf32> to vector<16xf32>
        %swap3A_709 = vector.shape_cast %mul3A_704 : vector<16xf32> to vector<1x16xf32>
        tpu.vector_store %arg10[%swap3A_705, %swap3A_706], %swap3A_709 {strides = array<i32>} : memref<50x128xf32, #tpu.memory_space<vmem>>, vector<1x16xf32>,
        %get3A_710 = arith.index_cast %scan3A_661 : i32 to index
        %get3A_711 = arith.constant 64 : index
        %get3A_712 = tpu.vector_load %arg10[%get3A_710, %get3A_711] {strides = array<i32>} : memref<50x128xf32, #tpu.memory_space<vmem>>, vector<1x16xf32>,
        %get3A_713 = vector.shape_cast %get3A_712 : vector<1x16xf32> to vector<16xf32>
        %mul3A_714 = arith.constant 1.000000e+01 : f32
        %mul3A_715 = vector.broadcast %mul3A_714 : f32 to vector<16xf32>
        %mul3A_716 = arith.mulf %get3A_713, %mul3A_715 : vector<16xf32>
        %swap3A_717 = arith.index_cast %scan3A_661 : i32 to index
        %swap3A_718 = arith.constant 64 : index
        %swap3A_719 = tpu.vector_load %arg10[%swap3A_717, %swap3A_718] {strides = array<i32>} : memref<50x128xf32, #tpu.memory_space<vmem>>, vector<1x16xf32>,
        %swap3A_720 = vector.shape_cast %swap3A_719 : vector<1x16xf32> to vector<16xf32>
        %swap3A_721 = vector.shape_cast %mul3A_716 : vector<16xf32> to vector<1x16xf32>
        tpu.vector_store %arg10[%swap3A_717, %swap3A_718], %swap3A_721 {strides = array<i32>} : memref<50x128xf32, #tpu.memory_space<vmem>>, vector<1x16xf32>,
        %get3A_722 = arith.index_cast %scan3A_661 : i32 to index
        %get3A_723 = arith.constant 80 : index
        %get3A_724 = tpu.vector_load %arg10[%get3A_722, %get3A_723] {strides = array<i32>} : memref<50x128xf32, #tpu.memory_space<vmem>>, vector<1x16xf32>,
        %get3A_725 = vector.shape_cast %get3A_724 : vector<1x16xf32> to vector<16xf32>
        %mul3A_726 = arith.constant 1.000000e+01 : f32
        %mul3A_727 = vector.broadcast %mul3A_726 : f32 to vector<16xf32>
        %mul3A_728 = arith.mulf %get3A_725, %mul3A_727 : vector<16xf32>
        %swap3A_729 = arith.index_cast %scan3A_661 : i32 to index
        %swap3A_730 = arith.constant 80 : index
        %swap3A_731 = tpu.vector_load %arg10[%swap3A_729, %swap3A_730] {strides = array<i32>} : memref<50x128xf32, #tpu.memory_space<vmem>>, vector<1x16xf32>,
        %swap3A_732 = vector.shape_cast %swap3A_731 : vector<1x16xf32> to vector<16xf32>
        %swap3A_733 = vector.shape_cast %mul3A_728 : vector<16xf32> to vector<1x16xf32>
        tpu.vector_store %arg10[%swap3A_729, %swap3A_730], %swap3A_733 {strides = array<i32>} : memref<50x128xf32, #tpu.memory_space<vmem>>, vector<1x16xf32>,
        %get3A_734 = arith.index_cast %scan3A_661 : i32 to index
        %get3A_735 = arith.constant 96 : index
        %get3A_736 = tpu.vector_load %arg10[%get3A_734, %get3A_735] {strides = array<i32>} : memref<50x128xf32, #tpu.memory_space<vmem>>, vector<1x16xf32>,
        %get3A_737 = vector.shape_cast %get3A_736 : vector<1x16xf32> to vector<16xf32>
        %mul3A_738 = arith.constant 1.000000e+01 : f32
        %mul3A_739 = vector.broadcast %mul3A_738 : f32 to vector<16xf32>
        %mul3A_740 = arith.mulf %get3A_737, %mul3A_739 : vector<16xf32>
        %swap3A_741 = arith.index_cast %scan3A_661 : i32 to index
        %swap3A_742 = arith.constant 96 : index
        %swap3A_743 = tpu.vector_load %arg10[%swap3A_741, %swap3A_742] {strides = array<i32>} : memref<50x128xf32, #tpu.memory_space<vmem>>, vector<1x16xf32>,
        %swap3A_744 = vector.shape_cast %swap3A_743 : vector<1x16xf32> to vector<16xf32>
        %swap3A_745 = vector.shape_cast %mul3A_740 : vector<16xf32> to vector<1x16xf32>
        tpu.vector_store %arg10[%swap3A_741, %swap3A_742], %swap3A_745 {strides = array<i32>} : memref<50x128xf32, #tpu.memory_space<vmem>>, vector<1x16xf32>,
        %get3A_746 = arith.index_cast %scan3A_661 : i32 to index
        %get3A_747 = arith.constant 112 : index
        %get3A_748 = tpu.vector_load %arg10[%get3A_746, %get3A_747] {strides = array<i32>} : memref<50x128xf32, #tpu.memory_space<vmem>>, vector<1x16xf32>,
        %get3A_749 = vector.shape_cast %get3A_748 : vector<1x16xf32> to vector<16xf32>
        %mul3A_750 = arith.constant 1.000000e+01 : f32
        %mul3A_751 = vector.broadcast %mul3A_750 : f32 to vector<16xf32>
        %mul3A_752 = arith.mulf %get3A_749, %mul3A_751 : vector<16xf32>
        %swap3A_753 = arith.index_cast %scan3A_661 : i32 to index
        %swap3A_754 = arith.constant 112 : index
        %swap3A_755 = tpu.vector_load %arg10[%swap3A_753, %swap3A_754] {strides = array<i32>} : memref<50x128xf32, #tpu.memory_space<vmem>>, vector<1x16xf32>,
        %swap3A_756 = vector.shape_cast %swap3A_755 : vector<1x16xf32> to vector<16xf32>
        %swap3A_757 = vector.shape_cast %mul3A_752 : vector<16xf32> to vector<1x16xf32>
        tpu.vector_store %arg10[%swap3A_753, %swap3A_754], %swap3A_757 {strides = array<i32>} : memref<50x128xf32, #tpu.memory_space<vmem>>, vector<1x16xf32>,
        %scan3A_758 = arith.constant 4 : i32
        %scan3A_759 = arith.addi %scan3A_369, %scan3A_758 : i32
        %get3A_760 = arith.index_cast %scan3A_759 : i32 to index
        %get3A_761 = arith.constant 0 : index
        %get3A_762 = tpu.vector_load %arg10[%get3A_760, %get3A_761] {strides = array<i32>} : memref<50x128xf32, #tpu.memory_space<vmem>>, vector<1x16xf32>,
        %get3A_763 = vector.shape_cast %get3A_762 : vector<1x16xf32> to vector<16xf32>
        %mul3A_764 = arith.constant 1.000000e+01 : f32
        %mul3A_765 = vector.broadcast %mul3A_764 : f32 to vector<16xf32>
        %mul3A_766 = arith.mulf %get3A_763, %mul3A_765 : vector<16xf32>
        %swap3A_767 = arith.index_cast %scan3A_759 : i32 to index
        %swap3A_768 = arith.constant 0 : index
        %swap3A_769 = tpu.vector_load %arg10[%swap3A_767, %swap3A_768] {strides = array<i32>} : memref<50x128xf32, #tpu.memory_space<vmem>>, vector<1x16xf32>,
        %swap3A_770 = vector.shape_cast %swap3A_769 : vector<1x16xf32> to vector<16xf32>
        %swap3A_771 = vector.shape_cast %mul3A_766 : vector<16xf32> to vector<1x16xf32>
        tpu.vector_store %arg10[%swap3A_767, %swap3A_768], %swap3A_771 {strides = array<i32>} : memref<50x128xf32, #tpu.memory_space<vmem>>, vector<1x16xf32>,
        %get3A_772 = arith.index_cast %scan3A_759 : i32 to index
        %get3A_773 = arith.constant 16 : index
        %get3A_774 = tpu.vector_load %arg10[%get3A_772, %get3A_773] {strides = array<i32>} : memref<50x128xf32, #tpu.memory_space<vmem>>, vector<1x16xf32>,
        %get3A_775 = vector.shape_cast %get3A_774 : vector<1x16xf32> to vector<16xf32>
        %mul3A_776 = arith.constant 1.000000e+01 : f32
        %mul3A_777 = vector.broadcast %mul3A_776 : f32 to vector<16xf32>
        %mul3A_778 = arith.mulf %get3A_775, %mul3A_777 : vector<16xf32>
        %swap3A_779 = arith.index_cast %scan3A_759 : i32 to index
        %swap3A_780 = arith.constant 16 : index
        %swap3A_781 = tpu.vector_load %arg10[%swap3A_779, %swap3A_780] {strides = array<i32>} : memref<50x128xf32, #tpu.memory_space<vmem>>, vector<1x16xf32>,
        %swap3A_782 = vector.shape_cast %swap3A_781 : vector<1x16xf32> to vector<16xf32>
        %swap3A_783 = vector.shape_cast %mul3A_778 : vector<16xf32> to vector<1x16xf32>
        tpu.vector_store %arg10[%swap3A_779, %swap3A_780], %swap3A_783 {strides = array<i32>} : memref<50x128xf32, #tpu.memory_space<vmem>>, vector<1x16xf32>,
        %get3A_784 = arith.index_cast %scan3A_759 : i32 to index
        %get3A_785 = arith.constant 32 : index
        %get3A_786 = tpu.vector_load %arg10[%get3A_784, %get3A_785] {strides = array<i32>} : memref<50x128xf32, #tpu.memory_space<vmem>>, vector<1x16xf32>,
        %get3A_787 = vector.shape_cast %get3A_786 : vector<1x16xf32> to vector<16xf32>
        %mul3A_788 = arith.constant 1.000000e+01 : f32
        %mul3A_789 = vector.broadcast %mul3A_788 : f32 to vector<16xf32>
        %mul3A_790 = arith.mulf %get3A_787, %mul3A_789 : vector<16xf32>
        %swap3A_791 = arith.index_cast %scan3A_759 : i32 to index
        %swap3A_792 = arith.constant 32 : index
        %swap3A_793 = tpu.vector_load %arg10[%swap3A_791, %swap3A_792] {strides = array<i32>} : memref<50x128xf32, #tpu.memory_space<vmem>>, vector<1x16xf32>,
        %swap3A_794 = vector.shape_cast %swap3A_793 : vector<1x16xf32> to vector<16xf32>
        %swap3A_795 = vector.shape_cast %mul3A_790 : vector<16xf32> to vector<1x16xf32>
        tpu.vector_store %arg10[%swap3A_791, %swap3A_792], %swap3A_795 {strides = array<i32>} : memref<50x128xf32, #tpu.memory_space<vmem>>, vector<1x16xf32>,
        %get3A_796 = arith.index_cast %scan3A_759 : i32 to index
        %get3A_797 = arith.constant 48 : index
        %get3A_798 = tpu.vector_load %arg10[%get3A_796, %get3A_797] {strides = array<i32>} : memref<50x128xf32, #tpu.memory_space<vmem>>, vector<1x16xf32>,
        %get3A_799 = vector.shape_cast %get3A_798 : vector<1x16xf32> to vector<16xf32>
        %mul3A_800 = arith.constant 1.000000e+01 : f32
        %mul3A_801 = vector.broadcast %mul3A_800 : f32 to vector<16xf32>
        %mul3A_802 = arith.mulf %get3A_799, %mul3A_801 : vector<16xf32>
        %swap3A_803 = arith.index_cast %scan3A_759 : i32 to index
        %swap3A_804 = arith.constant 48 : index
        %swap3A_805 = tpu.vector_load %arg10[%swap3A_803, %swap3A_804] {strides = array<i32>} : memref<50x128xf32, #tpu.memory_space<vmem>>, vector<1x16xf32>,
        %swap3A_806 = vector.shape_cast %swap3A_805 : vector<1x16xf32> to vector<16xf32>
        %swap3A_807 = vector.shape_cast %mul3A_802 : vector<16xf32> to vector<1x16xf32>
        tpu.vector_store %arg10[%swap3A_803, %swap3A_804], %swap3A_807 {strides = array<i32>} : memref<50x128xf32, #tpu.memory_space<vmem>>, vector<1x16xf32>,
        %get3A_808 = arith.index_cast %scan3A_759 : i32 to index
        %get3A_809 = arith.constant 64 : index
        %get3A_810 = tpu.vector_load %arg10[%get3A_808, %get3A_809] {strides = array<i32>} : memref<50x128xf32, #tpu.memory_space<vmem>>, vector<1x16xf32>,
        %get3A_811 = vector.shape_cast %get3A_810 : vector<1x16xf32> to vector<16xf32>
        %mul3A_812 = arith.constant 1.000000e+01 : f32
        %mul3A_813 = vector.broadcast %mul3A_812 : f32 to vector<16xf32>
        %mul3A_814 = arith.mulf %get3A_811, %mul3A_813 : vector<16xf32>
        %swap3A_815 = arith.index_cast %scan3A_759 : i32 to index
        %swap3A_816 = arith.constant 64 : index
        %swap3A_817 = tpu.vector_load %arg10[%swap3A_815, %swap3A_816] {strides = array<i32>} : memref<50x128xf32, #tpu.memory_space<vmem>>, vector<1x16xf32>,
        %swap3A_818 = vector.shape_cast %swap3A_817 : vector<1x16xf32> to vector<16xf32>
        %swap3A_819 = vector.shape_cast %mul3A_814 : vector<16xf32> to vector<1x16xf32>
        tpu.vector_store %arg10[%swap3A_815, %swap3A_816], %swap3A_819 {strides = array<i32>} : memref<50x128xf32, #tpu.memory_space<vmem>>, vector<1x16xf32>,
        %get3A_820 = arith.index_cast %scan3A_759 : i32 to index
        %get3A_821 = arith.constant 80 : index
        %get3A_822 = tpu.vector_load %arg10[%get3A_820, %get3A_821] {strides = array<i32>} : memref<50x128xf32, #tpu.memory_space<vmem>>, vector<1x16xf32>,
        %get3A_823 = vector.shape_cast %get3A_822 : vector<1x16xf32> to vector<16xf32>
        %mul3A_824 = arith.constant 1.000000e+01 : f32
        %mul3A_825 = vector.broadcast %mul3A_824 : f32 to vector<16xf32>
        %mul3A_826 = arith.mulf %get3A_823, %mul3A_825 : vector<16xf32>
        %swap3A_827 = arith.index_cast %scan3A_759 : i32 to index
        %swap3A_828 = arith.constant 80 : index
        %swap3A_829 = tpu.vector_load %arg10[%swap3A_827, %swap3A_828] {strides = array<i32>} : memref<50x128xf32, #tpu.memory_space<vmem>>, vector<1x16xf32>,
        %swap3A_830 = vector.shape_cast %swap3A_829 : vector<1x16xf32> to vector<16xf32>
        %swap3A_831 = vector.shape_cast %mul3A_826 : vector<16xf32> to vector<1x16xf32>
        tpu.vector_store %arg10[%swap3A_827, %swap3A_828], %swap3A_831 {strides = array<i32>} : memref<50x128xf32, #tpu.memory_space<vmem>>, vector<1x16xf32>,
        %get3A_832 = arith.index_cast %scan3A_759 : i32 to index
        %get3A_833 = arith.constant 96 : index
        %get3A_834 = tpu.vector_load %arg10[%get3A_832, %get3A_833] {strides = array<i32>} : memref<50x128xf32, #tpu.memory_space<vmem>>, vector<1x16xf32>,
        %get3A_835 = vector.shape_cast %get3A_834 : vector<1x16xf32> to vector<16xf32>
        %mul3A_836 = arith.constant 1.000000e+01 : f32
        %mul3A_837 = vector.broadcast %mul3A_836 : f32 to vector<16xf32>
        %mul3A_838 = arith.mulf %get3A_835, %mul3A_837 : vector<16xf32>
        %swap3A_839 = arith.index_cast %scan3A_759 : i32 to index
        %swap3A_840 = arith.constant 96 : index
        %swap3A_841 = tpu.vector_load %arg10[%swap3A_839, %swap3A_840] {strides = array<i32>} : memref<50x128xf32, #tpu.memory_space<vmem>>, vector<1x16xf32>,
        %swap3A_842 = vector.shape_cast %swap3A_841 : vector<1x16xf32> to vector<16xf32>
        %swap3A_843 = vector.shape_cast %mul3A_838 : vector<16xf32> to vector<1x16xf32>
        tpu.vector_store %arg10[%swap3A_839, %swap3A_840], %swap3A_843 {strides = array<i32>} : memref<50x128xf32, #tpu.memory_space<vmem>>, vector<1x16xf32>,
        %get3A_844 = arith.index_cast %scan3A_759 : i32 to index
        %get3A_845 = arith.constant 112 : index
        %get3A_846 = tpu.vector_load %arg10[%get3A_844, %get3A_845] {strides = array<i32>} : memref<50x128xf32, #tpu.memory_space<vmem>>, vector<1x16xf32>,
        %get3A_847 = vector.shape_cast %get3A_846 : vector<1x16xf32> to vector<16xf32>
        %mul3A_848 = arith.constant 1.000000e+01 : f32
        %mul3A_849 = vector.broadcast %mul3A_848 : f32 to vector<16xf32>
        %mul3A_850 = arith.mulf %get3A_847, %mul3A_849 : vector<16xf32>
        %swap3A_851 = arith.index_cast %scan3A_759 : i32 to index
        %swap3A_852 = arith.constant 112 : index
        %swap3A_853 = tpu.vector_load %arg10[%swap3A_851, %swap3A_852] {strides = array<i32>} : memref<50x128xf32, #tpu.memory_space<vmem>>, vector<1x16xf32>,
        %swap3A_854 = vector.shape_cast %swap3A_853 : vector<1x16xf32> to vector<16xf32>
        %swap3A_855 = vector.shape_cast %mul3A_850 : vector<16xf32> to vector<1x16xf32>
        tpu.vector_store %arg10[%swap3A_851, %swap3A_852], %swap3A_855 {strides = array<i32>} : memref<50x128xf32, #tpu.memory_space<vmem>>, vector<1x16xf32>,
      }
      %scan3A_248 = arith.constant 50 : i32
      %add3A_249 = arith.addi %mul3A_4, %add3A_224 : i32
      %dma_start3A_250 = arith.constant 0 : i32
      %dma_start3A_251 = arith.constant 0 : i32
      %dma_start3A_252 = tpu.memref_slice %arg4[%add3A_249, %dma_start3A_250, %dma_start3A_251] : memref<4096x50x128xf32, #tpu.memory_space<hbm>> -> memref<1x50x128xf32, #tpu.memory_space<hbm>>
      %dma_start3A_253 = tpu.memref_squeeze %dma_start3A_252 : memref<1x50x128xf32, #tpu.memory_space<hbm>> -> memref<50x128xf32, #tpu.memory_space<hbm>>
      %dma_start3A_254 = arith.constant 0 : i32
      %dma_start3A_255 = arith.constant 0 : i32
      %dma_start3A_256 = tpu.memref_slice %arg4[%add3A_249, %dma_start3A_254, %dma_start3A_255] : memref<4096x50x128xf32, #tpu.memory_space<hbm>> -> memref<1x50x128xf32, #tpu.memory_space<hbm>>
      %dma_start3A_257 = tpu.memref_squeeze %dma_start3A_256 : memref<1x50x128xf32, #tpu.memory_space<hbm>> -> memref<50x128xf32, #tpu.memory_space<hbm>>
      tpu.enqueue_dma source(%arg10 : memref<50x128xf32, #tpu.memory_space<vmem>>) target(%dma_start3A_257 : memref<50x128xf32, #tpu.memory_space<hbm>>) target_semaphore(%arg26 : memref<!tpu.dma_semaphore, #tpu.memory_space<semaphore_mem>>)
      %mul3A_258 = arith.constant 8 : i32
      %mul3A_259 = arith.muli %mul3A_258, %scan3A_76 : i32
      %add3A_260 = arith.constant 5 : i32
      %add3A_261 = arith.addi %mul3A_259, %add3A_260 : i32
      %ge3A_262 = arith.constant 4 : i32
      %ge3A_263 = arith.cmpi sge, %add3A_261, %ge3A_262 : i32
      %convert_element_type3A_264 = arith.extui %ge3A_263 : i1 to i32
      %cond3A_265 = arith.constant 0 : i32
      %cond3A_266 = arith.cmpi ne, %convert_element_type3A_264, %cond3A_265 : i32
      scf.if %cond3A_266 {
        %sub3A = arith.constant 4 : i32
        %sub3A_369 = arith.subi %add3A_261, %sub3A : i32
        %add3A_370 = arith.addi %mul3A_4, %sub3A_369 : i32
        %dma_wait3A_371 = arith.constant 0 : i32
        %dma_wait3A_372 = arith.constant 0 : i32
        %dma_wait3A_373 = tpu.memref_slice %arg4[%add3A_370, %dma_wait3A_371, %dma_wait3A_372] : memref<4096x50x128xf32, #tpu.memory_space<hbm>> -> memref<1x50x128xf32, #tpu.memory_space<hbm>>
        %dma_wait3A_374 = tpu.memref_squeeze %dma_wait3A_373 : memref<1x50x128xf32, #tpu.memory_space<hbm>> -> memref<50x128xf32, #tpu.memory_space<hbm>>
        %dma_wait3A_375 = arith.constant 0 : i32
        %dma_wait3A_376 = arith.constant 0 : i32
        %dma_wait3A_377 = tpu.memref_slice %arg4[%add3A_370, %dma_wait3A_375, %dma_wait3A_376] : memref<4096x50x128xf32, #tpu.memory_space<hbm>> -> memref<1x50x128xf32, #tpu.memory_space<hbm>>
        %dma_wait3A_378 = tpu.memref_squeeze %dma_wait3A_377 : memref<1x50x128xf32, #tpu.memory_space<hbm>> -> memref<50x128xf32, #tpu.memory_space<hbm>>
        tpu.wait_dma2 semaphore(%arg23 : memref<!tpu.dma_semaphore, #tpu.memory_space<semaphore_mem>>) src(%arg7 : memref<50x128xf32, #tpu.memory_space<vmem>>) dst(%dma_wait3A_378 : memref<50x128xf32, #tpu.memory_space<hbm>>)
      } else {
      }
      %add3A_267 = arith.constant 4 : i32
      %add3A_268 = arith.addi %add3A_261, %add3A_267 : i32
      %lt3A_269 = arith.constant 128 : i32
      %lt3A_270 = arith.cmpi slt, %add3A_268, %lt3A_269 : i32
      %convert_element_type3A_271 = arith.extui %lt3A_270 : i1 to i32
      %cond3A_272 = arith.constant 0 : i32
      %cond3A_273 = arith.cmpi ne, %convert_element_type3A_271, %cond3A_272 : i32
      scf.if %cond3A_273 {
        %add3A_369 = arith.constant 4 : i32
        %add3A_370 = arith.addi %add3A_261, %add3A_369 : i32
        %dma_start3A_371 = arith.constant 0 : i32
        %dma_start3A_372 = tpu.memref_slice %arg5[%add3A_370, %dma_start3A_371] : memref<128x50xi32, #tpu.memory_space<vmem>> -> memref<1x50xi32, #tpu.memory_space<vmem>>
        %dma_start3A_373 = tpu.memref_squeeze %dma_start3A_372 : memref<1x50xi32, #tpu.memory_space<vmem>> -> memref<50xi32, #tpu.memory_space<vmem>>
        %dma_start3A_374 = arith.constant 0 : i32
        %dma_start3A_375 = arith.constant 0 : i32
        %dma_start3A_376 = tpu.memref_slice %arg2[%dma_start3A_374, %dma_start3A_375] : memref<100000x128xf32, #tpu.memory_space<hbm>> -> memref<100000x128xf32, #tpu.memory_space<hbm>>
        tpu.enqueue_indirect_dma source(%dma_start3A_376 : memref<100000x128xf32, #tpu.memory_space<hbm>>) target(%arg7 : memref<50x128xf32, #tpu.memory_space<vmem>>) offsets(%dma_start3A_373 : memref<50xi32, #tpu.memory_space<vmem>>) semaphore(%arg15 : memref<!tpu.dma_semaphore, #tpu.memory_space<semaphore_mem>>)
      } else {
      }
      %dma_wait3A_274 = arith.constant 0 : i32
      %dma_wait3A_275 = tpu.memref_slice %arg5[%add3A_261, %dma_wait3A_274] : memref<128x50xi32, #tpu.memory_space<vmem>> -> memref<1x50xi32, #tpu.memory_space<vmem>>
      %dma_wait3A_276 = tpu.memref_squeeze %dma_wait3A_275 : memref<1x50xi32, #tpu.memory_space<vmem>> -> memref<50xi32, #tpu.memory_space<vmem>>
      %dma_wait3A_277 = arith.constant 0 : i32
      %dma_wait3A_278 = arith.constant 0 : i32
      %dma_wait3A_279 = tpu.memref_slice %arg2[%dma_wait3A_277, %dma_wait3A_278] : memref<100000x128xf32, #tpu.memory_space<hbm>> -> memref<100000x128xf32, #tpu.memory_space<hbm>>
      tpu.wait_indirect_dma semaphore(%arg19 : memref<!tpu.dma_semaphore, #tpu.memory_space<semaphore_mem>>) src(%dma_wait3A_279 : memref<100000x128xf32, #tpu.memory_space<hbm>>) dst(%arg11 : memref<50x128xf32, #tpu.memory_space<vmem>>)
      %scan3A_280 = arith.constant 0 : i32
      %scan3A_281 = arith.constant 0 : i32
      %scan3A_282 = arith.constant 50 : i32
      %scan3A_283 = arith.addi %scan3A_281, %scan3A_282 : i32
      %scan3A_284 = arith.constant 5 : i32
      scf.for %scan3A_369 = %scan3A_281 to %scan3A_283 step %scan3A_284  : i32 {
        %get3A = arith.index_cast %scan3A_369 : i32 to index
        %get3A_370 = arith.constant 0 : index
        %get3A_371 = tpu.vector_load %arg11[%get3A, %get3A_370] {strides = array<i32>} : memref<50x128xf32, #tpu.memory_space<vmem>>, vector<1x16xf32>,
        %get3A_372 = vector.shape_cast %get3A_371 : vector<1x16xf32> to vector<16xf32>
        %mul3A_373 = arith.constant 1.000000e+01 : f32
        %mul3A_374 = vector.broadcast %mul3A_373 : f32 to vector<16xf32>
        %mul3A_375 = arith.mulf %get3A_372, %mul3A_374 : vector<16xf32>
        %swap3A = arith.index_cast %scan3A_369 : i32 to index
        %swap3A_376 = arith.constant 0 : index
        %swap3A_377 = tpu.vector_load %arg11[%swap3A, %swap3A_376] {strides = array<i32>} : memref<50x128xf32, #tpu.memory_space<vmem>>, vector<1x16xf32>,
        %swap3A_378 = vector.shape_cast %swap3A_377 : vector<1x16xf32> to vector<16xf32>
        %swap3A_379 = vector.shape_cast %mul3A_375 : vector<16xf32> to vector<1x16xf32>
        tpu.vector_store %arg11[%swap3A, %swap3A_376], %swap3A_379 {strides = array<i32>} : memref<50x128xf32, #tpu.memory_space<vmem>>, vector<1x16xf32>,
        %get3A_380 = arith.index_cast %scan3A_369 : i32 to index
        %get3A_381 = arith.constant 16 : index
        %get3A_382 = tpu.vector_load %arg11[%get3A_380, %get3A_381] {strides = array<i32>} : memref<50x128xf32, #tpu.memory_space<vmem>>, vector<1x16xf32>,
        %get3A_383 = vector.shape_cast %get3A_382 : vector<1x16xf32> to vector<16xf32>
        %mul3A_384 = arith.constant 1.000000e+01 : f32
        %mul3A_385 = vector.broadcast %mul3A_384 : f32 to vector<16xf32>
        %mul3A_386 = arith.mulf %get3A_383, %mul3A_385 : vector<16xf32>
        %swap3A_387 = arith.index_cast %scan3A_369 : i32 to index
        %swap3A_388 = arith.constant 16 : index
        %swap3A_389 = tpu.vector_load %arg11[%swap3A_387, %swap3A_388] {strides = array<i32>} : memref<50x128xf32, #tpu.memory_space<vmem>>, vector<1x16xf32>,
        %swap3A_390 = vector.shape_cast %swap3A_389 : vector<1x16xf32> to vector<16xf32>
        %swap3A_391 = vector.shape_cast %mul3A_386 : vector<16xf32> to vector<1x16xf32>
        tpu.vector_store %arg11[%swap3A_387, %swap3A_388], %swap3A_391 {strides = array<i32>} : memref<50x128xf32, #tpu.memory_space<vmem>>, vector<1x16xf32>,
        %get3A_392 = arith.index_cast %scan3A_369 : i32 to index
        %get3A_393 = arith.constant 32 : index
        %get3A_394 = tpu.vector_load %arg11[%get3A_392, %get3A_393] {strides = array<i32>} : memref<50x128xf32, #tpu.memory_space<vmem>>, vector<1x16xf32>,
        %get3A_395 = vector.shape_cast %get3A_394 : vector<1x16xf32> to vector<16xf32>
        %mul3A_396 = arith.constant 1.000000e+01 : f32
        %mul3A_397 = vector.broadcast %mul3A_396 : f32 to vector<16xf32>
        %mul3A_398 = arith.mulf %get3A_395, %mul3A_397 : vector<16xf32>
        %swap3A_399 = arith.index_cast %scan3A_369 : i32 to index
        %swap3A_400 = arith.constant 32 : index
        %swap3A_401 = tpu.vector_load %arg11[%swap3A_399, %swap3A_400] {strides = array<i32>} : memref<50x128xf32, #tpu.memory_space<vmem>>, vector<1x16xf32>,
        %swap3A_402 = vector.shape_cast %swap3A_401 : vector<1x16xf32> to vector<16xf32>
        %swap3A_403 = vector.shape_cast %mul3A_398 : vector<16xf32> to vector<1x16xf32>
        tpu.vector_store %arg11[%swap3A_399, %swap3A_400], %swap3A_403 {strides = array<i32>} : memref<50x128xf32, #tpu.memory_space<vmem>>, vector<1x16xf32>,
        %get3A_404 = arith.index_cast %scan3A_369 : i32 to index
        %get3A_405 = arith.constant 48 : index
        %get3A_406 = tpu.vector_load %arg11[%get3A_404, %get3A_405] {strides = array<i32>} : memref<50x128xf32, #tpu.memory_space<vmem>>, vector<1x16xf32>,
        %get3A_407 = vector.shape_cast %get3A_406 : vector<1x16xf32> to vector<16xf32>
        %mul3A_408 = arith.constant 1.000000e+01 : f32
        %mul3A_409 = vector.broadcast %mul3A_408 : f32 to vector<16xf32>
        %mul3A_410 = arith.mulf %get3A_407, %mul3A_409 : vector<16xf32>
        %swap3A_411 = arith.index_cast %scan3A_369 : i32 to index
        %swap3A_412 = arith.constant 48 : index
        %swap3A_413 = tpu.vector_load %arg11[%swap3A_411, %swap3A_412] {strides = array<i32>} : memref<50x128xf32, #tpu.memory_space<vmem>>, vector<1x16xf32>,
        %swap3A_414 = vector.shape_cast %swap3A_413 : vector<1x16xf32> to vector<16xf32>
        %swap3A_415 = vector.shape_cast %mul3A_410 : vector<16xf32> to vector<1x16xf32>
        tpu.vector_store %arg11[%swap3A_411, %swap3A_412], %swap3A_415 {strides = array<i32>} : memref<50x128xf32, #tpu.memory_space<vmem>>, vector<1x16xf32>,
        %get3A_416 = arith.index_cast %scan3A_369 : i32 to index
        %get3A_417 = arith.constant 64 : index
        %get3A_418 = tpu.vector_load %arg11[%get3A_416, %get3A_417] {strides = array<i32>} : memref<50x128xf32, #tpu.memory_space<vmem>>, vector<1x16xf32>,
        %get3A_419 = vector.shape_cast %get3A_418 : vector<1x16xf32> to vector<16xf32>
        %mul3A_420 = arith.constant 1.000000e+01 : f32
        %mul3A_421 = vector.broadcast %mul3A_420 : f32 to vector<16xf32>
        %mul3A_422 = arith.mulf %get3A_419, %mul3A_421 : vector<16xf32>
        %swap3A_423 = arith.index_cast %scan3A_369 : i32 to index
        %swap3A_424 = arith.constant 64 : index
        %swap3A_425 = tpu.vector_load %arg11[%swap3A_423, %swap3A_424] {strides = array<i32>} : memref<50x128xf32, #tpu.memory_space<vmem>>, vector<1x16xf32>,
        %swap3A_426 = vector.shape_cast %swap3A_425 : vector<1x16xf32> to vector<16xf32>
        %swap3A_427 = vector.shape_cast %mul3A_422 : vector<16xf32> to vector<1x16xf32>
        tpu.vector_store %arg11[%swap3A_423, %swap3A_424], %swap3A_427 {strides = array<i32>} : memref<50x128xf32, #tpu.memory_space<vmem>>, vector<1x16xf32>,
        %get3A_428 = arith.index_cast %scan3A_369 : i32 to index
        %get3A_429 = arith.constant 80 : index
        %get3A_430 = tpu.vector_load %arg11[%get3A_428, %get3A_429] {strides = array<i32>} : memref<50x128xf32, #tpu.memory_space<vmem>>, vector<1x16xf32>,
        %get3A_431 = vector.shape_cast %get3A_430 : vector<1x16xf32> to vector<16xf32>
        %mul3A_432 = arith.constant 1.000000e+01 : f32
        %mul3A_433 = vector.broadcast %mul3A_432 : f32 to vector<16xf32>
        %mul3A_434 = arith.mulf %get3A_431, %mul3A_433 : vector<16xf32>
        %swap3A_435 = arith.index_cast %scan3A_369 : i32 to index
        %swap3A_436 = arith.constant 80 : index
        %swap3A_437 = tpu.vector_load %arg11[%swap3A_435, %swap3A_436] {strides = array<i32>} : memref<50x128xf32, #tpu.memory_space<vmem>>, vector<1x16xf32>,
        %swap3A_438 = vector.shape_cast %swap3A_437 : vector<1x16xf32> to vector<16xf32>
        %swap3A_439 = vector.shape_cast %mul3A_434 : vector<16xf32> to vector<1x16xf32>
        tpu.vector_store %arg11[%swap3A_435, %swap3A_436], %swap3A_439 {strides = array<i32>} : memref<50x128xf32, #tpu.memory_space<vmem>>, vector<1x16xf32>,
        %get3A_440 = arith.index_cast %scan3A_369 : i32 to index
        %get3A_441 = arith.constant 96 : index
        %get3A_442 = tpu.vector_load %arg11[%get3A_440, %get3A_441] {strides = array<i32>} : memref<50x128xf32, #tpu.memory_space<vmem>>, vector<1x16xf32>,
        %get3A_443 = vector.shape_cast %get3A_442 : vector<1x16xf32> to vector<16xf32>
        %mul3A_444 = arith.constant 1.000000e+01 : f32
        %mul3A_445 = vector.broadcast %mul3A_444 : f32 to vector<16xf32>
        %mul3A_446 = arith.mulf %get3A_443, %mul3A_445 : vector<16xf32>
        %swap3A_447 = arith.index_cast %scan3A_369 : i32 to index
        %swap3A_448 = arith.constant 96 : index
        %swap3A_449 = tpu.vector_load %arg11[%swap3A_447, %swap3A_448] {strides = array<i32>} : memref<50x128xf32, #tpu.memory_space<vmem>>, vector<1x16xf32>,
        %swap3A_450 = vector.shape_cast %swap3A_449 : vector<1x16xf32> to vector<16xf32>
        %swap3A_451 = vector.shape_cast %mul3A_446 : vector<16xf32> to vector<1x16xf32>
        tpu.vector_store %arg11[%swap3A_447, %swap3A_448], %swap3A_451 {strides = array<i32>} : memref<50x128xf32, #tpu.memory_space<vmem>>, vector<1x16xf32>,
        %get3A_452 = arith.index_cast %scan3A_369 : i32 to index
        %get3A_453 = arith.constant 112 : index
        %get3A_454 = tpu.vector_load %arg11[%get3A_452, %get3A_453] {strides = array<i32>} : memref<50x128xf32, #tpu.memory_space<vmem>>, vector<1x16xf32>,
        %get3A_455 = vector.shape_cast %get3A_454 : vector<1x16xf32> to vector<16xf32>
        %mul3A_456 = arith.constant 1.000000e+01 : f32
        %mul3A_457 = vector.broadcast %mul3A_456 : f32 to vector<16xf32>
        %mul3A_458 = arith.mulf %get3A_455, %mul3A_457 : vector<16xf32>
        %swap3A_459 = arith.index_cast %scan3A_369 : i32 to index
        %swap3A_460 = arith.constant 112 : index
        %swap3A_461 = tpu.vector_load %arg11[%swap3A_459, %swap3A_460] {strides = array<i32>} : memref<50x128xf32, #tpu.memory_space<vmem>>, vector<1x16xf32>,
        %swap3A_462 = vector.shape_cast %swap3A_461 : vector<1x16xf32> to vector<16xf32>
        %swap3A_463 = vector.shape_cast %mul3A_458 : vector<16xf32> to vector<1x16xf32>
        tpu.vector_store %arg11[%swap3A_459, %swap3A_460], %swap3A_463 {strides = array<i32>} : memref<50x128xf32, #tpu.memory_space<vmem>>, vector<1x16xf32>,
        %scan3A_464 = arith.constant 1 : i32
        %scan3A_465 = arith.addi %scan3A_369, %scan3A_464 : i32
        %get3A_466 = arith.index_cast %scan3A_465 : i32 to index
        %get3A_467 = arith.constant 0 : index
        %get3A_468 = tpu.vector_load %arg11[%get3A_466, %get3A_467] {strides = array<i32>} : memref<50x128xf32, #tpu.memory_space<vmem>>, vector<1x16xf32>,
        %get3A_469 = vector.shape_cast %get3A_468 : vector<1x16xf32> to vector<16xf32>
        %mul3A_470 = arith.constant 1.000000e+01 : f32
        %mul3A_471 = vector.broadcast %mul3A_470 : f32 to vector<16xf32>
        %mul3A_472 = arith.mulf %get3A_469, %mul3A_471 : vector<16xf32>
        %swap3A_473 = arith.index_cast %scan3A_465 : i32 to index
        %swap3A_474 = arith.constant 0 : index
        %swap3A_475 = tpu.vector_load %arg11[%swap3A_473, %swap3A_474] {strides = array<i32>} : memref<50x128xf32, #tpu.memory_space<vmem>>, vector<1x16xf32>,
        %swap3A_476 = vector.shape_cast %swap3A_475 : vector<1x16xf32> to vector<16xf32>
        %swap3A_477 = vector.shape_cast %mul3A_472 : vector<16xf32> to vector<1x16xf32>
        tpu.vector_store %arg11[%swap3A_473, %swap3A_474], %swap3A_477 {strides = array<i32>} : memref<50x128xf32, #tpu.memory_space<vmem>>, vector<1x16xf32>,
        %get3A_478 = arith.index_cast %scan3A_465 : i32 to index
        %get3A_479 = arith.constant 16 : index
        %get3A_480 = tpu.vector_load %arg11[%get3A_478, %get3A_479] {strides = array<i32>} : memref<50x128xf32, #tpu.memory_space<vmem>>, vector<1x16xf32>,
        %get3A_481 = vector.shape_cast %get3A_480 : vector<1x16xf32> to vector<16xf32>
        %mul3A_482 = arith.constant 1.000000e+01 : f32
        %mul3A_483 = vector.broadcast %mul3A_482 : f32 to vector<16xf32>
        %mul3A_484 = arith.mulf %get3A_481, %mul3A_483 : vector<16xf32>
        %swap3A_485 = arith.index_cast %scan3A_465 : i32 to index
        %swap3A_486 = arith.constant 16 : index
        %swap3A_487 = tpu.vector_load %arg11[%swap3A_485, %swap3A_486] {strides = array<i32>} : memref<50x128xf32, #tpu.memory_space<vmem>>, vector<1x16xf32>,
        %swap3A_488 = vector.shape_cast %swap3A_487 : vector<1x16xf32> to vector<16xf32>
        %swap3A_489 = vector.shape_cast %mul3A_484 : vector<16xf32> to vector<1x16xf32>
        tpu.vector_store %arg11[%swap3A_485, %swap3A_486], %swap3A_489 {strides = array<i32>} : memref<50x128xf32, #tpu.memory_space<vmem>>, vector<1x16xf32>,
        %get3A_490 = arith.index_cast %scan3A_465 : i32 to index
        %get3A_491 = arith.constant 32 : index
        %get3A_492 = tpu.vector_load %arg11[%get3A_490, %get3A_491] {strides = array<i32>} : memref<50x128xf32, #tpu.memory_space<vmem>>, vector<1x16xf32>,
        %get3A_493 = vector.shape_cast %get3A_492 : vector<1x16xf32> to vector<16xf32>
        %mul3A_494 = arith.constant 1.000000e+01 : f32
        %mul3A_495 = vector.broadcast %mul3A_494 : f32 to vector<16xf32>
        %mul3A_496 = arith.mulf %get3A_493, %mul3A_495 : vector<16xf32>
        %swap3A_497 = arith.index_cast %scan3A_465 : i32 to index
        %swap3A_498 = arith.constant 32 : index
        %swap3A_499 = tpu.vector_load %arg11[%swap3A_497, %swap3A_498] {strides = array<i32>} : memref<50x128xf32, #tpu.memory_space<vmem>>, vector<1x16xf32>,
        %swap3A_500 = vector.shape_cast %swap3A_499 : vector<1x16xf32> to vector<16xf32>
        %swap3A_501 = vector.shape_cast %mul3A_496 : vector<16xf32> to vector<1x16xf32>
        tpu.vector_store %arg11[%swap3A_497, %swap3A_498], %swap3A_501 {strides = array<i32>} : memref<50x128xf32, #tpu.memory_space<vmem>>, vector<1x16xf32>,
        %get3A_502 = arith.index_cast %scan3A_465 : i32 to index
        %get3A_503 = arith.constant 48 : index
        %get3A_504 = tpu.vector_load %arg11[%get3A_502, %get3A_503] {strides = array<i32>} : memref<50x128xf32, #tpu.memory_space<vmem>>, vector<1x16xf32>,
        %get3A_505 = vector.shape_cast %get3A_504 : vector<1x16xf32> to vector<16xf32>
        %mul3A_506 = arith.constant 1.000000e+01 : f32
        %mul3A_507 = vector.broadcast %mul3A_506 : f32 to vector<16xf32>
        %mul3A_508 = arith.mulf %get3A_505, %mul3A_507 : vector<16xf32>
        %swap3A_509 = arith.index_cast %scan3A_465 : i32 to index
        %swap3A_510 = arith.constant 48 : index
        %swap3A_511 = tpu.vector_load %arg11[%swap3A_509, %swap3A_510] {strides = array<i32>} : memref<50x128xf32, #tpu.memory_space<vmem>>, vector<1x16xf32>,
        %swap3A_512 = vector.shape_cast %swap3A_511 : vector<1x16xf32> to vector<16xf32>
        %swap3A_513 = vector.shape_cast %mul3A_508 : vector<16xf32> to vector<1x16xf32>
        tpu.vector_store %arg11[%swap3A_509, %swap3A_510], %swap3A_513 {strides = array<i32>} : memref<50x128xf32, #tpu.memory_space<vmem>>, vector<1x16xf32>,
        %get3A_514 = arith.index_cast %scan3A_465 : i32 to index
        %get3A_515 = arith.constant 64 : index
        %get3A_516 = tpu.vector_load %arg11[%get3A_514, %get3A_515] {strides = array<i32>} : memref<50x128xf32, #tpu.memory_space<vmem>>, vector<1x16xf32>,
        %get3A_517 = vector.shape_cast %get3A_516 : vector<1x16xf32> to vector<16xf32>
        %mul3A_518 = arith.constant 1.000000e+01 : f32
        %mul3A_519 = vector.broadcast %mul3A_518 : f32 to vector<16xf32>
        %mul3A_520 = arith.mulf %get3A_517, %mul3A_519 : vector<16xf32>
        %swap3A_521 = arith.index_cast %scan3A_465 : i32 to index
        %swap3A_522 = arith.constant 64 : index
        %swap3A_523 = tpu.vector_load %arg11[%swap3A_521, %swap3A_522] {strides = array<i32>} : memref<50x128xf32, #tpu.memory_space<vmem>>, vector<1x16xf32>,
        %swap3A_524 = vector.shape_cast %swap3A_523 : vector<1x16xf32> to vector<16xf32>
        %swap3A_525 = vector.shape_cast %mul3A_520 : vector<16xf32> to vector<1x16xf32>
        tpu.vector_store %arg11[%swap3A_521, %swap3A_522], %swap3A_525 {strides = array<i32>} : memref<50x128xf32, #tpu.memory_space<vmem>>, vector<1x16xf32>,
        %get3A_526 = arith.index_cast %scan3A_465 : i32 to index
        %get3A_527 = arith.constant 80 : index
        %get3A_528 = tpu.vector_load %arg11[%get3A_526, %get3A_527] {strides = array<i32>} : memref<50x128xf32, #tpu.memory_space<vmem>>, vector<1x16xf32>,
        %get3A_529 = vector.shape_cast %get3A_528 : vector<1x16xf32> to vector<16xf32>
        %mul3A_530 = arith.constant 1.000000e+01 : f32
        %mul3A_531 = vector.broadcast %mul3A_530 : f32 to vector<16xf32>
        %mul3A_532 = arith.mulf %get3A_529, %mul3A_531 : vector<16xf32>
        %swap3A_533 = arith.index_cast %scan3A_465 : i32 to index
        %swap3A_534 = arith.constant 80 : index
        %swap3A_535 = tpu.vector_load %arg11[%swap3A_533, %swap3A_534] {strides = array<i32>} : memref<50x128xf32, #tpu.memory_space<vmem>>, vector<1x16xf32>,
        %swap3A_536 = vector.shape_cast %swap3A_535 : vector<1x16xf32> to vector<16xf32>
        %swap3A_537 = vector.shape_cast %mul3A_532 : vector<16xf32> to vector<1x16xf32>
        tpu.vector_store %arg11[%swap3A_533, %swap3A_534], %swap3A_537 {strides = array<i32>} : memref<50x128xf32, #tpu.memory_space<vmem>>, vector<1x16xf32>,
        %get3A_538 = arith.index_cast %scan3A_465 : i32 to index
        %get3A_539 = arith.constant 96 : index
        %get3A_540 = tpu.vector_load %arg11[%get3A_538, %get3A_539] {strides = array<i32>} : memref<50x128xf32, #tpu.memory_space<vmem>>, vector<1x16xf32>,
        %get3A_541 = vector.shape_cast %get3A_540 : vector<1x16xf32> to vector<16xf32>
        %mul3A_542 = arith.constant 1.000000e+01 : f32
        %mul3A_543 = vector.broadcast %mul3A_542 : f32 to vector<16xf32>
        %mul3A_544 = arith.mulf %get3A_541, %mul3A_543 : vector<16xf32>
        %swap3A_545 = arith.index_cast %scan3A_465 : i32 to index
        %swap3A_546 = arith.constant 96 : index
        %swap3A_547 = tpu.vector_load %arg11[%swap3A_545, %swap3A_546] {strides = array<i32>} : memref<50x128xf32, #tpu.memory_space<vmem>>, vector<1x16xf32>,
        %swap3A_548 = vector.shape_cast %swap3A_547 : vector<1x16xf32> to vector<16xf32>
        %swap3A_549 = vector.shape_cast %mul3A_544 : vector<16xf32> to vector<1x16xf32>
        tpu.vector_store %arg11[%swap3A_545, %swap3A_546], %swap3A_549 {strides = array<i32>} : memref<50x128xf32, #tpu.memory_space<vmem>>, vector<1x16xf32>,
        %get3A_550 = arith.index_cast %scan3A_465 : i32 to index
        %get3A_551 = arith.constant 112 : index
        %get3A_552 = tpu.vector_load %arg11[%get3A_550, %get3A_551] {strides = array<i32>} : memref<50x128xf32, #tpu.memory_space<vmem>>, vector<1x16xf32>,
        %get3A_553 = vector.shape_cast %get3A_552 : vector<1x16xf32> to vector<16xf32>
        %mul3A_554 = arith.constant 1.000000e+01 : f32
        %mul3A_555 = vector.broadcast %mul3A_554 : f32 to vector<16xf32>
        %mul3A_556 = arith.mulf %get3A_553, %mul3A_555 : vector<16xf32>
        %swap3A_557 = arith.index_cast %scan3A_465 : i32 to index
        %swap3A_558 = arith.constant 112 : index
        %swap3A_559 = tpu.vector_load %arg11[%swap3A_557, %swap3A_558] {strides = array<i32>} : memref<50x128xf32, #tpu.memory_space<vmem>>, vector<1x16xf32>,
        %swap3A_560 = vector.shape_cast %swap3A_559 : vector<1x16xf32> to vector<16xf32>
        %swap3A_561 = vector.shape_cast %mul3A_556 : vector<16xf32> to vector<1x16xf32>
        tpu.vector_store %arg11[%swap3A_557, %swap3A_558], %swap3A_561 {strides = array<i32>} : memref<50x128xf32, #tpu.memory_space<vmem>>, vector<1x16xf32>,
        %scan3A_562 = arith.constant 2 : i32
        %scan3A_563 = arith.addi %scan3A_369, %scan3A_562 : i32
        %get3A_564 = arith.index_cast %scan3A_563 : i32 to index
        %get3A_565 = arith.constant 0 : index
        %get3A_566 = tpu.vector_load %arg11[%get3A_564, %get3A_565] {strides = array<i32>} : memref<50x128xf32, #tpu.memory_space<vmem>>, vector<1x16xf32>,
        %get3A_567 = vector.shape_cast %get3A_566 : vector<1x16xf32> to vector<16xf32>
        %mul3A_568 = arith.constant 1.000000e+01 : f32
        %mul3A_569 = vector.broadcast %mul3A_568 : f32 to vector<16xf32>
        %mul3A_570 = arith.mulf %get3A_567, %mul3A_569 : vector<16xf32>
        %swap3A_571 = arith.index_cast %scan3A_563 : i32 to index
        %swap3A_572 = arith.constant 0 : index
        %swap3A_573 = tpu.vector_load %arg11[%swap3A_571, %swap3A_572] {strides = array<i32>} : memref<50x128xf32, #tpu.memory_space<vmem>>, vector<1x16xf32>,
        %swap3A_574 = vector.shape_cast %swap3A_573 : vector<1x16xf32> to vector<16xf32>
        %swap3A_575 = vector.shape_cast %mul3A_570 : vector<16xf32> to vector<1x16xf32>
        tpu.vector_store %arg11[%swap3A_571, %swap3A_572], %swap3A_575 {strides = array<i32>} : memref<50x128xf32, #tpu.memory_space<vmem>>, vector<1x16xf32>,
        %get3A_576 = arith.index_cast %scan3A_563 : i32 to index
        %get3A_577 = arith.constant 16 : index
        %get3A_578 = tpu.vector_load %arg11[%get3A_576, %get3A_577] {strides = array<i32>} : memref<50x128xf32, #tpu.memory_space<vmem>>, vector<1x16xf32>,
        %get3A_579 = vector.shape_cast %get3A_578 : vector<1x16xf32> to vector<16xf32>
        %mul3A_580 = arith.constant 1.000000e+01 : f32
        %mul3A_581 = vector.broadcast %mul3A_580 : f32 to vector<16xf32>
        %mul3A_582 = arith.mulf %get3A_579, %mul3A_581 : vector<16xf32>
        %swap3A_583 = arith.index_cast %scan3A_563 : i32 to index
        %swap3A_584 = arith.constant 16 : index
        %swap3A_585 = tpu.vector_load %arg11[%swap3A_583, %swap3A_584] {strides = array<i32>} : memref<50x128xf32, #tpu.memory_space<vmem>>, vector<1x16xf32>,
        %swap3A_586 = vector.shape_cast %swap3A_585 : vector<1x16xf32> to vector<16xf32>
        %swap3A_587 = vector.shape_cast %mul3A_582 : vector<16xf32> to vector<1x16xf32>
        tpu.vector_store %arg11[%swap3A_583, %swap3A_584], %swap3A_587 {strides = array<i32>} : memref<50x128xf32, #tpu.memory_space<vmem>>, vector<1x16xf32>,
        %get3A_588 = arith.index_cast %scan3A_563 : i32 to index
        %get3A_589 = arith.constant 32 : index
        %get3A_590 = tpu.vector_load %arg11[%get3A_588, %get3A_589] {strides = array<i32>} : memref<50x128xf32, #tpu.memory_space<vmem>>, vector<1x16xf32>,
        %get3A_591 = vector.shape_cast %get3A_590 : vector<1x16xf32> to vector<16xf32>
        %mul3A_592 = arith.constant 1.000000e+01 : f32
        %mul3A_593 = vector.broadcast %mul3A_592 : f32 to vector<16xf32>
        %mul3A_594 = arith.mulf %get3A_591, %mul3A_593 : vector<16xf32>
        %swap3A_595 = arith.index_cast %scan3A_563 : i32 to index
        %swap3A_596 = arith.constant 32 : index
        %swap3A_597 = tpu.vector_load %arg11[%swap3A_595, %swap3A_596] {strides = array<i32>} : memref<50x128xf32, #tpu.memory_space<vmem>>, vector<1x16xf32>,
        %swap3A_598 = vector.shape_cast %swap3A_597 : vector<1x16xf32> to vector<16xf32>
        %swap3A_599 = vector.shape_cast %mul3A_594 : vector<16xf32> to vector<1x16xf32>
        tpu.vector_store %arg11[%swap3A_595, %swap3A_596], %swap3A_599 {strides = array<i32>} : memref<50x128xf32, #tpu.memory_space<vmem>>, vector<1x16xf32>,
        %get3A_600 = arith.index_cast %scan3A_563 : i32 to index
        %get3A_601 = arith.constant 48 : index
        %get3A_602 = tpu.vector_load %arg11[%get3A_600, %get3A_601] {strides = array<i32>} : memref<50x128xf32, #tpu.memory_space<vmem>>, vector<1x16xf32>,
        %get3A_603 = vector.shape_cast %get3A_602 : vector<1x16xf32> to vector<16xf32>
        %mul3A_604 = arith.constant 1.000000e+01 : f32
        %mul3A_605 = vector.broadcast %mul3A_604 : f32 to vector<16xf32>
        %mul3A_606 = arith.mulf %get3A_603, %mul3A_605 : vector<16xf32>
        %swap3A_607 = arith.index_cast %scan3A_563 : i32 to index
        %swap3A_608 = arith.constant 48 : index
        %swap3A_609 = tpu.vector_load %arg11[%swap3A_607, %swap3A_608] {strides = array<i32>} : memref<50x128xf32, #tpu.memory_space<vmem>>, vector<1x16xf32>,
        %swap3A_610 = vector.shape_cast %swap3A_609 : vector<1x16xf32> to vector<16xf32>
        %swap3A_611 = vector.shape_cast %mul3A_606 : vector<16xf32> to vector<1x16xf32>
        tpu.vector_store %arg11[%swap3A_607, %swap3A_608], %swap3A_611 {strides = array<i32>} : memref<50x128xf32, #tpu.memory_space<vmem>>, vector<1x16xf32>,
        %get3A_612 = arith.index_cast %scan3A_563 : i32 to index
        %get3A_613 = arith.constant 64 : index
        %get3A_614 = tpu.vector_load %arg11[%get3A_612, %get3A_613] {strides = array<i32>} : memref<50x128xf32, #tpu.memory_space<vmem>>, vector<1x16xf32>,
        %get3A_615 = vector.shape_cast %get3A_614 : vector<1x16xf32> to vector<16xf32>
        %mul3A_616 = arith.constant 1.000000e+01 : f32
        %mul3A_617 = vector.broadcast %mul3A_616 : f32 to vector<16xf32>
        %mul3A_618 = arith.mulf %get3A_615, %mul3A_617 : vector<16xf32>
        %swap3A_619 = arith.index_cast %scan3A_563 : i32 to index
        %swap3A_620 = arith.constant 64 : index
        %swap3A_621 = tpu.vector_load %arg11[%swap3A_619, %swap3A_620] {strides = array<i32>} : memref<50x128xf32, #tpu.memory_space<vmem>>, vector<1x16xf32>,
        %swap3A_622 = vector.shape_cast %swap3A_621 : vector<1x16xf32> to vector<16xf32>
        %swap3A_623 = vector.shape_cast %mul3A_618 : vector<16xf32> to vector<1x16xf32>
        tpu.vector_store %arg11[%swap3A_619, %swap3A_620], %swap3A_623 {strides = array<i32>} : memref<50x128xf32, #tpu.memory_space<vmem>>, vector<1x16xf32>,
        %get3A_624 = arith.index_cast %scan3A_563 : i32 to index
        %get3A_625 = arith.constant 80 : index
        %get3A_626 = tpu.vector_load %arg11[%get3A_624, %get3A_625] {strides = array<i32>} : memref<50x128xf32, #tpu.memory_space<vmem>>, vector<1x16xf32>,
        %get3A_627 = vector.shape_cast %get3A_626 : vector<1x16xf32> to vector<16xf32>
        %mul3A_628 = arith.constant 1.000000e+01 : f32
        %mul3A_629 = vector.broadcast %mul3A_628 : f32 to vector<16xf32>
        %mul3A_630 = arith.mulf %get3A_627, %mul3A_629 : vector<16xf32>
        %swap3A_631 = arith.index_cast %scan3A_563 : i32 to index
        %swap3A_632 = arith.constant 80 : index
        %swap3A_633 = tpu.vector_load %arg11[%swap3A_631, %swap3A_632] {strides = array<i32>} : memref<50x128xf32, #tpu.memory_space<vmem>>, vector<1x16xf32>,
        %swap3A_634 = vector.shape_cast %swap3A_633 : vector<1x16xf32> to vector<16xf32>
        %swap3A_635 = vector.shape_cast %mul3A_630 : vector<16xf32> to vector<1x16xf32>
        tpu.vector_store %arg11[%swap3A_631, %swap3A_632], %swap3A_635 {strides = array<i32>} : memref<50x128xf32, #tpu.memory_space<vmem>>, vector<1x16xf32>,
        %get3A_636 = arith.index_cast %scan3A_563 : i32 to index
        %get3A_637 = arith.constant 96 : index
        %get3A_638 = tpu.vector_load %arg11[%get3A_636, %get3A_637] {strides = array<i32>} : memref<50x128xf32, #tpu.memory_space<vmem>>, vector<1x16xf32>,
        %get3A_639 = vector.shape_cast %get3A_638 : vector<1x16xf32> to vector<16xf32>
        %mul3A_640 = arith.constant 1.000000e+01 : f32
        %mul3A_641 = vector.broadcast %mul3A_640 : f32 to vector<16xf32>
        %mul3A_642 = arith.mulf %get3A_639, %mul3A_641 : vector<16xf32>
        %swap3A_643 = arith.index_cast %scan3A_563 : i32 to index
        %swap3A_644 = arith.constant 96 : index
        %swap3A_645 = tpu.vector_load %arg11[%swap3A_643, %swap3A_644] {strides = array<i32>} : memref<50x128xf32, #tpu.memory_space<vmem>>, vector<1x16xf32>,
        %swap3A_646 = vector.shape_cast %swap3A_645 : vector<1x16xf32> to vector<16xf32>
        %swap3A_647 = vector.shape_cast %mul3A_642 : vector<16xf32> to vector<1x16xf32>
        tpu.vector_store %arg11[%swap3A_643, %swap3A_644], %swap3A_647 {strides = array<i32>} : memref<50x128xf32, #tpu.memory_space<vmem>>, vector<1x16xf32>,
        %get3A_648 = arith.index_cast %scan3A_563 : i32 to index
        %get3A_649 = arith.constant 112 : index
        %get3A_650 = tpu.vector_load %arg11[%get3A_648, %get3A_649] {strides = array<i32>} : memref<50x128xf32, #tpu.memory_space<vmem>>, vector<1x16xf32>,
        %get3A_651 = vector.shape_cast %get3A_650 : vector<1x16xf32> to vector<16xf32>
        %mul3A_652 = arith.constant 1.000000e+01 : f32
        %mul3A_653 = vector.broadcast %mul3A_652 : f32 to vector<16xf32>
        %mul3A_654 = arith.mulf %get3A_651, %mul3A_653 : vector<16xf32>
        %swap3A_655 = arith.index_cast %scan3A_563 : i32 to index
        %swap3A_656 = arith.constant 112 : index
        %swap3A_657 = tpu.vector_load %arg11[%swap3A_655, %swap3A_656] {strides = array<i32>} : memref<50x128xf32, #tpu.memory_space<vmem>>, vector<1x16xf32>,
        %swap3A_658 = vector.shape_cast %swap3A_657 : vector<1x16xf32> to vector<16xf32>
        %swap3A_659 = vector.shape_cast %mul3A_654 : vector<16xf32> to vector<1x16xf32>
        tpu.vector_store %arg11[%swap3A_655, %swap3A_656], %swap3A_659 {strides = array<i32>} : memref<50x128xf32, #tpu.memory_space<vmem>>, vector<1x16xf32>,
        %scan3A_660 = arith.constant 3 : i32
        %scan3A_661 = arith.addi %scan3A_369, %scan3A_660 : i32
        %get3A_662 = arith.index_cast %scan3A_661 : i32 to index
        %get3A_663 = arith.constant 0 : index
        %get3A_664 = tpu.vector_load %arg11[%get3A_662, %get3A_663] {strides = array<i32>} : memref<50x128xf32, #tpu.memory_space<vmem>>, vector<1x16xf32>,
        %get3A_665 = vector.shape_cast %get3A_664 : vector<1x16xf32> to vector<16xf32>
        %mul3A_666 = arith.constant 1.000000e+01 : f32
        %mul3A_667 = vector.broadcast %mul3A_666 : f32 to vector<16xf32>
        %mul3A_668 = arith.mulf %get3A_665, %mul3A_667 : vector<16xf32>
        %swap3A_669 = arith.index_cast %scan3A_661 : i32 to index
        %swap3A_670 = arith.constant 0 : index
        %swap3A_671 = tpu.vector_load %arg11[%swap3A_669, %swap3A_670] {strides = array<i32>} : memref<50x128xf32, #tpu.memory_space<vmem>>, vector<1x16xf32>,
        %swap3A_672 = vector.shape_cast %swap3A_671 : vector<1x16xf32> to vector<16xf32>
        %swap3A_673 = vector.shape_cast %mul3A_668 : vector<16xf32> to vector<1x16xf32>
        tpu.vector_store %arg11[%swap3A_669, %swap3A_670], %swap3A_673 {strides = array<i32>} : memref<50x128xf32, #tpu.memory_space<vmem>>, vector<1x16xf32>,
        %get3A_674 = arith.index_cast %scan3A_661 : i32 to index
        %get3A_675 = arith.constant 16 : index
        %get3A_676 = tpu.vector_load %arg11[%get3A_674, %get3A_675] {strides = array<i32>} : memref<50x128xf32, #tpu.memory_space<vmem>>, vector<1x16xf32>,
        %get3A_677 = vector.shape_cast %get3A_676 : vector<1x16xf32> to vector<16xf32>
        %mul3A_678 = arith.constant 1.000000e+01 : f32
        %mul3A_679 = vector.broadcast %mul3A_678 : f32 to vector<16xf32>
        %mul3A_680 = arith.mulf %get3A_677, %mul3A_679 : vector<16xf32>
        %swap3A_681 = arith.index_cast %scan3A_661 : i32 to index
        %swap3A_682 = arith.constant 16 : index
        %swap3A_683 = tpu.vector_load %arg11[%swap3A_681, %swap3A_682] {strides = array<i32>} : memref<50x128xf32, #tpu.memory_space<vmem>>, vector<1x16xf32>,
        %swap3A_684 = vector.shape_cast %swap3A_683 : vector<1x16xf32> to vector<16xf32>
        %swap3A_685 = vector.shape_cast %mul3A_680 : vector<16xf32> to vector<1x16xf32>
        tpu.vector_store %arg11[%swap3A_681, %swap3A_682], %swap3A_685 {strides = array<i32>} : memref<50x128xf32, #tpu.memory_space<vmem>>, vector<1x16xf32>,
        %get3A_686 = arith.index_cast %scan3A_661 : i32 to index
        %get3A_687 = arith.constant 32 : index
        %get3A_688 = tpu.vector_load %arg11[%get3A_686, %get3A_687] {strides = array<i32>} : memref<50x128xf32, #tpu.memory_space<vmem>>, vector<1x16xf32>,
        %get3A_689 = vector.shape_cast %get3A_688 : vector<1x16xf32> to vector<16xf32>
        %mul3A_690 = arith.constant 1.000000e+01 : f32
        %mul3A_691 = vector.broadcast %mul3A_690 : f32 to vector<16xf32>
        %mul3A_692 = arith.mulf %get3A_689, %mul3A_691 : vector<16xf32>
        %swap3A_693 = arith.index_cast %scan3A_661 : i32 to index
        %swap3A_694 = arith.constant 32 : index
        %swap3A_695 = tpu.vector_load %arg11[%swap3A_693, %swap3A_694] {strides = array<i32>} : memref<50x128xf32, #tpu.memory_space<vmem>>, vector<1x16xf32>,
        %swap3A_696 = vector.shape_cast %swap3A_695 : vector<1x16xf32> to vector<16xf32>
        %swap3A_697 = vector.shape_cast %mul3A_692 : vector<16xf32> to vector<1x16xf32>
        tpu.vector_store %arg11[%swap3A_693, %swap3A_694], %swap3A_697 {strides = array<i32>} : memref<50x128xf32, #tpu.memory_space<vmem>>, vector<1x16xf32>,
        %get3A_698 = arith.index_cast %scan3A_661 : i32 to index
        %get3A_699 = arith.constant 48 : index
        %get3A_700 = tpu.vector_load %arg11[%get3A_698, %get3A_699] {strides = array<i32>} : memref<50x128xf32, #tpu.memory_space<vmem>>, vector<1x16xf32>,
        %get3A_701 = vector.shape_cast %get3A_700 : vector<1x16xf32> to vector<16xf32>
        %mul3A_702 = arith.constant 1.000000e+01 : f32
        %mul3A_703 = vector.broadcast %mul3A_702 : f32 to vector<16xf32>
        %mul3A_704 = arith.mulf %get3A_701, %mul3A_703 : vector<16xf32>
        %swap3A_705 = arith.index_cast %scan3A_661 : i32 to index
        %swap3A_706 = arith.constant 48 : index
        %swap3A_707 = tpu.vector_load %arg11[%swap3A_705, %swap3A_706] {strides = array<i32>} : memref<50x128xf32, #tpu.memory_space<vmem>>, vector<1x16xf32>,
        %swap3A_708 = vector.shape_cast %swap3A_707 : vector<1x16xf32> to vector<16xf32>
        %swap3A_709 = vector.shape_cast %mul3A_704 : vector<16xf32> to vector<1x16xf32>
        tpu.vector_store %arg11[%swap3A_705, %swap3A_706], %swap3A_709 {strides = array<i32>} : memref<50x128xf32, #tpu.memory_space<vmem>>, vector<1x16xf32>,
        %get3A_710 = arith.index_cast %scan3A_661 : i32 to index
        %get3A_711 = arith.constant 64 : index
        %get3A_712 = tpu.vector_load %arg11[%get3A_710, %get3A_711] {strides = array<i32>} : memref<50x128xf32, #tpu.memory_space<vmem>>, vector<1x16xf32>,
        %get3A_713 = vector.shape_cast %get3A_712 : vector<1x16xf32> to vector<16xf32>
        %mul3A_714 = arith.constant 1.000000e+01 : f32
        %mul3A_715 = vector.broadcast %mul3A_714 : f32 to vector<16xf32>
        %mul3A_716 = arith.mulf %get3A_713, %mul3A_715 : vector<16xf32>
        %swap3A_717 = arith.index_cast %scan3A_661 : i32 to index
        %swap3A_718 = arith.constant 64 : index
        %swap3A_719 = tpu.vector_load %arg11[%swap3A_717, %swap3A_718] {strides = array<i32>} : memref<50x128xf32, #tpu.memory_space<vmem>>, vector<1x16xf32>,
        %swap3A_720 = vector.shape_cast %swap3A_719 : vector<1x16xf32> to vector<16xf32>
        %swap3A_721 = vector.shape_cast %mul3A_716 : vector<16xf32> to vector<1x16xf32>
        tpu.vector_store %arg11[%swap3A_717, %swap3A_718], %swap3A_721 {strides = array<i32>} : memref<50x128xf32, #tpu.memory_space<vmem>>, vector<1x16xf32>,
        %get3A_722 = arith.index_cast %scan3A_661 : i32 to index
        %get3A_723 = arith.constant 80 : index
        %get3A_724 = tpu.vector_load %arg11[%get3A_722, %get3A_723] {strides = array<i32>} : memref<50x128xf32, #tpu.memory_space<vmem>>, vector<1x16xf32>,
        %get3A_725 = vector.shape_cast %get3A_724 : vector<1x16xf32> to vector<16xf32>
        %mul3A_726 = arith.constant 1.000000e+01 : f32
        %mul3A_727 = vector.broadcast %mul3A_726 : f32 to vector<16xf32>
        %mul3A_728 = arith.mulf %get3A_725, %mul3A_727 : vector<16xf32>
        %swap3A_729 = arith.index_cast %scan3A_661 : i32 to index
        %swap3A_730 = arith.constant 80 : index
        %swap3A_731 = tpu.vector_load %arg11[%swap3A_729, %swap3A_730] {strides = array<i32>} : memref<50x128xf32, #tpu.memory_space<vmem>>, vector<1x16xf32>,
        %swap3A_732 = vector.shape_cast %swap3A_731 : vector<1x16xf32> to vector<16xf32>
        %swap3A_733 = vector.shape_cast %mul3A_728 : vector<16xf32> to vector<1x16xf32>
        tpu.vector_store %arg11[%swap3A_729, %swap3A_730], %swap3A_733 {strides = array<i32>} : memref<50x128xf32, #tpu.memory_space<vmem>>, vector<1x16xf32>,
        %get3A_734 = arith.index_cast %scan3A_661 : i32 to index
        %get3A_735 = arith.constant 96 : index
        %get3A_736 = tpu.vector_load %arg11[%get3A_734, %get3A_735] {strides = array<i32>} : memref<50x128xf32, #tpu.memory_space<vmem>>, vector<1x16xf32>,
        %get3A_737 = vector.shape_cast %get3A_736 : vector<1x16xf32> to vector<16xf32>
        %mul3A_738 = arith.constant 1.000000e+01 : f32
        %mul3A_739 = vector.broadcast %mul3A_738 : f32 to vector<16xf32>
        %mul3A_740 = arith.mulf %get3A_737, %mul3A_739 : vector<16xf32>
        %swap3A_741 = arith.index_cast %scan3A_661 : i32 to index
        %swap3A_742 = arith.constant 96 : index
        %swap3A_743 = tpu.vector_load %arg11[%swap3A_741, %swap3A_742] {strides = array<i32>} : memref<50x128xf32, #tpu.memory_space<vmem>>, vector<1x16xf32>,
        %swap3A_744 = vector.shape_cast %swap3A_743 : vector<1x16xf32> to vector<16xf32>
        %swap3A_745 = vector.shape_cast %mul3A_740 : vector<16xf32> to vector<1x16xf32>
        tpu.vector_store %arg11[%swap3A_741, %swap3A_742], %swap3A_745 {strides = array<i32>} : memref<50x128xf32, #tpu.memory_space<vmem>>, vector<1x16xf32>,
        %get3A_746 = arith.index_cast %scan3A_661 : i32 to index
        %get3A_747 = arith.constant 112 : index
        %get3A_748 = tpu.vector_load %arg11[%get3A_746, %get3A_747] {strides = array<i32>} : memref<50x128xf32, #tpu.memory_space<vmem>>, vector<1x16xf32>,
        %get3A_749 = vector.shape_cast %get3A_748 : vector<1x16xf32> to vector<16xf32>
        %mul3A_750 = arith.constant 1.000000e+01 : f32
        %mul3A_751 = vector.broadcast %mul3A_750 : f32 to vector<16xf32>
        %mul3A_752 = arith.mulf %get3A_749, %mul3A_751 : vector<16xf32>
        %swap3A_753 = arith.index_cast %scan3A_661 : i32 to index
        %swap3A_754 = arith.constant 112 : index
        %swap3A_755 = tpu.vector_load %arg11[%swap3A_753, %swap3A_754] {strides = array<i32>} : memref<50x128xf32, #tpu.memory_space<vmem>>, vector<1x16xf32>,
        %swap3A_756 = vector.shape_cast %swap3A_755 : vector<1x16xf32> to vector<16xf32>
        %swap3A_757 = vector.shape_cast %mul3A_752 : vector<16xf32> to vector<1x16xf32>
        tpu.vector_store %arg11[%swap3A_753, %swap3A_754], %swap3A_757 {strides = array<i32>} : memref<50x128xf32, #tpu.memory_space<vmem>>, vector<1x16xf32>,
        %scan3A_758 = arith.constant 4 : i32
        %scan3A_759 = arith.addi %scan3A_369, %scan3A_758 : i32
        %get3A_760 = arith.index_cast %scan3A_759 : i32 to index
        %get3A_761 = arith.constant 0 : index
        %get3A_762 = tpu.vector_load %arg11[%get3A_760, %get3A_761] {strides = array<i32>} : memref<50x128xf32, #tpu.memory_space<vmem>>, vector<1x16xf32>,
        %get3A_763 = vector.shape_cast %get3A_762 : vector<1x16xf32> to vector<16xf32>
        %mul3A_764 = arith.constant 1.000000e+01 : f32
        %mul3A_765 = vector.broadcast %mul3A_764 : f32 to vector<16xf32>
        %mul3A_766 = arith.mulf %get3A_763, %mul3A_765 : vector<16xf32>
        %swap3A_767 = arith.index_cast %scan3A_759 : i32 to index
        %swap3A_768 = arith.constant 0 : index
        %swap3A_769 = tpu.vector_load %arg11[%swap3A_767, %swap3A_768] {strides = array<i32>} : memref<50x128xf32, #tpu.memory_space<vmem>>, vector<1x16xf32>,
        %swap3A_770 = vector.shape_cast %swap3A_769 : vector<1x16xf32> to vector<16xf32>
        %swap3A_771 = vector.shape_cast %mul3A_766 : vector<16xf32> to vector<1x16xf32>
        tpu.vector_store %arg11[%swap3A_767, %swap3A_768], %swap3A_771 {strides = array<i32>} : memref<50x128xf32, #tpu.memory_space<vmem>>, vector<1x16xf32>,
        %get3A_772 = arith.index_cast %scan3A_759 : i32 to index
        %get3A_773 = arith.constant 16 : index
        %get3A_774 = tpu.vector_load %arg11[%get3A_772, %get3A_773] {strides = array<i32>} : memref<50x128xf32, #tpu.memory_space<vmem>>, vector<1x16xf32>,
        %get3A_775 = vector.shape_cast %get3A_774 : vector<1x16xf32> to vector<16xf32>
        %mul3A_776 = arith.constant 1.000000e+01 : f32
        %mul3A_777 = vector.broadcast %mul3A_776 : f32 to vector<16xf32>
        %mul3A_778 = arith.mulf %get3A_775, %mul3A_777 : vector<16xf32>
        %swap3A_779 = arith.index_cast %scan3A_759 : i32 to index
        %swap3A_780 = arith.constant 16 : index
        %swap3A_781 = tpu.vector_load %arg11[%swap3A_779, %swap3A_780] {strides = array<i32>} : memref<50x128xf32, #tpu.memory_space<vmem>>, vector<1x16xf32>,
        %swap3A_782 = vector.shape_cast %swap3A_781 : vector<1x16xf32> to vector<16xf32>
        %swap3A_783 = vector.shape_cast %mul3A_778 : vector<16xf32> to vector<1x16xf32>
        tpu.vector_store %arg11[%swap3A_779, %swap3A_780], %swap3A_783 {strides = array<i32>} : memref<50x128xf32, #tpu.memory_space<vmem>>, vector<1x16xf32>,
        %get3A_784 = arith.index_cast %scan3A_759 : i32 to index
        %get3A_785 = arith.constant 32 : index
        %get3A_786 = tpu.vector_load %arg11[%get3A_784, %get3A_785] {strides = array<i32>} : memref<50x128xf32, #tpu.memory_space<vmem>>, vector<1x16xf32>,
        %get3A_787 = vector.shape_cast %get3A_786 : vector<1x16xf32> to vector<16xf32>
        %mul3A_788 = arith.constant 1.000000e+01 : f32
        %mul3A_789 = vector.broadcast %mul3A_788 : f32 to vector<16xf32>
        %mul3A_790 = arith.mulf %get3A_787, %mul3A_789 : vector<16xf32>
        %swap3A_791 = arith.index_cast %scan3A_759 : i32 to index
        %swap3A_792 = arith.constant 32 : index
        %swap3A_793 = tpu.vector_load %arg11[%swap3A_791, %swap3A_792] {strides = array<i32>} : memref<50x128xf32, #tpu.memory_space<vmem>>, vector<1x16xf32>,
        %swap3A_794 = vector.shape_cast %swap3A_793 : vector<1x16xf32> to vector<16xf32>
        %swap3A_795 = vector.shape_cast %mul3A_790 : vector<16xf32> to vector<1x16xf32>
        tpu.vector_store %arg11[%swap3A_791, %swap3A_792], %swap3A_795 {strides = array<i32>} : memref<50x128xf32, #tpu.memory_space<vmem>>, vector<1x16xf32>,
        %get3A_796 = arith.index_cast %scan3A_759 : i32 to index
        %get3A_797 = arith.constant 48 : index
        %get3A_798 = tpu.vector_load %arg11[%get3A_796, %get3A_797] {strides = array<i32>} : memref<50x128xf32, #tpu.memory_space<vmem>>, vector<1x16xf32>,
        %get3A_799 = vector.shape_cast %get3A_798 : vector<1x16xf32> to vector<16xf32>
        %mul3A_800 = arith.constant 1.000000e+01 : f32
        %mul3A_801 = vector.broadcast %mul3A_800 : f32 to vector<16xf32>
        %mul3A_802 = arith.mulf %get3A_799, %mul3A_801 : vector<16xf32>
        %swap3A_803 = arith.index_cast %scan3A_759 : i32 to index
        %swap3A_804 = arith.constant 48 : index
        %swap3A_805 = tpu.vector_load %arg11[%swap3A_803, %swap3A_804] {strides = array<i32>} : memref<50x128xf32, #tpu.memory_space<vmem>>, vector<1x16xf32>,
        %swap3A_806 = vector.shape_cast %swap3A_805 : vector<1x16xf32> to vector<16xf32>
        %swap3A_807 = vector.shape_cast %mul3A_802 : vector<16xf32> to vector<1x16xf32>
        tpu.vector_store %arg11[%swap3A_803, %swap3A_804], %swap3A_807 {strides = array<i32>} : memref<50x128xf32, #tpu.memory_space<vmem>>, vector<1x16xf32>,
        %get3A_808 = arith.index_cast %scan3A_759 : i32 to index
        %get3A_809 = arith.constant 64 : index
        %get3A_810 = tpu.vector_load %arg11[%get3A_808, %get3A_809] {strides = array<i32>} : memref<50x128xf32, #tpu.memory_space<vmem>>, vector<1x16xf32>,
        %get3A_811 = vector.shape_cast %get3A_810 : vector<1x16xf32> to vector<16xf32>
        %mul3A_812 = arith.constant 1.000000e+01 : f32
        %mul3A_813 = vector.broadcast %mul3A_812 : f32 to vector<16xf32>
        %mul3A_814 = arith.mulf %get3A_811, %mul3A_813 : vector<16xf32>
        %swap3A_815 = arith.index_cast %scan3A_759 : i32 to index
        %swap3A_816 = arith.constant 64 : index
        %swap3A_817 = tpu.vector_load %arg11[%swap3A_815, %swap3A_816] {strides = array<i32>} : memref<50x128xf32, #tpu.memory_space<vmem>>, vector<1x16xf32>,
        %swap3A_818 = vector.shape_cast %swap3A_817 : vector<1x16xf32> to vector<16xf32>
        %swap3A_819 = vector.shape_cast %mul3A_814 : vector<16xf32> to vector<1x16xf32>
        tpu.vector_store %arg11[%swap3A_815, %swap3A_816], %swap3A_819 {strides = array<i32>} : memref<50x128xf32, #tpu.memory_space<vmem>>, vector<1x16xf32>,
        %get3A_820 = arith.index_cast %scan3A_759 : i32 to index
        %get3A_821 = arith.constant 80 : index
        %get3A_822 = tpu.vector_load %arg11[%get3A_820, %get3A_821] {strides = array<i32>} : memref<50x128xf32, #tpu.memory_space<vmem>>, vector<1x16xf32>,
        %get3A_823 = vector.shape_cast %get3A_822 : vector<1x16xf32> to vector<16xf32>
        %mul3A_824 = arith.constant 1.000000e+01 : f32
        %mul3A_825 = vector.broadcast %mul3A_824 : f32 to vector<16xf32>
        %mul3A_826 = arith.mulf %get3A_823, %mul3A_825 : vector<16xf32>
        %swap3A_827 = arith.index_cast %scan3A_759 : i32 to index
        %swap3A_828 = arith.constant 80 : index
        %swap3A_829 = tpu.vector_load %arg11[%swap3A_827, %swap3A_828] {strides = array<i32>} : memref<50x128xf32, #tpu.memory_space<vmem>>, vector<1x16xf32>,
        %swap3A_830 = vector.shape_cast %swap3A_829 : vector<1x16xf32> to vector<16xf32>
        %swap3A_831 = vector.shape_cast %mul3A_826 : vector<16xf32> to vector<1x16xf32>
        tpu.vector_store %arg11[%swap3A_827, %swap3A_828], %swap3A_831 {strides = array<i32>} : memref<50x128xf32, #tpu.memory_space<vmem>>, vector<1x16xf32>,
        %get3A_832 = arith.index_cast %scan3A_759 : i32 to index
        %get3A_833 = arith.constant 96 : index
        %get3A_834 = tpu.vector_load %arg11[%get3A_832, %get3A_833] {strides = array<i32>} : memref<50x128xf32, #tpu.memory_space<vmem>>, vector<1x16xf32>,
        %get3A_835 = vector.shape_cast %get3A_834 : vector<1x16xf32> to vector<16xf32>
        %mul3A_836 = arith.constant 1.000000e+01 : f32
        %mul3A_837 = vector.broadcast %mul3A_836 : f32 to vector<16xf32>
        %mul3A_838 = arith.mulf %get3A_835, %mul3A_837 : vector<16xf32>
        %swap3A_839 = arith.index_cast %scan3A_759 : i32 to index
        %swap3A_840 = arith.constant 96 : index
        %swap3A_841 = tpu.vector_load %arg11[%swap3A_839, %swap3A_840] {strides = array<i32>} : memref<50x128xf32, #tpu.memory_space<vmem>>, vector<1x16xf32>,
        %swap3A_842 = vector.shape_cast %swap3A_841 : vector<1x16xf32> to vector<16xf32>
        %swap3A_843 = vector.shape_cast %mul3A_838 : vector<16xf32> to vector<1x16xf32>
        tpu.vector_store %arg11[%swap3A_839, %swap3A_840], %swap3A_843 {strides = array<i32>} : memref<50x128xf32, #tpu.memory_space<vmem>>, vector<1x16xf32>,
        %get3A_844 = arith.index_cast %scan3A_759 : i32 to index
        %get3A_845 = arith.constant 112 : index
        %get3A_846 = tpu.vector_load %arg11[%get3A_844, %get3A_845] {strides = array<i32>} : memref<50x128xf32, #tpu.memory_space<vmem>>, vector<1x16xf32>,
        %get3A_847 = vector.shape_cast %get3A_846 : vector<1x16xf32> to vector<16xf32>
        %mul3A_848 = arith.constant 1.000000e+01 : f32
        %mul3A_849 = vector.broadcast %mul3A_848 : f32 to vector<16xf32>
        %mul3A_850 = arith.mulf %get3A_847, %mul3A_849 : vector<16xf32>
        %swap3A_851 = arith.index_cast %scan3A_759 : i32 to index
        %swap3A_852 = arith.constant 112 : index
        %swap3A_853 = tpu.vector_load %arg11[%swap3A_851, %swap3A_852] {strides = array<i32>} : memref<50x128xf32, #tpu.memory_space<vmem>>, vector<1x16xf32>,
        %swap3A_854 = vector.shape_cast %swap3A_853 : vector<1x16xf32> to vector<16xf32>
        %swap3A_855 = vector.shape_cast %mul3A_850 : vector<16xf32> to vector<1x16xf32>
        tpu.vector_store %arg11[%swap3A_851, %swap3A_852], %swap3A_855 {strides = array<i32>} : memref<50x128xf32, #tpu.memory_space<vmem>>, vector<1x16xf32>,
      }
      %scan3A_285 = arith.constant 50 : i32
      %add3A_286 = arith.addi %mul3A_4, %add3A_261 : i32
      %dma_start3A_287 = arith.constant 0 : i32
      %dma_start3A_288 = arith.constant 0 : i32
      %dma_start3A_289 = tpu.memref_slice %arg4[%add3A_286, %dma_start3A_287, %dma_start3A_288] : memref<4096x50x128xf32, #tpu.memory_space<hbm>> -> memref<1x50x128xf32, #tpu.memory_space<hbm>>
      %dma_start3A_290 = tpu.memref_squeeze %dma_start3A_289 : memref<1x50x128xf32, #tpu.memory_space<hbm>> -> memref<50x128xf32, #tpu.memory_space<hbm>>
      %dma_start3A_291 = arith.constant 0 : i32
      %dma_start3A_292 = arith.constant 0 : i32
      %dma_start3A_293 = tpu.memref_slice %arg4[%add3A_286, %dma_start3A_291, %dma_start3A_292] : memref<4096x50x128xf32, #tpu.memory_space<hbm>> -> memref<1x50x128xf32, #tpu.memory_space<hbm>>
      %dma_start3A_294 = tpu.memref_squeeze %dma_start3A_293 : memref<1x50x128xf32, #tpu.memory_space<hbm>> -> memref<50x128xf32, #tpu.memory_space<hbm>>
      tpu.enqueue_dma source(%arg11 : memref<50x128xf32, #tpu.memory_space<vmem>>) target(%dma_start3A_294 : memref<50x128xf32, #tpu.memory_space<hbm>>) target_semaphore(%arg27 : memref<!tpu.dma_semaphore, #tpu.memory_space<semaphore_mem>>)
      %mul3A_295 = arith.constant 8 : i32
      %mul3A_296 = arith.muli %mul3A_295, %scan3A_76 : i32
      %add3A_297 = arith.constant 6 : i32
      %add3A_298 = arith.addi %mul3A_296, %add3A_297 : i32
      %ge3A_299 = arith.constant 4 : i32
      %ge3A_300 = arith.cmpi sge, %add3A_298, %ge3A_299 : i32
      %convert_element_type3A_301 = arith.extui %ge3A_300 : i1 to i32
      %cond3A_302 = arith.constant 0 : i32
      %cond3A_303 = arith.cmpi ne, %convert_element_type3A_301, %cond3A_302 : i32
      scf.if %cond3A_303 {
        %sub3A = arith.constant 4 : i32
        %sub3A_369 = arith.subi %add3A_298, %sub3A : i32
        %add3A_370 = arith.addi %mul3A_4, %sub3A_369 : i32
        %dma_wait3A_371 = arith.constant 0 : i32
        %dma_wait3A_372 = arith.constant 0 : i32
        %dma_wait3A_373 = tpu.memref_slice %arg4[%add3A_370, %dma_wait3A_371, %dma_wait3A_372] : memref<4096x50x128xf32, #tpu.memory_space<hbm>> -> memref<1x50x128xf32, #tpu.memory_space<hbm>>
        %dma_wait3A_374 = tpu.memref_squeeze %dma_wait3A_373 : memref<1x50x128xf32, #tpu.memory_space<hbm>> -> memref<50x128xf32, #tpu.memory_space<hbm>>
        %dma_wait3A_375 = arith.constant 0 : i32
        %dma_wait3A_376 = arith.constant 0 : i32
        %dma_wait3A_377 = tpu.memref_slice %arg4[%add3A_370, %dma_wait3A_375, %dma_wait3A_376] : memref<4096x50x128xf32, #tpu.memory_space<hbm>> -> memref<1x50x128xf32, #tpu.memory_space<hbm>>
        %dma_wait3A_378 = tpu.memref_squeeze %dma_wait3A_377 : memref<1x50x128xf32, #tpu.memory_space<hbm>> -> memref<50x128xf32, #tpu.memory_space<hbm>>
        tpu.wait_dma2 semaphore(%arg24 : memref<!tpu.dma_semaphore, #tpu.memory_space<semaphore_mem>>) src(%arg8 : memref<50x128xf32, #tpu.memory_space<vmem>>) dst(%dma_wait3A_378 : memref<50x128xf32, #tpu.memory_space<hbm>>)
      } else {
      }
      %add3A_304 = arith.constant 4 : i32
      %add3A_305 = arith.addi %add3A_298, %add3A_304 : i32
      %lt3A_306 = arith.constant 128 : i32
      %lt3A_307 = arith.cmpi slt, %add3A_305, %lt3A_306 : i32
      %convert_element_type3A_308 = arith.extui %lt3A_307 : i1 to i32
      %cond3A_309 = arith.constant 0 : i32
      %cond3A_310 = arith.cmpi ne, %convert_element_type3A_308, %cond3A_309 : i32
      scf.if %cond3A_310 {
        %add3A_369 = arith.constant 4 : i32
        %add3A_370 = arith.addi %add3A_298, %add3A_369 : i32
        %dma_start3A_371 = arith.constant 0 : i32
        %dma_start3A_372 = tpu.memref_slice %arg5[%add3A_370, %dma_start3A_371] : memref<128x50xi32, #tpu.memory_space<vmem>> -> memref<1x50xi32, #tpu.memory_space<vmem>>
        %dma_start3A_373 = tpu.memref_squeeze %dma_start3A_372 : memref<1x50xi32, #tpu.memory_space<vmem>> -> memref<50xi32, #tpu.memory_space<vmem>>
        %dma_start3A_374 = arith.constant 0 : i32
        %dma_start3A_375 = arith.constant 0 : i32
        %dma_start3A_376 = tpu.memref_slice %arg2[%dma_start3A_374, %dma_start3A_375] : memref<100000x128xf32, #tpu.memory_space<hbm>> -> memref<100000x128xf32, #tpu.memory_space<hbm>>
        tpu.enqueue_indirect_dma source(%dma_start3A_376 : memref<100000x128xf32, #tpu.memory_space<hbm>>) target(%arg8 : memref<50x128xf32, #tpu.memory_space<vmem>>) offsets(%dma_start3A_373 : memref<50xi32, #tpu.memory_space<vmem>>) semaphore(%arg16 : memref<!tpu.dma_semaphore, #tpu.memory_space<semaphore_mem>>)
      } else {
      }
      %dma_wait3A_311 = arith.constant 0 : i32
      %dma_wait3A_312 = tpu.memref_slice %arg5[%add3A_298, %dma_wait3A_311] : memref<128x50xi32, #tpu.memory_space<vmem>> -> memref<1x50xi32, #tpu.memory_space<vmem>>
      %dma_wait3A_313 = tpu.memref_squeeze %dma_wait3A_312 : memref<1x50xi32, #tpu.memory_space<vmem>> -> memref<50xi32, #tpu.memory_space<vmem>>
      %dma_wait3A_314 = arith.constant 0 : i32
      %dma_wait3A_315 = arith.constant 0 : i32
      %dma_wait3A_316 = tpu.memref_slice %arg2[%dma_wait3A_314, %dma_wait3A_315] : memref<100000x128xf32, #tpu.memory_space<hbm>> -> memref<100000x128xf32, #tpu.memory_space<hbm>>
      tpu.wait_indirect_dma semaphore(%arg20 : memref<!tpu.dma_semaphore, #tpu.memory_space<semaphore_mem>>) src(%dma_wait3A_316 : memref<100000x128xf32, #tpu.memory_space<hbm>>) dst(%arg12 : memref<50x128xf32, #tpu.memory_space<vmem>>)
      %scan3A_317 = arith.constant 0 : i32
      %scan3A_318 = arith.constant 0 : i32
      %scan3A_319 = arith.constant 50 : i32
      %scan3A_320 = arith.addi %scan3A_318, %scan3A_319 : i32
      %scan3A_321 = arith.constant 5 : i32
      scf.for %scan3A_369 = %scan3A_318 to %scan3A_320 step %scan3A_321  : i32 {
        %get3A = arith.index_cast %scan3A_369 : i32 to index
        %get3A_370 = arith.constant 0 : index
        %get3A_371 = tpu.vector_load %arg12[%get3A, %get3A_370] {strides = array<i32>} : memref<50x128xf32, #tpu.memory_space<vmem>>, vector<1x16xf32>,
        %get3A_372 = vector.shape_cast %get3A_371 : vector<1x16xf32> to vector<16xf32>
        %mul3A_373 = arith.constant 1.000000e+01 : f32
        %mul3A_374 = vector.broadcast %mul3A_373 : f32 to vector<16xf32>
        %mul3A_375 = arith.mulf %get3A_372, %mul3A_374 : vector<16xf32>
        %swap3A = arith.index_cast %scan3A_369 : i32 to index
        %swap3A_376 = arith.constant 0 : index
        %swap3A_377 = tpu.vector_load %arg12[%swap3A, %swap3A_376] {strides = array<i32>} : memref<50x128xf32, #tpu.memory_space<vmem>>, vector<1x16xf32>,
        %swap3A_378 = vector.shape_cast %swap3A_377 : vector<1x16xf32> to vector<16xf32>
        %swap3A_379 = vector.shape_cast %mul3A_375 : vector<16xf32> to vector<1x16xf32>
        tpu.vector_store %arg12[%swap3A, %swap3A_376], %swap3A_379 {strides = array<i32>} : memref<50x128xf32, #tpu.memory_space<vmem>>, vector<1x16xf32>,
        %get3A_380 = arith.index_cast %scan3A_369 : i32 to index
        %get3A_381 = arith.constant 16 : index
        %get3A_382 = tpu.vector_load %arg12[%get3A_380, %get3A_381] {strides = array<i32>} : memref<50x128xf32, #tpu.memory_space<vmem>>, vector<1x16xf32>,
        %get3A_383 = vector.shape_cast %get3A_382 : vector<1x16xf32> to vector<16xf32>
        %mul3A_384 = arith.constant 1.000000e+01 : f32
        %mul3A_385 = vector.broadcast %mul3A_384 : f32 to vector<16xf32>
        %mul3A_386 = arith.mulf %get3A_383, %mul3A_385 : vector<16xf32>
        %swap3A_387 = arith.index_cast %scan3A_369 : i32 to index
        %swap3A_388 = arith.constant 16 : index
        %swap3A_389 = tpu.vector_load %arg12[%swap3A_387, %swap3A_388] {strides = array<i32>} : memref<50x128xf32, #tpu.memory_space<vmem>>, vector<1x16xf32>,
        %swap3A_390 = vector.shape_cast %swap3A_389 : vector<1x16xf32> to vector<16xf32>
        %swap3A_391 = vector.shape_cast %mul3A_386 : vector<16xf32> to vector<1x16xf32>
        tpu.vector_store %arg12[%swap3A_387, %swap3A_388], %swap3A_391 {strides = array<i32>} : memref<50x128xf32, #tpu.memory_space<vmem>>, vector<1x16xf32>,
        %get3A_392 = arith.index_cast %scan3A_369 : i32 to index
        %get3A_393 = arith.constant 32 : index
        %get3A_394 = tpu.vector_load %arg12[%get3A_392, %get3A_393] {strides = array<i32>} : memref<50x128xf32, #tpu.memory_space<vmem>>, vector<1x16xf32>,
        %get3A_395 = vector.shape_cast %get3A_394 : vector<1x16xf32> to vector<16xf32>
        %mul3A_396 = arith.constant 1.000000e+01 : f32
        %mul3A_397 = vector.broadcast %mul3A_396 : f32 to vector<16xf32>
        %mul3A_398 = arith.mulf %get3A_395, %mul3A_397 : vector<16xf32>
        %swap3A_399 = arith.index_cast %scan3A_369 : i32 to index
        %swap3A_400 = arith.constant 32 : index
        %swap3A_401 = tpu.vector_load %arg12[%swap3A_399, %swap3A_400] {strides = array<i32>} : memref<50x128xf32, #tpu.memory_space<vmem>>, vector<1x16xf32>,
        %swap3A_402 = vector.shape_cast %swap3A_401 : vector<1x16xf32> to vector<16xf32>
        %swap3A_403 = vector.shape_cast %mul3A_398 : vector<16xf32> to vector<1x16xf32>
        tpu.vector_store %arg12[%swap3A_399, %swap3A_400], %swap3A_403 {strides = array<i32>} : memref<50x128xf32, #tpu.memory_space<vmem>>, vector<1x16xf32>,
        %get3A_404 = arith.index_cast %scan3A_369 : i32 to index
        %get3A_405 = arith.constant 48 : index
        %get3A_406 = tpu.vector_load %arg12[%get3A_404, %get3A_405] {strides = array<i32>} : memref<50x128xf32, #tpu.memory_space<vmem>>, vector<1x16xf32>,
        %get3A_407 = vector.shape_cast %get3A_406 : vector<1x16xf32> to vector<16xf32>
        %mul3A_408 = arith.constant 1.000000e+01 : f32
        %mul3A_409 = vector.broadcast %mul3A_408 : f32 to vector<16xf32>
        %mul3A_410 = arith.mulf %get3A_407, %mul3A_409 : vector<16xf32>
        %swap3A_411 = arith.index_cast %scan3A_369 : i32 to index
        %swap3A_412 = arith.constant 48 : index
        %swap3A_413 = tpu.vector_load %arg12[%swap3A_411, %swap3A_412] {strides = array<i32>} : memref<50x128xf32, #tpu.memory_space<vmem>>, vector<1x16xf32>,
        %swap3A_414 = vector.shape_cast %swap3A_413 : vector<1x16xf32> to vector<16xf32>
        %swap3A_415 = vector.shape_cast %mul3A_410 : vector<16xf32> to vector<1x16xf32>
        tpu.vector_store %arg12[%swap3A_411, %swap3A_412], %swap3A_415 {strides = array<i32>} : memref<50x128xf32, #tpu.memory_space<vmem>>, vector<1x16xf32>,
        %get3A_416 = arith.index_cast %scan3A_369 : i32 to index
        %get3A_417 = arith.constant 64 : index
        %get3A_418 = tpu.vector_load %arg12[%get3A_416, %get3A_417] {strides = array<i32>} : memref<50x128xf32, #tpu.memory_space<vmem>>, vector<1x16xf32>,
        %get3A_419 = vector.shape_cast %get3A_418 : vector<1x16xf32> to vector<16xf32>
        %mul3A_420 = arith.constant 1.000000e+01 : f32
        %mul3A_421 = vector.broadcast %mul3A_420 : f32 to vector<16xf32>
        %mul3A_422 = arith.mulf %get3A_419, %mul3A_421 : vector<16xf32>
        %swap3A_423 = arith.index_cast %scan3A_369 : i32 to index
        %swap3A_424 = arith.constant 64 : index
        %swap3A_425 = tpu.vector_load %arg12[%swap3A_423, %swap3A_424] {strides = array<i32>} : memref<50x128xf32, #tpu.memory_space<vmem>>, vector<1x16xf32>,
        %swap3A_426 = vector.shape_cast %swap3A_425 : vector<1x16xf32> to vector<16xf32>
        %swap3A_427 = vector.shape_cast %mul3A_422 : vector<16xf32> to vector<1x16xf32>
        tpu.vector_store %arg12[%swap3A_423, %swap3A_424], %swap3A_427 {strides = array<i32>} : memref<50x128xf32, #tpu.memory_space<vmem>>, vector<1x16xf32>,
        %get3A_428 = arith.index_cast %scan3A_369 : i32 to index
        %get3A_429 = arith.constant 80 : index
        %get3A_430 = tpu.vector_load %arg12[%get3A_428, %get3A_429] {strides = array<i32>} : memref<50x128xf32, #tpu.memory_space<vmem>>, vector<1x16xf32>,
        %get3A_431 = vector.shape_cast %get3A_430 : vector<1x16xf32> to vector<16xf32>
        %mul3A_432 = arith.constant 1.000000e+01 : f32
        %mul3A_433 = vector.broadcast %mul3A_432 : f32 to vector<16xf32>
        %mul3A_434 = arith.mulf %get3A_431, %mul3A_433 : vector<16xf32>
        %swap3A_435 = arith.index_cast %scan3A_369 : i32 to index
        %swap3A_436 = arith.constant 80 : index
        %swap3A_437 = tpu.vector_load %arg12[%swap3A_435, %swap3A_436] {strides = array<i32>} : memref<50x128xf32, #tpu.memory_space<vmem>>, vector<1x16xf32>,
        %swap3A_438 = vector.shape_cast %swap3A_437 : vector<1x16xf32> to vector<16xf32>
        %swap3A_439 = vector.shape_cast %mul3A_434 : vector<16xf32> to vector<1x16xf32>
        tpu.vector_store %arg12[%swap3A_435, %swap3A_436], %swap3A_439 {strides = array<i32>} : memref<50x128xf32, #tpu.memory_space<vmem>>, vector<1x16xf32>,
        %get3A_440 = arith.index_cast %scan3A_369 : i32 to index
        %get3A_441 = arith.constant 96 : index
        %get3A_442 = tpu.vector_load %arg12[%get3A_440, %get3A_441] {strides = array<i32>} : memref<50x128xf32, #tpu.memory_space<vmem>>, vector<1x16xf32>,
        %get3A_443 = vector.shape_cast %get3A_442 : vector<1x16xf32> to vector<16xf32>
        %mul3A_444 = arith.constant 1.000000e+01 : f32
        %mul3A_445 = vector.broadcast %mul3A_444 : f32 to vector<16xf32>
        %mul3A_446 = arith.mulf %get3A_443, %mul3A_445 : vector<16xf32>
        %swap3A_447 = arith.index_cast %scan3A_369 : i32 to index
        %swap3A_448 = arith.constant 96 : index
        %swap3A_449 = tpu.vector_load %arg12[%swap3A_447, %swap3A_448] {strides = array<i32>} : memref<50x128xf32, #tpu.memory_space<vmem>>, vector<1x16xf32>,
        %swap3A_450 = vector.shape_cast %swap3A_449 : vector<1x16xf32> to vector<16xf32>
        %swap3A_451 = vector.shape_cast %mul3A_446 : vector<16xf32> to vector<1x16xf32>
        tpu.vector_store %arg12[%swap3A_447, %swap3A_448], %swap3A_451 {strides = array<i32>} : memref<50x128xf32, #tpu.memory_space<vmem>>, vector<1x16xf32>,
        %get3A_452 = arith.index_cast %scan3A_369 : i32 to index
        %get3A_453 = arith.constant 112 : index
        %get3A_454 = tpu.vector_load %arg12[%get3A_452, %get3A_453] {strides = array<i32>} : memref<50x128xf32, #tpu.memory_space<vmem>>, vector<1x16xf32>,
        %get3A_455 = vector.shape_cast %get3A_454 : vector<1x16xf32> to vector<16xf32>
        %mul3A_456 = arith.constant 1.000000e+01 : f32
        %mul3A_457 = vector.broadcast %mul3A_456 : f32 to vector<16xf32>
        %mul3A_458 = arith.mulf %get3A_455, %mul3A_457 : vector<16xf32>
        %swap3A_459 = arith.index_cast %scan3A_369 : i32 to index
        %swap3A_460 = arith.constant 112 : index
        %swap3A_461 = tpu.vector_load %arg12[%swap3A_459, %swap3A_460] {strides = array<i32>} : memref<50x128xf32, #tpu.memory_space<vmem>>, vector<1x16xf32>,
        %swap3A_462 = vector.shape_cast %swap3A_461 : vector<1x16xf32> to vector<16xf32>
        %swap3A_463 = vector.shape_cast %mul3A_458 : vector<16xf32> to vector<1x16xf32>
        tpu.vector_store %arg12[%swap3A_459, %swap3A_460], %swap3A_463 {strides = array<i32>} : memref<50x128xf32, #tpu.memory_space<vmem>>, vector<1x16xf32>,
        %scan3A_464 = arith.constant 1 : i32
        %scan3A_465 = arith.addi %scan3A_369, %scan3A_464 : i32
        %get3A_466 = arith.index_cast %scan3A_465 : i32 to index
        %get3A_467 = arith.constant 0 : index
        %get3A_468 = tpu.vector_load %arg12[%get3A_466, %get3A_467] {strides = array<i32>} : memref<50x128xf32, #tpu.memory_space<vmem>>, vector<1x16xf32>,
        %get3A_469 = vector.shape_cast %get3A_468 : vector<1x16xf32> to vector<16xf32>
        %mul3A_470 = arith.constant 1.000000e+01 : f32
        %mul3A_471 = vector.broadcast %mul3A_470 : f32 to vector<16xf32>
        %mul3A_472 = arith.mulf %get3A_469, %mul3A_471 : vector<16xf32>
        %swap3A_473 = arith.index_cast %scan3A_465 : i32 to index
        %swap3A_474 = arith.constant 0 : index
        %swap3A_475 = tpu.vector_load %arg12[%swap3A_473, %swap3A_474] {strides = array<i32>} : memref<50x128xf32, #tpu.memory_space<vmem>>, vector<1x16xf32>,
        %swap3A_476 = vector.shape_cast %swap3A_475 : vector<1x16xf32> to vector<16xf32>
        %swap3A_477 = vector.shape_cast %mul3A_472 : vector<16xf32> to vector<1x16xf32>
        tpu.vector_store %arg12[%swap3A_473, %swap3A_474], %swap3A_477 {strides = array<i32>} : memref<50x128xf32, #tpu.memory_space<vmem>>, vector<1x16xf32>,
        %get3A_478 = arith.index_cast %scan3A_465 : i32 to index
        %get3A_479 = arith.constant 16 : index
        %get3A_480 = tpu.vector_load %arg12[%get3A_478, %get3A_479] {strides = array<i32>} : memref<50x128xf32, #tpu.memory_space<vmem>>, vector<1x16xf32>,
        %get3A_481 = vector.shape_cast %get3A_480 : vector<1x16xf32> to vector<16xf32>
        %mul3A_482 = arith.constant 1.000000e+01 : f32
        %mul3A_483 = vector.broadcast %mul3A_482 : f32 to vector<16xf32>
        %mul3A_484 = arith.mulf %get3A_481, %mul3A_483 : vector<16xf32>
        %swap3A_485 = arith.index_cast %scan3A_465 : i32 to index
        %swap3A_486 = arith.constant 16 : index
        %swap3A_487 = tpu.vector_load %arg12[%swap3A_485, %swap3A_486] {strides = array<i32>} : memref<50x128xf32, #tpu.memory_space<vmem>>, vector<1x16xf32>,
        %swap3A_488 = vector.shape_cast %swap3A_487 : vector<1x16xf32> to vector<16xf32>
        %swap3A_489 = vector.shape_cast %mul3A_484 : vector<16xf32> to vector<1x16xf32>
        tpu.vector_store %arg12[%swap3A_485, %swap3A_486], %swap3A_489 {strides = array<i32>} : memref<50x128xf32, #tpu.memory_space<vmem>>, vector<1x16xf32>,
        %get3A_490 = arith.index_cast %scan3A_465 : i32 to index
        %get3A_491 = arith.constant 32 : index
        %get3A_492 = tpu.vector_load %arg12[%get3A_490, %get3A_491] {strides = array<i32>} : memref<50x128xf32, #tpu.memory_space<vmem>>, vector<1x16xf32>,
        %get3A_493 = vector.shape_cast %get3A_492 : vector<1x16xf32> to vector<16xf32>
        %mul3A_494 = arith.constant 1.000000e+01 : f32
        %mul3A_495 = vector.broadcast %mul3A_494 : f32 to vector<16xf32>
        %mul3A_496 = arith.mulf %get3A_493, %mul3A_495 : vector<16xf32>
        %swap3A_497 = arith.index_cast %scan3A_465 : i32 to index
        %swap3A_498 = arith.constant 32 : index
        %swap3A_499 = tpu.vector_load %arg12[%swap3A_497, %swap3A_498] {strides = array<i32>} : memref<50x128xf32, #tpu.memory_space<vmem>>, vector<1x16xf32>,
        %swap3A_500 = vector.shape_cast %swap3A_499 : vector<1x16xf32> to vector<16xf32>
        %swap3A_501 = vector.shape_cast %mul3A_496 : vector<16xf32> to vector<1x16xf32>
        tpu.vector_store %arg12[%swap3A_497, %swap3A_498], %swap3A_501 {strides = array<i32>} : memref<50x128xf32, #tpu.memory_space<vmem>>, vector<1x16xf32>,
        %get3A_502 = arith.index_cast %scan3A_465 : i32 to index
        %get3A_503 = arith.constant 48 : index
        %get3A_504 = tpu.vector_load %arg12[%get3A_502, %get3A_503] {strides = array<i32>} : memref<50x128xf32, #tpu.memory_space<vmem>>, vector<1x16xf32>,
        %get3A_505 = vector.shape_cast %get3A_504 : vector<1x16xf32> to vector<16xf32>
        %mul3A_506 = arith.constant 1.000000e+01 : f32
        %mul3A_507 = vector.broadcast %mul3A_506 : f32 to vector<16xf32>
        %mul3A_508 = arith.mulf %get3A_505, %mul3A_507 : vector<16xf32>
        %swap3A_509 = arith.index_cast %scan3A_465 : i32 to index
        %swap3A_510 = arith.constant 48 : index
        %swap3A_511 = tpu.vector_load %arg12[%swap3A_509, %swap3A_510] {strides = array<i32>} : memref<50x128xf32, #tpu.memory_space<vmem>>, vector<1x16xf32>,
        %swap3A_512 = vector.shape_cast %swap3A_511 : vector<1x16xf32> to vector<16xf32>
        %swap3A_513 = vector.shape_cast %mul3A_508 : vector<16xf32> to vector<1x16xf32>
        tpu.vector_store %arg12[%swap3A_509, %swap3A_510], %swap3A_513 {strides = array<i32>} : memref<50x128xf32, #tpu.memory_space<vmem>>, vector<1x16xf32>,
        %get3A_514 = arith.index_cast %scan3A_465 : i32 to index
        %get3A_515 = arith.constant 64 : index
        %get3A_516 = tpu.vector_load %arg12[%get3A_514, %get3A_515] {strides = array<i32>} : memref<50x128xf32, #tpu.memory_space<vmem>>, vector<1x16xf32>,
        %get3A_517 = vector.shape_cast %get3A_516 : vector<1x16xf32> to vector<16xf32>
        %mul3A_518 = arith.constant 1.000000e+01 : f32
        %mul3A_519 = vector.broadcast %mul3A_518 : f32 to vector<16xf32>
        %mul3A_520 = arith.mulf %get3A_517, %mul3A_519 : vector<16xf32>
        %swap3A_521 = arith.index_cast %scan3A_465 : i32 to index
        %swap3A_522 = arith.constant 64 : index
        %swap3A_523 = tpu.vector_load %arg12[%swap3A_521, %swap3A_522] {strides = array<i32>} : memref<50x128xf32, #tpu.memory_space<vmem>>, vector<1x16xf32>,
        %swap3A_524 = vector.shape_cast %swap3A_523 : vector<1x16xf32> to vector<16xf32>
        %swap3A_525 = vector.shape_cast %mul3A_520 : vector<16xf32> to vector<1x16xf32>
        tpu.vector_store %arg12[%swap3A_521, %swap3A_522], %swap3A_525 {strides = array<i32>} : memref<50x128xf32, #tpu.memory_space<vmem>>, vector<1x16xf32>,
        %get3A_526 = arith.index_cast %scan3A_465 : i32 to index
        %get3A_527 = arith.constant 80 : index
        %get3A_528 = tpu.vector_load %arg12[%get3A_526, %get3A_527] {strides = array<i32>} : memref<50x128xf32, #tpu.memory_space<vmem>>, vector<1x16xf32>,
        %get3A_529 = vector.shape_cast %get3A_528 : vector<1x16xf32> to vector<16xf32>
        %mul3A_530 = arith.constant 1.000000e+01 : f32
        %mul3A_531 = vector.broadcast %mul3A_530 : f32 to vector<16xf32>
        %mul3A_532 = arith.mulf %get3A_529, %mul3A_531 : vector<16xf32>
        %swap3A_533 = arith.index_cast %scan3A_465 : i32 to index
        %swap3A_534 = arith.constant 80 : index
        %swap3A_535 = tpu.vector_load %arg12[%swap3A_533, %swap3A_534] {strides = array<i32>} : memref<50x128xf32, #tpu.memory_space<vmem>>, vector<1x16xf32>,
        %swap3A_536 = vector.shape_cast %swap3A_535 : vector<1x16xf32> to vector<16xf32>
        %swap3A_537 = vector.shape_cast %mul3A_532 : vector<16xf32> to vector<1x16xf32>
        tpu.vector_store %arg12[%swap3A_533, %swap3A_534], %swap3A_537 {strides = array<i32>} : memref<50x128xf32, #tpu.memory_space<vmem>>, vector<1x16xf32>,
        %get3A_538 = arith.index_cast %scan3A_465 : i32 to index
        %get3A_539 = arith.constant 96 : index
        %get3A_540 = tpu.vector_load %arg12[%get3A_538, %get3A_539] {strides = array<i32>} : memref<50x128xf32, #tpu.memory_space<vmem>>, vector<1x16xf32>,
        %get3A_541 = vector.shape_cast %get3A_540 : vector<1x16xf32> to vector<16xf32>
        %mul3A_542 = arith.constant 1.000000e+01 : f32
        %mul3A_543 = vector.broadcast %mul3A_542 : f32 to vector<16xf32>
        %mul3A_544 = arith.mulf %get3A_541, %mul3A_543 : vector<16xf32>
        %swap3A_545 = arith.index_cast %scan3A_465 : i32 to index
        %swap3A_546 = arith.constant 96 : index
        %swap3A_547 = tpu.vector_load %arg12[%swap3A_545, %swap3A_546] {strides = array<i32>} : memref<50x128xf32, #tpu.memory_space<vmem>>, vector<1x16xf32>,
        %swap3A_548 = vector.shape_cast %swap3A_547 : vector<1x16xf32> to vector<16xf32>
        %swap3A_549 = vector.shape_cast %mul3A_544 : vector<16xf32> to vector<1x16xf32>
        tpu.vector_store %arg12[%swap3A_545, %swap3A_546], %swap3A_549 {strides = array<i32>} : memref<50x128xf32, #tpu.memory_space<vmem>>, vector<1x16xf32>,
        %get3A_550 = arith.index_cast %scan3A_465 : i32 to index
        %get3A_551 = arith.constant 112 : index
        %get3A_552 = tpu.vector_load %arg12[%get3A_550, %get3A_551] {strides = array<i32>} : memref<50x128xf32, #tpu.memory_space<vmem>>, vector<1x16xf32>,
        %get3A_553 = vector.shape_cast %get3A_552 : vector<1x16xf32> to vector<16xf32>
        %mul3A_554 = arith.constant 1.000000e+01 : f32
        %mul3A_555 = vector.broadcast %mul3A_554 : f32 to vector<16xf32>
        %mul3A_556 = arith.mulf %get3A_553, %mul3A_555 : vector<16xf32>
        %swap3A_557 = arith.index_cast %scan3A_465 : i32 to index
        %swap3A_558 = arith.constant 112 : index
        %swap3A_559 = tpu.vector_load %arg12[%swap3A_557, %swap3A_558] {strides = array<i32>} : memref<50x128xf32, #tpu.memory_space<vmem>>, vector<1x16xf32>,
        %swap3A_560 = vector.shape_cast %swap3A_559 : vector<1x16xf32> to vector<16xf32>
        %swap3A_561 = vector.shape_cast %mul3A_556 : vector<16xf32> to vector<1x16xf32>
        tpu.vector_store %arg12[%swap3A_557, %swap3A_558], %swap3A_561 {strides = array<i32>} : memref<50x128xf32, #tpu.memory_space<vmem>>, vector<1x16xf32>,
        %scan3A_562 = arith.constant 2 : i32
        %scan3A_563 = arith.addi %scan3A_369, %scan3A_562 : i32
        %get3A_564 = arith.index_cast %scan3A_563 : i32 to index
        %get3A_565 = arith.constant 0 : index
        %get3A_566 = tpu.vector_load %arg12[%get3A_564, %get3A_565] {strides = array<i32>} : memref<50x128xf32, #tpu.memory_space<vmem>>, vector<1x16xf32>,
        %get3A_567 = vector.shape_cast %get3A_566 : vector<1x16xf32> to vector<16xf32>
        %mul3A_568 = arith.constant 1.000000e+01 : f32
        %mul3A_569 = vector.broadcast %mul3A_568 : f32 to vector<16xf32>
        %mul3A_570 = arith.mulf %get3A_567, %mul3A_569 : vector<16xf32>
        %swap3A_571 = arith.index_cast %scan3A_563 : i32 to index
        %swap3A_572 = arith.constant 0 : index
        %swap3A_573 = tpu.vector_load %arg12[%swap3A_571, %swap3A_572] {strides = array<i32>} : memref<50x128xf32, #tpu.memory_space<vmem>>, vector<1x16xf32>,
        %swap3A_574 = vector.shape_cast %swap3A_573 : vector<1x16xf32> to vector<16xf32>
        %swap3A_575 = vector.shape_cast %mul3A_570 : vector<16xf32> to vector<1x16xf32>
        tpu.vector_store %arg12[%swap3A_571, %swap3A_572], %swap3A_575 {strides = array<i32>} : memref<50x128xf32, #tpu.memory_space<vmem>>, vector<1x16xf32>,
        %get3A_576 = arith.index_cast %scan3A_563 : i32 to index
        %get3A_577 = arith.constant 16 : index
        %get3A_578 = tpu.vector_load %arg12[%get3A_576, %get3A_577] {strides = array<i32>} : memref<50x128xf32, #tpu.memory_space<vmem>>, vector<1x16xf32>,
        %get3A_579 = vector.shape_cast %get3A_578 : vector<1x16xf32> to vector<16xf32>
        %mul3A_580 = arith.constant 1.000000e+01 : f32
        %mul3A_581 = vector.broadcast %mul3A_580 : f32 to vector<16xf32>
        %mul3A_582 = arith.mulf %get3A_579, %mul3A_581 : vector<16xf32>
        %swap3A_583 = arith.index_cast %scan3A_563 : i32 to index
        %swap3A_584 = arith.constant 16 : index
        %swap3A_585 = tpu.vector_load %arg12[%swap3A_583, %swap3A_584] {strides = array<i32>} : memref<50x128xf32, #tpu.memory_space<vmem>>, vector<1x16xf32>,
        %swap3A_586 = vector.shape_cast %swap3A_585 : vector<1x16xf32> to vector<16xf32>
        %swap3A_587 = vector.shape_cast %mul3A_582 : vector<16xf32> to vector<1x16xf32>
        tpu.vector_store %arg12[%swap3A_583, %swap3A_584], %swap3A_587 {strides = array<i32>} : memref<50x128xf32, #tpu.memory_space<vmem>>, vector<1x16xf32>,
        %get3A_588 = arith.index_cast %scan3A_563 : i32 to index
        %get3A_589 = arith.constant 32 : index
        %get3A_590 = tpu.vector_load %arg12[%get3A_588, %get3A_589] {strides = array<i32>} : memref<50x128xf32, #tpu.memory_space<vmem>>, vector<1x16xf32>,
        %get3A_591 = vector.shape_cast %get3A_590 : vector<1x16xf32> to vector<16xf32>
        %mul3A_592 = arith.constant 1.000000e+01 : f32
        %mul3A_593 = vector.broadcast %mul3A_592 : f32 to vector<16xf32>
        %mul3A_594 = arith.mulf %get3A_591, %mul3A_593 : vector<16xf32>
        %swap3A_595 = arith.index_cast %scan3A_563 : i32 to index
        %swap3A_596 = arith.constant 32 : index
        %swap3A_597 = tpu.vector_load %arg12[%swap3A_595, %swap3A_596] {strides = array<i32>} : memref<50x128xf32, #tpu.memory_space<vmem>>, vector<1x16xf32>,
        %swap3A_598 = vector.shape_cast %swap3A_597 : vector<1x16xf32> to vector<16xf32>
        %swap3A_599 = vector.shape_cast %mul3A_594 : vector<16xf32> to vector<1x16xf32>
        tpu.vector_store %arg12[%swap3A_595, %swap3A_596], %swap3A_599 {strides = array<i32>} : memref<50x128xf32, #tpu.memory_space<vmem>>, vector<1x16xf32>,
        %get3A_600 = arith.index_cast %scan3A_563 : i32 to index
        %get3A_601 = arith.constant 48 : index
        %get3A_602 = tpu.vector_load %arg12[%get3A_600, %get3A_601] {strides = array<i32>} : memref<50x128xf32, #tpu.memory_space<vmem>>, vector<1x16xf32>,
        %get3A_603 = vector.shape_cast %get3A_602 : vector<1x16xf32> to vector<16xf32>
        %mul3A_604 = arith.constant 1.000000e+01 : f32
        %mul3A_605 = vector.broadcast %mul3A_604 : f32 to vector<16xf32>
        %mul3A_606 = arith.mulf %get3A_603, %mul3A_605 : vector<16xf32>
        %swap3A_607 = arith.index_cast %scan3A_563 : i32 to index
        %swap3A_608 = arith.constant 48 : index
        %swap3A_609 = tpu.vector_load %arg12[%swap3A_607, %swap3A_608] {strides = array<i32>} : memref<50x128xf32, #tpu.memory_space<vmem>>, vector<1x16xf32>,
        %swap3A_610 = vector.shape_cast %swap3A_609 : vector<1x16xf32> to vector<16xf32>
        %swap3A_611 = vector.shape_cast %mul3A_606 : vector<16xf32> to vector<1x16xf32>
        tpu.vector_store %arg12[%swap3A_607, %swap3A_608], %swap3A_611 {strides = array<i32>} : memref<50x128xf32, #tpu.memory_space<vmem>>, vector<1x16xf32>,
        %get3A_612 = arith.index_cast %scan3A_563 : i32 to index
        %get3A_613 = arith.constant 64 : index
        %get3A_614 = tpu.vector_load %arg12[%get3A_612, %get3A_613] {strides = array<i32>} : memref<50x128xf32, #tpu.memory_space<vmem>>, vector<1x16xf32>,
        %get3A_615 = vector.shape_cast %get3A_614 : vector<1x16xf32> to vector<16xf32>
        %mul3A_616 = arith.constant 1.000000e+01 : f32
        %mul3A_617 = vector.broadcast %mul3A_616 : f32 to vector<16xf32>
        %mul3A_618 = arith.mulf %get3A_615, %mul3A_617 : vector<16xf32>
        %swap3A_619 = arith.index_cast %scan3A_563 : i32 to index
        %swap3A_620 = arith.constant 64 : index
        %swap3A_621 = tpu.vector_load %arg12[%swap3A_619, %swap3A_620] {strides = array<i32>} : memref<50x128xf32, #tpu.memory_space<vmem>>, vector<1x16xf32>,
        %swap3A_622 = vector.shape_cast %swap3A_621 : vector<1x16xf32> to vector<16xf32>
        %swap3A_623 = vector.shape_cast %mul3A_618 : vector<16xf32> to vector<1x16xf32>
        tpu.vector_store %arg12[%swap3A_619, %swap3A_620], %swap3A_623 {strides = array<i32>} : memref<50x128xf32, #tpu.memory_space<vmem>>, vector<1x16xf32>,
        %get3A_624 = arith.index_cast %scan3A_563 : i32 to index
        %get3A_625 = arith.constant 80 : index
        %get3A_626 = tpu.vector_load %arg12[%get3A_624, %get3A_625] {strides = array<i32>} : memref<50x128xf32, #tpu.memory_space<vmem>>, vector<1x16xf32>,
        %get3A_627 = vector.shape_cast %get3A_626 : vector<1x16xf32> to vector<16xf32>
        %mul3A_628 = arith.constant 1.000000e+01 : f32
        %mul3A_629 = vector.broadcast %mul3A_628 : f32 to vector<16xf32>
        %mul3A_630 = arith.mulf %get3A_627, %mul3A_629 : vector<16xf32>
        %swap3A_631 = arith.index_cast %scan3A_563 : i32 to index
        %swap3A_632 = arith.constant 80 : index
        %swap3A_633 = tpu.vector_load %arg12[%swap3A_631, %swap3A_632] {strides = array<i32>} : memref<50x128xf32, #tpu.memory_space<vmem>>, vector<1x16xf32>,
        %swap3A_634 = vector.shape_cast %swap3A_633 : vector<1x16xf32> to vector<16xf32>
        %swap3A_635 = vector.shape_cast %mul3A_630 : vector<16xf32> to vector<1x16xf32>
        tpu.vector_store %arg12[%swap3A_631, %swap3A_632], %swap3A_635 {strides = array<i32>} : memref<50x128xf32, #tpu.memory_space<vmem>>, vector<1x16xf32>,
        %get3A_636 = arith.index_cast %scan3A_563 : i32 to index
        %get3A_637 = arith.constant 96 : index
        %get3A_638 = tpu.vector_load %arg12[%get3A_636, %get3A_637] {strides = array<i32>} : memref<50x128xf32, #tpu.memory_space<vmem>>, vector<1x16xf32>,
        %get3A_639 = vector.shape_cast %get3A_638 : vector<1x16xf32> to vector<16xf32>
        %mul3A_640 = arith.constant 1.000000e+01 : f32
        %mul3A_641 = vector.broadcast %mul3A_640 : f32 to vector<16xf32>
        %mul3A_642 = arith.mulf %get3A_639, %mul3A_641 : vector<16xf32>
        %swap3A_643 = arith.index_cast %scan3A_563 : i32 to index
        %swap3A_644 = arith.constant 96 : index
        %swap3A_645 = tpu.vector_load %arg12[%swap3A_643, %swap3A_644] {strides = array<i32>} : memref<50x128xf32, #tpu.memory_space<vmem>>, vector<1x16xf32>,
        %swap3A_646 = vector.shape_cast %swap3A_645 : vector<1x16xf32> to vector<16xf32>
        %swap3A_647 = vector.shape_cast %mul3A_642 : vector<16xf32> to vector<1x16xf32>
        tpu.vector_store %arg12[%swap3A_643, %swap3A_644], %swap3A_647 {strides = array<i32>} : memref<50x128xf32, #tpu.memory_space<vmem>>, vector<1x16xf32>,
        %get3A_648 = arith.index_cast %scan3A_563 : i32 to index
        %get3A_649 = arith.constant 112 : index
        %get3A_650 = tpu.vector_load %arg12[%get3A_648, %get3A_649] {strides = array<i32>} : memref<50x128xf32, #tpu.memory_space<vmem>>, vector<1x16xf32>,
        %get3A_651 = vector.shape_cast %get3A_650 : vector<1x16xf32> to vector<16xf32>
        %mul3A_652 = arith.constant 1.000000e+01 : f32
        %mul3A_653 = vector.broadcast %mul3A_652 : f32 to vector<16xf32>
        %mul3A_654 = arith.mulf %get3A_651, %mul3A_653 : vector<16xf32>
        %swap3A_655 = arith.index_cast %scan3A_563 : i32 to index
        %swap3A_656 = arith.constant 112 : index
        %swap3A_657 = tpu.vector_load %arg12[%swap3A_655, %swap3A_656] {strides = array<i32>} : memref<50x128xf32, #tpu.memory_space<vmem>>, vector<1x16xf32>,
        %swap3A_658 = vector.shape_cast %swap3A_657 : vector<1x16xf32> to vector<16xf32>
        %swap3A_659 = vector.shape_cast %mul3A_654 : vector<16xf32> to vector<1x16xf32>
        tpu.vector_store %arg12[%swap3A_655, %swap3A_656], %swap3A_659 {strides = array<i32>} : memref<50x128xf32, #tpu.memory_space<vmem>>, vector<1x16xf32>,
        %scan3A_660 = arith.constant 3 : i32
        %scan3A_661 = arith.addi %scan3A_369, %scan3A_660 : i32
        %get3A_662 = arith.index_cast %scan3A_661 : i32 to index
        %get3A_663 = arith.constant 0 : index
        %get3A_664 = tpu.vector_load %arg12[%get3A_662, %get3A_663] {strides = array<i32>} : memref<50x128xf32, #tpu.memory_space<vmem>>, vector<1x16xf32>,
        %get3A_665 = vector.shape_cast %get3A_664 : vector<1x16xf32> to vector<16xf32>
        %mul3A_666 = arith.constant 1.000000e+01 : f32
        %mul3A_667 = vector.broadcast %mul3A_666 : f32 to vector<16xf32>
        %mul3A_668 = arith.mulf %get3A_665, %mul3A_667 : vector<16xf32>
        %swap3A_669 = arith.index_cast %scan3A_661 : i32 to index
        %swap3A_670 = arith.constant 0 : index
        %swap3A_671 = tpu.vector_load %arg12[%swap3A_669, %swap3A_670] {strides = array<i32>} : memref<50x128xf32, #tpu.memory_space<vmem>>, vector<1x16xf32>,
        %swap3A_672 = vector.shape_cast %swap3A_671 : vector<1x16xf32> to vector<16xf32>
        %swap3A_673 = vector.shape_cast %mul3A_668 : vector<16xf32> to vector<1x16xf32>
        tpu.vector_store %arg12[%swap3A_669, %swap3A_670], %swap3A_673 {strides = array<i32>} : memref<50x128xf32, #tpu.memory_space<vmem>>, vector<1x16xf32>,
        %get3A_674 = arith.index_cast %scan3A_661 : i32 to index
        %get3A_675 = arith.constant 16 : index
        %get3A_676 = tpu.vector_load %arg12[%get3A_674, %get3A_675] {strides = array<i32>} : memref<50x128xf32, #tpu.memory_space<vmem>>, vector<1x16xf32>,
        %get3A_677 = vector.shape_cast %get3A_676 : vector<1x16xf32> to vector<16xf32>
        %mul3A_678 = arith.constant 1.000000e+01 : f32
        %mul3A_679 = vector.broadcast %mul3A_678 : f32 to vector<16xf32>
        %mul3A_680 = arith.mulf %get3A_677, %mul3A_679 : vector<16xf32>
        %swap3A_681 = arith.index_cast %scan3A_661 : i32 to index
        %swap3A_682 = arith.constant 16 : index
        %swap3A_683 = tpu.vector_load %arg12[%swap3A_681, %swap3A_682] {strides = array<i32>} : memref<50x128xf32, #tpu.memory_space<vmem>>, vector<1x16xf32>,
        %swap3A_684 = vector.shape_cast %swap3A_683 : vector<1x16xf32> to vector<16xf32>
        %swap3A_685 = vector.shape_cast %mul3A_680 : vector<16xf32> to vector<1x16xf32>
        tpu.vector_store %arg12[%swap3A_681, %swap3A_682], %swap3A_685 {strides = array<i32>} : memref<50x128xf32, #tpu.memory_space<vmem>>, vector<1x16xf32>,
        %get3A_686 = arith.index_cast %scan3A_661 : i32 to index
        %get3A_687 = arith.constant 32 : index
        %get3A_688 = tpu.vector_load %arg12[%get3A_686, %get3A_687] {strides = array<i32>} : memref<50x128xf32, #tpu.memory_space<vmem>>, vector<1x16xf32>,
        %get3A_689 = vector.shape_cast %get3A_688 : vector<1x16xf32> to vector<16xf32>
        %mul3A_690 = arith.constant 1.000000e+01 : f32
        %mul3A_691 = vector.broadcast %mul3A_690 : f32 to vector<16xf32>
        %mul3A_692 = arith.mulf %get3A_689, %mul3A_691 : vector<16xf32>
        %swap3A_693 = arith.index_cast %scan3A_661 : i32 to index
        %swap3A_694 = arith.constant 32 : index
        %swap3A_695 = tpu.vector_load %arg12[%swap3A_693, %swap3A_694] {strides = array<i32>} : memref<50x128xf32, #tpu.memory_space<vmem>>, vector<1x16xf32>,
        %swap3A_696 = vector.shape_cast %swap3A_695 : vector<1x16xf32> to vector<16xf32>
        %swap3A_697 = vector.shape_cast %mul3A_692 : vector<16xf32> to vector<1x16xf32>
        tpu.vector_store %arg12[%swap3A_693, %swap3A_694], %swap3A_697 {strides = array<i32>} : memref<50x128xf32, #tpu.memory_space<vmem>>, vector<1x16xf32>,
        %get3A_698 = arith.index_cast %scan3A_661 : i32 to index
        %get3A_699 = arith.constant 48 : index
        %get3A_700 = tpu.vector_load %arg12[%get3A_698, %get3A_699] {strides = array<i32>} : memref<50x128xf32, #tpu.memory_space<vmem>>, vector<1x16xf32>,
        %get3A_701 = vector.shape_cast %get3A_700 : vector<1x16xf32> to vector<16xf32>
        %mul3A_702 = arith.constant 1.000000e+01 : f32
        %mul3A_703 = vector.broadcast %mul3A_702 : f32 to vector<16xf32>
        %mul3A_704 = arith.mulf %get3A_701, %mul3A_703 : vector<16xf32>
        %swap3A_705 = arith.index_cast %scan3A_661 : i32 to index
        %swap3A_706 = arith.constant 48 : index
        %swap3A_707 = tpu.vector_load %arg12[%swap3A_705, %swap3A_706] {strides = array<i32>} : memref<50x128xf32, #tpu.memory_space<vmem>>, vector<1x16xf32>,
        %swap3A_708 = vector.shape_cast %swap3A_707 : vector<1x16xf32> to vector<16xf32>
        %swap3A_709 = vector.shape_cast %mul3A_704 : vector<16xf32> to vector<1x16xf32>
        tpu.vector_store %arg12[%swap3A_705, %swap3A_706], %swap3A_709 {strides = array<i32>} : memref<50x128xf32, #tpu.memory_space<vmem>>, vector<1x16xf32>,
        %get3A_710 = arith.index_cast %scan3A_661 : i32 to index
        %get3A_711 = arith.constant 64 : index
        %get3A_712 = tpu.vector_load %arg12[%get3A_710, %get3A_711] {strides = array<i32>} : memref<50x128xf32, #tpu.memory_space<vmem>>, vector<1x16xf32>,
        %get3A_713 = vector.shape_cast %get3A_712 : vector<1x16xf32> to vector<16xf32>
        %mul3A_714 = arith.constant 1.000000e+01 : f32
        %mul3A_715 = vector.broadcast %mul3A_714 : f32 to vector<16xf32>
        %mul3A_716 = arith.mulf %get3A_713, %mul3A_715 : vector<16xf32>
        %swap3A_717 = arith.index_cast %scan3A_661 : i32 to index
        %swap3A_718 = arith.constant 64 : index
        %swap3A_719 = tpu.vector_load %arg12[%swap3A_717, %swap3A_718] {strides = array<i32>} : memref<50x128xf32, #tpu.memory_space<vmem>>, vector<1x16xf32>,
        %swap3A_720 = vector.shape_cast %swap3A_719 : vector<1x16xf32> to vector<16xf32>
        %swap3A_721 = vector.shape_cast %mul3A_716 : vector<16xf32> to vector<1x16xf32>
        tpu.vector_store %arg12[%swap3A_717, %swap3A_718], %swap3A_721 {strides = array<i32>} : memref<50x128xf32, #tpu.memory_space<vmem>>, vector<1x16xf32>,
        %get3A_722 = arith.index_cast %scan3A_661 : i32 to index
        %get3A_723 = arith.constant 80 : index
        %get3A_724 = tpu.vector_load %arg12[%get3A_722, %get3A_723] {strides = array<i32>} : memref<50x128xf32, #tpu.memory_space<vmem>>, vector<1x16xf32>,
        %get3A_725 = vector.shape_cast %get3A_724 : vector<1x16xf32> to vector<16xf32>
        %mul3A_726 = arith.constant 1.000000e+01 : f32
        %mul3A_727 = vector.broadcast %mul3A_726 : f32 to vector<16xf32>
        %mul3A_728 = arith.mulf %get3A_725, %mul3A_727 : vector<16xf32>
        %swap3A_729 = arith.index_cast %scan3A_661 : i32 to index
        %swap3A_730 = arith.constant 80 : index
        %swap3A_731 = tpu.vector_load %arg12[%swap3A_729, %swap3A_730] {strides = array<i32>} : memref<50x128xf32, #tpu.memory_space<vmem>>, vector<1x16xf32>,
        %swap3A_732 = vector.shape_cast %swap3A_731 : vector<1x16xf32> to vector<16xf32>
        %swap3A_733 = vector.shape_cast %mul3A_728 : vector<16xf32> to vector<1x16xf32>
        tpu.vector_store %arg12[%swap3A_729, %swap3A_730], %swap3A_733 {strides = array<i32>} : memref<50x128xf32, #tpu.memory_space<vmem>>, vector<1x16xf32>,
        %get3A_734 = arith.index_cast %scan3A_661 : i32 to index
        %get3A_735 = arith.constant 96 : index
        %get3A_736 = tpu.vector_load %arg12[%get3A_734, %get3A_735] {strides = array<i32>} : memref<50x128xf32, #tpu.memory_space<vmem>>, vector<1x16xf32>,
        %get3A_737 = vector.shape_cast %get3A_736 : vector<1x16xf32> to vector<16xf32>
        %mul3A_738 = arith.constant 1.000000e+01 : f32
        %mul3A_739 = vector.broadcast %mul3A_738 : f32 to vector<16xf32>
        %mul3A_740 = arith.mulf %get3A_737, %mul3A_739 : vector<16xf32>
        %swap3A_741 = arith.index_cast %scan3A_661 : i32 to index
        %swap3A_742 = arith.constant 96 : index
        %swap3A_743 = tpu.vector_load %arg12[%swap3A_741, %swap3A_742] {strides = array<i32>} : memref<50x128xf32, #tpu.memory_space<vmem>>, vector<1x16xf32>,
        %swap3A_744 = vector.shape_cast %swap3A_743 : vector<1x16xf32> to vector<16xf32>
        %swap3A_745 = vector.shape_cast %mul3A_740 : vector<16xf32> to vector<1x16xf32>
        tpu.vector_store %arg12[%swap3A_741, %swap3A_742], %swap3A_745 {strides = array<i32>} : memref<50x128xf32, #tpu.memory_space<vmem>>, vector<1x16xf32>,
        %get3A_746 = arith.index_cast %scan3A_661 : i32 to index
        %get3A_747 = arith.constant 112 : index
        %get3A_748 = tpu.vector_load %arg12[%get3A_746, %get3A_747] {strides = array<i32>} : memref<50x128xf32, #tpu.memory_space<vmem>>, vector<1x16xf32>,
        %get3A_749 = vector.shape_cast %get3A_748 : vector<1x16xf32> to vector<16xf32>
        %mul3A_750 = arith.constant 1.000000e+01 : f32
        %mul3A_751 = vector.broadcast %mul3A_750 : f32 to vector<16xf32>
        %mul3A_752 = arith.mulf %get3A_749, %mul3A_751 : vector<16xf32>
        %swap3A_753 = arith.index_cast %scan3A_661 : i32 to index
        %swap3A_754 = arith.constant 112 : index
        %swap3A_755 = tpu.vector_load %arg12[%swap3A_753, %swap3A_754] {strides = array<i32>} : memref<50x128xf32, #tpu.memory_space<vmem>>, vector<1x16xf32>,
        %swap3A_756 = vector.shape_cast %swap3A_755 : vector<1x16xf32> to vector<16xf32>
        %swap3A_757 = vector.shape_cast %mul3A_752 : vector<16xf32> to vector<1x16xf32>
        tpu.vector_store %arg12[%swap3A_753, %swap3A_754], %swap3A_757 {strides = array<i32>} : memref<50x128xf32, #tpu.memory_space<vmem>>, vector<1x16xf32>,
        %scan3A_758 = arith.constant 4 : i32
        %scan3A_759 = arith.addi %scan3A_369, %scan3A_758 : i32
        %get3A_760 = arith.index_cast %scan3A_759 : i32 to index
        %get3A_761 = arith.constant 0 : index
        %get3A_762 = tpu.vector_load %arg12[%get3A_760, %get3A_761] {strides = array<i32>} : memref<50x128xf32, #tpu.memory_space<vmem>>, vector<1x16xf32>,
        %get3A_763 = vector.shape_cast %get3A_762 : vector<1x16xf32> to vector<16xf32>
        %mul3A_764 = arith.constant 1.000000e+01 : f32
        %mul3A_765 = vector.broadcast %mul3A_764 : f32 to vector<16xf32>
        %mul3A_766 = arith.mulf %get3A_763, %mul3A_765 : vector<16xf32>
        %swap3A_767 = arith.index_cast %scan3A_759 : i32 to index
        %swap3A_768 = arith.constant 0 : index
        %swap3A_769 = tpu.vector_load %arg12[%swap3A_767, %swap3A_768] {strides = array<i32>} : memref<50x128xf32, #tpu.memory_space<vmem>>, vector<1x16xf32>,
        %swap3A_770 = vector.shape_cast %swap3A_769 : vector<1x16xf32> to vector<16xf32>
        %swap3A_771 = vector.shape_cast %mul3A_766 : vector<16xf32> to vector<1x16xf32>
        tpu.vector_store %arg12[%swap3A_767, %swap3A_768], %swap3A_771 {strides = array<i32>} : memref<50x128xf32, #tpu.memory_space<vmem>>, vector<1x16xf32>,
        %get3A_772 = arith.index_cast %scan3A_759 : i32 to index
        %get3A_773 = arith.constant 16 : index
        %get3A_774 = tpu.vector_load %arg12[%get3A_772, %get3A_773] {strides = array<i32>} : memref<50x128xf32, #tpu.memory_space<vmem>>, vector<1x16xf32>,
        %get3A_775 = vector.shape_cast %get3A_774 : vector<1x16xf32> to vector<16xf32>
        %mul3A_776 = arith.constant 1.000000e+01 : f32
        %mul3A_777 = vector.broadcast %mul3A_776 : f32 to vector<16xf32>
        %mul3A_778 = arith.mulf %get3A_775, %mul3A_777 : vector<16xf32>
        %swap3A_779 = arith.index_cast %scan3A_759 : i32 to index
        %swap3A_780 = arith.constant 16 : index
        %swap3A_781 = tpu.vector_load %arg12[%swap3A_779, %swap3A_780] {strides = array<i32>} : memref<50x128xf32, #tpu.memory_space<vmem>>, vector<1x16xf32>,
        %swap3A_782 = vector.shape_cast %swap3A_781 : vector<1x16xf32> to vector<16xf32>
        %swap3A_783 = vector.shape_cast %mul3A_778 : vector<16xf32> to vector<1x16xf32>
        tpu.vector_store %arg12[%swap3A_779, %swap3A_780], %swap3A_783 {strides = array<i32>} : memref<50x128xf32, #tpu.memory_space<vmem>>, vector<1x16xf32>,
        %get3A_784 = arith.index_cast %scan3A_759 : i32 to index
        %get3A_785 = arith.constant 32 : index
        %get3A_786 = tpu.vector_load %arg12[%get3A_784, %get3A_785] {strides = array<i32>} : memref<50x128xf32, #tpu.memory_space<vmem>>, vector<1x16xf32>,
        %get3A_787 = vector.shape_cast %get3A_786 : vector<1x16xf32> to vector<16xf32>
        %mul3A_788 = arith.constant 1.000000e+01 : f32
        %mul3A_789 = vector.broadcast %mul3A_788 : f32 to vector<16xf32>
        %mul3A_790 = arith.mulf %get3A_787, %mul3A_789 : vector<16xf32>
        %swap3A_791 = arith.index_cast %scan3A_759 : i32 to index
        %swap3A_792 = arith.constant 32 : index
        %swap3A_793 = tpu.vector_load %arg12[%swap3A_791, %swap3A_792] {strides = array<i32>} : memref<50x128xf32, #tpu.memory_space<vmem>>, vector<1x16xf32>,
        %swap3A_794 = vector.shape_cast %swap3A_793 : vector<1x16xf32> to vector<16xf32>
        %swap3A_795 = vector.shape_cast %mul3A_790 : vector<16xf32> to vector<1x16xf32>
        tpu.vector_store %arg12[%swap3A_791, %swap3A_792], %swap3A_795 {strides = array<i32>} : memref<50x128xf32, #tpu.memory_space<vmem>>, vector<1x16xf32>,
        %get3A_796 = arith.index_cast %scan3A_759 : i32 to index
        %get3A_797 = arith.constant 48 : index
        %get3A_798 = tpu.vector_load %arg12[%get3A_796, %get3A_797] {strides = array<i32>} : memref<50x128xf32, #tpu.memory_space<vmem>>, vector<1x16xf32>,
        %get3A_799 = vector.shape_cast %get3A_798 : vector<1x16xf32> to vector<16xf32>
        %mul3A_800 = arith.constant 1.000000e+01 : f32
        %mul3A_801 = vector.broadcast %mul3A_800 : f32 to vector<16xf32>
        %mul3A_802 = arith.mulf %get3A_799, %mul3A_801 : vector<16xf32>
        %swap3A_803 = arith.index_cast %scan3A_759 : i32 to index
        %swap3A_804 = arith.constant 48 : index
        %swap3A_805 = tpu.vector_load %arg12[%swap3A_803, %swap3A_804] {strides = array<i32>} : memref<50x128xf32, #tpu.memory_space<vmem>>, vector<1x16xf32>,
        %swap3A_806 = vector.shape_cast %swap3A_805 : vector<1x16xf32> to vector<16xf32>
        %swap3A_807 = vector.shape_cast %mul3A_802 : vector<16xf32> to vector<1x16xf32>
        tpu.vector_store %arg12[%swap3A_803, %swap3A_804], %swap3A_807 {strides = array<i32>} : memref<50x128xf32, #tpu.memory_space<vmem>>, vector<1x16xf32>,
        %get3A_808 = arith.index_cast %scan3A_759 : i32 to index
        %get3A_809 = arith.constant 64 : index
        %get3A_810 = tpu.vector_load %arg12[%get3A_808, %get3A_809] {strides = array<i32>} : memref<50x128xf32, #tpu.memory_space<vmem>>, vector<1x16xf32>,
        %get3A_811 = vector.shape_cast %get3A_810 : vector<1x16xf32> to vector<16xf32>
        %mul3A_812 = arith.constant 1.000000e+01 : f32
        %mul3A_813 = vector.broadcast %mul3A_812 : f32 to vector<16xf32>
        %mul3A_814 = arith.mulf %get3A_811, %mul3A_813 : vector<16xf32>
        %swap3A_815 = arith.index_cast %scan3A_759 : i32 to index
        %swap3A_816 = arith.constant 64 : index
        %swap3A_817 = tpu.vector_load %arg12[%swap3A_815, %swap3A_816] {strides = array<i32>} : memref<50x128xf32, #tpu.memory_space<vmem>>, vector<1x16xf32>,
        %swap3A_818 = vector.shape_cast %swap3A_817 : vector<1x16xf32> to vector<16xf32>
        %swap3A_819 = vector.shape_cast %mul3A_814 : vector<16xf32> to vector<1x16xf32>
        tpu.vector_store %arg12[%swap3A_815, %swap3A_816], %swap3A_819 {strides = array<i32>} : memref<50x128xf32, #tpu.memory_space<vmem>>, vector<1x16xf32>,
        %get3A_820 = arith.index_cast %scan3A_759 : i32 to index
        %get3A_821 = arith.constant 80 : index
        %get3A_822 = tpu.vector_load %arg12[%get3A_820, %get3A_821] {strides = array<i32>} : memref<50x128xf32, #tpu.memory_space<vmem>>, vector<1x16xf32>,
        %get3A_823 = vector.shape_cast %get3A_822 : vector<1x16xf32> to vector<16xf32>
        %mul3A_824 = arith.constant 1.000000e+01 : f32
        %mul3A_825 = vector.broadcast %mul3A_824 : f32 to vector<16xf32>
        %mul3A_826 = arith.mulf %get3A_823, %mul3A_825 : vector<16xf32>
        %swap3A_827 = arith.index_cast %scan3A_759 : i32 to index
        %swap3A_828 = arith.constant 80 : index
        %swap3A_829 = tpu.vector_load %arg12[%swap3A_827, %swap3A_828] {strides = array<i32>} : memref<50x128xf32, #tpu.memory_space<vmem>>, vector<1x16xf32>,
        %swap3A_830 = vector.shape_cast %swap3A_829 : vector<1x16xf32> to vector<16xf32>
        %swap3A_831 = vector.shape_cast %mul3A_826 : vector<16xf32> to vector<1x16xf32>
        tpu.vector_store %arg12[%swap3A_827, %swap3A_828], %swap3A_831 {strides = array<i32>} : memref<50x128xf32, #tpu.memory_space<vmem>>, vector<1x16xf32>,
        %get3A_832 = arith.index_cast %scan3A_759 : i32 to index
        %get3A_833 = arith.constant 96 : index
        %get3A_834 = tpu.vector_load %arg12[%get3A_832, %get3A_833] {strides = array<i32>} : memref<50x128xf32, #tpu.memory_space<vmem>>, vector<1x16xf32>,
        %get3A_835 = vector.shape_cast %get3A_834 : vector<1x16xf32> to vector<16xf32>
        %mul3A_836 = arith.constant 1.000000e+01 : f32
        %mul3A_837 = vector.broadcast %mul3A_836 : f32 to vector<16xf32>
        %mul3A_838 = arith.mulf %get3A_835, %mul3A_837 : vector<16xf32>
        %swap3A_839 = arith.index_cast %scan3A_759 : i32 to index
        %swap3A_840 = arith.constant 96 : index
        %swap3A_841 = tpu.vector_load %arg12[%swap3A_839, %swap3A_840] {strides = array<i32>} : memref<50x128xf32, #tpu.memory_space<vmem>>, vector<1x16xf32>,
        %swap3A_842 = vector.shape_cast %swap3A_841 : vector<1x16xf32> to vector<16xf32>
        %swap3A_843 = vector.shape_cast %mul3A_838 : vector<16xf32> to vector<1x16xf32>
        tpu.vector_store %arg12[%swap3A_839, %swap3A_840], %swap3A_843 {strides = array<i32>} : memref<50x128xf32, #tpu.memory_space<vmem>>, vector<1x16xf32>,
        %get3A_844 = arith.index_cast %scan3A_759 : i32 to index
        %get3A_845 = arith.constant 112 : index
        %get3A_846 = tpu.vector_load %arg12[%get3A_844, %get3A_845] {strides = array<i32>} : memref<50x128xf32, #tpu.memory_space<vmem>>, vector<1x16xf32>,
        %get3A_847 = vector.shape_cast %get3A_846 : vector<1x16xf32> to vector<16xf32>
        %mul3A_848 = arith.constant 1.000000e+01 : f32
        %mul3A_849 = vector.broadcast %mul3A_848 : f32 to vector<16xf32>
        %mul3A_850 = arith.mulf %get3A_847, %mul3A_849 : vector<16xf32>
        %swap3A_851 = arith.index_cast %scan3A_759 : i32 to index
        %swap3A_852 = arith.constant 112 : index
        %swap3A_853 = tpu.vector_load %arg12[%swap3A_851, %swap3A_852] {strides = array<i32>} : memref<50x128xf32, #tpu.memory_space<vmem>>, vector<1x16xf32>,
        %swap3A_854 = vector.shape_cast %swap3A_853 : vector<1x16xf32> to vector<16xf32>
        %swap3A_855 = vector.shape_cast %mul3A_850 : vector<16xf32> to vector<1x16xf32>
        tpu.vector_store %arg12[%swap3A_851, %swap3A_852], %swap3A_855 {strides = array<i32>} : memref<50x128xf32, #tpu.memory_space<vmem>>, vector<1x16xf32>,
      }
      %scan3A_322 = arith.constant 50 : i32
      %add3A_323 = arith.addi %mul3A_4, %add3A_298 : i32
      %dma_start3A_324 = arith.constant 0 : i32
      %dma_start3A_325 = arith.constant 0 : i32
      %dma_start3A_326 = tpu.memref_slice %arg4[%add3A_323, %dma_start3A_324, %dma_start3A_325] : memref<4096x50x128xf32, #tpu.memory_space<hbm>> -> memref<1x50x128xf32, #tpu.memory_space<hbm>>
      %dma_start3A_327 = tpu.memref_squeeze %dma_start3A_326 : memref<1x50x128xf32, #tpu.memory_space<hbm>> -> memref<50x128xf32, #tpu.memory_space<hbm>>
      %dma_start3A_328 = arith.constant 0 : i32
      %dma_start3A_329 = arith.constant 0 : i32
      %dma_start3A_330 = tpu.memref_slice %arg4[%add3A_323, %dma_start3A_328, %dma_start3A_329] : memref<4096x50x128xf32, #tpu.memory_space<hbm>> -> memref<1x50x128xf32, #tpu.memory_space<hbm>>
      %dma_start3A_331 = tpu.memref_squeeze %dma_start3A_330 : memref<1x50x128xf32, #tpu.memory_space<hbm>> -> memref<50x128xf32, #tpu.memory_space<hbm>>
      tpu.enqueue_dma source(%arg12 : memref<50x128xf32, #tpu.memory_space<vmem>>) target(%dma_start3A_331 : memref<50x128xf32, #tpu.memory_space<hbm>>) target_semaphore(%arg28 : memref<!tpu.dma_semaphore, #tpu.memory_space<semaphore_mem>>)
      %mul3A_332 = arith.constant 8 : i32
      %mul3A_333 = arith.muli %mul3A_332, %scan3A_76 : i32
      %add3A_334 = arith.constant 7 : i32
      %add3A_335 = arith.addi %mul3A_333, %add3A_334 : i32
      %ge3A_336 = arith.constant 4 : i32
      %ge3A_337 = arith.cmpi sge, %add3A_335, %ge3A_336 : i32
      %convert_element_type3A_338 = arith.extui %ge3A_337 : i1 to i32
      %cond3A_339 = arith.constant 0 : i32
      %cond3A_340 = arith.cmpi ne, %convert_element_type3A_338, %cond3A_339 : i32
      scf.if %cond3A_340 {
        %sub3A = arith.constant 4 : i32
        %sub3A_369 = arith.subi %add3A_335, %sub3A : i32
        %add3A_370 = arith.addi %mul3A_4, %sub3A_369 : i32
        %dma_wait3A_371 = arith.constant 0 : i32
        %dma_wait3A_372 = arith.constant 0 : i32
        %dma_wait3A_373 = tpu.memref_slice %arg4[%add3A_370, %dma_wait3A_371, %dma_wait3A_372] : memref<4096x50x128xf32, #tpu.memory_space<hbm>> -> memref<1x50x128xf32, #tpu.memory_space<hbm>>
        %dma_wait3A_374 = tpu.memref_squeeze %dma_wait3A_373 : memref<1x50x128xf32, #tpu.memory_space<hbm>> -> memref<50x128xf32, #tpu.memory_space<hbm>>
        %dma_wait3A_375 = arith.constant 0 : i32
        %dma_wait3A_376 = arith.constant 0 : i32
        %dma_wait3A_377 = tpu.memref_slice %arg4[%add3A_370, %dma_wait3A_375, %dma_wait3A_376] : memref<4096x50x128xf32, #tpu.memory_space<hbm>> -> memref<1x50x128xf32, #tpu.memory_space<hbm>>
        %dma_wait3A_378 = tpu.memref_squeeze %dma_wait3A_377 : memref<1x50x128xf32, #tpu.memory_space<hbm>> -> memref<50x128xf32, #tpu.memory_space<hbm>>
        tpu.wait_dma2 semaphore(%arg25 : memref<!tpu.dma_semaphore, #tpu.memory_space<semaphore_mem>>) src(%arg9 : memref<50x128xf32, #tpu.memory_space<vmem>>) dst(%dma_wait3A_378 : memref<50x128xf32, #tpu.memory_space<hbm>>)
      } else {
      }
      %add3A_341 = arith.constant 4 : i32
      %add3A_342 = arith.addi %add3A_335, %add3A_341 : i32
      %lt3A_343 = arith.constant 128 : i32
      %lt3A_344 = arith.cmpi slt, %add3A_342, %lt3A_343 : i32
      %convert_element_type3A_345 = arith.extui %lt3A_344 : i1 to i32
      %cond3A_346 = arith.constant 0 : i32
      %cond3A_347 = arith.cmpi ne, %convert_element_type3A_345, %cond3A_346 : i32
      scf.if %cond3A_347 {
        %add3A_369 = arith.constant 4 : i32
        %add3A_370 = arith.addi %add3A_335, %add3A_369 : i32
        %dma_start3A_371 = arith.constant 0 : i32
        %dma_start3A_372 = tpu.memref_slice %arg5[%add3A_370, %dma_start3A_371] : memref<128x50xi32, #tpu.memory_space<vmem>> -> memref<1x50xi32, #tpu.memory_space<vmem>>
        %dma_start3A_373 = tpu.memref_squeeze %dma_start3A_372 : memref<1x50xi32, #tpu.memory_space<vmem>> -> memref<50xi32, #tpu.memory_space<vmem>>
        %dma_start3A_374 = arith.constant 0 : i32
        %dma_start3A_375 = arith.constant 0 : i32
        %dma_start3A_376 = tpu.memref_slice %arg2[%dma_start3A_374, %dma_start3A_375] : memref<100000x128xf32, #tpu.memory_space<hbm>> -> memref<100000x128xf32, #tpu.memory_space<hbm>>
        tpu.enqueue_indirect_dma source(%dma_start3A_376 : memref<100000x128xf32, #tpu.memory_space<hbm>>) target(%arg9 : memref<50x128xf32, #tpu.memory_space<vmem>>) offsets(%dma_start3A_373 : memref<50xi32, #tpu.memory_space<vmem>>) semaphore(%arg17 : memref<!tpu.dma_semaphore, #tpu.memory_space<semaphore_mem>>)
      } else {
      }
      %dma_wait3A_348 = arith.constant 0 : i32
      %dma_wait3A_349 = tpu.memref_slice %arg5[%add3A_335, %dma_wait3A_348] : memref<128x50xi32, #tpu.memory_space<vmem>> -> memref<1x50xi32, #tpu.memory_space<vmem>>
      %dma_wait3A_350 = tpu.memref_squeeze %dma_wait3A_349 : memref<1x50xi32, #tpu.memory_space<vmem>> -> memref<50xi32, #tpu.memory_space<vmem>>
      %dma_wait3A_351 = arith.constant 0 : i32
      %dma_wait3A_352 = arith.constant 0 : i32
      %dma_wait3A_353 = tpu.memref_slice %arg2[%dma_wait3A_351, %dma_wait3A_352] : memref<100000x128xf32, #tpu.memory_space<hbm>> -> memref<100000x128xf32, #tpu.memory_space<hbm>>
      tpu.wait_indirect_dma semaphore(%arg21 : memref<!tpu.dma_semaphore, #tpu.memory_space<semaphore_mem>>) src(%dma_wait3A_353 : memref<100000x128xf32, #tpu.memory_space<hbm>>) dst(%arg13 : memref<50x128xf32, #tpu.memory_space<vmem>>)
      %scan3A_354 = arith.constant 0 : i32
      %scan3A_355 = arith.constant 0 : i32
      %scan3A_356 = arith.constant 50 : i32
      %scan3A_357 = arith.addi %scan3A_355, %scan3A_356 : i32
      %scan3A_358 = arith.constant 5 : i32
      scf.for %scan3A_369 = %scan3A_355 to %scan3A_357 step %scan3A_358  : i32 {
        %get3A = arith.index_cast %scan3A_369 : i32 to index
        %get3A_370 = arith.constant 0 : index
        %get3A_371 = tpu.vector_load %arg13[%get3A, %get3A_370] {strides = array<i32>} : memref<50x128xf32, #tpu.memory_space<vmem>>, vector<1x16xf32>,
        %get3A_372 = vector.shape_cast %get3A_371 : vector<1x16xf32> to vector<16xf32>
        %mul3A_373 = arith.constant 1.000000e+01 : f32
        %mul3A_374 = vector.broadcast %mul3A_373 : f32 to vector<16xf32>
        %mul3A_375 = arith.mulf %get3A_372, %mul3A_374 : vector<16xf32>
        %swap3A = arith.index_cast %scan3A_369 : i32 to index
        %swap3A_376 = arith.constant 0 : index
        %swap3A_377 = tpu.vector_load %arg13[%swap3A, %swap3A_376] {strides = array<i32>} : memref<50x128xf32, #tpu.memory_space<vmem>>, vector<1x16xf32>,
        %swap3A_378 = vector.shape_cast %swap3A_377 : vector<1x16xf32> to vector<16xf32>
        %swap3A_379 = vector.shape_cast %mul3A_375 : vector<16xf32> to vector<1x16xf32>
        tpu.vector_store %arg13[%swap3A, %swap3A_376], %swap3A_379 {strides = array<i32>} : memref<50x128xf32, #tpu.memory_space<vmem>>, vector<1x16xf32>,
        %get3A_380 = arith.index_cast %scan3A_369 : i32 to index
        %get3A_381 = arith.constant 16 : index
        %get3A_382 = tpu.vector_load %arg13[%get3A_380, %get3A_381] {strides = array<i32>} : memref<50x128xf32, #tpu.memory_space<vmem>>, vector<1x16xf32>,
        %get3A_383 = vector.shape_cast %get3A_382 : vector<1x16xf32> to vector<16xf32>
        %mul3A_384 = arith.constant 1.000000e+01 : f32
        %mul3A_385 = vector.broadcast %mul3A_384 : f32 to vector<16xf32>
        %mul3A_386 = arith.mulf %get3A_383, %mul3A_385 : vector<16xf32>
        %swap3A_387 = arith.index_cast %scan3A_369 : i32 to index
        %swap3A_388 = arith.constant 16 : index
        %swap3A_389 = tpu.vector_load %arg13[%swap3A_387, %swap3A_388] {strides = array<i32>} : memref<50x128xf32, #tpu.memory_space<vmem>>, vector<1x16xf32>,
        %swap3A_390 = vector.shape_cast %swap3A_389 : vector<1x16xf32> to vector<16xf32>
        %swap3A_391 = vector.shape_cast %mul3A_386 : vector<16xf32> to vector<1x16xf32>
        tpu.vector_store %arg13[%swap3A_387, %swap3A_388], %swap3A_391 {strides = array<i32>} : memref<50x128xf32, #tpu.memory_space<vmem>>, vector<1x16xf32>,
        %get3A_392 = arith.index_cast %scan3A_369 : i32 to index
        %get3A_393 = arith.constant 32 : index
        %get3A_394 = tpu.vector_load %arg13[%get3A_392, %get3A_393] {strides = array<i32>} : memref<50x128xf32, #tpu.memory_space<vmem>>, vector<1x16xf32>,
        %get3A_395 = vector.shape_cast %get3A_394 : vector<1x16xf32> to vector<16xf32>
        %mul3A_396 = arith.constant 1.000000e+01 : f32
        %mul3A_397 = vector.broadcast %mul3A_396 : f32 to vector<16xf32>
        %mul3A_398 = arith.mulf %get3A_395, %mul3A_397 : vector<16xf32>
        %swap3A_399 = arith.index_cast %scan3A_369 : i32 to index
        %swap3A_400 = arith.constant 32 : index
        %swap3A_401 = tpu.vector_load %arg13[%swap3A_399, %swap3A_400] {strides = array<i32>} : memref<50x128xf32, #tpu.memory_space<vmem>>, vector<1x16xf32>,
        %swap3A_402 = vector.shape_cast %swap3A_401 : vector<1x16xf32> to vector<16xf32>
        %swap3A_403 = vector.shape_cast %mul3A_398 : vector<16xf32> to vector<1x16xf32>
        tpu.vector_store %arg13[%swap3A_399, %swap3A_400], %swap3A_403 {strides = array<i32>} : memref<50x128xf32, #tpu.memory_space<vmem>>, vector<1x16xf32>,
        %get3A_404 = arith.index_cast %scan3A_369 : i32 to index
        %get3A_405 = arith.constant 48 : index
        %get3A_406 = tpu.vector_load %arg13[%get3A_404, %get3A_405] {strides = array<i32>} : memref<50x128xf32, #tpu.memory_space<vmem>>, vector<1x16xf32>,
        %get3A_407 = vector.shape_cast %get3A_406 : vector<1x16xf32> to vector<16xf32>
        %mul3A_408 = arith.constant 1.000000e+01 : f32
        %mul3A_409 = vector.broadcast %mul3A_408 : f32 to vector<16xf32>
        %mul3A_410 = arith.mulf %get3A_407, %mul3A_409 : vector<16xf32>
        %swap3A_411 = arith.index_cast %scan3A_369 : i32 to index
        %swap3A_412 = arith.constant 48 : index
        %swap3A_413 = tpu.vector_load %arg13[%swap3A_411, %swap3A_412] {strides = array<i32>} : memref<50x128xf32, #tpu.memory_space<vmem>>, vector<1x16xf32>,
        %swap3A_414 = vector.shape_cast %swap3A_413 : vector<1x16xf32> to vector<16xf32>
        %swap3A_415 = vector.shape_cast %mul3A_410 : vector<16xf32> to vector<1x16xf32>
        tpu.vector_store %arg13[%swap3A_411, %swap3A_412], %swap3A_415 {strides = array<i32>} : memref<50x128xf32, #tpu.memory_space<vmem>>, vector<1x16xf32>,
        %get3A_416 = arith.index_cast %scan3A_369 : i32 to index
        %get3A_417 = arith.constant 64 : index
        %get3A_418 = tpu.vector_load %arg13[%get3A_416, %get3A_417] {strides = array<i32>} : memref<50x128xf32, #tpu.memory_space<vmem>>, vector<1x16xf32>,
        %get3A_419 = vector.shape_cast %get3A_418 : vector<1x16xf32> to vector<16xf32>
        %mul3A_420 = arith.constant 1.000000e+01 : f32
        %mul3A_421 = vector.broadcast %mul3A_420 : f32 to vector<16xf32>
        %mul3A_422 = arith.mulf %get3A_419, %mul3A_421 : vector<16xf32>
        %swap3A_423 = arith.index_cast %scan3A_369 : i32 to index
        %swap3A_424 = arith.constant 64 : index
        %swap3A_425 = tpu.vector_load %arg13[%swap3A_423, %swap3A_424] {strides = array<i32>} : memref<50x128xf32, #tpu.memory_space<vmem>>, vector<1x16xf32>,
        %swap3A_426 = vector.shape_cast %swap3A_425 : vector<1x16xf32> to vector<16xf32>
        %swap3A_427 = vector.shape_cast %mul3A_422 : vector<16xf32> to vector<1x16xf32>
        tpu.vector_store %arg13[%swap3A_423, %swap3A_424], %swap3A_427 {strides = array<i32>} : memref<50x128xf32, #tpu.memory_space<vmem>>, vector<1x16xf32>,
        %get3A_428 = arith.index_cast %scan3A_369 : i32 to index
        %get3A_429 = arith.constant 80 : index
        %get3A_430 = tpu.vector_load %arg13[%get3A_428, %get3A_429] {strides = array<i32>} : memref<50x128xf32, #tpu.memory_space<vmem>>, vector<1x16xf32>,
        %get3A_431 = vector.shape_cast %get3A_430 : vector<1x16xf32> to vector<16xf32>
        %mul3A_432 = arith.constant 1.000000e+01 : f32
        %mul3A_433 = vector.broadcast %mul3A_432 : f32 to vector<16xf32>
        %mul3A_434 = arith.mulf %get3A_431, %mul3A_433 : vector<16xf32>
        %swap3A_435 = arith.index_cast %scan3A_369 : i32 to index
        %swap3A_436 = arith.constant 80 : index
        %swap3A_437 = tpu.vector_load %arg13[%swap3A_435, %swap3A_436] {strides = array<i32>} : memref<50x128xf32, #tpu.memory_space<vmem>>, vector<1x16xf32>,
        %swap3A_438 = vector.shape_cast %swap3A_437 : vector<1x16xf32> to vector<16xf32>
        %swap3A_439 = vector.shape_cast %mul3A_434 : vector<16xf32> to vector<1x16xf32>
        tpu.vector_store %arg13[%swap3A_435, %swap3A_436], %swap3A_439 {strides = array<i32>} : memref<50x128xf32, #tpu.memory_space<vmem>>, vector<1x16xf32>,
        %get3A_440 = arith.index_cast %scan3A_369 : i32 to index
        %get3A_441 = arith.constant 96 : index
        %get3A_442 = tpu.vector_load %arg13[%get3A_440, %get3A_441] {strides = array<i32>} : memref<50x128xf32, #tpu.memory_space<vmem>>, vector<1x16xf32>,
        %get3A_443 = vector.shape_cast %get3A_442 : vector<1x16xf32> to vector<16xf32>
        %mul3A_444 = arith.constant 1.000000e+01 : f32
        %mul3A_445 = vector.broadcast %mul3A_444 : f32 to vector<16xf32>
        %mul3A_446 = arith.mulf %get3A_443, %mul3A_445 : vector<16xf32>
        %swap3A_447 = arith.index_cast %scan3A_369 : i32 to index
        %swap3A_448 = arith.constant 96 : index
        %swap3A_449 = tpu.vector_load %arg13[%swap3A_447, %swap3A_448] {strides = array<i32>} : memref<50x128xf32, #tpu.memory_space<vmem>>, vector<1x16xf32>,
        %swap3A_450 = vector.shape_cast %swap3A_449 : vector<1x16xf32> to vector<16xf32>
        %swap3A_451 = vector.shape_cast %mul3A_446 : vector<16xf32> to vector<1x16xf32>
        tpu.vector_store %arg13[%swap3A_447, %swap3A_448], %swap3A_451 {strides = array<i32>} : memref<50x128xf32, #tpu.memory_space<vmem>>, vector<1x16xf32>,
        %get3A_452 = arith.index_cast %scan3A_369 : i32 to index
        %get3A_453 = arith.constant 112 : index
        %get3A_454 = tpu.vector_load %arg13[%get3A_452, %get3A_453] {strides = array<i32>} : memref<50x128xf32, #tpu.memory_space<vmem>>, vector<1x16xf32>,
        %get3A_455 = vector.shape_cast %get3A_454 : vector<1x16xf32> to vector<16xf32>
        %mul3A_456 = arith.constant 1.000000e+01 : f32
        %mul3A_457 = vector.broadcast %mul3A_456 : f32 to vector<16xf32>
        %mul3A_458 = arith.mulf %get3A_455, %mul3A_457 : vector<16xf32>
        %swap3A_459 = arith.index_cast %scan3A_369 : i32 to index
        %swap3A_460 = arith.constant 112 : index
        %swap3A_461 = tpu.vector_load %arg13[%swap3A_459, %swap3A_460] {strides = array<i32>} : memref<50x128xf32, #tpu.memory_space<vmem>>, vector<1x16xf32>,
        %swap3A_462 = vector.shape_cast %swap3A_461 : vector<1x16xf32> to vector<16xf32>
        %swap3A_463 = vector.shape_cast %mul3A_458 : vector<16xf32> to vector<1x16xf32>
        tpu.vector_store %arg13[%swap3A_459, %swap3A_460], %swap3A_463 {strides = array<i32>} : memref<50x128xf32, #tpu.memory_space<vmem>>, vector<1x16xf32>,
        %scan3A_464 = arith.constant 1 : i32
        %scan3A_465 = arith.addi %scan3A_369, %scan3A_464 : i32
        %get3A_466 = arith.index_cast %scan3A_465 : i32 to index
        %get3A_467 = arith.constant 0 : index
        %get3A_468 = tpu.vector_load %arg13[%get3A_466, %get3A_467] {strides = array<i32>} : memref<50x128xf32, #tpu.memory_space<vmem>>, vector<1x16xf32>,
        %get3A_469 = vector.shape_cast %get3A_468 : vector<1x16xf32> to vector<16xf32>
        %mul3A_470 = arith.constant 1.000000e+01 : f32
        %mul3A_471 = vector.broadcast %mul3A_470 : f32 to vector<16xf32>
        %mul3A_472 = arith.mulf %get3A_469, %mul3A_471 : vector<16xf32>
        %swap3A_473 = arith.index_cast %scan3A_465 : i32 to index
        %swap3A_474 = arith.constant 0 : index
        %swap3A_475 = tpu.vector_load %arg13[%swap3A_473, %swap3A_474] {strides = array<i32>} : memref<50x128xf32, #tpu.memory_space<vmem>>, vector<1x16xf32>,
        %swap3A_476 = vector.shape_cast %swap3A_475 : vector<1x16xf32> to vector<16xf32>
        %swap3A_477 = vector.shape_cast %mul3A_472 : vector<16xf32> to vector<1x16xf32>
        tpu.vector_store %arg13[%swap3A_473, %swap3A_474], %swap3A_477 {strides = array<i32>} : memref<50x128xf32, #tpu.memory_space<vmem>>, vector<1x16xf32>,
        %get3A_478 = arith.index_cast %scan3A_465 : i32 to index
        %get3A_479 = arith.constant 16 : index
        %get3A_480 = tpu.vector_load %arg13[%get3A_478, %get3A_479] {strides = array<i32>} : memref<50x128xf32, #tpu.memory_space<vmem>>, vector<1x16xf32>,
        %get3A_481 = vector.shape_cast %get3A_480 : vector<1x16xf32> to vector<16xf32>
        %mul3A_482 = arith.constant 1.000000e+01 : f32
        %mul3A_483 = vector.broadcast %mul3A_482 : f32 to vector<16xf32>
        %mul3A_484 = arith.mulf %get3A_481, %mul3A_483 : vector<16xf32>
        %swap3A_485 = arith.index_cast %scan3A_465 : i32 to index
        %swap3A_486 = arith.constant 16 : index
        %swap3A_487 = tpu.vector_load %arg13[%swap3A_485, %swap3A_486] {strides = array<i32>} : memref<50x128xf32, #tpu.memory_space<vmem>>, vector<1x16xf32>,
        %swap3A_488 = vector.shape_cast %swap3A_487 : vector<1x16xf32> to vector<16xf32>
        %swap3A_489 = vector.shape_cast %mul3A_484 : vector<16xf32> to vector<1x16xf32>
        tpu.vector_store %arg13[%swap3A_485, %swap3A_486], %swap3A_489 {strides = array<i32>} : memref<50x128xf32, #tpu.memory_space<vmem>>, vector<1x16xf32>,
        %get3A_490 = arith.index_cast %scan3A_465 : i32 to index
        %get3A_491 = arith.constant 32 : index
        %get3A_492 = tpu.vector_load %arg13[%get3A_490, %get3A_491] {strides = array<i32>} : memref<50x128xf32, #tpu.memory_space<vmem>>, vector<1x16xf32>,
        %get3A_493 = vector.shape_cast %get3A_492 : vector<1x16xf32> to vector<16xf32>
        %mul3A_494 = arith.constant 1.000000e+01 : f32
        %mul3A_495 = vector.broadcast %mul3A_494 : f32 to vector<16xf32>
        %mul3A_496 = arith.mulf %get3A_493, %mul3A_495 : vector<16xf32>
        %swap3A_497 = arith.index_cast %scan3A_465 : i32 to index
        %swap3A_498 = arith.constant 32 : index
        %swap3A_499 = tpu.vector_load %arg13[%swap3A_497, %swap3A_498] {strides = array<i32>} : memref<50x128xf32, #tpu.memory_space<vmem>>, vector<1x16xf32>,
        %swap3A_500 = vector.shape_cast %swap3A_499 : vector<1x16xf32> to vector<16xf32>
        %swap3A_501 = vector.shape_cast %mul3A_496 : vector<16xf32> to vector<1x16xf32>
        tpu.vector_store %arg13[%swap3A_497, %swap3A_498], %swap3A_501 {strides = array<i32>} : memref<50x128xf32, #tpu.memory_space<vmem>>, vector<1x16xf32>,
        %get3A_502 = arith.index_cast %scan3A_465 : i32 to index
        %get3A_503 = arith.constant 48 : index
        %get3A_504 = tpu.vector_load %arg13[%get3A_502, %get3A_503] {strides = array<i32>} : memref<50x128xf32, #tpu.memory_space<vmem>>, vector<1x16xf32>,
        %get3A_505 = vector.shape_cast %get3A_504 : vector<1x16xf32> to vector<16xf32>
        %mul3A_506 = arith.constant 1.000000e+01 : f32
        %mul3A_507 = vector.broadcast %mul3A_506 : f32 to vector<16xf32>
        %mul3A_508 = arith.mulf %get3A_505, %mul3A_507 : vector<16xf32>
        %swap3A_509 = arith.index_cast %scan3A_465 : i32 to index
        %swap3A_510 = arith.constant 48 : index
        %swap3A_511 = tpu.vector_load %arg13[%swap3A_509, %swap3A_510] {strides = array<i32>} : memref<50x128xf32, #tpu.memory_space<vmem>>, vector<1x16xf32>,
        %swap3A_512 = vector.shape_cast %swap3A_511 : vector<1x16xf32> to vector<16xf32>
        %swap3A_513 = vector.shape_cast %mul3A_508 : vector<16xf32> to vector<1x16xf32>
        tpu.vector_store %arg13[%swap3A_509, %swap3A_510], %swap3A_513 {strides = array<i32>} : memref<50x128xf32, #tpu.memory_space<vmem>>, vector<1x16xf32>,
        %get3A_514 = arith.index_cast %scan3A_465 : i32 to index
        %get3A_515 = arith.constant 64 : index
        %get3A_516 = tpu.vector_load %arg13[%get3A_514, %get3A_515] {strides = array<i32>} : memref<50x128xf32, #tpu.memory_space<vmem>>, vector<1x16xf32>,
        %get3A_517 = vector.shape_cast %get3A_516 : vector<1x16xf32> to vector<16xf32>
        %mul3A_518 = arith.constant 1.000000e+01 : f32
        %mul3A_519 = vector.broadcast %mul3A_518 : f32 to vector<16xf32>
        %mul3A_520 = arith.mulf %get3A_517, %mul3A_519 : vector<16xf32>
        %swap3A_521 = arith.index_cast %scan3A_465 : i32 to index
        %swap3A_522 = arith.constant 64 : index
        %swap3A_523 = tpu.vector_load %arg13[%swap3A_521, %swap3A_522] {strides = array<i32>} : memref<50x128xf32, #tpu.memory_space<vmem>>, vector<1x16xf32>,
        %swap3A_524 = vector.shape_cast %swap3A_523 : vector<1x16xf32> to vector<16xf32>
        %swap3A_525 = vector.shape_cast %mul3A_520 : vector<16xf32> to vector<1x16xf32>
        tpu.vector_store %arg13[%swap3A_521, %swap3A_522], %swap3A_525 {strides = array<i32>} : memref<50x128xf32, #tpu.memory_space<vmem>>, vector<1x16xf32>,
        %get3A_526 = arith.index_cast %scan3A_465 : i32 to index
        %get3A_527 = arith.constant 80 : index
        %get3A_528 = tpu.vector_load %arg13[%get3A_526, %get3A_527] {strides = array<i32>} : memref<50x128xf32, #tpu.memory_space<vmem>>, vector<1x16xf32>,
        %get3A_529 = vector.shape_cast %get3A_528 : vector<1x16xf32> to vector<16xf32>
        %mul3A_530 = arith.constant 1.000000e+01 : f32
        %mul3A_531 = vector.broadcast %mul3A_530 : f32 to vector<16xf32>
        %mul3A_532 = arith.mulf %get3A_529, %mul3A_531 : vector<16xf32>
        %swap3A_533 = arith.index_cast %scan3A_465 : i32 to index
        %swap3A_534 = arith.constant 80 : index
        %swap3A_535 = tpu.vector_load %arg13[%swap3A_533, %swap3A_534] {strides = array<i32>} : memref<50x128xf32, #tpu.memory_space<vmem>>, vector<1x16xf32>,
        %swap3A_536 = vector.shape_cast %swap3A_535 : vector<1x16xf32> to vector<16xf32>
        %swap3A_537 = vector.shape_cast %mul3A_532 : vector<16xf32> to vector<1x16xf32>
        tpu.vector_store %arg13[%swap3A_533, %swap3A_534], %swap3A_537 {strides = array<i32>} : memref<50x128xf32, #tpu.memory_space<vmem>>, vector<1x16xf32>,
        %get3A_538 = arith.index_cast %scan3A_465 : i32 to index
        %get3A_539 = arith.constant 96 : index
        %get3A_540 = tpu.vector_load %arg13[%get3A_538, %get3A_539] {strides = array<i32>} : memref<50x128xf32, #tpu.memory_space<vmem>>, vector<1x16xf32>,
        %get3A_541 = vector.shape_cast %get3A_540 : vector<1x16xf32> to vector<16xf32>
        %mul3A_542 = arith.constant 1.000000e+01 : f32
        %mul3A_543 = vector.broadcast %mul3A_542 : f32 to vector<16xf32>
        %mul3A_544 = arith.mulf %get3A_541, %mul3A_543 : vector<16xf32>
        %swap3A_545 = arith.index_cast %scan3A_465 : i32 to index
        %swap3A_546 = arith.constant 96 : index
        %swap3A_547 = tpu.vector_load %arg13[%swap3A_545, %swap3A_546] {strides = array<i32>} : memref<50x128xf32, #tpu.memory_space<vmem>>, vector<1x16xf32>,
        %swap3A_548 = vector.shape_cast %swap3A_547 : vector<1x16xf32> to vector<16xf32>
        %swap3A_549 = vector.shape_cast %mul3A_544 : vector<16xf32> to vector<1x16xf32>
        tpu.vector_store %arg13[%swap3A_545, %swap3A_546], %swap3A_549 {strides = array<i32>} : memref<50x128xf32, #tpu.memory_space<vmem>>, vector<1x16xf32>,
        %get3A_550 = arith.index_cast %scan3A_465 : i32 to index
        %get3A_551 = arith.constant 112 : index
        %get3A_552 = tpu.vector_load %arg13[%get3A_550, %get3A_551] {strides = array<i32>} : memref<50x128xf32, #tpu.memory_space<vmem>>, vector<1x16xf32>,
        %get3A_553 = vector.shape_cast %get3A_552 : vector<1x16xf32> to vector<16xf32>
        %mul3A_554 = arith.constant 1.000000e+01 : f32
        %mul3A_555 = vector.broadcast %mul3A_554 : f32 to vector<16xf32>
        %mul3A_556 = arith.mulf %get3A_553, %mul3A_555 : vector<16xf32>
        %swap3A_557 = arith.index_cast %scan3A_465 : i32 to index
        %swap3A_558 = arith.constant 112 : index
        %swap3A_559 = tpu.vector_load %arg13[%swap3A_557, %swap3A_558] {strides = array<i32>} : memref<50x128xf32, #tpu.memory_space<vmem>>, vector<1x16xf32>,
        %swap3A_560 = vector.shape_cast %swap3A_559 : vector<1x16xf32> to vector<16xf32>
        %swap3A_561 = vector.shape_cast %mul3A_556 : vector<16xf32> to vector<1x16xf32>
        tpu.vector_store %arg13[%swap3A_557, %swap3A_558], %swap3A_561 {strides = array<i32>} : memref<50x128xf32, #tpu.memory_space<vmem>>, vector<1x16xf32>,
        %scan3A_562 = arith.constant 2 : i32
        %scan3A_563 = arith.addi %scan3A_369, %scan3A_562 : i32
        %get3A_564 = arith.index_cast %scan3A_563 : i32 to index
        %get3A_565 = arith.constant 0 : index
        %get3A_566 = tpu.vector_load %arg13[%get3A_564, %get3A_565] {strides = array<i32>} : memref<50x128xf32, #tpu.memory_space<vmem>>, vector<1x16xf32>,
        %get3A_567 = vector.shape_cast %get3A_566 : vector<1x16xf32> to vector<16xf32>
        %mul3A_568 = arith.constant 1.000000e+01 : f32
        %mul3A_569 = vector.broadcast %mul3A_568 : f32 to vector<16xf32>
        %mul3A_570 = arith.mulf %get3A_567, %mul3A_569 : vector<16xf32>
        %swap3A_571 = arith.index_cast %scan3A_563 : i32 to index
        %swap3A_572 = arith.constant 0 : index
        %swap3A_573 = tpu.vector_load %arg13[%swap3A_571, %swap3A_572] {strides = array<i32>} : memref<50x128xf32, #tpu.memory_space<vmem>>, vector<1x16xf32>,
        %swap3A_574 = vector.shape_cast %swap3A_573 : vector<1x16xf32> to vector<16xf32>
        %swap3A_575 = vector.shape_cast %mul3A_570 : vector<16xf32> to vector<1x16xf32>
        tpu.vector_store %arg13[%swap3A_571, %swap3A_572], %swap3A_575 {strides = array<i32>} : memref<50x128xf32, #tpu.memory_space<vmem>>, vector<1x16xf32>,
        %get3A_576 = arith.index_cast %scan3A_563 : i32 to index
        %get3A_577 = arith.constant 16 : index
        %get3A_578 = tpu.vector_load %arg13[%get3A_576, %get3A_577] {strides = array<i32>} : memref<50x128xf32, #tpu.memory_space<vmem>>, vector<1x16xf32>,
        %get3A_579 = vector.shape_cast %get3A_578 : vector<1x16xf32> to vector<16xf32>
        %mul3A_580 = arith.constant 1.000000e+01 : f32
        %mul3A_581 = vector.broadcast %mul3A_580 : f32 to vector<16xf32>
        %mul3A_582 = arith.mulf %get3A_579, %mul3A_581 : vector<16xf32>
        %swap3A_583 = arith.index_cast %scan3A_563 : i32 to index
        %swap3A_584 = arith.constant 16 : index
        %swap3A_585 = tpu.vector_load %arg13[%swap3A_583, %swap3A_584] {strides = array<i32>} : memref<50x128xf32, #tpu.memory_space<vmem>>, vector<1x16xf32>,
        %swap3A_586 = vector.shape_cast %swap3A_585 : vector<1x16xf32> to vector<16xf32>
        %swap3A_587 = vector.shape_cast %mul3A_582 : vector<16xf32> to vector<1x16xf32>
        tpu.vector_store %arg13[%swap3A_583, %swap3A_584], %swap3A_587 {strides = array<i32>} : memref<50x128xf32, #tpu.memory_space<vmem>>, vector<1x16xf32>,
        %get3A_588 = arith.index_cast %scan3A_563 : i32 to index
        %get3A_589 = arith.constant 32 : index
        %get3A_590 = tpu.vector_load %arg13[%get3A_588, %get3A_589] {strides = array<i32>} : memref<50x128xf32, #tpu.memory_space<vmem>>, vector<1x16xf32>,
        %get3A_591 = vector.shape_cast %get3A_590 : vector<1x16xf32> to vector<16xf32>
        %mul3A_592 = arith.constant 1.000000e+01 : f32
        %mul3A_593 = vector.broadcast %mul3A_592 : f32 to vector<16xf32>
        %mul3A_594 = arith.mulf %get3A_591, %mul3A_593 : vector<16xf32>
        %swap3A_595 = arith.index_cast %scan3A_563 : i32 to index
        %swap3A_596 = arith.constant 32 : index
        %swap3A_597 = tpu.vector_load %arg13[%swap3A_595, %swap3A_596] {strides = array<i32>} : memref<50x128xf32, #tpu.memory_space<vmem>>, vector<1x16xf32>,
        %swap3A_598 = vector.shape_cast %swap3A_597 : vector<1x16xf32> to vector<16xf32>
        %swap3A_599 = vector.shape_cast %mul3A_594 : vector<16xf32> to vector<1x16xf32>
        tpu.vector_store %arg13[%swap3A_595, %swap3A_596], %swap3A_599 {strides = array<i32>} : memref<50x128xf32, #tpu.memory_space<vmem>>, vector<1x16xf32>,
        %get3A_600 = arith.index_cast %scan3A_563 : i32 to index
        %get3A_601 = arith.constant 48 : index
        %get3A_602 = tpu.vector_load %arg13[%get3A_600, %get3A_601] {strides = array<i32>} : memref<50x128xf32, #tpu.memory_space<vmem>>, vector<1x16xf32>,
        %get3A_603 = vector.shape_cast %get3A_602 : vector<1x16xf32> to vector<16xf32>
        %mul3A_604 = arith.constant 1.000000e+01 : f32
        %mul3A_605 = vector.broadcast %mul3A_604 : f32 to vector<16xf32>
        %mul3A_606 = arith.mulf %get3A_603, %mul3A_605 : vector<16xf32>
        %swap3A_607 = arith.index_cast %scan3A_563 : i32 to index
        %swap3A_608 = arith.constant 48 : index
        %swap3A_609 = tpu.vector_load %arg13[%swap3A_607, %swap3A_608] {strides = array<i32>} : memref<50x128xf32, #tpu.memory_space<vmem>>, vector<1x16xf32>,
        %swap3A_610 = vector.shape_cast %swap3A_609 : vector<1x16xf32> to vector<16xf32>
        %swap3A_611 = vector.shape_cast %mul3A_606 : vector<16xf32> to vector<1x16xf32>
        tpu.vector_store %arg13[%swap3A_607, %swap3A_608], %swap3A_611 {strides = array<i32>} : memref<50x128xf32, #tpu.memory_space<vmem>>, vector<1x16xf32>,
        %get3A_612 = arith.index_cast %scan3A_563 : i32 to index
        %get3A_613 = arith.constant 64 : index
        %get3A_614 = tpu.vector_load %arg13[%get3A_612, %get3A_613] {strides = array<i32>} : memref<50x128xf32, #tpu.memory_space<vmem>>, vector<1x16xf32>,
        %get3A_615 = vector.shape_cast %get3A_614 : vector<1x16xf32> to vector<16xf32>
        %mul3A_616 = arith.constant 1.000000e+01 : f32
        %mul3A_617 = vector.broadcast %mul3A_616 : f32 to vector<16xf32>
        %mul3A_618 = arith.mulf %get3A_615, %mul3A_617 : vector<16xf32>
        %swap3A_619 = arith.index_cast %scan3A_563 : i32 to index
        %swap3A_620 = arith.constant 64 : index
        %swap3A_621 = tpu.vector_load %arg13[%swap3A_619, %swap3A_620] {strides = array<i32>} : memref<50x128xf32, #tpu.memory_space<vmem>>, vector<1x16xf32>,
        %swap3A_622 = vector.shape_cast %swap3A_621 : vector<1x16xf32> to vector<16xf32>
        %swap3A_623 = vector.shape_cast %mul3A_618 : vector<16xf32> to vector<1x16xf32>
        tpu.vector_store %arg13[%swap3A_619, %swap3A_620], %swap3A_623 {strides = array<i32>} : memref<50x128xf32, #tpu.memory_space<vmem>>, vector<1x16xf32>,
        %get3A_624 = arith.index_cast %scan3A_563 : i32 to index
        %get3A_625 = arith.constant 80 : index
        %get3A_626 = tpu.vector_load %arg13[%get3A_624, %get3A_625] {strides = array<i32>} : memref<50x128xf32, #tpu.memory_space<vmem>>, vector<1x16xf32>,
        %get3A_627 = vector.shape_cast %get3A_626 : vector<1x16xf32> to vector<16xf32>
        %mul3A_628 = arith.constant 1.000000e+01 : f32
        %mul3A_629 = vector.broadcast %mul3A_628 : f32 to vector<16xf32>
        %mul3A_630 = arith.mulf %get3A_627, %mul3A_629 : vector<16xf32>
        %swap3A_631 = arith.index_cast %scan3A_563 : i32 to index
        %swap3A_632 = arith.constant 80 : index
        %swap3A_633 = tpu.vector_load %arg13[%swap3A_631, %swap3A_632] {strides = array<i32>} : memref<50x128xf32, #tpu.memory_space<vmem>>, vector<1x16xf32>,
        %swap3A_634 = vector.shape_cast %swap3A_633 : vector<1x16xf32> to vector<16xf32>
        %swap3A_635 = vector.shape_cast %mul3A_630 : vector<16xf32> to vector<1x16xf32>
        tpu.vector_store %arg13[%swap3A_631, %swap3A_632], %swap3A_635 {strides = array<i32>} : memref<50x128xf32, #tpu.memory_space<vmem>>, vector<1x16xf32>,
        %get3A_636 = arith.index_cast %scan3A_563 : i32 to index
        %get3A_637 = arith.constant 96 : index
        %get3A_638 = tpu.vector_load %arg13[%get3A_636, %get3A_637] {strides = array<i32>} : memref<50x128xf32, #tpu.memory_space<vmem>>, vector<1x16xf32>,
        %get3A_639 = vector.shape_cast %get3A_638 : vector<1x16xf32> to vector<16xf32>
        %mul3A_640 = arith.constant 1.000000e+01 : f32
        %mul3A_641 = vector.broadcast %mul3A_640 : f32 to vector<16xf32>
        %mul3A_642 = arith.mulf %get3A_639, %mul3A_641 : vector<16xf32>
        %swap3A_643 = arith.index_cast %scan3A_563 : i32 to index
        %swap3A_644 = arith.constant 96 : index
        %swap3A_645 = tpu.vector_load %arg13[%swap3A_643, %swap3A_644] {strides = array<i32>} : memref<50x128xf32, #tpu.memory_space<vmem>>, vector<1x16xf32>,
        %swap3A_646 = vector.shape_cast %swap3A_645 : vector<1x16xf32> to vector<16xf32>
        %swap3A_647 = vector.shape_cast %mul3A_642 : vector<16xf32> to vector<1x16xf32>
        tpu.vector_store %arg13[%swap3A_643, %swap3A_644], %swap3A_647 {strides = array<i32>} : memref<50x128xf32, #tpu.memory_space<vmem>>, vector<1x16xf32>,
        %get3A_648 = arith.index_cast %scan3A_563 : i32 to index
        %get3A_649 = arith.constant 112 : index
        %get3A_650 = tpu.vector_load %arg13[%get3A_648, %get3A_649] {strides = array<i32>} : memref<50x128xf32, #tpu.memory_space<vmem>>, vector<1x16xf32>,
        %get3A_651 = vector.shape_cast %get3A_650 : vector<1x16xf32> to vector<16xf32>
        %mul3A_652 = arith.constant 1.000000e+01 : f32
        %mul3A_653 = vector.broadcast %mul3A_652 : f32 to vector<16xf32>
        %mul3A_654 = arith.mulf %get3A_651, %mul3A_653 : vector<16xf32>
        %swap3A_655 = arith.index_cast %scan3A_563 : i32 to index
        %swap3A_656 = arith.constant 112 : index
        %swap3A_657 = tpu.vector_load %arg13[%swap3A_655, %swap3A_656] {strides = array<i32>} : memref<50x128xf32, #tpu.memory_space<vmem>>, vector<1x16xf32>,
        %swap3A_658 = vector.shape_cast %swap3A_657 : vector<1x16xf32> to vector<16xf32>
        %swap3A_659 = vector.shape_cast %mul3A_654 : vector<16xf32> to vector<1x16xf32>
        tpu.vector_store %arg13[%swap3A_655, %swap3A_656], %swap3A_659 {strides = array<i32>} : memref<50x128xf32, #tpu.memory_space<vmem>>, vector<1x16xf32>,
        %scan3A_660 = arith.constant 3 : i32
        %scan3A_661 = arith.addi %scan3A_369, %scan3A_660 : i32
        %get3A_662 = arith.index_cast %scan3A_661 : i32 to index
        %get3A_663 = arith.constant 0 : index
        %get3A_664 = tpu.vector_load %arg13[%get3A_662, %get3A_663] {strides = array<i32>} : memref<50x128xf32, #tpu.memory_space<vmem>>, vector<1x16xf32>,
        %get3A_665 = vector.shape_cast %get3A_664 : vector<1x16xf32> to vector<16xf32>
        %mul3A_666 = arith.constant 1.000000e+01 : f32
        %mul3A_667 = vector.broadcast %mul3A_666 : f32 to vector<16xf32>
        %mul3A_668 = arith.mulf %get3A_665, %mul3A_667 : vector<16xf32>
        %swap3A_669 = arith.index_cast %scan3A_661 : i32 to index
        %swap3A_670 = arith.constant 0 : index
        %swap3A_671 = tpu.vector_load %arg13[%swap3A_669, %swap3A_670] {strides = array<i32>} : memref<50x128xf32, #tpu.memory_space<vmem>>, vector<1x16xf32>,
        %swap3A_672 = vector.shape_cast %swap3A_671 : vector<1x16xf32> to vector<16xf32>
        %swap3A_673 = vector.shape_cast %mul3A_668 : vector<16xf32> to vector<1x16xf32>
        tpu.vector_store %arg13[%swap3A_669, %swap3A_670], %swap3A_673 {strides = array<i32>} : memref<50x128xf32, #tpu.memory_space<vmem>>, vector<1x16xf32>,
        %get3A_674 = arith.index_cast %scan3A_661 : i32 to index
        %get3A_675 = arith.constant 16 : index
        %get3A_676 = tpu.vector_load %arg13[%get3A_674, %get3A_675] {strides = array<i32>} : memref<50x128xf32, #tpu.memory_space<vmem>>, vector<1x16xf32>,
        %get3A_677 = vector.shape_cast %get3A_676 : vector<1x16xf32> to vector<16xf32>
        %mul3A_678 = arith.constant 1.000000e+01 : f32
        %mul3A_679 = vector.broadcast %mul3A_678 : f32 to vector<16xf32>
        %mul3A_680 = arith.mulf %get3A_677, %mul3A_679 : vector<16xf32>
        %swap3A_681 = arith.index_cast %scan3A_661 : i32 to index
        %swap3A_682 = arith.constant 16 : index
        %swap3A_683 = tpu.vector_load %arg13[%swap3A_681, %swap3A_682] {strides = array<i32>} : memref<50x128xf32, #tpu.memory_space<vmem>>, vector<1x16xf32>,
        %swap3A_684 = vector.shape_cast %swap3A_683 : vector<1x16xf32> to vector<16xf32>
        %swap3A_685 = vector.shape_cast %mul3A_680 : vector<16xf32> to vector<1x16xf32>
        tpu.vector_store %arg13[%swap3A_681, %swap3A_682], %swap3A_685 {strides = array<i32>} : memref<50x128xf32, #tpu.memory_space<vmem>>, vector<1x16xf32>,
        %get3A_686 = arith.index_cast %scan3A_661 : i32 to index
        %get3A_687 = arith.constant 32 : index
        %get3A_688 = tpu.vector_load %arg13[%get3A_686, %get3A_687] {strides = array<i32>} : memref<50x128xf32, #tpu.memory_space<vmem>>, vector<1x16xf32>,
        %get3A_689 = vector.shape_cast %get3A_688 : vector<1x16xf32> to vector<16xf32>
        %mul3A_690 = arith.constant 1.000000e+01 : f32
        %mul3A_691 = vector.broadcast %mul3A_690 : f32 to vector<16xf32>
        %mul3A_692 = arith.mulf %get3A_689, %mul3A_691 : vector<16xf32>
        %swap3A_693 = arith.index_cast %scan3A_661 : i32 to index
        %swap3A_694 = arith.constant 32 : index
        %swap3A_695 = tpu.vector_load %arg13[%swap3A_693, %swap3A_694] {strides = array<i32>} : memref<50x128xf32, #tpu.memory_space<vmem>>, vector<1x16xf32>,
        %swap3A_696 = vector.shape_cast %swap3A_695 : vector<1x16xf32> to vector<16xf32>
        %swap3A_697 = vector.shape_cast %mul3A_692 : vector<16xf32> to vector<1x16xf32>
        tpu.vector_store %arg13[%swap3A_693, %swap3A_694], %swap3A_697 {strides = array<i32>} : memref<50x128xf32, #tpu.memory_space<vmem>>, vector<1x16xf32>,
        %get3A_698 = arith.index_cast %scan3A_661 : i32 to index
        %get3A_699 = arith.constant 48 : index
        %get3A_700 = tpu.vector_load %arg13[%get3A_698, %get3A_699] {strides = array<i32>} : memref<50x128xf32, #tpu.memory_space<vmem>>, vector<1x16xf32>,
        %get3A_701 = vector.shape_cast %get3A_700 : vector<1x16xf32> to vector<16xf32>
        %mul3A_702 = arith.constant 1.000000e+01 : f32
        %mul3A_703 = vector.broadcast %mul3A_702 : f32 to vector<16xf32>
        %mul3A_704 = arith.mulf %get3A_701, %mul3A_703 : vector<16xf32>
        %swap3A_705 = arith.index_cast %scan3A_661 : i32 to index
        %swap3A_706 = arith.constant 48 : index
        %swap3A_707 = tpu.vector_load %arg13[%swap3A_705, %swap3A_706] {strides = array<i32>} : memref<50x128xf32, #tpu.memory_space<vmem>>, vector<1x16xf32>,
        %swap3A_708 = vector.shape_cast %swap3A_707 : vector<1x16xf32> to vector<16xf32>
        %swap3A_709 = vector.shape_cast %mul3A_704 : vector<16xf32> to vector<1x16xf32>
        tpu.vector_store %arg13[%swap3A_705, %swap3A_706], %swap3A_709 {strides = array<i32>} : memref<50x128xf32, #tpu.memory_space<vmem>>, vector<1x16xf32>,
        %get3A_710 = arith.index_cast %scan3A_661 : i32 to index
        %get3A_711 = arith.constant 64 : index
        %get3A_712 = tpu.vector_load %arg13[%get3A_710, %get3A_711] {strides = array<i32>} : memref<50x128xf32, #tpu.memory_space<vmem>>, vector<1x16xf32>,
        %get3A_713 = vector.shape_cast %get3A_712 : vector<1x16xf32> to vector<16xf32>
        %mul3A_714 = arith.constant 1.000000e+01 : f32
        %mul3A_715 = vector.broadcast %mul3A_714 : f32 to vector<16xf32>
        %mul3A_716 = arith.mulf %get3A_713, %mul3A_715 : vector<16xf32>
        %swap3A_717 = arith.index_cast %scan3A_661 : i32 to index
        %swap3A_718 = arith.constant 64 : index
        %swap3A_719 = tpu.vector_load %arg13[%swap3A_717, %swap3A_718] {strides = array<i32>} : memref<50x128xf32, #tpu.memory_space<vmem>>, vector<1x16xf32>,
        %swap3A_720 = vector.shape_cast %swap3A_719 : vector<1x16xf32> to vector<16xf32>
        %swap3A_721 = vector.shape_cast %mul3A_716 : vector<16xf32> to vector<1x16xf32>
        tpu.vector_store %arg13[%swap3A_717, %swap3A_718], %swap3A_721 {strides = array<i32>} : memref<50x128xf32, #tpu.memory_space<vmem>>, vector<1x16xf32>,
        %get3A_722 = arith.index_cast %scan3A_661 : i32 to index
        %get3A_723 = arith.constant 80 : index
        %get3A_724 = tpu.vector_load %arg13[%get3A_722, %get3A_723] {strides = array<i32>} : memref<50x128xf32, #tpu.memory_space<vmem>>, vector<1x16xf32>,
        %get3A_725 = vector.shape_cast %get3A_724 : vector<1x16xf32> to vector<16xf32>
        %mul3A_726 = arith.constant 1.000000e+01 : f32
        %mul3A_727 = vector.broadcast %mul3A_726 : f32 to vector<16xf32>
        %mul3A_728 = arith.mulf %get3A_725, %mul3A_727 : vector<16xf32>
        %swap3A_729 = arith.index_cast %scan3A_661 : i32 to index
        %swap3A_730 = arith.constant 80 : index
        %swap3A_731 = tpu.vector_load %arg13[%swap3A_729, %swap3A_730] {strides = array<i32>} : memref<50x128xf32, #tpu.memory_space<vmem>>, vector<1x16xf32>,
        %swap3A_732 = vector.shape_cast %swap3A_731 : vector<1x16xf32> to vector<16xf32>
        %swap3A_733 = vector.shape_cast %mul3A_728 : vector<16xf32> to vector<1x16xf32>
        tpu.vector_store %arg13[%swap3A_729, %swap3A_730], %swap3A_733 {strides = array<i32>} : memref<50x128xf32, #tpu.memory_space<vmem>>, vector<1x16xf32>,
        %get3A_734 = arith.index_cast %scan3A_661 : i32 to index
        %get3A_735 = arith.constant 96 : index
        %get3A_736 = tpu.vector_load %arg13[%get3A_734, %get3A_735] {strides = array<i32>} : memref<50x128xf32, #tpu.memory_space<vmem>>, vector<1x16xf32>,
        %get3A_737 = vector.shape_cast %get3A_736 : vector<1x16xf32> to vector<16xf32>
        %mul3A_738 = arith.constant 1.000000e+01 : f32
        %mul3A_739 = vector.broadcast %mul3A_738 : f32 to vector<16xf32>
        %mul3A_740 = arith.mulf %get3A_737, %mul3A_739 : vector<16xf32>
        %swap3A_741 = arith.index_cast %scan3A_661 : i32 to index
        %swap3A_742 = arith.constant 96 : index
        %swap3A_743 = tpu.vector_load %arg13[%swap3A_741, %swap3A_742] {strides = array<i32>} : memref<50x128xf32, #tpu.memory_space<vmem>>, vector<1x16xf32>,
        %swap3A_744 = vector.shape_cast %swap3A_743 : vector<1x16xf32> to vector<16xf32>
        %swap3A_745 = vector.shape_cast %mul3A_740 : vector<16xf32> to vector<1x16xf32>
        tpu.vector_store %arg13[%swap3A_741, %swap3A_742], %swap3A_745 {strides = array<i32>} : memref<50x128xf32, #tpu.memory_space<vmem>>, vector<1x16xf32>,
        %get3A_746 = arith.index_cast %scan3A_661 : i32 to index
        %get3A_747 = arith.constant 112 : index
        %get3A_748 = tpu.vector_load %arg13[%get3A_746, %get3A_747] {strides = array<i32>} : memref<50x128xf32, #tpu.memory_space<vmem>>, vector<1x16xf32>,
        %get3A_749 = vector.shape_cast %get3A_748 : vector<1x16xf32> to vector<16xf32>
        %mul3A_750 = arith.constant 1.000000e+01 : f32
        %mul3A_751 = vector.broadcast %mul3A_750 : f32 to vector<16xf32>
        %mul3A_752 = arith.mulf %get3A_749, %mul3A_751 : vector<16xf32>
        %swap3A_753 = arith.index_cast %scan3A_661 : i32 to index
        %swap3A_754 = arith.constant 112 : index
        %swap3A_755 = tpu.vector_load %arg13[%swap3A_753, %swap3A_754] {strides = array<i32>} : memref<50x128xf32, #tpu.memory_space<vmem>>, vector<1x16xf32>,
        %swap3A_756 = vector.shape_cast %swap3A_755 : vector<1x16xf32> to vector<16xf32>
        %swap3A_757 = vector.shape_cast %mul3A_752 : vector<16xf32> to vector<1x16xf32>
        tpu.vector_store %arg13[%swap3A_753, %swap3A_754], %swap3A_757 {strides = array<i32>} : memref<50x128xf32, #tpu.memory_space<vmem>>, vector<1x16xf32>,
        %scan3A_758 = arith.constant 4 : i32
        %scan3A_759 = arith.addi %scan3A_369, %scan3A_758 : i32
        %get3A_760 = arith.index_cast %scan3A_759 : i32 to index
        %get3A_761 = arith.constant 0 : index
        %get3A_762 = tpu.vector_load %arg13[%get3A_760, %get3A_761] {strides = array<i32>} : memref<50x128xf32, #tpu.memory_space<vmem>>, vector<1x16xf32>,
        %get3A_763 = vector.shape_cast %get3A_762 : vector<1x16xf32> to vector<16xf32>
        %mul3A_764 = arith.constant 1.000000e+01 : f32
        %mul3A_765 = vector.broadcast %mul3A_764 : f32 to vector<16xf32>
        %mul3A_766 = arith.mulf %get3A_763, %mul3A_765 : vector<16xf32>
        %swap3A_767 = arith.index_cast %scan3A_759 : i32 to index
        %swap3A_768 = arith.constant 0 : index
        %swap3A_769 = tpu.vector_load %arg13[%swap3A_767, %swap3A_768] {strides = array<i32>} : memref<50x128xf32, #tpu.memory_space<vmem>>, vector<1x16xf32>,
        %swap3A_770 = vector.shape_cast %swap3A_769 : vector<1x16xf32> to vector<16xf32>
        %swap3A_771 = vector.shape_cast %mul3A_766 : vector<16xf32> to vector<1x16xf32>
        tpu.vector_store %arg13[%swap3A_767, %swap3A_768], %swap3A_771 {strides = array<i32>} : memref<50x128xf32, #tpu.memory_space<vmem>>, vector<1x16xf32>,
        %get3A_772 = arith.index_cast %scan3A_759 : i32 to index
        %get3A_773 = arith.constant 16 : index
        %get3A_774 = tpu.vector_load %arg13[%get3A_772, %get3A_773] {strides = array<i32>} : memref<50x128xf32, #tpu.memory_space<vmem>>, vector<1x16xf32>,
        %get3A_775 = vector.shape_cast %get3A_774 : vector<1x16xf32> to vector<16xf32>
        %mul3A_776 = arith.constant 1.000000e+01 : f32
        %mul3A_777 = vector.broadcast %mul3A_776 : f32 to vector<16xf32>
        %mul3A_778 = arith.mulf %get3A_775, %mul3A_777 : vector<16xf32>
        %swap3A_779 = arith.index_cast %scan3A_759 : i32 to index
        %swap3A_780 = arith.constant 16 : index
        %swap3A_781 = tpu.vector_load %arg13[%swap3A_779, %swap3A_780] {strides = array<i32>} : memref<50x128xf32, #tpu.memory_space<vmem>>, vector<1x16xf32>,
        %swap3A_782 = vector.shape_cast %swap3A_781 : vector<1x16xf32> to vector<16xf32>
        %swap3A_783 = vector.shape_cast %mul3A_778 : vector<16xf32> to vector<1x16xf32>
        tpu.vector_store %arg13[%swap3A_779, %swap3A_780], %swap3A_783 {strides = array<i32>} : memref<50x128xf32, #tpu.memory_space<vmem>>, vector<1x16xf32>,
        %get3A_784 = arith.index_cast %scan3A_759 : i32 to index
        %get3A_785 = arith.constant 32 : index
        %get3A_786 = tpu.vector_load %arg13[%get3A_784, %get3A_785] {strides = array<i32>} : memref<50x128xf32, #tpu.memory_space<vmem>>, vector<1x16xf32>,
        %get3A_787 = vector.shape_cast %get3A_786 : vector<1x16xf32> to vector<16xf32>
        %mul3A_788 = arith.constant 1.000000e+01 : f32
        %mul3A_789 = vector.broadcast %mul3A_788 : f32 to vector<16xf32>
        %mul3A_790 = arith.mulf %get3A_787, %mul3A_789 : vector<16xf32>
        %swap3A_791 = arith.index_cast %scan3A_759 : i32 to index
        %swap3A_792 = arith.constant 32 : index
        %swap3A_793 = tpu.vector_load %arg13[%swap3A_791, %swap3A_792] {strides = array<i32>} : memref<50x128xf32, #tpu.memory_space<vmem>>, vector<1x16xf32>,
        %swap3A_794 = vector.shape_cast %swap3A_793 : vector<1x16xf32> to vector<16xf32>
        %swap3A_795 = vector.shape_cast %mul3A_790 : vector<16xf32> to vector<1x16xf32>
        tpu.vector_store %arg13[%swap3A_791, %swap3A_792], %swap3A_795 {strides = array<i32>} : memref<50x128xf32, #tpu.memory_space<vmem>>, vector<1x16xf32>,
        %get3A_796 = arith.index_cast %scan3A_759 : i32 to index
        %get3A_797 = arith.constant 48 : index
        %get3A_798 = tpu.vector_load %arg13[%get3A_796, %get3A_797] {strides = array<i32>} : memref<50x128xf32, #tpu.memory_space<vmem>>, vector<1x16xf32>,
        %get3A_799 = vector.shape_cast %get3A_798 : vector<1x16xf32> to vector<16xf32>
        %mul3A_800 = arith.constant 1.000000e+01 : f32
        %mul3A_801 = vector.broadcast %mul3A_800 : f32 to vector<16xf32>
        %mul3A_802 = arith.mulf %get3A_799, %mul3A_801 : vector<16xf32>
        %swap3A_803 = arith.index_cast %scan3A_759 : i32 to index
        %swap3A_804 = arith.constant 48 : index
        %swap3A_805 = tpu.vector_load %arg13[%swap3A_803, %swap3A_804] {strides = array<i32>} : memref<50x128xf32, #tpu.memory_space<vmem>>, vector<1x16xf32>,
        %swap3A_806 = vector.shape_cast %swap3A_805 : vector<1x16xf32> to vector<16xf32>
        %swap3A_807 = vector.shape_cast %mul3A_802 : vector<16xf32> to vector<1x16xf32>
        tpu.vector_store %arg13[%swap3A_803, %swap3A_804], %swap3A_807 {strides = array<i32>} : memref<50x128xf32, #tpu.memory_space<vmem>>, vector<1x16xf32>,
        %get3A_808 = arith.index_cast %scan3A_759 : i32 to index
        %get3A_809 = arith.constant 64 : index
        %get3A_810 = tpu.vector_load %arg13[%get3A_808, %get3A_809] {strides = array<i32>} : memref<50x128xf32, #tpu.memory_space<vmem>>, vector<1x16xf32>,
        %get3A_811 = vector.shape_cast %get3A_810 : vector<1x16xf32> to vector<16xf32>
        %mul3A_812 = arith.constant 1.000000e+01 : f32
        %mul3A_813 = vector.broadcast %mul3A_812 : f32 to vector<16xf32>
        %mul3A_814 = arith.mulf %get3A_811, %mul3A_813 : vector<16xf32>
        %swap3A_815 = arith.index_cast %scan3A_759 : i32 to index
        %swap3A_816 = arith.constant 64 : index
        %swap3A_817 = tpu.vector_load %arg13[%swap3A_815, %swap3A_816] {strides = array<i32>} : memref<50x128xf32, #tpu.memory_space<vmem>>, vector<1x16xf32>,
        %swap3A_818 = vector.shape_cast %swap3A_817 : vector<1x16xf32> to vector<16xf32>
        %swap3A_819 = vector.shape_cast %mul3A_814 : vector<16xf32> to vector<1x16xf32>
        tpu.vector_store %arg13[%swap3A_815, %swap3A_816], %swap3A_819 {strides = array<i32>} : memref<50x128xf32, #tpu.memory_space<vmem>>, vector<1x16xf32>,
        %get3A_820 = arith.index_cast %scan3A_759 : i32 to index
        %get3A_821 = arith.constant 80 : index
        %get3A_822 = tpu.vector_load %arg13[%get3A_820, %get3A_821] {strides = array<i32>} : memref<50x128xf32, #tpu.memory_space<vmem>>, vector<1x16xf32>,
        %get3A_823 = vector.shape_cast %get3A_822 : vector<1x16xf32> to vector<16xf32>
        %mul3A_824 = arith.constant 1.000000e+01 : f32
        %mul3A_825 = vector.broadcast %mul3A_824 : f32 to vector<16xf32>
        %mul3A_826 = arith.mulf %get3A_823, %mul3A_825 : vector<16xf32>
        %swap3A_827 = arith.index_cast %scan3A_759 : i32 to index
        %swap3A_828 = arith.constant 80 : index
        %swap3A_829 = tpu.vector_load %arg13[%swap3A_827, %swap3A_828] {strides = array<i32>} : memref<50x128xf32, #tpu.memory_space<vmem>>, vector<1x16xf32>,
        %swap3A_830 = vector.shape_cast %swap3A_829 : vector<1x16xf32> to vector<16xf32>
        %swap3A_831 = vector.shape_cast %mul3A_826 : vector<16xf32> to vector<1x16xf32>
        tpu.vector_store %arg13[%swap3A_827, %swap3A_828], %swap3A_831 {strides = array<i32>} : memref<50x128xf32, #tpu.memory_space<vmem>>, vector<1x16xf32>,
        %get3A_832 = arith.index_cast %scan3A_759 : i32 to index
        %get3A_833 = arith.constant 96 : index
        %get3A_834 = tpu.vector_load %arg13[%get3A_832, %get3A_833] {strides = array<i32>} : memref<50x128xf32, #tpu.memory_space<vmem>>, vector<1x16xf32>,
        %get3A_835 = vector.shape_cast %get3A_834 : vector<1x16xf32> to vector<16xf32>
        %mul3A_836 = arith.constant 1.000000e+01 : f32
        %mul3A_837 = vector.broadcast %mul3A_836 : f32 to vector<16xf32>
        %mul3A_838 = arith.mulf %get3A_835, %mul3A_837 : vector<16xf32>
        %swap3A_839 = arith.index_cast %scan3A_759 : i32 to index
        %swap3A_840 = arith.constant 96 : index
        %swap3A_841 = tpu.vector_load %arg13[%swap3A_839, %swap3A_840] {strides = array<i32>} : memref<50x128xf32, #tpu.memory_space<vmem>>, vector<1x16xf32>,
        %swap3A_842 = vector.shape_cast %swap3A_841 : vector<1x16xf32> to vector<16xf32>
        %swap3A_843 = vector.shape_cast %mul3A_838 : vector<16xf32> to vector<1x16xf32>
        tpu.vector_store %arg13[%swap3A_839, %swap3A_840], %swap3A_843 {strides = array<i32>} : memref<50x128xf32, #tpu.memory_space<vmem>>, vector<1x16xf32>,
        %get3A_844 = arith.index_cast %scan3A_759 : i32 to index
        %get3A_845 = arith.constant 112 : index
        %get3A_846 = tpu.vector_load %arg13[%get3A_844, %get3A_845] {strides = array<i32>} : memref<50x128xf32, #tpu.memory_space<vmem>>, vector<1x16xf32>,
        %get3A_847 = vector.shape_cast %get3A_846 : vector<1x16xf32> to vector<16xf32>
        %mul3A_848 = arith.constant 1.000000e+01 : f32
        %mul3A_849 = vector.broadcast %mul3A_848 : f32 to vector<16xf32>
        %mul3A_850 = arith.mulf %get3A_847, %mul3A_849 : vector<16xf32>
        %swap3A_851 = arith.index_cast %scan3A_759 : i32 to index
        %swap3A_852 = arith.constant 112 : index
        %swap3A_853 = tpu.vector_load %arg13[%swap3A_851, %swap3A_852] {strides = array<i32>} : memref<50x128xf32, #tpu.memory_space<vmem>>, vector<1x16xf32>,
        %swap3A_854 = vector.shape_cast %swap3A_853 : vector<1x16xf32> to vector<16xf32>
        %swap3A_855 = vector.shape_cast %mul3A_850 : vector<16xf32> to vector<1x16xf32>
        tpu.vector_store %arg13[%swap3A_851, %swap3A_852], %swap3A_855 {strides = array<i32>} : memref<50x128xf32, #tpu.memory_space<vmem>>, vector<1x16xf32>,
      }
      %scan3A_359 = arith.constant 50 : i32
      %add3A_360 = arith.addi %mul3A_4, %add3A_335 : i32
      %dma_start3A_361 = arith.constant 0 : i32
      %dma_start3A_362 = arith.constant 0 : i32
      %dma_start3A_363 = tpu.memref_slice %arg4[%add3A_360, %dma_start3A_361, %dma_start3A_362] : memref<4096x50x128xf32, #tpu.memory_space<hbm>> -> memref<1x50x128xf32, #tpu.memory_space<hbm>>
      %dma_start3A_364 = tpu.memref_squeeze %dma_start3A_363 : memref<1x50x128xf32, #tpu.memory_space<hbm>> -> memref<50x128xf32, #tpu.memory_space<hbm>>
      %dma_start3A_365 = arith.constant 0 : i32
      %dma_start3A_366 = arith.constant 0 : i32
      %dma_start3A_367 = tpu.memref_slice %arg4[%add3A_360, %dma_start3A_365, %dma_start3A_366] : memref<4096x50x128xf32, #tpu.memory_space<hbm>> -> memref<1x50x128xf32, #tpu.memory_space<hbm>>
      %dma_start3A_368 = tpu.memref_squeeze %dma_start3A_367 : memref<1x50x128xf32, #tpu.memory_space<hbm>> -> memref<50x128xf32, #tpu.memory_space<hbm>>
      tpu.enqueue_dma source(%arg13 : memref<50x128xf32, #tpu.memory_space<vmem>>) target(%dma_start3A_368 : memref<50x128xf32, #tpu.memory_space<hbm>>) target_semaphore(%arg29 : memref<!tpu.dma_semaphore, #tpu.memory_space<semaphore_mem>>)
    }
    %scan3A_36 = arith.constant 16 : i32
    %add3A_37 = arith.constant 124 : i32
    %add3A_38 = arith.addi %mul3A_4, %add3A_37 : i32
    %dma_wait3A = arith.constant 0 : i32
    %dma_wait3A_39 = arith.constant 0 : i32
    %dma_wait3A_40 = tpu.memref_slice %arg4[%add3A_38, %dma_wait3A, %dma_wait3A_39] : memref<4096x50x128xf32, #tpu.memory_space<hbm>> -> memref<1x50x128xf32, #tpu.memory_space<hbm>>
    %dma_wait3A_41 = tpu.memref_squeeze %dma_wait3A_40 : memref<1x50x128xf32, #tpu.memory_space<hbm>> -> memref<50x128xf32, #tpu.memory_space<hbm>>
    %dma_wait3A_42 = arith.constant 0 : i32
    %dma_wait3A_43 = arith.constant 0 : i32
    %dma_wait3A_44 = tpu.memref_slice %arg4[%add3A_38, %dma_wait3A_42, %dma_wait3A_43] : memref<4096x50x128xf32, #tpu.memory_space<hbm>> -> memref<1x50x128xf32, #tpu.memory_space<hbm>>
    %dma_wait3A_45 = tpu.memref_squeeze %dma_wait3A_44 : memref<1x50x128xf32, #tpu.memory_space<hbm>> -> memref<50x128xf32, #tpu.memory_space<hbm>>
    tpu.wait_dma2 semaphore(%arg26 : memref<!tpu.dma_semaphore, #tpu.memory_space<semaphore_mem>>) src(%arg10 : memref<50x128xf32, #tpu.memory_space<vmem>>) dst(%dma_wait3A_45 : memref<50x128xf32, #tpu.memory_space<hbm>>)
    %add3A_46 = arith.constant 125 : i32
    %add3A_47 = arith.addi %mul3A_4, %add3A_46 : i32
    %dma_wait3A_48 = arith.constant 0 : i32
    %dma_wait3A_49 = arith.constant 0 : i32
    %dma_wait3A_50 = tpu.memref_slice %arg4[%add3A_47, %dma_wait3A_48, %dma_wait3A_49] : memref<4096x50x128xf32, #tpu.memory_space<hbm>> -> memref<1x50x128xf32, #tpu.memory_space<hbm>>
    %dma_wait3A_51 = tpu.memref_squeeze %dma_wait3A_50 : memref<1x50x128xf32, #tpu.memory_space<hbm>> -> memref<50x128xf32, #tpu.memory_space<hbm>>
    %dma_wait3A_52 = arith.constant 0 : i32
    %dma_wait3A_53 = arith.constant 0 : i32
    %dma_wait3A_54 = tpu.memref_slice %arg4[%add3A_47, %dma_wait3A_52, %dma_wait3A_53] : memref<4096x50x128xf32, #tpu.memory_space<hbm>> -> memref<1x50x128xf32, #tpu.memory_space<hbm>>
    %dma_wait3A_55 = tpu.memref_squeeze %dma_wait3A_54 : memref<1x50x128xf32, #tpu.memory_space<hbm>> -> memref<50x128xf32, #tpu.memory_space<hbm>>
    tpu.wait_dma2 semaphore(%arg27 : memref<!tpu.dma_semaphore, #tpu.memory_space<semaphore_mem>>) src(%arg11 : memref<50x128xf32, #tpu.memory_space<vmem>>) dst(%dma_wait3A_55 : memref<50x128xf32, #tpu.memory_space<hbm>>)
    %add3A_56 = arith.constant 126 : i32
    %add3A_57 = arith.addi %mul3A_4, %add3A_56 : i32
    %dma_wait3A_58 = arith.constant 0 : i32
    %dma_wait3A_59 = arith.constant 0 : i32
    %dma_wait3A_60 = tpu.memref_slice %arg4[%add3A_57, %dma_wait3A_58, %dma_wait3A_59] : memref<4096x50x128xf32, #tpu.memory_space<hbm>> -> memref<1x50x128xf32, #tpu.memory_space<hbm>>
    %dma_wait3A_61 = tpu.memref_squeeze %dma_wait3A_60 : memref<1x50x128xf32, #tpu.memory_space<hbm>> -> memref<50x128xf32, #tpu.memory_space<hbm>>
    %dma_wait3A_62 = arith.constant 0 : i32
    %dma_wait3A_63 = arith.constant 0 : i32
    %dma_wait3A_64 = tpu.memref_slice %arg4[%add3A_57, %dma_wait3A_62, %dma_wait3A_63] : memref<4096x50x128xf32, #tpu.memory_space<hbm>> -> memref<1x50x128xf32, #tpu.memory_space<hbm>>
    %dma_wait3A_65 = tpu.memref_squeeze %dma_wait3A_64 : memref<1x50x128xf32, #tpu.memory_space<hbm>> -> memref<50x128xf32, #tpu.memory_space<hbm>>
    tpu.wait_dma2 semaphore(%arg28 : memref<!tpu.dma_semaphore, #tpu.memory_space<semaphore_mem>>) src(%arg12 : memref<50x128xf32, #tpu.memory_space<vmem>>) dst(%dma_wait3A_65 : memref<50x128xf32, #tpu.memory_space<hbm>>)
    %add3A_66 = arith.constant 127 : i32
    %add3A_67 = arith.addi %mul3A_4, %add3A_66 : i32
    %dma_wait3A_68 = arith.constant 0 : i32
    %dma_wait3A_69 = arith.constant 0 : i32
    %dma_wait3A_70 = tpu.memref_slice %arg4[%add3A_67, %dma_wait3A_68, %dma_wait3A_69] : memref<4096x50x128xf32, #tpu.memory_space<hbm>> -> memref<1x50x128xf32, #tpu.memory_space<hbm>>
    %dma_wait3A_71 = tpu.memref_squeeze %dma_wait3A_70 : memref<1x50x128xf32, #tpu.memory_space<hbm>> -> memref<50x128xf32, #tpu.memory_space<hbm>>
    %dma_wait3A_72 = arith.constant 0 : i32
    %dma_wait3A_73 = arith.constant 0 : i32
    %dma_wait3A_74 = tpu.memref_slice %arg4[%add3A_67, %dma_wait3A_72, %dma_wait3A_73] : memref<4096x50x128xf32, #tpu.memory_space<hbm>> -> memref<1x50x128xf32, #tpu.memory_space<hbm>>
    %dma_wait3A_75 = tpu.memref_squeeze %dma_wait3A_74 : memref<1x50x128xf32, #tpu.memory_space<hbm>> -> memref<50x128xf32, #tpu.memory_space<hbm>>
    tpu.wait_dma2 semaphore(%arg29 : memref<!tpu.dma_semaphore, #tpu.memory_space<semaphore_mem>>) src(%arg13 : memref<50x128xf32, #tpu.memory_space<vmem>>) dst(%dma_wait3A_75 : memref<50x128xf32, #tpu.memory_space<hbm>>)
    return
  }
}

</mosaic_0001>

<sc_bundles>
// kernel: kernel.3.cloned.1.call-start
scs
__scs_entry_jumppad:
0x0: {  	(pc) =	sbr.rel $0x88, $3  }
0x1: {  	(tag) =	ssettag $0x0;
	lr =	simm.s32 $0x1  }
0x2: {  	[smem:$0x3F9F] =	sst lr;
	_ =	strace $0xD0000000  }
0x3: {  	_ = 	snop  }
0x4: {  	_ = 	snop  }
0x5: {  	_ = 	snop  }
0x6: {  	_ = 	snop  }
0x7: {  	_ = 	snop  }
__scs_overlays_trampoline_lowered:
0x8: {  	[smem:$0x3FAE] =	sst s0  }
0x9: {  	[smem:$0x3FAF] =	sst s1  }
0xa: {  	[smem:$0x3FB0] =	sst s2  }
0xb: {  	[smem:$0x3FB1] =	sst s3  }
0xc: {  	[smem:$0x3FB2] =	sst s4  }
0xd: {  	[smem:$0x3FB3] =	sst s5  }
0xe: {  	[smem:$0x3FB4] =	sst s6  }
0xf: {  	[smem:$0x3FB5] =	sst s7  }
0x10: {  	[smem:$0x3FB6] =	sst s8  }
0x11: {  	[smem:$0x3FB7] =	sst s9;
	s0 =	simm.s32 @!p0 $0x0  }
0x12: {  	s1 =	sld [smem:$0x3F9D];
	s0 =	simm.s32 @p0 $0x1  }
0x13: {  	[smem:$0x3FB8] =	sst s0;
	s0 =	simm.s32 @!p1 $0x0  }
0x14: {  	s2 =	sld [smem:$0x3F9C];
	s0 =	simm.s32 @p1 $0x1  }
0x15: {  	[smem:$0x3FB9] =	sst s0;
	s0 =	simm.s32 @!p2 $0x0  }
0x16: {  	s3 =	sld [smem:$0x3FDB];
	s0 =	simm.s32 @p2 $0x1  }
0x17: {  	s4 =	simm.s32 $0x1BF5;
	[smem:$0x3FBB] =	sst s0  }
0x18: {  	s0 =	sld [smem:$0x3F9E];
	_ =	swait.ge [sflag:s4], $0x0  }
0x19: {  	s7 =	sld [smem:$0x3F9F]  }
0x1a: {  	s8 =	sadd.s32 $0xFFFFE003, lr  }
0x1b: {  	s9 =	sadd.s32 $0xFFFFFEF7, lr;
	s5 =	simm.s32 $0xFFFFFFFF;
	p2 =	slt.u32 s8, $0xFFFFF086  }
0x1c: {  	p1 =	slt.u32 s9, $0xF7A;
	s5 =	simm.s32 @!p2 $0x0  }
0x1d: {  	s5 =	simm.s32 @p1 $0x1;
	p0 =	seq.s32 s7, s2  }
0x1e: {  	s7 =	smul.u32 @!p0 $0xF7A, s2;
	p2 =	seq.s32 @!p0 s5, $0x0  }
0x1f: {  	s9 =	smul.u32 $0xF7A, s1;
	s8 =	simm.s32 @!p0 $0x1BF5;
	p2 =	por !p2, p0  }
0x20: {  	[sflag:s8] =	ssyncset.s32 @!p0 $0xFFFFF086;
	s6 =	sadd.s32 @!p0 s3, s7;
	s7 =	simm.s32 @!p0 $0x108  }
0x21: {  	s3 =	sadd.s32 s3, s9;
	s6 =	sadd.s32 @!p0 $0x88, s6;
	s7 =	simm.s32 @p2 $0x1082  }
0x22: {  	[simem:s7], [sflag:s8] =	dma.local @!p0 [hbm:s6], $0xF7A  }
0x23: {  	s9 =	sor.u32 $0xD0000000, s2;
	s6 =	simm.s32 $0x108;
	_ =	swait.ge @!p0 [sflag:s8], $0x0  }
0x24: {  	s3 =	sadd.s32 $0x88, s3;
	s6 =	simm.s32 @!p1 $0x1082;
	[sflag:s4] =	ssyncset.s32 $0xFFFFF086  }
0x25: {  	[simem:s6], [sflag:s4] =	dma.local [hbm:s3], $0xF7A  }
0x26: {  	[smem:$0x3F9F] =	sst s1;
	(tag) =	ssettag s2;
	_ =	strace s9  }
0x27: {  	s1 =	sld [smem:$0x3FAF]  }
0x28: {  	s2 =	sld [smem:$0x3FB0]  }
0x29: {  	s4 =	sld [smem:$0x3FB2]  }
0x2a: {  	p0 =	seq.s32 s5, $0x0;
	s5 =	sld [smem:$0x3FB3]  }
0x2b: {  	s6 =	sld [smem:$0x3FB4]  }
0x2c: {  	s7 =	sld [smem:$0x3FB5]  }
0x2d: {  	s3 =	simm.s32 $0x108;
	s8 =	sld [smem:$0x3FB6]  }
0x2e: {  	s3 =	simm.s32 @!p0 $0x1082;
	s9 =	sld [smem:$0x3FB7]  }
0x2f: {  	lr =	sadd.s32 s0, s3;
	s0 =	sld [smem:$0x3FAE]  }
0x30: {  	s3 =	sld [smem:$0x3FB1]  }
0x31: {  	[smem:$0x3FBA] =	sst s10  }
0x32: {  	s10 =	sld [smem:$0x3FB8];
	_ =	sdelay $0x3  }
0x33: {  	p0 =	seq.s32 s10, $0x1;
	s10 =	sld [smem:$0x3FBA];
	_ =	sdelay $0x3  }
0x34: {  	[smem:$0x3FBA] =	sst s10  }
0x35: {  	s10 =	sld [smem:$0x3FB9];
	_ =	sdelay $0x3  }
0x36: {  	p1 =	seq.s32 s10, $0x1;
	s10 =	sld [smem:$0x3FBA];
	_ =	sdelay $0x3  }
0x37: {  	[smem:$0x3FBA] =	sst s10  }
0x38: {  	s10 =	sld [smem:$0x3FBB]  }
0x39: {  	_ = 	snop;
	(pc) =	sbr.ind lr, $3  }
0x3a: {  	_ = 	snop  }
0x3b: {  	_ = 	snop  }
0x3c: {  	p2 =	seq.s32 s10, $0x1;
	s10 =	sld [smem:$0x3FBA]  }
0x3d: {  	_ =	shalt  }
0x3e: {  	_ =	shalt  }
0x3f: {  	_ =	shalt  }
0x40: {  	_ =	shalt  }
0x41: {  	_ =	shalt  }
0x42: {  	_ =	shalt  }
0x43: {  	_ =	shalt  }
0x44: {  	_ =	shalt  }
0x45: {  	_ =	shalt  }
0x46: {  	_ =	shalt  }
0x47: {  	_ =	shalt  }
0x48: {  	_ =	shalt  }
0x49: {  	_ =	shalt  }
0x4a: {  	_ =	shalt  }
0x4b: {  	_ =	shalt  }
0x4c: {  	_ =	shalt  }
0x4d: {  	_ =	shalt  }
0x4e: {  	_ =	shalt  }
0x4f: {  	_ =	shalt  }
0x50: {  	_ =	shalt  }
0x51: {  	_ =	shalt  }
0x52: {  	_ =	shalt  }
0x53: {  	_ =	shalt  }
0x54: {  	_ =	shalt  }
0x55: {  	_ =	shalt  }
0x56: {  	_ =	shalt  }
0x57: {  	_ =	shalt  }
0x58: {  	_ =	shalt  }
0x59: {  	_ =	shalt  }
0x5a: {  	_ =	shalt  }
0x5b: {  	_ =	shalt  }
0x5c: {  	_ =	shalt  }
0x5d: {  	_ =	shalt  }
0x5e: {  	_ =	shalt  }
0x5f: {  	_ =	shalt  }
0x60: {  	_ =	shalt  }
0x61: {  	_ =	shalt  }
0x62: {  	_ =	shalt  }
0x63: {  	_ =	shalt  }
0x64: {  	_ =	shalt  }
0x65: {  	_ =	shalt  }
0x66: {  	_ =	shalt  }
0x67: {  	_ =	shalt  }
0x68: {  	_ =	shalt  }
0x69: {  	_ =	shalt  }
0x6a: {  	_ =	shalt  }
0x6b: {  	_ =	shalt  }
0x6c: {  	_ =	shalt  }
0x6d: {  	_ =	shalt  }
0x6e: {  	_ =	shalt  }
0x6f: {  	_ =	shalt  }
0x70: {  	_ =	shalt  }
0x71: {  	_ =	shalt  }
0x72: {  	_ =	shalt  }
0x73: {  	_ =	shalt  }
0x74: {  	_ =	shalt  }
0x75: {  	_ =	shalt  }
0x76: {  	_ =	shalt  }
0x77: {  	_ =	shalt  }
0x78: {  	_ =	shalt  }
0x79: {  	_ =	shalt  }
0x7a: {  	_ =	shalt  }
0x7b: {  	_ =	shalt  }
0x7c: {  	_ =	shalt  }
0x7d: {  	_ =	shalt  }
0x7e: {  	_ =	shalt  }
0x7f: {  	_ =	shalt  }
0x80: {  	_ =	shalt  }
0x81: {  	_ =	shalt  }
0x82: {  	_ =	shalt  }
0x83: {  	_ =	shalt  }
0x84: {  	_ =	shalt  }
0x85: {  	_ =	shalt  }
0x86: {  	_ =	shalt  }
0x87: {  	_ =	shalt  }
.Lfunc_end0:
.L_simem_size_0:
called_computation_lowered:
.L_overlay_start_0:
0x88: {  	s2 =	sld [smem:$0x3FD9]  }
0x89: {  	s3 =	sld [smem:$0x3FFE];
	_ =	sdelay $0x1  }
0x8a: {  	s1 =	srdreg.scid  }
0x8b: {  	s0 =	sand.u32 $0x1, s1  }
0x8c: {  	s17 =	sshll.u32 s0, $0xA;
	s2 =	sadd.s32 s3, s2  }
0x8d: {  	s2 =	sadd.s32 s2, s17  }
0x8e: {  	[smem:$0x3FC6] =	sst s2  }
0x8f: {  	_ = 	snop  }
0x90: {  	s2 =	sld [smem:$0x3FC8]  }
0x91: {  	s18 =	sld [smem:$0x3FD0];
	(tm) =	ssettm $0x1  }
0x92: {  	s4 =	sld [smem:$0x3FFB];
	_ =	sdelay $0x3  }
0x93: {  	_ =	strace s4  }
0x94: {  	s4 =	sld [smem:$0x3FFC];
	_ =	sdelay $0x3  }
0x95: {  	_ =	strace s4  }
0x96: {  	s4 =	sld [smem:$0x3FFD];
	_ =	sdelay $0x3  }
0x97: {  	_ =	strace s4  }
0x98: {  	_ =	strace $0x8FFFFFFF  }
0x99: {  	s19 =	sld [smem:$0x3FDB];
	_ =	sdelay $0x1  }
0x9a: {  	s5 =	simm.s32 $_scs_section_size  }
0x9b: {  	s6 =	simm.s32 $_size__tile_overlayer_lowered;
	s7 =	simm.s32 $_tile_overlayer_lowered  }
0x9c: {  	s22 =	simm.s32 $0x1BFF;
	s21 =	sshll.u32 s7, $0x1;
	s4 =	sadd.s32 s5, s19  }
0x9d: {  	s8 =	simm.s32 $0x0;
	s20 =	sshll.u32 s6, $0x1;
	s6 =	sadd.s32 s21, s4  }
0x9e: {  	[timem:s8], [sflag:s22] =	dma.local [hbm:s6], s20  }
0x9f: {  	_ =	swait.ge [sflag:s22], s20  }
0xa0: {  	s5 =	ssub.s32 $0x0, s20;
	[sflag:s22] =	ssyncset.done $0x0  }
0xa1: {  	[sflag:s22] =	ssyncadd.s32 s5;
	_ =	sdelay $0x1  }
0xa2: {  	s23 =	simm.s32 $0x1B8B  }
0xa3: {  	_ =	swait.ge [sflag:s23], $0x1  }
0xa4: {  	[sflag:s23] =	ssyncset.done $0x0  }
0xa5: {  	s25 =	simm.s32 $0x1B8E;
	s24 =	sld [smem:$0x3FFE];
	[sflag:s23] =	ssyncadd.s32 $0xFFFFFFFF  }
0xa6: {  	s26 =	simm.s32 $execute0_lowered;
	[smem:$0x3FD2] =	sst s25  }
0xa7: {  	s6 =	sshll.u32 s26, $0x1;
	_ =	strace $0x80000046;
	[dreg:$0x1] =	wrdreg $0xFFFFFFFF  }
0xa8: {  	s28 =	simm.s32 $_size_execute0_lowered;
	s4 =	sadd.s32 s4, s6;
	[dreg:$0x0] =	wrdreg $0x0  }
0xa9: {  	s6 =	sshll.u32 s28, $0x1;
	[dreg:$0x2] =	wrdreg s4  }
0xaa: {  	[dreg:$0x3] =	wrdreg s6  }
0xab: {  	[dreg:$0x4] =	wrdreg $0xC0  }
0xac: {  	_ =	task [dreg:s8], $0x5FFFF  }
0xad: {  	[dreg:$0x1] =	wrdreg $0xFFFFFFFF  }
0xae: {  	[dreg:$0x0] =	wrdreg $0x60  }
0xaf: {  	[dreg:$0x2] =	wrdreg s2  }
0xb0: {  	[dreg:$0x3] =	wrdreg s18  }
0xb1: {  	[dreg:$0x4] =	wrdreg s24  }
0xb2: {  	[dreg:$0x5] =	wrdreg $0x9  }
0xb3: {  	_ =	task.clear_ibuf [dreg:s8], $0x6FFFF;
	_ =	strace $0x90000046  }
0xb4: {  	s29 =	simm.s32 $0x9;
	_ =	strace $0x80000048  }
0xb5: {  	_ =	swait.ge [sflag:s29], $0x1  }
0xb6: {  	[sflag:s29] =	ssyncadd.s32 $0xFFFFFFFF  }
0xb7: {  	_ =	strace $0x90000048  }
0xb8: {  	_ =	sfence  }
0xb9: {  	s30 =	sld [smem:$0x0];
	_ =	sdelay $0x2  }
0xba: {  	s31 =	sshll.u32 s1, $0xD;
	s1 =	sshrl.u32 s1, $0x2  }
0xbb: {  	s3 =	sand.u32 $0x4000, s31;
	s1 =	sadd.s32 s1, s30  }
0xbc: {  	s0 =	sor.u32 s3, s0;
	s1 =	sshll.u32 s1, $0x11  }
0xbd: {  	s0 =	sor.u32 s1, s0  }
0xbe: {  	s0 =	sadd.s32 $0x8F2B, s0  }
0xbf: {  	[sflag:s0] =	ssyncadd.remote.s32 $0x1  }
0xc0: {  	_ =	sfence.sel $0xFFFF  }
0xc1: {  	[dreg:$0x0] =	wrdreg $0xFFFFFFFF;
	(pc) =	sbr.abs _section_cstart, $3  }
0xc2: {  	[dreg:$0x1] =	wrdreg $0xFFFFFFFF  }
0xc3: {  	_ =	task.clear_ibuf [dreg:s8], $0x2FFFF;
	_ =	strace $0x9FFFFFFF  }
0xc4: {  	(tm) =	ssettm $0x7FFFFFFF  }
0xc5: {  	_ =	shalt  }
tec
execute0_lowered:
.L_overlay_start_1:
0x0: {  	(tag) =	ssettag $0x1  }
0x1: {  	s1 =	rddreg [dreg:$0x0]  }
0x2: {  	s0 =	rddreg [dreg:$0x1]  }
0x3: {  	s2 =	rddreg [dreg:$0x2];
	s4 =	srdreg.scid  }
0x4: {  	s3 =	simm.s32 $0x0;
	s6 =	stileid.u32;
	s9 =	simm.s32 $0x32  }
0x5: {  	s16 =	simm.s32 $0x9400;
	s17 =	simm.s32 $0xB000;
	s18 =	simm.s32 $0x1  }
0x6: {  	s19 =	simm.s32 $0xCC00;
	s20 =	simm.s32 $0x2;
	s21 =	simm.s32 $0xE800  }
0x7: {  	s22 =	simm.s32 $0x3;
	s23 =	simm.s32 $0x10400;
	s28 =	simm.s32 $0xA  }
0x8: {  	s29 =	simm.s32 $0x6;
	s30 =	simm.s32 $0xB;
	s31 =	simm.s32 $0x7  }
0x9: {  	s8 =	simm.s32 $0x0;
	s4 =	sand.u32 $0x1, s4;
	s6 =	sshll.u32 s6, $0x8  }
0xa: {  	[smem:$0x7FF] =	sst s3;
	s5 =	ssub.s32 $0x2, s4;
	s4 =	sshll.u32 s4, $0x7  }
0xb: {  	_ =	strace $0x80000047;
	s7 =	sshrl.u32 s5, $0x1;
	s4 =	sor.u32 s4, s6  }
0xc: {  	s24 =	ssub.s32 s5, s7;
	s25 =	sshll.u32 s4, $0x4;
	s5 =	sadd.s32 $0x400, s2  }
0xd: {  	s2 =	simm.s32 $0x8;
	s0 =	sadd.s32 s0, s25;
	s26 =	smax.u32 s24, $0x1  }
0xe: {  	s24 =	simm.s32 $0x4;
	s25 =	simm.s32 $0x9;
	[dreg:$0x4] =	wrdreg s0  }
0xf: {  	[dreg:$0x5] =	wrdreg s26;
	s26 =	simm.s32 $0x5;
	s0 =	simm.s32 $0xC  }
.LBB2_1:
0x10: {  	[dreg:$0x6] =	wrdreg s8  }
0x11: {  	s6 =	rddreg [dreg:$0x4];
	s10 =	simm.s32 $0x11  }
0x12: {  	[tilespmem:s3], [sflag:$0x11] =	stream.linear.gather [hbm4b:s6+s3], $0x4000, $0x38;
	[tilespmem:$0x12000] =	vst v63  }
0x13: {  	_ =	swait.ge [sflag:s10], $0x4000  }
0x14: {  	[sflag:s10] =	ssyncset.done $0x0  }
0x15: {  	s11 =	simm.s32 $0x4000;
	[sflag:s10] =	ssyncadd.s32 $0xFFFFC000  }
0x16: {  	[tilespmem:s11], [sflag:$0x1] =	stream.indirect.gather [hbm4b:s1+s9], $0x80, s3, s9, $0xb8;
	[tilespmem:$0x12000] =	vst v63  }
0x17: {  	s12 =	simm.s32 $0x80;
	s7 =	simm.s32 $0x5C00  }
0x18: {  	[tilespmem:s7], [sflag:$0x2] =	stream.indirect.gather [hbm4b:s1+s9], $0x80, s12, s9, $0xb8;
	[tilespmem:$0x12000] =	vst v63  }
0x19: {  	s13 =	simm.s32 $0x100;
	s14 =	simm.s32 $0x7800  }
0x1a: {  	[tilespmem:s14], [sflag:$0x3] =	stream.indirect.gather [hbm4b:s1+s9], $0x80, s13, s9, $0xb8;
	[tilespmem:$0x12000] =	vst v63  }
0x1b: {  	s15 =	simm.s32 $0x180;
	s8 =	simm.s32 $0x0  }
0x1c: {  	[tilespmem:s16], [sflag:$0x4] =	stream.indirect.gather [hbm4b:s1+s9], $0x80, s15, s9, $0xb8;
	[tilespmem:$0x12000] =	vst v63  }
.LBB2_2:
0x1d: {  	p0 =	seq.s32 s8, $0x0  }
0x1e: {  	s7 =	sshll.u32 s8, $0x3;
	s6 =	simm.s32 @!p0 $0xD  }
0x1f: {  	s11 =	sor.u32 $0x4, s7;
	_ =	swait.ge @!p0 [sflag:s6], $0x1900  }
0x20: {  	s10 =	sshll.u32 s11, $0x7;
	[sflag:s6] =	ssyncset.done @!p0 $0x0  }
0x21: {  	s15 =	sand.u32 $0x3FFFFF80, s10;
	[sflag:s6] =	ssyncadd.s32 @!p0 $0xFFFFE700  }
0x22: {  	[tilespmem:s17], [sflag:$0x5] =	stream.indirect.gather [hbm4b:s1+s9], $0x80, s15, s9, $0xb8;
	[tilespmem:$0x12000] =	vst v63  }
0x23: {  	_ =	swait.ge [sflag:s18], $0x1900  }
0x24: {  	[sflag:s18] =	ssyncset.done $0x0  }
0x25: {  	s6 =	simm.s32 $0x4140;
	[sflag:s18] =	ssyncadd.s32 $0xFFFFE700  }
0x26: {  	v0 =	vld [tilespmem:s6+$0xFFFFFEC0]  }
0x27: {  	v1 =	vld [tilespmem:s6+$0xFFFFFED0]  }
0x28: {  	v2 =	vld [tilespmem:s6+$0xFFFFFEE0]  }
0x29: {  	v3 =	vld [tilespmem:s6+$0xFFFFFEF0]  }
0x2a: {  	v4 =	vld [tilespmem:s6+$0xFFFFFF00]  }
0x2b: {  	v5 =	vld [tilespmem:s6+$0xFFFFFF10];
	v0 =	vmul.f32 $1.000000000e+01, v0  }
0x2c: {  	v6 =	vld [tilespmem:s6+$0xFFFFFF20];
	v1 =	vmul.f32 $1.000000000e+01, v1  }
0x2d: {  	[tilespmem:s6+$0xFFFFFEC0] =	vst v0;
	v0 =	vmul.f32 $1.000000000e+01, v2;
	v2 =	vld [tilespmem:s6+$0xFFFFFF30]  }
0x2e: {  	[tilespmem:s6+$0xFFFFFED0] =	vst v1;
	v1 =	vmul.f32 $1.000000000e+01, v3;
	v3 =	vld [tilespmem:s6+$0xFFFFFF40]  }
0x2f: {  	[tilespmem:s6+$0xFFFFFEE0] =	vst v0;
	v0 =	vmul.f32 $1.000000000e+01, v4;
	v4 =	vld [tilespmem:s6+$0xFFFFFF50]  }
0x30: {  	[tilespmem:s6+$0xFFFFFEF0] =	vst v1;
	v1 =	vmul.f32 $1.000000000e+01, v5;
	v5 =	vld [tilespmem:s6+$0xFFFFFF60]  }
0x31: {  	[tilespmem:s6+$0xFFFFFF00] =	vst v0;
	v0 =	vmul.f32 $1.000000000e+01, v6;
	v6 =	vld [tilespmem:s6+$0xFFFFFF70]  }
0x32: {  	[tilespmem:s6+$0xFFFFFF10] =	vst v1;
	v1 =	vmul.f32 $1.000000000e+01, v2;
	v2 =	vld [tilespmem:s6+$0xFFFFFF80]  }
0x33: {  	[tilespmem:s6+$0xFFFFFF20] =	vst v0;
	v0 =	vmul.f32 $1.000000000e+01, v3;
	v3 =	vld [tilespmem:s6+$0xFFFFFF90]  }
0x34: {  	[tilespmem:s6+$0xFFFFFF30] =	vst v1;
	v1 =	vmul.f32 $1.000000000e+01, v4;
	v4 =	vld [tilespmem:s6+$0xFFFFFFA0]  }
0x35: {  	[tilespmem:s6+$0xFFFFFF40] =	vst v0;
	v0 =	vmul.f32 $1.000000000e+01, v5;
	v5 =	vld [tilespmem:s6+$0xFFFFFFB0]  }
0x36: {  	[tilespmem:s6+$0xFFFFFF50] =	vst v1;
	v1 =	vmul.f32 $1.000000000e+01, v6;
	v6 =	vld [tilespmem:s6+$0xFFFFFFC0]  }
0x37: {  	[tilespmem:s6+$0xFFFFFF60] =	vst v0;
	v0 =	vmul.f32 $1.000000000e+01, v2;
	v2 =	vld [tilespmem:s6+$0xFFFFFFD0]  }
0x38: {  	[tilespmem:s6+$0xFFFFFF70] =	vst v1;
	v1 =	vmul.f32 $1.000000000e+01, v3;
	v3 =	vld [tilespmem:s6+$0xFFFFFFE0]  }
0x39: {  	[tilespmem:s6+$0xFFFFFF80] =	vst v0;
	v0 =	vmul.f32 $1.000000000e+01, v4;
	v4 =	vld [tilespmem:s6+$0x0]  }
0x3a: {  	[tilespmem:s6+$0xFFFFFF90] =	vst v1;
	v1 =	vmul.f32 $1.000000000e+01, v5;
	v5 =	vld [tilespmem:s6+$0x10]  }
0x3b: {  	[tilespmem:s6+$0xFFFFFFA0] =	vst v0;
	v0 =	vmul.f32 $1.000000000e+01, v6;
	v6 =	vld [tilespmem:s6+$0x20]  }
0x3c: {  	[tilespmem:s6+$0xFFFFFFB0] =	vst v1;
	v1 =	vmul.f32 $1.000000000e+01, v2;
	v2 =	vld [tilespmem:s6+$0x30]  }
0x3d: {  	[tilespmem:s6+$0xFFFFFFC0] =	vst v0;
	v0 =	vmul.f32 $1.000000000e+01, v3;
	v3 =	vld [tilespmem:s6+$0x40]  }
0x3e: {  	[tilespmem:s6+$0xFFFFFFD0] =	vst v1;
	v1 =	vmul.f32 $1.000000000e+01, v4;
	v4 =	vld [tilespmem:s6+$0x50]  }
0x3f: {  	[tilespmem:s6+$0xFFFFFFE0] =	vst v0;
	v0 =	vmul.f32 $1.000000000e+01, v5;
	v5 =	vld [tilespmem:s6+$0x60]  }
0x40: {  	[tilespmem:s6+$0x0] =	vst v1;
	v1 =	vmul.f32 $1.000000000e+01, v6;
	v6 =	vld [tilespmem:s6+$0x70]  }
0x41: {  	[tilespmem:s6+$0x10] =	vst v0;
	v0 =	vmul.f32 $1.000000000e+01, v2;
	v2 =	vld [tilespmem:s6+$0x80]  }
0x42: {  	[tilespmem:s6+$0x20] =	vst v1;
	v1 =	vmul.f32 $1.000000000e+01, v3;
	v3 =	vld [tilespmem:s6+$0x90]  }
0x43: {  	[tilespmem:s6+$0x30] =	vst v0;
	v0 =	vmul.f32 $1.000000000e+01, v4;
	v4 =	vld [tilespmem:s6+$0xA0]  }
0x44: {  	[tilespmem:s6+$0x40] =	vst v1;
	v1 =	vmul.f32 $1.000000000e+01, v5;
	v5 =	vld [tilespmem:s6+$0xB0]  }
0x45: {  	[tilespmem:s6+$0x50] =	vst v0;
	v0 =	vmul.f32 $1.000000000e+01, v6;
	v6 =	vld [tilespmem:s6+$0xC0]  }
0x46: {  	[tilespmem:s6+$0x60] =	vst v1;
	v1 =	vmul.f32 $1.000000000e+01, v2;
	v2 =	vld [tilespmem:s6+$0xD0]  }
0x47: {  	v7 =	vld [tilespmem:s6+$0xE0];
	[tilespmem:s6+$0x70] =	vst v0;
	v0 =	vmul.f32 $1.000000000e+01, v3  }
0x48: {  	v8 =	vld [tilespmem:s6+$0xF0];
	[tilespmem:s6+$0x80] =	vst v1;
	v1 =	vmul.f32 $1.000000000e+01, v4  }
0x49: {  	[tilespmem:s6+$0x90] =	vst v0;
	v3 =	vmul.f32 $1.000000000e+01, v5;
	v0 =	vld [tilespmem:s6+$0x100]  }
0x4a: {  	[tilespmem:s6+$0xA0] =	vst v1;
	v4 =	vmul.f32 $1.000000000e+01, v6;
	v1 =	vld [tilespmem:s6+$0x110]  }
0x4b: {  	[tilespmem:s6+$0xB0] =	vst v3;
	v6 =	vmul.f32 $1.000000000e+01, v2;
	v2 =	vld [tilespmem:s6+$0x120]  }
0x4c: {  	v5 =	vmul.f32 $1.000000000e+01, v7;
	v3 =	vld [tilespmem:s6+$0x130];
	[tilespmem:s6+$0xC0] =	vst v4  }
0x4d: {  	s12 =	simm.s32 $0x43C0;
	s10 =	simm.s32 $0x0;
	v4 =	vld [tilespmem:s6+$0xFFFFFFF0];
	[tilespmem:s6+$0xD0] =	vst v6;
	v6 =	vmul.f32 $1.000000000e+01, v8  }
.LBB2_3:
0x4e: {  	v7 =	vld [tilespmem:s12+$0xFFFFFEC0];
	[tilespmem:s6+$0xE0] =	vst v5;
	v0 =	vmul.f32 $1.000000000e+01, v0  }
0x4f: {  	v5 =	vld [tilespmem:s12+$0xFFFFFED0];
	[tilespmem:s6+$0xF0] =	vst v6;
	v1 =	vmul.f32 $1.000000000e+01, v1  }
0x50: {  	v6 =	vld [tilespmem:s12+$0xFFFFFEE0];
	[tilespmem:s6+$0x100] =	vst v0;
	v0 =	vmul.f32 $1.000000000e+01, v2  }
0x51: {  	v2 =	vld [tilespmem:s12+$0xFFFFFEF0];
	[tilespmem:s6+$0x110] =	vst v1;
	v1 =	vmul.f32 $1.000000000e+01, v3  }
0x52: {  	v3 =	vld [tilespmem:s12+$0xFFFFFF00];
	v4 =	vmul.f32 $1.000000000e+01, v4;
	[tilespmem:s6+$0x120] =	vst v0  }
0x53: {  	v0 =	vmul.f32 $1.000000000e+01, v7;
	v7 =	vld [tilespmem:s12+$0xFFFFFF10];
	[tilespmem:s6+$0x130] =	vst v1  }
0x54: {  	v1 =	vmul.f32 $1.000000000e+01, v5;
	v5 =	vld [tilespmem:s12+$0xFFFFFF20];
	[tilespmem:s6+$0xFFFFFFF0] =	vst v4;
	s6 =	smov.u32 s12  }
0x55: {  	[tilespmem:s12+$0xFFFFFEC0] =	vst v0;
	v0 =	vmul.f32 $1.000000000e+01, v6;
	v4 =	vld [tilespmem:s12+$0xFFFFFF30]  }
0x56: {  	[tilespmem:s12+$0xFFFFFED0] =	vst v1;
	v1 =	vmul.f32 $1.000000000e+01, v2;
	v2 =	vld [tilespmem:s12+$0xFFFFFF40]  }
0x57: {  	[tilespmem:s12+$0xFFFFFEE0] =	vst v0;
	v0 =	vmul.f32 $1.000000000e+01, v3;
	v3 =	vld [tilespmem:s12+$0xFFFFFF50]  }
0x58: {  	[tilespmem:s12+$0xFFFFFEF0] =	vst v1;
	v1 =	vmul.f32 $1.000000000e+01, v7;
	v6 =	vld [tilespmem:s12+$0xFFFFFF60]  }
0x59: {  	[tilespmem:s12+$0xFFFFFF00] =	vst v0;
	v0 =	vmul.f32 $1.000000000e+01, v5;
	v5 =	vld [tilespmem:s12+$0xFFFFFF70]  }
0x5a: {  	[tilespmem:s12+$0xFFFFFF10] =	vst v1;
	v1 =	vmul.f32 $1.000000000e+01, v4;
	v4 =	vld [tilespmem:s12+$0xFFFFFF80]  }
0x5b: {  	[tilespmem:s12+$0xFFFFFF20] =	vst v0;
	v0 =	vmul.f32 $1.000000000e+01, v2;
	v2 =	vld [tilespmem:s12+$0xFFFFFF90]  }
0x5c: {  	[tilespmem:s12+$0xFFFFFF30] =	vst v1;
	v1 =	vmul.f32 $1.000000000e+01, v3;
	v3 =	vld [tilespmem:s12+$0xFFFFFFA0]  }
0x5d: {  	[tilespmem:s12+$0xFFFFFF40] =	vst v0;
	v0 =	vmul.f32 $1.000000000e+01, v6;
	v6 =	vld [tilespmem:s12+$0xFFFFFFB0]  }
0x5e: {  	[tilespmem:s12+$0xFFFFFF50] =	vst v1;
	v1 =	vmul.f32 $1.000000000e+01, v5;
	v5 =	vld [tilespmem:s12+$0xFFFFFFC0]  }
0x5f: {  	[tilespmem:s12+$0xFFFFFF60] =	vst v0;
	v0 =	vmul.f32 $1.000000000e+01, v4;
	v4 =	vld [tilespmem:s12+$0xFFFFFFD0]  }
0x60: {  	[tilespmem:s12+$0xFFFFFF70] =	vst v1;
	v1 =	vmul.f32 $1.000000000e+01, v2;
	v2 =	vld [tilespmem:s12+$0xFFFFFFE0]  }
0x61: {  	[tilespmem:s12+$0xFFFFFF80] =	vst v0;
	v0 =	vmul.f32 $1.000000000e+01, v3;
	v3 =	vld [tilespmem:s12+$0x0]  }
0x62: {  	[tilespmem:s12+$0xFFFFFF90] =	vst v1;
	v1 =	vmul.f32 $1.000000000e+01, v6;
	v6 =	vld [tilespmem:s12+$0x10]  }
0x63: {  	[tilespmem:s12+$0xFFFFFFA0] =	vst v0;
	v0 =	vmul.f32 $1.000000000e+01, v5;
	v5 =	vld [tilespmem:s12+$0x20]  }
0x64: {  	[tilespmem:s12+$0xFFFFFFB0] =	vst v1;
	v1 =	vmul.f32 $1.000000000e+01, v4;
	v4 =	vld [tilespmem:s12+$0x30]  }
0x65: {  	[tilespmem:s12+$0xFFFFFFC0] =	vst v0;
	v0 =	vmul.f32 $1.000000000e+01, v2;
	v2 =	vld [tilespmem:s12+$0x40]  }
0x66: {  	[tilespmem:s12+$0xFFFFFFD0] =	vst v1;
	v1 =	vmul.f32 $1.000000000e+01, v3;
	v3 =	vld [tilespmem:s12+$0x50]  }
0x67: {  	[tilespmem:s12+$0xFFFFFFE0] =	vst v0;
	v0 =	vmul.f32 $1.000000000e+01, v6;
	v6 =	vld [tilespmem:s12+$0x60]  }
0x68: {  	[tilespmem:s12+$0x0] =	vst v1;
	v1 =	vmul.f32 $1.000000000e+01, v5;
	v5 =	vld [tilespmem:s12+$0x70]  }
0x69: {  	[tilespmem:s12+$0x10] =	vst v0;
	v0 =	vmul.f32 $1.000000000e+01, v4;
	v4 =	vld [tilespmem:s12+$0x80]  }
0x6a: {  	[tilespmem:s12+$0x20] =	vst v1;
	v1 =	vmul.f32 $1.000000000e+01, v2;
	v2 =	vld [tilespmem:s12+$0x90]  }
0x6b: {  	[tilespmem:s12+$0x30] =	vst v0;
	v0 =	vmul.f32 $1.000000000e+01, v3;
	v3 =	vld [tilespmem:s12+$0xA0]  }
0x6c: {  	[tilespmem:s12+$0x40] =	vst v1;
	v1 =	vmul.f32 $1.000000000e+01, v6;
	v6 =	vld [tilespmem:s12+$0xB0]  }
0x6d: {  	[tilespmem:s12+$0x50] =	vst v0;
	v0 =	vmul.f32 $1.000000000e+01, v5;
	v5 =	vld [tilespmem:s12+$0xC0]  }
0x6e: {  	[tilespmem:s12+$0x60] =	vst v1;
	v1 =	vmul.f32 $1.000000000e+01, v4;
	v4 =	vld [tilespmem:s12+$0xD0]  }
0x6f: {  	s10 =	sadd.s32 $0x5, s10;
	[tilespmem:s12+$0x70] =	vst v0;
	v0 =	vmul.f32 $1.000000000e+01, v2;
	v7 =	vld [tilespmem:s12+$0xE0]  }
0x70: {  	p1 =	slt.u32 s10, $0x2D;
	[tilespmem:s12+$0x80] =	vst v1;
	v1 =	vmul.f32 $1.000000000e+01, v3;
	v8 =	vld [tilespmem:s12+$0xF0]  }
.Ltmp0:
0x71: {  	[tilespmem:s12+$0x90] =	vst v0;
	v2 =	vmul.f32 $1.000000000e+01, v6;
	v0 =	vld [tilespmem:s12+$0x100];
	(pc) =	sbr.rel @p1 .LBB2_3-.Ltmp0, $4  }
0x72: {  	[tilespmem:s12+$0xA0] =	vst v1;
	v3 =	vmul.f32 $1.000000000e+01, v5;
	v1 =	vld [tilespmem:s12+$0x110]  }
0x73: {  	[tilespmem:s12+$0xB0] =	vst v2;
	v6 =	vmul.f32 $1.000000000e+01, v4;
	v2 =	vld [tilespmem:s12+$0x120]  }
0x74: {  	[tilespmem:s12+$0xC0] =	vst v3;
	v5 =	vmul.f32 $1.000000000e+01, v7;
	v3 =	vld [tilespmem:s12+$0x130]  }
0x75: {  	s12 =	sadd.s32 $0x280, s12;
	v4 =	vld [tilespmem:s6+$0xFFFFFFF0];
	[tilespmem:s6+$0xD0] =	vst v6;
	v6 =	vmul.f32 $1.000000000e+01, v8  }
0x76: {  	[tilespmem:s6+$0xE0] =	vst v5;
	v0 =	vmul.f32 $1.000000000e+01, v0  }
0x77: {  	[tilespmem:s6+$0xF0] =	vst v6;
	v1 =	vmul.f32 $1.000000000e+01, v1  }
0x78: {  	[tilespmem:s6+$0x100] =	vst v0;
	v0 =	vmul.f32 $1.000000000e+01, v2  }
0x79: {  	s10 =	sadd.s32 s4, s7;
	[tilespmem:s6+$0x110] =	vst v1;
	v1 =	vmul.f32 $1.000000000e+01, v3  }
0x7a: {  	s10 =	smul.u32 $0x380, s10;
	v2 =	vmul.f32 $1.000000000e+01, v4;
	[tilespmem:s6+$0x120] =	vst v0  }
0x7b: {  	[tilespmem:s6+$0x130] =	vst v1  }
0x7c: {  	s13 =	simm.s32 $0x4000;
	s12 =	sadd.s32 s5, s10;
	[tilespmem:s6+$0xFFFFFFF0] =	vst v2;
	s6 =	simm.s32 @!p0 $0xE  }
0x7d: {  	[hbm4b:s12+s3] =	stream.linear.scatter [tilespmem:s13], [sflag:$0x9], $0x1900, $0x38;
	[tilespmem:$0x12000] =	vst v63  }
0x7e: {  	s13 =	sor.u32 $0x5, s7;
	_ =	swait.ge @!p0 [sflag:s6], $0x1900  }
0x7f: {  	s14 =	sshll.u32 s13, $0x7;
	[sflag:s6] =	ssyncset.done @!p0 $0x0  }
0x80: {  	s15 =	sand.u32 $0x3FFFFF80, s14;
	[sflag:s6] =	ssyncadd.s32 @!p0 $0xFFFFE700  }
0x81: {  	[tilespmem:s19], [sflag:$0x6] =	stream.indirect.gather [hbm4b:s1+s9], $0x80, s15, s9, $0xb8;
	[tilespmem:$0x12000] =	vst v63  }
0x82: {  	_ =	swait.ge [sflag:s20], $0x1900  }
0x83: {  	[sflag:s20] =	ssyncset.done $0x0  }
0x84: {  	s6 =	simm.s32 $0x5D40;
	[sflag:s20] =	ssyncadd.s32 $0xFFFFE700  }
0x85: {  	v0 =	vld [tilespmem:s6+$0xFFFFFEC0]  }
0x86: {  	v1 =	vld [tilespmem:s6+$0xFFFFFED0]  }
0x87: {  	v2 =	vld [tilespmem:s6+$0xFFFFFEE0]  }
0x88: {  	v3 =	vld [tilespmem:s6+$0xFFFFFEF0]  }
0x89: {  	v4 =	vld [tilespmem:s6+$0xFFFFFF00]  }
0x8a: {  	v5 =	vld [tilespmem:s6+$0xFFFFFF10];
	v0 =	vmul.f32 $1.000000000e+01, v0  }
0x8b: {  	v6 =	vld [tilespmem:s6+$0xFFFFFF20];
	v1 =	vmul.f32 $1.000000000e+01, v1  }
0x8c: {  	[tilespmem:s6+$0xFFFFFEC0] =	vst v0;
	v0 =	vmul.f32 $1.000000000e+01, v2;
	v2 =	vld [tilespmem:s6+$0xFFFFFF30]  }
0x8d: {  	[tilespmem:s6+$0xFFFFFED0] =	vst v1;
	v1 =	vmul.f32 $1.000000000e+01, v3;
	v3 =	vld [tilespmem:s6+$0xFFFFFF40]  }
0x8e: {  	[tilespmem:s6+$0xFFFFFEE0] =	vst v0;
	v0 =	vmul.f32 $1.000000000e+01, v4;
	v4 =	vld [tilespmem:s6+$0xFFFFFF50]  }
0x8f: {  	[tilespmem:s6+$0xFFFFFEF0] =	vst v1;
	v1 =	vmul.f32 $1.000000000e+01, v5;
	v5 =	vld [tilespmem:s6+$0xFFFFFF60]  }
0x90: {  	[tilespmem:s6+$0xFFFFFF00] =	vst v0;
	v0 =	vmul.f32 $1.000000000e+01, v6;
	v6 =	vld [tilespmem:s6+$0xFFFFFF70]  }
0x91: {  	[tilespmem:s6+$0xFFFFFF10] =	vst v1;
	v1 =	vmul.f32 $1.000000000e+01, v2;
	v2 =	vld [tilespmem:s6+$0xFFFFFF80]  }
0x92: {  	[tilespmem:s6+$0xFFFFFF20] =	vst v0;
	v0 =	vmul.f32 $1.000000000e+01, v3;
	v3 =	vld [tilespmem:s6+$0xFFFFFF90]  }
0x93: {  	[tilespmem:s6+$0xFFFFFF30] =	vst v1;
	v1 =	vmul.f32 $1.000000000e+01, v4;
	v4 =	vld [tilespmem:s6+$0xFFFFFFA0]  }
0x94: {  	[tilespmem:s6+$0xFFFFFF40] =	vst v0;
	v0 =	vmul.f32 $1.000000000e+01, v5;
	v5 =	vld [tilespmem:s6+$0xFFFFFFB0]  }
0x95: {  	[tilespmem:s6+$0xFFFFFF50] =	vst v1;
	v1 =	vmul.f32 $1.000000000e+01, v6;
	v6 =	vld [tilespmem:s6+$0xFFFFFFC0]  }
0x96: {  	[tilespmem:s6+$0xFFFFFF60] =	vst v0;
	v0 =	vmul.f32 $1.000000000e+01, v2;
	v2 =	vld [tilespmem:s6+$0xFFFFFFD0]  }
0x97: {  	[tilespmem:s6+$0xFFFFFF70] =	vst v1;
	v1 =	vmul.f32 $1.000000000e+01, v3;
	v3 =	vld [tilespmem:s6+$0xFFFFFFE0]  }
0x98: {  	[tilespmem:s6+$0xFFFFFF80] =	vst v0;
	v0 =	vmul.f32 $1.000000000e+01, v4;
	v4 =	vld [tilespmem:s6+$0x0]  }
0x99: {  	[tilespmem:s6+$0xFFFFFF90] =	vst v1;
	v1 =	vmul.f32 $1.000000000e+01, v5;
	v5 =	vld [tilespmem:s6+$0x10]  }
0x9a: {  	[tilespmem:s6+$0xFFFFFFA0] =	vst v0;
	v0 =	vmul.f32 $1.000000000e+01, v6;
	v6 =	vld [tilespmem:s6+$0x20]  }
0x9b: {  	[tilespmem:s6+$0xFFFFFFB0] =	vst v1;
	v1 =	vmul.f32 $1.000000000e+01, v2;
	v2 =	vld [tilespmem:s6+$0x30]  }
0x9c: {  	[tilespmem:s6+$0xFFFFFFC0] =	vst v0;
	v0 =	vmul.f32 $1.000000000e+01, v3;
	v3 =	vld [tilespmem:s6+$0x40]  }
0x9d: {  	[tilespmem:s6+$0xFFFFFFD0] =	vst v1;
	v1 =	vmul.f32 $1.000000000e+01, v4;
	v4 =	vld [tilespmem:s6+$0x50]  }
0x9e: {  	[tilespmem:s6+$0xFFFFFFE0] =	vst v0;
	v0 =	vmul.f32 $1.000000000e+01, v5;
	v5 =	vld [tilespmem:s6+$0x60]  }
0x9f: {  	[tilespmem:s6+$0x0] =	vst v1;
	v1 =	vmul.f32 $1.000000000e+01, v6;
	v6 =	vld [tilespmem:s6+$0x70]  }
0xa0: {  	[tilespmem:s6+$0x10] =	vst v0;
	v0 =	vmul.f32 $1.000000000e+01, v2;
	v2 =	vld [tilespmem:s6+$0x80]  }
0xa1: {  	[tilespmem:s6+$0x20] =	vst v1;
	v1 =	vmul.f32 $1.000000000e+01, v3;
	v3 =	vld [tilespmem:s6+$0x90]  }
0xa2: {  	[tilespmem:s6+$0x30] =	vst v0;
	v0 =	vmul.f32 $1.000000000e+01, v4;
	v4 =	vld [tilespmem:s6+$0xA0]  }
0xa3: {  	[tilespmem:s6+$0x40] =	vst v1;
	v1 =	vmul.f32 $1.000000000e+01, v5;
	v5 =	vld [tilespmem:s6+$0xB0]  }
0xa4: {  	[tilespmem:s6+$0x50] =	vst v0;
	v0 =	vmul.f32 $1.000000000e+01, v6;
	v6 =	vld [tilespmem:s6+$0xC0]  }
0xa5: {  	[tilespmem:s6+$0x60] =	vst v1;
	v1 =	vmul.f32 $1.000000000e+01, v2;
	v2 =	vld [tilespmem:s6+$0xD0]  }
0xa6: {  	v7 =	vld [tilespmem:s6+$0xE0];
	[tilespmem:s6+$0x70] =	vst v0;
	v0 =	vmul.f32 $1.000000000e+01, v3  }
0xa7: {  	v8 =	vld [tilespmem:s6+$0xF0];
	[tilespmem:s6+$0x80] =	vst v1;
	v1 =	vmul.f32 $1.000000000e+01, v4  }
0xa8: {  	[tilespmem:s6+$0x90] =	vst v0;
	v3 =	vmul.f32 $1.000000000e+01, v5;
	v0 =	vld [tilespmem:s6+$0x100]  }
0xa9: {  	[tilespmem:s6+$0xA0] =	vst v1;
	v4 =	vmul.f32 $1.000000000e+01, v6;
	v1 =	vld [tilespmem:s6+$0x110]  }
0xaa: {  	[tilespmem:s6+$0xB0] =	vst v3;
	v6 =	vmul.f32 $1.000000000e+01, v2;
	v2 =	vld [tilespmem:s6+$0x120]  }
0xab: {  	v5 =	vmul.f32 $1.000000000e+01, v7;
	v3 =	vld [tilespmem:s6+$0x130];
	[tilespmem:s6+$0xC0] =	vst v4  }
0xac: {  	s10 =	sor.u32 $0x1, s7;
	s12 =	simm.s32 $0x5FC0;
	s15 =	simm.s32 $0x0;
	v4 =	vld [tilespmem:s6+$0xFFFFFFF0];
	[tilespmem:s6+$0xD0] =	vst v6;
	v6 =	vmul.f32 $1.000000000e+01, v8  }
.LBB2_5:
0xad: {  	v7 =	vld [tilespmem:s12+$0xFFFFFEC0];
	[tilespmem:s6+$0xE0] =	vst v5;
	v0 =	vmul.f32 $1.000000000e+01, v0  }
0xae: {  	v5 =	vld [tilespmem:s12+$0xFFFFFED0];
	[tilespmem:s6+$0xF0] =	vst v6;
	v1 =	vmul.f32 $1.000000000e+01, v1  }
0xaf: {  	v6 =	vld [tilespmem:s12+$0xFFFFFEE0];
	[tilespmem:s6+$0x100] =	vst v0;
	v0 =	vmul.f32 $1.000000000e+01, v2  }
0xb0: {  	v2 =	vld [tilespmem:s12+$0xFFFFFEF0];
	[tilespmem:s6+$0x110] =	vst v1;
	v1 =	vmul.f32 $1.000000000e+01, v3  }
0xb1: {  	v3 =	vld [tilespmem:s12+$0xFFFFFF00];
	v4 =	vmul.f32 $1.000000000e+01, v4;
	[tilespmem:s6+$0x120] =	vst v0  }
0xb2: {  	v0 =	vmul.f32 $1.000000000e+01, v7;
	v7 =	vld [tilespmem:s12+$0xFFFFFF10];
	[tilespmem:s6+$0x130] =	vst v1  }
0xb3: {  	v1 =	vmul.f32 $1.000000000e+01, v5;
	v5 =	vld [tilespmem:s12+$0xFFFFFF20];
	[tilespmem:s6+$0xFFFFFFF0] =	vst v4;
	s6 =	smov.u32 s12  }
0xb4: {  	[tilespmem:s12+$0xFFFFFEC0] =	vst v0;
	v0 =	vmul.f32 $1.000000000e+01, v6;
	v4 =	vld [tilespmem:s12+$0xFFFFFF30]  }
0xb5: {  	[tilespmem:s12+$0xFFFFFED0] =	vst v1;
	v1 =	vmul.f32 $1.000000000e+01, v2;
	v2 =	vld [tilespmem:s12+$0xFFFFFF40]  }
0xb6: {  	[tilespmem:s12+$0xFFFFFEE0] =	vst v0;
	v0 =	vmul.f32 $1.000000000e+01, v3;
	v3 =	vld [tilespmem:s12+$0xFFFFFF50]  }
0xb7: {  	[tilespmem:s12+$0xFFFFFEF0] =	vst v1;
	v1 =	vmul.f32 $1.000000000e+01, v7;
	v6 =	vld [tilespmem:s12+$0xFFFFFF60]  }
0xb8: {  	[tilespmem:s12+$0xFFFFFF00] =	vst v0;
	v0 =	vmul.f32 $1.000000000e+01, v5;
	v5 =	vld [tilespmem:s12+$0xFFFFFF70]  }
0xb9: {  	[tilespmem:s12+$0xFFFFFF10] =	vst v1;
	v1 =	vmul.f32 $1.000000000e+01, v4;
	v4 =	vld [tilespmem:s12+$0xFFFFFF80]  }
0xba: {  	[tilespmem:s12+$0xFFFFFF20] =	vst v0;
	v0 =	vmul.f32 $1.000000000e+01, v2;
	v2 =	vld [tilespmem:s12+$0xFFFFFF90]  }
0xbb: {  	[tilespmem:s12+$0xFFFFFF30] =	vst v1;
	v1 =	vmul.f32 $1.000000000e+01, v3;
	v3 =	vld [tilespmem:s12+$0xFFFFFFA0]  }
0xbc: {  	[tilespmem:s12+$0xFFFFFF40] =	vst v0;
	v0 =	vmul.f32 $1.000000000e+01, v6;
	v6 =	vld [tilespmem:s12+$0xFFFFFFB0]  }
0xbd: {  	[tilespmem:s12+$0xFFFFFF50] =	vst v1;
	v1 =	vmul.f32 $1.000000000e+01, v5;
	v5 =	vld [tilespmem:s12+$0xFFFFFFC0]  }
0xbe: {  	[tilespmem:s12+$0xFFFFFF60] =	vst v0;
	v0 =	vmul.f32 $1.000000000e+01, v4;
	v4 =	vld [tilespmem:s12+$0xFFFFFFD0]  }
0xbf: {  	[tilespmem:s12+$0xFFFFFF70] =	vst v1;
	v1 =	vmul.f32 $1.000000000e+01, v2;
	v2 =	vld [tilespmem:s12+$0xFFFFFFE0]  }
0xc0: {  	[tilespmem:s12+$0xFFFFFF80] =	vst v0;
	v0 =	vmul.f32 $1.000000000e+01, v3;
	v3 =	vld [tilespmem:s12+$0x0]  }
0xc1: {  	[tilespmem:s12+$0xFFFFFF90] =	vst v1;
	v1 =	vmul.f32 $1.000000000e+01, v6;
	v6 =	vld [tilespmem:s12+$0x10]  }
0xc2: {  	[tilespmem:s12+$0xFFFFFFA0] =	vst v0;
	v0 =	vmul.f32 $1.000000000e+01, v5;
	v5 =	vld [tilespmem:s12+$0x20]  }
0xc3: {  	[tilespmem:s12+$0xFFFFFFB0] =	vst v1;
	v1 =	vmul.f32 $1.000000000e+01, v4;
	v4 =	vld [tilespmem:s12+$0x30]  }
0xc4: {  	[tilespmem:s12+$0xFFFFFFC0] =	vst v0;
	v0 =	vmul.f32 $1.000000000e+01, v2;
	v2 =	vld [tilespmem:s12+$0x40]  }
0xc5: {  	[tilespmem:s12+$0xFFFFFFD0] =	vst v1;
	v1 =	vmul.f32 $1.000000000e+01, v3;
	v3 =	vld [tilespmem:s12+$0x50]  }
0xc6: {  	[tilespmem:s12+$0xFFFFFFE0] =	vst v0;
	v0 =	vmul.f32 $1.000000000e+01, v6;
	v6 =	vld [tilespmem:s12+$0x60]  }
0xc7: {  	[tilespmem:s12+$0x0] =	vst v1;
	v1 =	vmul.f32 $1.000000000e+01, v5;
	v5 =	vld [tilespmem:s12+$0x70]  }
0xc8: {  	[tilespmem:s12+$0x10] =	vst v0;
	v0 =	vmul.f32 $1.000000000e+01, v4;
	v4 =	vld [tilespmem:s12+$0x80]  }
0xc9: {  	[tilespmem:s12+$0x20] =	vst v1;
	v1 =	vmul.f32 $1.000000000e+01, v2;
	v2 =	vld [tilespmem:s12+$0x90]  }
0xca: {  	[tilespmem:s12+$0x30] =	vst v0;
	v0 =	vmul.f32 $1.000000000e+01, v3;
	v3 =	vld [tilespmem:s12+$0xA0]  }
0xcb: {  	[tilespmem:s12+$0x40] =	vst v1;
	v1 =	vmul.f32 $1.000000000e+01, v6;
	v6 =	vld [tilespmem:s12+$0xB0]  }
0xcc: {  	[tilespmem:s12+$0x50] =	vst v0;
	v0 =	vmul.f32 $1.000000000e+01, v5;
	v5 =	vld [tilespmem:s12+$0xC0]  }
0xcd: {  	[tilespmem:s12+$0x60] =	vst v1;
	v1 =	vmul.f32 $1.000000000e+01, v4;
	v4 =	vld [tilespmem:s12+$0xD0]  }
0xce: {  	s15 =	sadd.s32 $0x5, s15;
	[tilespmem:s12+$0x70] =	vst v0;
	v0 =	vmul.f32 $1.000000000e+01, v2;
	v7 =	vld [tilespmem:s12+$0xE0]  }
0xcf: {  	p1 =	slt.u32 s15, $0x2D;
	[tilespmem:s12+$0x80] =	vst v1;
	v1 =	vmul.f32 $1.000000000e+01, v3;
	v8 =	vld [tilespmem:s12+$0xF0]  }
.Ltmp1:
0xd0: {  	[tilespmem:s12+$0x90] =	vst v0;
	v2 =	vmul.f32 $1.000000000e+01, v6;
	v0 =	vld [tilespmem:s12+$0x100];
	(pc) =	sbr.rel @p1 .LBB2_5-.Ltmp1, $4  }
0xd1: {  	[tilespmem:s12+$0xA0] =	vst v1;
	v3 =	vmul.f32 $1.000000000e+01, v5;
	v1 =	vld [tilespmem:s12+$0x110]  }
0xd2: {  	[tilespmem:s12+$0xB0] =	vst v2;
	v6 =	vmul.f32 $1.000000000e+01, v4;
	v2 =	vld [tilespmem:s12+$0x120]  }
0xd3: {  	[tilespmem:s12+$0xC0] =	vst v3;
	v5 =	vmul.f32 $1.000000000e+01, v7;
	v3 =	vld [tilespmem:s12+$0x130]  }
0xd4: {  	s12 =	sadd.s32 $0x280, s12;
	v4 =	vld [tilespmem:s6+$0xFFFFFFF0];
	[tilespmem:s6+$0xD0] =	vst v6;
	v6 =	vmul.f32 $1.000000000e+01, v8  }
0xd5: {  	[tilespmem:s6+$0xE0] =	vst v5;
	v0 =	vmul.f32 $1.000000000e+01, v0  }
0xd6: {  	[tilespmem:s6+$0xF0] =	vst v6;
	v1 =	vmul.f32 $1.000000000e+01, v1  }
0xd7: {  	[tilespmem:s6+$0x100] =	vst v0;
	v0 =	vmul.f32 $1.000000000e+01, v2  }
0xd8: {  	s10 =	sadd.s32 s4, s10;
	[tilespmem:s6+$0x110] =	vst v1;
	v1 =	vmul.f32 $1.000000000e+01, v3  }
0xd9: {  	s10 =	smul.u32 $0x380, s10;
	v2 =	vmul.f32 $1.000000000e+01, v4;
	[tilespmem:s6+$0x120] =	vst v0  }
0xda: {  	[tilespmem:s6+$0x130] =	vst v1  }
0xdb: {  	s15 =	simm.s32 $0x5C00;
	s14 =	sadd.s32 s5, s10;
	[tilespmem:s6+$0xFFFFFFF0] =	vst v2;
	s6 =	simm.s32 @!p0 $0xF  }
0xdc: {  	[hbm4b:s14+s3] =	stream.linear.scatter [tilespmem:s15], [sflag:$0xA], $0x1900, $0x38;
	[tilespmem:$0x12000] =	vst v63  }
0xdd: {  	s15 =	sor.u32 $0x6, s7;
	_ =	swait.ge @!p0 [sflag:s6], $0x1900  }
0xde: {  	s12 =	sshll.u32 s15, $0x7;
	[sflag:s6] =	ssyncset.done @!p0 $0x0  }
0xdf: {  	s14 =	sand.u32 $0x3FFFFF80, s12;
	[sflag:s6] =	ssyncadd.s32 @!p0 $0xFFFFE700  }
0xe0: {  	[tilespmem:s21], [sflag:$0x7] =	stream.indirect.gather [hbm4b:s1+s9], $0x80, s14, s9, $0xb8;
	[tilespmem:$0x12000] =	vst v63  }
0xe1: {  	_ =	swait.ge [sflag:s22], $0x1900  }
0xe2: {  	[sflag:s22] =	ssyncset.done $0x0  }
0xe3: {  	s6 =	simm.s32 $0x7940;
	[sflag:s22] =	ssyncadd.s32 $0xFFFFE700  }
0xe4: {  	v0 =	vld [tilespmem:s6+$0xFFFFFEC0]  }
0xe5: {  	v1 =	vld [tilespmem:s6+$0xFFFFFED0]  }
0xe6: {  	v2 =	vld [tilespmem:s6+$0xFFFFFEE0]  }
0xe7: {  	v3 =	vld [tilespmem:s6+$0xFFFFFEF0]  }
0xe8: {  	v4 =	vld [tilespmem:s6+$0xFFFFFF00]  }
0xe9: {  	v5 =	vld [tilespmem:s6+$0xFFFFFF10];
	v0 =	vmul.f32 $1.000000000e+01, v0  }
0xea: {  	v6 =	vld [tilespmem:s6+$0xFFFFFF20];
	v1 =	vmul.f32 $1.000000000e+01, v1  }
0xeb: {  	[tilespmem:s6+$0xFFFFFEC0] =	vst v0;
	v0 =	vmul.f32 $1.000000000e+01, v2;
	v2 =	vld [tilespmem:s6+$0xFFFFFF30]  }
0xec: {  	[tilespmem:s6+$0xFFFFFED0] =	vst v1;
	v1 =	vmul.f32 $1.000000000e+01, v3;
	v3 =	vld [tilespmem:s6+$0xFFFFFF40]  }
0xed: {  	[tilespmem:s6+$0xFFFFFEE0] =	vst v0;
	v0 =	vmul.f32 $1.000000000e+01, v4;
	v4 =	vld [tilespmem:s6+$0xFFFFFF50]  }
0xee: {  	[tilespmem:s6+$0xFFFFFEF0] =	vst v1;
	v1 =	vmul.f32 $1.000000000e+01, v5;
	v5 =	vld [tilespmem:s6+$0xFFFFFF60]  }
0xef: {  	[tilespmem:s6+$0xFFFFFF00] =	vst v0;
	v0 =	vmul.f32 $1.000000000e+01, v6;
	v6 =	vld [tilespmem:s6+$0xFFFFFF70]  }
0xf0: {  	[tilespmem:s6+$0xFFFFFF10] =	vst v1;
	v1 =	vmul.f32 $1.000000000e+01, v2;
	v2 =	vld [tilespmem:s6+$0xFFFFFF80]  }
0xf1: {  	[tilespmem:s6+$0xFFFFFF20] =	vst v0;
	v0 =	vmul.f32 $1.000000000e+01, v3;
	v3 =	vld [tilespmem:s6+$0xFFFFFF90]  }
0xf2: {  	[tilespmem:s6+$0xFFFFFF30] =	vst v1;
	v1 =	vmul.f32 $1.000000000e+01, v4;
	v4 =	vld [tilespmem:s6+$0xFFFFFFA0]  }
0xf3: {  	[tilespmem:s6+$0xFFFFFF40] =	vst v0;
	v0 =	vmul.f32 $1.000000000e+01, v5;
	v5 =	vld [tilespmem:s6+$0xFFFFFFB0]  }
0xf4: {  	[tilespmem:s6+$0xFFFFFF50] =	vst v1;
	v1 =	vmul.f32 $1.000000000e+01, v6;
	v6 =	vld [tilespmem:s6+$0xFFFFFFC0]  }
0xf5: {  	[tilespmem:s6+$0xFFFFFF60] =	vst v0;
	v0 =	vmul.f32 $1.000000000e+01, v2;
	v2 =	vld [tilespmem:s6+$0xFFFFFFD0]  }
0xf6: {  	[tilespmem:s6+$0xFFFFFF70] =	vst v1;
	v1 =	vmul.f32 $1.000000000e+01, v3;
	v3 =	vld [tilespmem:s6+$0xFFFFFFE0]  }
0xf7: {  	[tilespmem:s6+$0xFFFFFF80] =	vst v0;
	v0 =	vmul.f32 $1.000000000e+01, v4;
	v4 =	vld [tilespmem:s6+$0x0]  }
0xf8: {  	[tilespmem:s6+$0xFFFFFF90] =	vst v1;
	v1 =	vmul.f32 $1.000000000e+01, v5;
	v5 =	vld [tilespmem:s6+$0x10]  }
0xf9: {  	[tilespmem:s6+$0xFFFFFFA0] =	vst v0;
	v0 =	vmul.f32 $1.000000000e+01, v6;
	v6 =	vld [tilespmem:s6+$0x20]  }
0xfa: {  	[tilespmem:s6+$0xFFFFFFB0] =	vst v1;
	v1 =	vmul.f32 $1.000000000e+01, v2;
	v2 =	vld [tilespmem:s6+$0x30]  }
0xfb: {  	[tilespmem:s6+$0xFFFFFFC0] =	vst v0;
	v0 =	vmul.f32 $1.000000000e+01, v3;
	v3 =	vld [tilespmem:s6+$0x40]  }
0xfc: {  	[tilespmem:s6+$0xFFFFFFD0] =	vst v1;
	v1 =	vmul.f32 $1.000000000e+01, v4;
	v4 =	vld [tilespmem:s6+$0x50]  }
0xfd: {  	[tilespmem:s6+$0xFFFFFFE0] =	vst v0;
	v0 =	vmul.f32 $1.000000000e+01, v5;
	v5 =	vld [tilespmem:s6+$0x60]  }
0xfe: {  	[tilespmem:s6+$0x0] =	vst v1;
	v1 =	vmul.f32 $1.000000000e+01, v6;
	v6 =	vld [tilespmem:s6+$0x70]  }
0xff: {  	[tilespmem:s6+$0x10] =	vst v0;
	v0 =	vmul.f32 $1.000000000e+01, v2;
	v2 =	vld [tilespmem:s6+$0x80]  }
0x100: {  	[tilespmem:s6+$0x20] =	vst v1;
	v1 =	vmul.f32 $1.000000000e+01, v3;
	v3 =	vld [tilespmem:s6+$0x90]  }
0x101: {  	[tilespmem:s6+$0x30] =	vst v0;
	v0 =	vmul.f32 $1.000000000e+01, v4;
	v4 =	vld [tilespmem:s6+$0xA0]  }
0x102: {  	[tilespmem:s6+$0x40] =	vst v1;
	v1 =	vmul.f32 $1.000000000e+01, v5;
	v5 =	vld [tilespmem:s6+$0xB0]  }
0x103: {  	[tilespmem:s6+$0x50] =	vst v0;
	v0 =	vmul.f32 $1.000000000e+01, v6;
	v6 =	vld [tilespmem:s6+$0xC0]  }
0x104: {  	[tilespmem:s6+$0x60] =	vst v1;
	v1 =	vmul.f32 $1.000000000e+01, v2;
	v2 =	vld [tilespmem:s6+$0xD0]  }
0x105: {  	v7 =	vld [tilespmem:s6+$0xE0];
	[tilespmem:s6+$0x70] =	vst v0;
	v0 =	vmul.f32 $1.000000000e+01, v3  }
0x106: {  	v8 =	vld [tilespmem:s6+$0xF0];
	[tilespmem:s6+$0x80] =	vst v1;
	v1 =	vmul.f32 $1.000000000e+01, v4  }
0x107: {  	[tilespmem:s6+$0x90] =	vst v0;
	v3 =	vmul.f32 $1.000000000e+01, v5;
	v0 =	vld [tilespmem:s6+$0x100]  }
0x108: {  	[tilespmem:s6+$0xA0] =	vst v1;
	v4 =	vmul.f32 $1.000000000e+01, v6;
	v1 =	vld [tilespmem:s6+$0x110]  }
0x109: {  	[tilespmem:s6+$0xB0] =	vst v3;
	v6 =	vmul.f32 $1.000000000e+01, v2;
	v2 =	vld [tilespmem:s6+$0x120]  }
0x10a: {  	v5 =	vmul.f32 $1.000000000e+01, v7;
	v3 =	vld [tilespmem:s6+$0x130];
	[tilespmem:s6+$0xC0] =	vst v4  }
0x10b: {  	s10 =	sor.u32 $0x2, s7;
	s12 =	simm.s32 $0x0;
	s14 =	simm.s32 $0x7BC0;
	v4 =	vld [tilespmem:s6+$0xFFFFFFF0];
	[tilespmem:s6+$0xD0] =	vst v6;
	v6 =	vmul.f32 $1.000000000e+01, v8  }
.LBB2_7:
0x10c: {  	v7 =	vld [tilespmem:s14+$0xFFFFFEC0];
	[tilespmem:s6+$0xE0] =	vst v5;
	v0 =	vmul.f32 $1.000000000e+01, v0  }
0x10d: {  	v5 =	vld [tilespmem:s14+$0xFFFFFED0];
	[tilespmem:s6+$0xF0] =	vst v6;
	v1 =	vmul.f32 $1.000000000e+01, v1  }
0x10e: {  	v6 =	vld [tilespmem:s14+$0xFFFFFEE0];
	[tilespmem:s6+$0x100] =	vst v0;
	v0 =	vmul.f32 $1.000000000e+01, v2  }
0x10f: {  	v2 =	vld [tilespmem:s14+$0xFFFFFEF0];
	[tilespmem:s6+$0x110] =	vst v1;
	v1 =	vmul.f32 $1.000000000e+01, v3  }
0x110: {  	v3 =	vld [tilespmem:s14+$0xFFFFFF00];
	v4 =	vmul.f32 $1.000000000e+01, v4;
	[tilespmem:s6+$0x120] =	vst v0  }
0x111: {  	v0 =	vmul.f32 $1.000000000e+01, v7;
	v7 =	vld [tilespmem:s14+$0xFFFFFF10];
	[tilespmem:s6+$0x130] =	vst v1  }
0x112: {  	v1 =	vmul.f32 $1.000000000e+01, v5;
	v5 =	vld [tilespmem:s14+$0xFFFFFF20];
	[tilespmem:s6+$0xFFFFFFF0] =	vst v4;
	s6 =	smov.u32 s14  }
0x113: {  	[tilespmem:s14+$0xFFFFFEC0] =	vst v0;
	v0 =	vmul.f32 $1.000000000e+01, v6;
	v4 =	vld [tilespmem:s14+$0xFFFFFF30]  }
0x114: {  	[tilespmem:s14+$0xFFFFFED0] =	vst v1;
	v1 =	vmul.f32 $1.000000000e+01, v2;
	v2 =	vld [tilespmem:s14+$0xFFFFFF40]  }
0x115: {  	[tilespmem:s14+$0xFFFFFEE0] =	vst v0;
	v0 =	vmul.f32 $1.000000000e+01, v3;
	v3 =	vld [tilespmem:s14+$0xFFFFFF50]  }
0x116: {  	[tilespmem:s14+$0xFFFFFEF0] =	vst v1;
	v1 =	vmul.f32 $1.000000000e+01, v7;
	v6 =	vld [tilespmem:s14+$0xFFFFFF60]  }
0x117: {  	[tilespmem:s14+$0xFFFFFF00] =	vst v0;
	v0 =	vmul.f32 $1.000000000e+01, v5;
	v5 =	vld [tilespmem:s14+$0xFFFFFF70]  }
0x118: {  	[tilespmem:s14+$0xFFFFFF10] =	vst v1;
	v1 =	vmul.f32 $1.000000000e+01, v4;
	v4 =	vld [tilespmem:s14+$0xFFFFFF80]  }
0x119: {  	[tilespmem:s14+$0xFFFFFF20] =	vst v0;
	v0 =	vmul.f32 $1.000000000e+01, v2;
	v2 =	vld [tilespmem:s14+$0xFFFFFF90]  }
0x11a: {  	[tilespmem:s14+$0xFFFFFF30] =	vst v1;
	v1 =	vmul.f32 $1.000000000e+01, v3;
	v3 =	vld [tilespmem:s14+$0xFFFFFFA0]  }
0x11b: {  	[tilespmem:s14+$0xFFFFFF40] =	vst v0;
	v0 =	vmul.f32 $1.000000000e+01, v6;
	v6 =	vld [tilespmem:s14+$0xFFFFFFB0]  }
0x11c: {  	[tilespmem:s14+$0xFFFFFF50] =	vst v1;
	v1 =	vmul.f32 $1.000000000e+01, v5;
	v5 =	vld [tilespmem:s14+$0xFFFFFFC0]  }
0x11d: {  	[tilespmem:s14+$0xFFFFFF60] =	vst v0;
	v0 =	vmul.f32 $1.000000000e+01, v4;
	v4 =	vld [tilespmem:s14+$0xFFFFFFD0]  }
0x11e: {  	[tilespmem:s14+$0xFFFFFF70] =	vst v1;
	v1 =	vmul.f32 $1.000000000e+01, v2;
	v2 =	vld [tilespmem:s14+$0xFFFFFFE0]  }
0x11f: {  	[tilespmem:s14+$0xFFFFFF80] =	vst v0;
	v0 =	vmul.f32 $1.000000000e+01, v3;
	v3 =	vld [tilespmem:s14+$0x0]  }
0x120: {  	[tilespmem:s14+$0xFFFFFF90] =	vst v1;
	v1 =	vmul.f32 $1.000000000e+01, v6;
	v6 =	vld [tilespmem:s14+$0x10]  }
0x121: {  	[tilespmem:s14+$0xFFFFFFA0] =	vst v0;
	v0 =	vmul.f32 $1.000000000e+01, v5;
	v5 =	vld [tilespmem:s14+$0x20]  }
0x122: {  	[tilespmem:s14+$0xFFFFFFB0] =	vst v1;
	v1 =	vmul.f32 $1.000000000e+01, v4;
	v4 =	vld [tilespmem:s14+$0x30]  }
0x123: {  	[tilespmem:s14+$0xFFFFFFC0] =	vst v0;
	v0 =	vmul.f32 $1.000000000e+01, v2;
	v2 =	vld [tilespmem:s14+$0x40]  }
0x124: {  	[tilespmem:s14+$0xFFFFFFD0] =	vst v1;
	v1 =	vmul.f32 $1.000000000e+01, v3;
	v3 =	vld [tilespmem:s14+$0x50]  }
0x125: {  	[tilespmem:s14+$0xFFFFFFE0] =	vst v0;
	v0 =	vmul.f32 $1.000000000e+01, v6;
	v6 =	vld [tilespmem:s14+$0x60]  }
0x126: {  	[tilespmem:s14+$0x0] =	vst v1;
	v1 =	vmul.f32 $1.000000000e+01, v5;
	v5 =	vld [tilespmem:s14+$0x70]  }
0x127: {  	[tilespmem:s14+$0x10] =	vst v0;
	v0 =	vmul.f32 $1.000000000e+01, v4;
	v4 =	vld [tilespmem:s14+$0x80]  }
0x128: {  	[tilespmem:s14+$0x20] =	vst v1;
	v1 =	vmul.f32 $1.000000000e+01, v2;
	v2 =	vld [tilespmem:s14+$0x90]  }
0x129: {  	[tilespmem:s14+$0x30] =	vst v0;
	v0 =	vmul.f32 $1.000000000e+01, v3;
	v3 =	vld [tilespmem:s14+$0xA0]  }
0x12a: {  	[tilespmem:s14+$0x40] =	vst v1;
	v1 =	vmul.f32 $1.000000000e+01, v6;
	v6 =	vld [tilespmem:s14+$0xB0]  }
0x12b: {  	[tilespmem:s14+$0x50] =	vst v0;
	v0 =	vmul.f32 $1.000000000e+01, v5;
	v5 =	vld [tilespmem:s14+$0xC0]  }
0x12c: {  	[tilespmem:s14+$0x60] =	vst v1;
	v1 =	vmul.f32 $1.000000000e+01, v4;
	v4 =	vld [tilespmem:s14+$0xD0]  }
0x12d: {  	s12 =	sadd.s32 $0x5, s12;
	[tilespmem:s14+$0x70] =	vst v0;
	v0 =	vmul.f32 $1.000000000e+01, v2;
	v7 =	vld [tilespmem:s14+$0xE0]  }
0x12e: {  	p1 =	slt.u32 s12, $0x2D;
	[tilespmem:s14+$0x80] =	vst v1;
	v1 =	vmul.f32 $1.000000000e+01, v3;
	v8 =	vld [tilespmem:s14+$0xF0]  }
.Ltmp2:
0x12f: {  	[tilespmem:s14+$0x90] =	vst v0;
	v2 =	vmul.f32 $1.000000000e+01, v6;
	v0 =	vld [tilespmem:s14+$0x100];
	(pc) =	sbr.rel @p1 .LBB2_7-.Ltmp2, $4  }
0x130: {  	[tilespmem:s14+$0xA0] =	vst v1;
	v3 =	vmul.f32 $1.000000000e+01, v5;
	v1 =	vld [tilespmem:s14+$0x110]  }
0x131: {  	[tilespmem:s14+$0xB0] =	vst v2;
	v6 =	vmul.f32 $1.000000000e+01, v4;
	v2 =	vld [tilespmem:s14+$0x120]  }
0x132: {  	[tilespmem:s14+$0xC0] =	vst v3;
	v5 =	vmul.f32 $1.000000000e+01, v7;
	v3 =	vld [tilespmem:s14+$0x130]  }
0x133: {  	s14 =	sadd.s32 $0x280, s14;
	v4 =	vld [tilespmem:s6+$0xFFFFFFF0];
	[tilespmem:s6+$0xD0] =	vst v6;
	v6 =	vmul.f32 $1.000000000e+01, v8  }
0x134: {  	[tilespmem:s6+$0xE0] =	vst v5;
	v0 =	vmul.f32 $1.000000000e+01, v0  }
0x135: {  	[tilespmem:s6+$0xF0] =	vst v6;
	v1 =	vmul.f32 $1.000000000e+01, v1  }
0x136: {  	[tilespmem:s6+$0x100] =	vst v0;
	v0 =	vmul.f32 $1.000000000e+01, v2  }
0x137: {  	s10 =	sadd.s32 s4, s10;
	[tilespmem:s6+$0x110] =	vst v1;
	v1 =	vmul.f32 $1.000000000e+01, v3  }
0x138: {  	s10 =	smul.u32 $0x380, s10;
	v2 =	vmul.f32 $1.000000000e+01, v4;
	[tilespmem:s6+$0x120] =	vst v0  }
0x139: {  	[tilespmem:s6+$0x130] =	vst v1  }
0x13a: {  	s12 =	simm.s32 $0x7800;
	s10 =	sadd.s32 s5, s10;
	[tilespmem:s6+$0xFFFFFFF0] =	vst v2  }
0x13b: {  	[hbm4b:s10+s3] =	stream.linear.scatter [tilespmem:s12], [sflag:$0xB], $0x1900, $0x38;
	[tilespmem:$0x12000] =	vst v63  }
0x13c: {  	s10 =	simm.s32 @!p0 $0x10  }
0x13d: {  	s6 =	sor.u32 $0x7, s7;
	_ =	swait.ge @!p0 [sflag:s10], $0x1900  }
0x13e: {  	s12 =	sshll.u32 s6, $0x7;
	[sflag:s10] =	ssyncset.done @!p0 $0x0  }
0x13f: {  	s14 =	sand.u32 $0x3FFFFF80, s12;
	[sflag:s10] =	ssyncadd.s32 @!p0 $0xFFFFE700  }
0x140: {  	[tilespmem:s23], [sflag:$0x8] =	stream.indirect.gather [hbm4b:s1+s9], $0x80, s14, s9, $0xb8;
	[tilespmem:$0x12000] =	vst v63  }
0x141: {  	_ =	swait.ge [sflag:s24], $0x1900  }
0x142: {  	[sflag:s24] =	ssyncset.done $0x0  }
0x143: {  	s10 =	simm.s32 $0x9540;
	[sflag:s24] =	ssyncadd.s32 $0xFFFFE700  }
0x144: {  	v0 =	vld [tilespmem:s10+$0xFFFFFEC0]  }
0x145: {  	v1 =	vld [tilespmem:s10+$0xFFFFFED0]  }
0x146: {  	v2 =	vld [tilespmem:s10+$0xFFFFFEE0]  }
0x147: {  	v3 =	vld [tilespmem:s10+$0xFFFFFEF0]  }
0x148: {  	v4 =	vld [tilespmem:s10+$0xFFFFFF00]  }
0x149: {  	v5 =	vld [tilespmem:s10+$0xFFFFFF10];
	v0 =	vmul.f32 $1.000000000e+01, v0  }
0x14a: {  	v6 =	vld [tilespmem:s10+$0xFFFFFF20];
	v1 =	vmul.f32 $1.000000000e+01, v1  }
0x14b: {  	[tilespmem:s10+$0xFFFFFEC0] =	vst v0;
	v0 =	vmul.f32 $1.000000000e+01, v2;
	v2 =	vld [tilespmem:s10+$0xFFFFFF30]  }
0x14c: {  	[tilespmem:s10+$0xFFFFFED0] =	vst v1;
	v1 =	vmul.f32 $1.000000000e+01, v3;
	v3 =	vld [tilespmem:s10+$0xFFFFFF40]  }
0x14d: {  	[tilespmem:s10+$0xFFFFFEE0] =	vst v0;
	v0 =	vmul.f32 $1.000000000e+01, v4;
	v4 =	vld [tilespmem:s10+$0xFFFFFF50]  }
0x14e: {  	[tilespmem:s10+$0xFFFFFEF0] =	vst v1;
	v1 =	vmul.f32 $1.000000000e+01, v5;
	v5 =	vld [tilespmem:s10+$0xFFFFFF60]  }
0x14f: {  	[tilespmem:s10+$0xFFFFFF00] =	vst v0;
	v0 =	vmul.f32 $1.000000000e+01, v6;
	v6 =	vld [tilespmem:s10+$0xFFFFFF70]  }
0x150: {  	[tilespmem:s10+$0xFFFFFF10] =	vst v1;
	v1 =	vmul.f32 $1.000000000e+01, v2;
	v2 =	vld [tilespmem:s10+$0xFFFFFF80]  }
0x151: {  	[tilespmem:s10+$0xFFFFFF20] =	vst v0;
	v0 =	vmul.f32 $1.000000000e+01, v3;
	v3 =	vld [tilespmem:s10+$0xFFFFFF90]  }
0x152: {  	[tilespmem:s10+$0xFFFFFF30] =	vst v1;
	v1 =	vmul.f32 $1.000000000e+01, v4;
	v4 =	vld [tilespmem:s10+$0xFFFFFFA0]  }
0x153: {  	[tilespmem:s10+$0xFFFFFF40] =	vst v0;
	v0 =	vmul.f32 $1.000000000e+01, v5;
	v5 =	vld [tilespmem:s10+$0xFFFFFFB0]  }
0x154: {  	[tilespmem:s10+$0xFFFFFF50] =	vst v1;
	v1 =	vmul.f32 $1.000000000e+01, v6;
	v6 =	vld [tilespmem:s10+$0xFFFFFFC0]  }
0x155: {  	[tilespmem:s10+$0xFFFFFF60] =	vst v0;
	v0 =	vmul.f32 $1.000000000e+01, v2;
	v2 =	vld [tilespmem:s10+$0xFFFFFFD0]  }
0x156: {  	[tilespmem:s10+$0xFFFFFF70] =	vst v1;
	v1 =	vmul.f32 $1.000000000e+01, v3;
	v3 =	vld [tilespmem:s10+$0xFFFFFFE0]  }
0x157: {  	[tilespmem:s10+$0xFFFFFF80] =	vst v0;
	v0 =	vmul.f32 $1.000000000e+01, v4;
	v4 =	vld [tilespmem:s10+$0x0]  }
0x158: {  	[tilespmem:s10+$0xFFFFFF90] =	vst v1;
	v1 =	vmul.f32 $1.000000000e+01, v5;
	v5 =	vld [tilespmem:s10+$0x10]  }
0x159: {  	[tilespmem:s10+$0xFFFFFFA0] =	vst v0;
	v0 =	vmul.f32 $1.000000000e+01, v6;
	v6 =	vld [tilespmem:s10+$0x20]  }
0x15a: {  	[tilespmem:s10+$0xFFFFFFB0] =	vst v1;
	v1 =	vmul.f32 $1.000000000e+01, v2;
	v2 =	vld [tilespmem:s10+$0x30]  }
0x15b: {  	[tilespmem:s10+$0xFFFFFFC0] =	vst v0;
	v0 =	vmul.f32 $1.000000000e+01, v3;
	v3 =	vld [tilespmem:s10+$0x40]  }
0x15c: {  	[tilespmem:s10+$0xFFFFFFD0] =	vst v1;
	v1 =	vmul.f32 $1.000000000e+01, v4;
	v4 =	vld [tilespmem:s10+$0x50]  }
0x15d: {  	[tilespmem:s10+$0xFFFFFFE0] =	vst v0;
	v0 =	vmul.f32 $1.000000000e+01, v5;
	v5 =	vld [tilespmem:s10+$0x60]  }
0x15e: {  	[tilespmem:s10+$0x0] =	vst v1;
	v1 =	vmul.f32 $1.000000000e+01, v6;
	v6 =	vld [tilespmem:s10+$0x70]  }
0x15f: {  	[tilespmem:s10+$0x10] =	vst v0;
	v0 =	vmul.f32 $1.000000000e+01, v2;
	v2 =	vld [tilespmem:s10+$0x80]  }
0x160: {  	[tilespmem:s10+$0x20] =	vst v1;
	v1 =	vmul.f32 $1.000000000e+01, v3;
	v3 =	vld [tilespmem:s10+$0x90]  }
0x161: {  	[tilespmem:s10+$0x30] =	vst v0;
	v0 =	vmul.f32 $1.000000000e+01, v4;
	v4 =	vld [tilespmem:s10+$0xA0]  }
0x162: {  	[tilespmem:s10+$0x40] =	vst v1;
	v1 =	vmul.f32 $1.000000000e+01, v5;
	v5 =	vld [tilespmem:s10+$0xB0]  }
0x163: {  	[tilespmem:s10+$0x50] =	vst v0;
	v0 =	vmul.f32 $1.000000000e+01, v6;
	v6 =	vld [tilespmem:s10+$0xC0]  }
0x164: {  	[tilespmem:s10+$0x60] =	vst v1;
	v1 =	vmul.f32 $1.000000000e+01, v2;
	v2 =	vld [tilespmem:s10+$0xD0]  }
0x165: {  	v7 =	vld [tilespmem:s10+$0xE0];
	[tilespmem:s10+$0x70] =	vst v0;
	v0 =	vmul.f32 $1.000000000e+01, v3  }
0x166: {  	v8 =	vld [tilespmem:s10+$0xF0];
	[tilespmem:s10+$0x80] =	vst v1;
	v1 =	vmul.f32 $1.000000000e+01, v4  }
0x167: {  	[tilespmem:s10+$0x90] =	vst v0;
	v3 =	vmul.f32 $1.000000000e+01, v5;
	v0 =	vld [tilespmem:s10+$0x100]  }
0x168: {  	[tilespmem:s10+$0xA0] =	vst v1;
	v4 =	vmul.f32 $1.000000000e+01, v6;
	v1 =	vld [tilespmem:s10+$0x110]  }
0x169: {  	[tilespmem:s10+$0xB0] =	vst v3;
	v6 =	vmul.f32 $1.000000000e+01, v2;
	v2 =	vld [tilespmem:s10+$0x120]  }
0x16a: {  	v5 =	vmul.f32 $1.000000000e+01, v7;
	v3 =	vld [tilespmem:s10+$0x130];
	[tilespmem:s10+$0xC0] =	vst v4  }
0x16b: {  	s7 =	sor.u32 $0x3, s7;
	s12 =	simm.s32 $0x0;
	s14 =	simm.s32 $0x97C0;
	v4 =	vld [tilespmem:s10+$0xFFFFFFF0];
	[tilespmem:s10+$0xD0] =	vst v6;
	v6 =	vmul.f32 $1.000000000e+01, v8  }
.LBB2_9:
0x16c: {  	v7 =	vld [tilespmem:s14+$0xFFFFFEC0];
	[tilespmem:s10+$0xE0] =	vst v5;
	v0 =	vmul.f32 $1.000000000e+01, v0  }
0x16d: {  	v5 =	vld [tilespmem:s14+$0xFFFFFED0];
	[tilespmem:s10+$0xF0] =	vst v6;
	v1 =	vmul.f32 $1.000000000e+01, v1  }
0x16e: {  	v6 =	vld [tilespmem:s14+$0xFFFFFEE0];
	[tilespmem:s10+$0x100] =	vst v0;
	v0 =	vmul.f32 $1.000000000e+01, v2  }
0x16f: {  	v2 =	vld [tilespmem:s14+$0xFFFFFEF0];
	[tilespmem:s10+$0x110] =	vst v1;
	v1 =	vmul.f32 $1.000000000e+01, v3  }
0x170: {  	v3 =	vld [tilespmem:s14+$0xFFFFFF00];
	v4 =	vmul.f32 $1.000000000e+01, v4;
	[tilespmem:s10+$0x120] =	vst v0  }
0x171: {  	v0 =	vmul.f32 $1.000000000e+01, v7;
	v7 =	vld [tilespmem:s14+$0xFFFFFF10];
	[tilespmem:s10+$0x130] =	vst v1  }
0x172: {  	v1 =	vmul.f32 $1.000000000e+01, v5;
	v5 =	vld [tilespmem:s14+$0xFFFFFF20];
	[tilespmem:s10+$0xFFFFFFF0] =	vst v4;
	s10 =	smov.u32 s14  }
0x173: {  	[tilespmem:s14+$0xFFFFFEC0] =	vst v0;
	v0 =	vmul.f32 $1.000000000e+01, v6;
	v4 =	vld [tilespmem:s14+$0xFFFFFF30]  }
0x174: {  	[tilespmem:s14+$0xFFFFFED0] =	vst v1;
	v1 =	vmul.f32 $1.000000000e+01, v2;
	v2 =	vld [tilespmem:s14+$0xFFFFFF40]  }
0x175: {  	[tilespmem:s14+$0xFFFFFEE0] =	vst v0;
	v0 =	vmul.f32 $1.000000000e+01, v3;
	v3 =	vld [tilespmem:s14+$0xFFFFFF50]  }
0x176: {  	[tilespmem:s14+$0xFFFFFEF0] =	vst v1;
	v1 =	vmul.f32 $1.000000000e+01, v7;
	v6 =	vld [tilespmem:s14+$0xFFFFFF60]  }
0x177: {  	[tilespmem:s14+$0xFFFFFF00] =	vst v0;
	v0 =	vmul.f32 $1.000000000e+01, v5;
	v5 =	vld [tilespmem:s14+$0xFFFFFF70]  }
0x178: {  	[tilespmem:s14+$0xFFFFFF10] =	vst v1;
	v1 =	vmul.f32 $1.000000000e+01, v4;
	v4 =	vld [tilespmem:s14+$0xFFFFFF80]  }
0x179: {  	[tilespmem:s14+$0xFFFFFF20] =	vst v0;
	v0 =	vmul.f32 $1.000000000e+01, v2;
	v2 =	vld [tilespmem:s14+$0xFFFFFF90]  }
0x17a: {  	[tilespmem:s14+$0xFFFFFF30] =	vst v1;
	v1 =	vmul.f32 $1.000000000e+01, v3;
	v3 =	vld [tilespmem:s14+$0xFFFFFFA0]  }
0x17b: {  	[tilespmem:s14+$0xFFFFFF40] =	vst v0;
	v0 =	vmul.f32 $1.000000000e+01, v6;
	v6 =	vld [tilespmem:s14+$0xFFFFFFB0]  }
0x17c: {  	[tilespmem:s14+$0xFFFFFF50] =	vst v1;
	v1 =	vmul.f32 $1.000000000e+01, v5;
	v5 =	vld [tilespmem:s14+$0xFFFFFFC0]  }
0x17d: {  	[tilespmem:s14+$0xFFFFFF60] =	vst v0;
	v0 =	vmul.f32 $1.000000000e+01, v4;
	v4 =	vld [tilespmem:s14+$0xFFFFFFD0]  }
0x17e: {  	[tilespmem:s14+$0xFFFFFF70] =	vst v1;
	v1 =	vmul.f32 $1.000000000e+01, v2;
	v2 =	vld [tilespmem:s14+$0xFFFFFFE0]  }
0x17f: {  	[tilespmem:s14+$0xFFFFFF80] =	vst v0;
	v0 =	vmul.f32 $1.000000000e+01, v3;
	v3 =	vld [tilespmem:s14+$0x0]  }
0x180: {  	[tilespmem:s14+$0xFFFFFF90] =	vst v1;
	v1 =	vmul.f32 $1.000000000e+01, v6;
	v6 =	vld [tilespmem:s14+$0x10]  }
0x181: {  	[tilespmem:s14+$0xFFFFFFA0] =	vst v0;
	v0 =	vmul.f32 $1.000000000e+01, v5;
	v5 =	vld [tilespmem:s14+$0x20]  }
0x182: {  	[tilespmem:s14+$0xFFFFFFB0] =	vst v1;
	v1 =	vmul.f32 $1.000000000e+01, v4;
	v4 =	vld [tilespmem:s14+$0x30]  }
0x183: {  	[tilespmem:s14+$0xFFFFFFC0] =	vst v0;
	v0 =	vmul.f32 $1.000000000e+01, v2;
	v2 =	vld [tilespmem:s14+$0x40]  }
0x184: {  	[tilespmem:s14+$0xFFFFFFD0] =	vst v1;
	v1 =	vmul.f32 $1.000000000e+01, v3;
	v3 =	vld [tilespmem:s14+$0x50]  }
0x185: {  	[tilespmem:s14+$0xFFFFFFE0] =	vst v0;
	v0 =	vmul.f32 $1.000000000e+01, v6;
	v6 =	vld [tilespmem:s14+$0x60]  }
0x186: {  	[tilespmem:s14+$0x0] =	vst v1;
	v1 =	vmul.f32 $1.000000000e+01, v5;
	v5 =	vld [tilespmem:s14+$0x70]  }
0x187: {  	[tilespmem:s14+$0x10] =	vst v0;
	v0 =	vmul.f32 $1.000000000e+01, v4;
	v4 =	vld [tilespmem:s14+$0x80]  }
0x188: {  	[tilespmem:s14+$0x20] =	vst v1;
	v1 =	vmul.f32 $1.000000000e+01, v2;
	v2 =	vld [tilespmem:s14+$0x90]  }
0x189: {  	[tilespmem:s14+$0x30] =	vst v0;
	v0 =	vmul.f32 $1.000000000e+01, v3;
	v3 =	vld [tilespmem:s14+$0xA0]  }
0x18a: {  	[tilespmem:s14+$0x40] =	vst v1;
	v1 =	vmul.f32 $1.000000000e+01, v6;
	v6 =	vld [tilespmem:s14+$0xB0]  }
0x18b: {  	[tilespmem:s14+$0x50] =	vst v0;
	v0 =	vmul.f32 $1.000000000e+01, v5;
	v5 =	vld [tilespmem:s14+$0xC0]  }
0x18c: {  	[tilespmem:s14+$0x60] =	vst v1;
	v1 =	vmul.f32 $1.000000000e+01, v4;
	v4 =	vld [tilespmem:s14+$0xD0]  }
0x18d: {  	s12 =	sadd.s32 $0x5, s12;
	[tilespmem:s14+$0x70] =	vst v0;
	v0 =	vmul.f32 $1.000000000e+01, v2;
	v7 =	vld [tilespmem:s14+$0xE0]  }
0x18e: {  	p0 =	slt.u32 s12, $0x2D;
	[tilespmem:s14+$0x80] =	vst v1;
	v1 =	vmul.f32 $1.000000000e+01, v3;
	v8 =	vld [tilespmem:s14+$0xF0]  }
.Ltmp3:
0x18f: {  	[tilespmem:s14+$0x90] =	vst v0;
	v2 =	vmul.f32 $1.000000000e+01, v6;
	v0 =	vld [tilespmem:s14+$0x100];
	(pc) =	sbr.rel @p0 .LBB2_9-.Ltmp3, $4  }
0x190: {  	[tilespmem:s14+$0xA0] =	vst v1;
	v3 =	vmul.f32 $1.000000000e+01, v5;
	v1 =	vld [tilespmem:s14+$0x110]  }
0x191: {  	[tilespmem:s14+$0xB0] =	vst v2;
	v6 =	vmul.f32 $1.000000000e+01, v4;
	v2 =	vld [tilespmem:s14+$0x120]  }
0x192: {  	[tilespmem:s14+$0xC0] =	vst v3;
	v5 =	vmul.f32 $1.000000000e+01, v7;
	v3 =	vld [tilespmem:s14+$0x130]  }
0x193: {  	s14 =	sadd.s32 $0x280, s14;
	v4 =	vld [tilespmem:s10+$0xFFFFFFF0];
	[tilespmem:s10+$0xD0] =	vst v6;
	v6 =	vmul.f32 $1.000000000e+01, v8  }
0x194: {  	[tilespmem:s10+$0xE0] =	vst v5;
	v0 =	vmul.f32 $1.000000000e+01, v0  }
0x195: {  	[tilespmem:s10+$0xF0] =	vst v6;
	v1 =	vmul.f32 $1.000000000e+01, v1  }
0x196: {  	[tilespmem:s10+$0x100] =	vst v0;
	v0 =	vmul.f32 $1.000000000e+01, v2  }
0x197: {  	s7 =	sadd.s32 s4, s7;
	[tilespmem:s10+$0x110] =	vst v1;
	v1 =	vmul.f32 $1.000000000e+01, v3  }
0x198: {  	s7 =	smul.u32 $0x380, s7;
	v2 =	vmul.f32 $1.000000000e+01, v4;
	[tilespmem:s10+$0x120] =	vst v0  }
0x199: {  	[tilespmem:s10+$0x130] =	vst v1  }
0x19a: {  	p0 =	seq.s32 s8, $0xF;
	s7 =	sadd.s32 s5, s7;
	[tilespmem:s10+$0xFFFFFFF0] =	vst v2  }
0x19b: {  	[hbm4b:s7+s3] =	stream.linear.scatter [tilespmem:s16], [sflag:$0xC], $0x1900, $0x38;
	[tilespmem:$0x12000] =	vst v63  }
0x19c: {  	s7 =	sshll.u32 @!p0 s8, $0xA;
	_ =	swait.ge [sflag:s25], $0x1900  }
0x19d: {  	s12 =	simm.s32 @!p0 $0x32;
	s7 =	sand.u32 @!p0 $0x3FFFFC00, s7;
	[sflag:s25] =	ssyncset.done $0x0  }
0x19e: {  	s14 =	simm.s32 @!p0 $0x4000;
	s10 =	sadd.s32 @!p0 $0x400, s7;
	[sflag:s25] =	ssyncadd.s32 $0xFFFFE700  }
0x19f: {  	[tilespmem:s14], [sflag:$0x1] =	stream.indirect.gather @!p0 [hbm4b:s1+s12], $0x80, s10, s12, $0xb8;
	[tilespmem:$0x12000] =	vst v63  }
0x1a0: {  	_ =	swait.ge [sflag:s26], $0x1900  }
0x1a1: {  	[sflag:s26] =	ssyncset.done $0x0  }
0x1a2: {  	s10 =	simm.s32 $0xB140;
	[sflag:s26] =	ssyncadd.s32 $0xFFFFE700  }
0x1a3: {  	v0 =	vld [tilespmem:s10+$0xFFFFFEC0]  }
0x1a4: {  	v1 =	vld [tilespmem:s10+$0xFFFFFED0]  }
0x1a5: {  	v2 =	vld [tilespmem:s10+$0xFFFFFEE0]  }
0x1a6: {  	v3 =	vld [tilespmem:s10+$0xFFFFFEF0]  }
0x1a7: {  	v4 =	vld [tilespmem:s10+$0xFFFFFF00]  }
0x1a8: {  	v5 =	vld [tilespmem:s10+$0xFFFFFF10];
	v0 =	vmul.f32 $1.000000000e+01, v0  }
0x1a9: {  	v6 =	vld [tilespmem:s10+$0xFFFFFF20];
	v1 =	vmul.f32 $1.000000000e+01, v1  }
0x1aa: {  	[tilespmem:s10+$0xFFFFFEC0] =	vst v0;
	v0 =	vmul.f32 $1.000000000e+01, v2;
	v2 =	vld [tilespmem:s10+$0xFFFFFF30]  }
0x1ab: {  	[tilespmem:s10+$0xFFFFFED0] =	vst v1;
	v1 =	vmul.f32 $1.000000000e+01, v3;
	v3 =	vld [tilespmem:s10+$0xFFFFFF40]  }
0x1ac: {  	[tilespmem:s10+$0xFFFFFEE0] =	vst v0;
	v0 =	vmul.f32 $1.000000000e+01, v4;
	v4 =	vld [tilespmem:s10+$0xFFFFFF50]  }
0x1ad: {  	[tilespmem:s10+$0xFFFFFEF0] =	vst v1;
	v1 =	vmul.f32 $1.000000000e+01, v5;
	v5 =	vld [tilespmem:s10+$0xFFFFFF60]  }
0x1ae: {  	[tilespmem:s10+$0xFFFFFF00] =	vst v0;
	v0 =	vmul.f32 $1.000000000e+01, v6;
	v6 =	vld [tilespmem:s10+$0xFFFFFF70]  }
0x1af: {  	[tilespmem:s10+$0xFFFFFF10] =	vst v1;
	v1 =	vmul.f32 $1.000000000e+01, v2;
	v2 =	vld [tilespmem:s10+$0xFFFFFF80]  }
0x1b0: {  	[tilespmem:s10+$0xFFFFFF20] =	vst v0;
	v0 =	vmul.f32 $1.000000000e+01, v3;
	v3 =	vld [tilespmem:s10+$0xFFFFFF90]  }
0x1b1: {  	[tilespmem:s10+$0xFFFFFF30] =	vst v1;
	v1 =	vmul.f32 $1.000000000e+01, v4;
	v4 =	vld [tilespmem:s10+$0xFFFFFFA0]  }
0x1b2: {  	[tilespmem:s10+$0xFFFFFF40] =	vst v0;
	v0 =	vmul.f32 $1.000000000e+01, v5;
	v5 =	vld [tilespmem:s10+$0xFFFFFFB0]  }
0x1b3: {  	[tilespmem:s10+$0xFFFFFF50] =	vst v1;
	v1 =	vmul.f32 $1.000000000e+01, v6;
	v6 =	vld [tilespmem:s10+$0xFFFFFFC0]  }
0x1b4: {  	[tilespmem:s10+$0xFFFFFF60] =	vst v0;
	v0 =	vmul.f32 $1.000000000e+01, v2;
	v2 =	vld [tilespmem:s10+$0xFFFFFFD0]  }
0x1b5: {  	[tilespmem:s10+$0xFFFFFF70] =	vst v1;
	v1 =	vmul.f32 $1.000000000e+01, v3;
	v3 =	vld [tilespmem:s10+$0xFFFFFFE0]  }
0x1b6: {  	[tilespmem:s10+$0xFFFFFF80] =	vst v0;
	v0 =	vmul.f32 $1.000000000e+01, v4;
	v4 =	vld [tilespmem:s10+$0x0]  }
0x1b7: {  	[tilespmem:s10+$0xFFFFFF90] =	vst v1;
	v1 =	vmul.f32 $1.000000000e+01, v5;
	v5 =	vld [tilespmem:s10+$0x10]  }
0x1b8: {  	[tilespmem:s10+$0xFFFFFFA0] =	vst v0;
	v0 =	vmul.f32 $1.000000000e+01, v6;
	v6 =	vld [tilespmem:s10+$0x20]  }
0x1b9: {  	[tilespmem:s10+$0xFFFFFFB0] =	vst v1;
	v1 =	vmul.f32 $1.000000000e+01, v2;
	v2 =	vld [tilespmem:s10+$0x30]  }
0x1ba: {  	[tilespmem:s10+$0xFFFFFFC0] =	vst v0;
	v0 =	vmul.f32 $1.000000000e+01, v3;
	v3 =	vld [tilespmem:s10+$0x40]  }
0x1bb: {  	[tilespmem:s10+$0xFFFFFFD0] =	vst v1;
	v1 =	vmul.f32 $1.000000000e+01, v4;
	v4 =	vld [tilespmem:s10+$0x50]  }
0x1bc: {  	[tilespmem:s10+$0xFFFFFFE0] =	vst v0;
	v0 =	vmul.f32 $1.000000000e+01, v5;
	v5 =	vld [tilespmem:s10+$0x60]  }
0x1bd: {  	[tilespmem:s10+$0x0] =	vst v1;
	v1 =	vmul.f32 $1.000000000e+01, v6;
	v6 =	vld [tilespmem:s10+$0x70]  }
0x1be: {  	[tilespmem:s10+$0x10] =	vst v0;
	v0 =	vmul.f32 $1.000000000e+01, v2;
	v2 =	vld [tilespmem:s10+$0x80]  }
0x1bf: {  	[tilespmem:s10+$0x20] =	vst v1;
	v1 =	vmul.f32 $1.000000000e+01, v3;
	v3 =	vld [tilespmem:s10+$0x90]  }
0x1c0: {  	[tilespmem:s10+$0x30] =	vst v0;
	v0 =	vmul.f32 $1.000000000e+01, v4;
	v4 =	vld [tilespmem:s10+$0xA0]  }
0x1c1: {  	[tilespmem:s10+$0x40] =	vst v1;
	v1 =	vmul.f32 $1.000000000e+01, v5;
	v5 =	vld [tilespmem:s10+$0xB0]  }
0x1c2: {  	[tilespmem:s10+$0x50] =	vst v0;
	v0 =	vmul.f32 $1.000000000e+01, v6;
	v6 =	vld [tilespmem:s10+$0xC0]  }
0x1c3: {  	[tilespmem:s10+$0x60] =	vst v1;
	v1 =	vmul.f32 $1.000000000e+01, v2;
	v2 =	vld [tilespmem:s10+$0xD0]  }
0x1c4: {  	v7 =	vld [tilespmem:s10+$0xE0];
	[tilespmem:s10+$0x70] =	vst v0;
	v0 =	vmul.f32 $1.000000000e+01, v3  }
0x1c5: {  	v8 =	vld [tilespmem:s10+$0xF0];
	[tilespmem:s10+$0x80] =	vst v1;
	v1 =	vmul.f32 $1.000000000e+01, v4  }
0x1c6: {  	[tilespmem:s10+$0x90] =	vst v0;
	v3 =	vmul.f32 $1.000000000e+01, v5;
	v0 =	vld [tilespmem:s10+$0x100]  }
0x1c7: {  	[tilespmem:s10+$0xA0] =	vst v1;
	v4 =	vmul.f32 $1.000000000e+01, v6;
	v1 =	vld [tilespmem:s10+$0x110]  }
0x1c8: {  	[tilespmem:s10+$0xB0] =	vst v3;
	v6 =	vmul.f32 $1.000000000e+01, v2;
	v2 =	vld [tilespmem:s10+$0x120]  }
0x1c9: {  	v5 =	vmul.f32 $1.000000000e+01, v7;
	v3 =	vld [tilespmem:s10+$0x130];
	[tilespmem:s10+$0xC0] =	vst v4  }
0x1ca: {  	s12 =	simm.s32 $0x0;
	s14 =	simm.s32 $0xB3C0;
	v4 =	vld [tilespmem:s10+$0xFFFFFFF0];
	[tilespmem:s10+$0xD0] =	vst v6;
	v6 =	vmul.f32 $1.000000000e+01, v8  }
.LBB2_11:
0x1cb: {  	v7 =	vld [tilespmem:s14+$0xFFFFFEC0];
	[tilespmem:s10+$0xE0] =	vst v5;
	v0 =	vmul.f32 $1.000000000e+01, v0  }
0x1cc: {  	v5 =	vld [tilespmem:s14+$0xFFFFFED0];
	[tilespmem:s10+$0xF0] =	vst v6;
	v1 =	vmul.f32 $1.000000000e+01, v1  }
0x1cd: {  	v6 =	vld [tilespmem:s14+$0xFFFFFEE0];
	[tilespmem:s10+$0x100] =	vst v0;
	v0 =	vmul.f32 $1.000000000e+01, v2  }
0x1ce: {  	v2 =	vld [tilespmem:s14+$0xFFFFFEF0];
	[tilespmem:s10+$0x110] =	vst v1;
	v1 =	vmul.f32 $1.000000000e+01, v3  }
0x1cf: {  	v3 =	vld [tilespmem:s14+$0xFFFFFF00];
	v4 =	vmul.f32 $1.000000000e+01, v4;
	[tilespmem:s10+$0x120] =	vst v0  }
0x1d0: {  	v0 =	vmul.f32 $1.000000000e+01, v7;
	v7 =	vld [tilespmem:s14+$0xFFFFFF10];
	[tilespmem:s10+$0x130] =	vst v1  }
0x1d1: {  	v1 =	vmul.f32 $1.000000000e+01, v5;
	v5 =	vld [tilespmem:s14+$0xFFFFFF20];
	[tilespmem:s10+$0xFFFFFFF0] =	vst v4;
	s10 =	smov.u32 s14  }
0x1d2: {  	[tilespmem:s14+$0xFFFFFEC0] =	vst v0;
	v0 =	vmul.f32 $1.000000000e+01, v6;
	v4 =	vld [tilespmem:s14+$0xFFFFFF30]  }
0x1d3: {  	[tilespmem:s14+$0xFFFFFED0] =	vst v1;
	v1 =	vmul.f32 $1.000000000e+01, v2;
	v2 =	vld [tilespmem:s14+$0xFFFFFF40]  }
0x1d4: {  	[tilespmem:s14+$0xFFFFFEE0] =	vst v0;
	v0 =	vmul.f32 $1.000000000e+01, v3;
	v3 =	vld [tilespmem:s14+$0xFFFFFF50]  }
0x1d5: {  	[tilespmem:s14+$0xFFFFFEF0] =	vst v1;
	v1 =	vmul.f32 $1.000000000e+01, v7;
	v6 =	vld [tilespmem:s14+$0xFFFFFF60]  }
0x1d6: {  	[tilespmem:s14+$0xFFFFFF00] =	vst v0;
	v0 =	vmul.f32 $1.000000000e+01, v5;
	v5 =	vld [tilespmem:s14+$0xFFFFFF70]  }
0x1d7: {  	[tilespmem:s14+$0xFFFFFF10] =	vst v1;
	v1 =	vmul.f32 $1.000000000e+01, v4;
	v4 =	vld [tilespmem:s14+$0xFFFFFF80]  }
0x1d8: {  	[tilespmem:s14+$0xFFFFFF20] =	vst v0;
	v0 =	vmul.f32 $1.000000000e+01, v2;
	v2 =	vld [tilespmem:s14+$0xFFFFFF90]  }
0x1d9: {  	[tilespmem:s14+$0xFFFFFF30] =	vst v1;
	v1 =	vmul.f32 $1.000000000e+01, v3;
	v3 =	vld [tilespmem:s14+$0xFFFFFFA0]  }
0x1da: {  	[tilespmem:s14+$0xFFFFFF40] =	vst v0;
	v0 =	vmul.f32 $1.000000000e+01, v6;
	v6 =	vld [tilespmem:s14+$0xFFFFFFB0]  }
0x1db: {  	[tilespmem:s14+$0xFFFFFF50] =	vst v1;
	v1 =	vmul.f32 $1.000000000e+01, v5;
	v5 =	vld [tilespmem:s14+$0xFFFFFFC0]  }
0x1dc: {  	[tilespmem:s14+$0xFFFFFF60] =	vst v0;
	v0 =	vmul.f32 $1.000000000e+01, v4;
	v4 =	vld [tilespmem:s14+$0xFFFFFFD0]  }
0x1dd: {  	[tilespmem:s14+$0xFFFFFF70] =	vst v1;
	v1 =	vmul.f32 $1.000000000e+01, v2;
	v2 =	vld [tilespmem:s14+$0xFFFFFFE0]  }
0x1de: {  	[tilespmem:s14+$0xFFFFFF80] =	vst v0;
	v0 =	vmul.f32 $1.000000000e+01, v3;
	v3 =	vld [tilespmem:s14+$0x0]  }
0x1df: {  	[tilespmem:s14+$0xFFFFFF90] =	vst v1;
	v1 =	vmul.f32 $1.000000000e+01, v6;
	v6 =	vld [tilespmem:s14+$0x10]  }
0x1e0: {  	[tilespmem:s14+$0xFFFFFFA0] =	vst v0;
	v0 =	vmul.f32 $1.000000000e+01, v5;
	v5 =	vld [tilespmem:s14+$0x20]  }
0x1e1: {  	[tilespmem:s14+$0xFFFFFFB0] =	vst v1;
	v1 =	vmul.f32 $1.000000000e+01, v4;
	v4 =	vld [tilespmem:s14+$0x30]  }
0x1e2: {  	[tilespmem:s14+$0xFFFFFFC0] =	vst v0;
	v0 =	vmul.f32 $1.000000000e+01, v2;
	v2 =	vld [tilespmem:s14+$0x40]  }
0x1e3: {  	[tilespmem:s14+$0xFFFFFFD0] =	vst v1;
	v1 =	vmul.f32 $1.000000000e+01, v3;
	v3 =	vld [tilespmem:s14+$0x50]  }
0x1e4: {  	[tilespmem:s14+$0xFFFFFFE0] =	vst v0;
	v0 =	vmul.f32 $1.000000000e+01, v6;
	v6 =	vld [tilespmem:s14+$0x60]  }
0x1e5: {  	[tilespmem:s14+$0x0] =	vst v1;
	v1 =	vmul.f32 $1.000000000e+01, v5;
	v5 =	vld [tilespmem:s14+$0x70]  }
0x1e6: {  	[tilespmem:s14+$0x10] =	vst v0;
	v0 =	vmul.f32 $1.000000000e+01, v4;
	v4 =	vld [tilespmem:s14+$0x80]  }
0x1e7: {  	[tilespmem:s14+$0x20] =	vst v1;
	v1 =	vmul.f32 $1.000000000e+01, v2;
	v2 =	vld [tilespmem:s14+$0x90]  }
0x1e8: {  	[tilespmem:s14+$0x30] =	vst v0;
	v0 =	vmul.f32 $1.000000000e+01, v3;
	v3 =	vld [tilespmem:s14+$0xA0]  }
0x1e9: {  	[tilespmem:s14+$0x40] =	vst v1;
	v1 =	vmul.f32 $1.000000000e+01, v6;
	v6 =	vld [tilespmem:s14+$0xB0]  }
0x1ea: {  	[tilespmem:s14+$0x50] =	vst v0;
	v0 =	vmul.f32 $1.000000000e+01, v5;
	v5 =	vld [tilespmem:s14+$0xC0]  }
0x1eb: {  	[tilespmem:s14+$0x60] =	vst v1;
	v1 =	vmul.f32 $1.000000000e+01, v4;
	v4 =	vld [tilespmem:s14+$0xD0]  }
0x1ec: {  	s12 =	sadd.s32 $0x5, s12;
	[tilespmem:s14+$0x70] =	vst v0;
	v0 =	vmul.f32 $1.000000000e+01, v2;
	v7 =	vld [tilespmem:s14+$0xE0]  }
0x1ed: {  	p1 =	slt.u32 s12, $0x2D;
	[tilespmem:s14+$0x80] =	vst v1;
	v1 =	vmul.f32 $1.000000000e+01, v3;
	v8 =	vld [tilespmem:s14+$0xF0]  }
.Ltmp4:
0x1ee: {  	[tilespmem:s14+$0x90] =	vst v0;
	v2 =	vmul.f32 $1.000000000e+01, v6;
	v0 =	vld [tilespmem:s14+$0x100];
	(pc) =	sbr.rel @p1 .LBB2_11-.Ltmp4, $4  }
0x1ef: {  	[tilespmem:s14+$0xA0] =	vst v1;
	v3 =	vmul.f32 $1.000000000e+01, v5;
	v1 =	vld [tilespmem:s14+$0x110]  }
0x1f0: {  	[tilespmem:s14+$0xB0] =	vst v2;
	v6 =	vmul.f32 $1.000000000e+01, v4;
	v2 =	vld [tilespmem:s14+$0x120]  }
0x1f1: {  	[tilespmem:s14+$0xC0] =	vst v3;
	v5 =	vmul.f32 $1.000000000e+01, v7;
	v3 =	vld [tilespmem:s14+$0x130]  }
0x1f2: {  	s14 =	sadd.s32 $0x280, s14;
	v4 =	vld [tilespmem:s10+$0xFFFFFFF0];
	[tilespmem:s10+$0xD0] =	vst v6;
	v6 =	vmul.f32 $1.000000000e+01, v8  }
0x1f3: {  	[tilespmem:s10+$0xE0] =	vst v5;
	v0 =	vmul.f32 $1.000000000e+01, v0  }
0x1f4: {  	[tilespmem:s10+$0xF0] =	vst v6;
	v1 =	vmul.f32 $1.000000000e+01, v1  }
0x1f5: {  	[tilespmem:s10+$0x100] =	vst v0;
	v0 =	vmul.f32 $1.000000000e+01, v2  }
0x1f6: {  	s11 =	sadd.s32 s4, s11;
	[tilespmem:s10+$0x110] =	vst v1;
	v1 =	vmul.f32 $1.000000000e+01, v3  }
0x1f7: {  	s11 =	smul.u32 $0x380, s11;
	v2 =	vmul.f32 $1.000000000e+01, v4;
	[tilespmem:s10+$0x120] =	vst v0  }
0x1f8: {  	[tilespmem:s10+$0x130] =	vst v1  }
0x1f9: {  	s14 =	sadd.s32 s5, s11;
	[tilespmem:s10+$0xFFFFFFF0] =	vst v2  }
0x1fa: {  	[hbm4b:s14+s3] =	stream.linear.scatter [tilespmem:s17], [sflag:$0xD], $0x1900, $0x38;
	[tilespmem:$0x12000] =	vst v63  }
0x1fb: {  	_ =	swait.ge [sflag:s28], $0x1900  }
0x1fc: {  	s12 =	simm.s32 @!p0 $0x5C00;
	[sflag:s28] =	ssyncset.done $0x0  }
0x1fd: {  	s11 =	simm.s32 @!p0 $0x32;
	s10 =	sadd.s32 @!p0 $0x480, s7;
	[sflag:s28] =	ssyncadd.s32 $0xFFFFE700  }
0x1fe: {  	[tilespmem:s12], [sflag:$0x2] =	stream.indirect.gather @!p0 [hbm4b:s1+s11], $0x80, s10, s11, $0xb8;
	[tilespmem:$0x12000] =	vst v63  }
0x1ff: {  	_ =	swait.ge [sflag:s29], $0x1900  }
0x200: {  	[sflag:s29] =	ssyncset.done $0x0  }
0x201: {  	s10 =	simm.s32 $0xCD40;
	[sflag:s29] =	ssyncadd.s32 $0xFFFFE700  }
0x202: {  	v0 =	vld [tilespmem:s10+$0xFFFFFEC0]  }
0x203: {  	v1 =	vld [tilespmem:s10+$0xFFFFFED0]  }
0x204: {  	v2 =	vld [tilespmem:s10+$0xFFFFFEE0]  }
0x205: {  	v3 =	vld [tilespmem:s10+$0xFFFFFEF0]  }
0x206: {  	v4 =	vld [tilespmem:s10+$0xFFFFFF00]  }
0x207: {  	v5 =	vld [tilespmem:s10+$0xFFFFFF10];
	v0 =	vmul.f32 $1.000000000e+01, v0  }
0x208: {  	v6 =	vld [tilespmem:s10+$0xFFFFFF20];
	v1 =	vmul.f32 $1.000000000e+01, v1  }
0x209: {  	[tilespmem:s10+$0xFFFFFEC0] =	vst v0;
	v0 =	vmul.f32 $1.000000000e+01, v2;
	v2 =	vld [tilespmem:s10+$0xFFFFFF30]  }
0x20a: {  	[tilespmem:s10+$0xFFFFFED0] =	vst v1;
	v1 =	vmul.f32 $1.000000000e+01, v3;
	v3 =	vld [tilespmem:s10+$0xFFFFFF40]  }
0x20b: {  	[tilespmem:s10+$0xFFFFFEE0] =	vst v0;
	v0 =	vmul.f32 $1.000000000e+01, v4;
	v4 =	vld [tilespmem:s10+$0xFFFFFF50]  }
0x20c: {  	[tilespmem:s10+$0xFFFFFEF0] =	vst v1;
	v1 =	vmul.f32 $1.000000000e+01, v5;
	v5 =	vld [tilespmem:s10+$0xFFFFFF60]  }
0x20d: {  	[tilespmem:s10+$0xFFFFFF00] =	vst v0;
	v0 =	vmul.f32 $1.000000000e+01, v6;
	v6 =	vld [tilespmem:s10+$0xFFFFFF70]  }
0x20e: {  	[tilespmem:s10+$0xFFFFFF10] =	vst v1;
	v1 =	vmul.f32 $1.000000000e+01, v2;
	v2 =	vld [tilespmem:s10+$0xFFFFFF80]  }
0x20f: {  	[tilespmem:s10+$0xFFFFFF20] =	vst v0;
	v0 =	vmul.f32 $1.000000000e+01, v3;
	v3 =	vld [tilespmem:s10+$0xFFFFFF90]  }
0x210: {  	[tilespmem:s10+$0xFFFFFF30] =	vst v1;
	v1 =	vmul.f32 $1.000000000e+01, v4;
	v4 =	vld [tilespmem:s10+$0xFFFFFFA0]  }
0x211: {  	[tilespmem:s10+$0xFFFFFF40] =	vst v0;
	v0 =	vmul.f32 $1.000000000e+01, v5;
	v5 =	vld [tilespmem:s10+$0xFFFFFFB0]  }
0x212: {  	[tilespmem:s10+$0xFFFFFF50] =	vst v1;
	v1 =	vmul.f32 $1.000000000e+01, v6;
	v6 =	vld [tilespmem:s10+$0xFFFFFFC0]  }
0x213: {  	[tilespmem:s10+$0xFFFFFF60] =	vst v0;
	v0 =	vmul.f32 $1.000000000e+01, v2;
	v2 =	vld [tilespmem:s10+$0xFFFFFFD0]  }
0x214: {  	[tilespmem:s10+$0xFFFFFF70] =	vst v1;
	v1 =	vmul.f32 $1.000000000e+01, v3;
	v3 =	vld [tilespmem:s10+$0xFFFFFFE0]  }
0x215: {  	[tilespmem:s10+$0xFFFFFF80] =	vst v0;
	v0 =	vmul.f32 $1.000000000e+01, v4;
	v4 =	vld [tilespmem:s10+$0x0]  }
0x216: {  	[tilespmem:s10+$0xFFFFFF90] =	vst v1;
	v1 =	vmul.f32 $1.000000000e+01, v5;
	v5 =	vld [tilespmem:s10+$0x10]  }
0x217: {  	[tilespmem:s10+$0xFFFFFFA0] =	vst v0;
	v0 =	vmul.f32 $1.000000000e+01, v6;
	v6 =	vld [tilespmem:s10+$0x20]  }
0x218: {  	[tilespmem:s10+$0xFFFFFFB0] =	vst v1;
	v1 =	vmul.f32 $1.000000000e+01, v2;
	v2 =	vld [tilespmem:s10+$0x30]  }
0x219: {  	[tilespmem:s10+$0xFFFFFFC0] =	vst v0;
	v0 =	vmul.f32 $1.000000000e+01, v3;
	v3 =	vld [tilespmem:s10+$0x40]  }
0x21a: {  	[tilespmem:s10+$0xFFFFFFD0] =	vst v1;
	v1 =	vmul.f32 $1.000000000e+01, v4;
	v4 =	vld [tilespmem:s10+$0x50]  }
0x21b: {  	[tilespmem:s10+$0xFFFFFFE0] =	vst v0;
	v0 =	vmul.f32 $1.000000000e+01, v5;
	v5 =	vld [tilespmem:s10+$0x60]  }
0x21c: {  	[tilespmem:s10+$0x0] =	vst v1;
	v1 =	vmul.f32 $1.000000000e+01, v6;
	v6 =	vld [tilespmem:s10+$0x70]  }
0x21d: {  	[tilespmem:s10+$0x10] =	vst v0;
	v0 =	vmul.f32 $1.000000000e+01, v2;
	v2 =	vld [tilespmem:s10+$0x80]  }
0x21e: {  	[tilespmem:s10+$0x20] =	vst v1;
	v1 =	vmul.f32 $1.000000000e+01, v3;
	v3 =	vld [tilespmem:s10+$0x90]  }
0x21f: {  	[tilespmem:s10+$0x30] =	vst v0;
	v0 =	vmul.f32 $1.000000000e+01, v4;
	v4 =	vld [tilespmem:s10+$0xA0]  }
0x220: {  	[tilespmem:s10+$0x40] =	vst v1;
	v1 =	vmul.f32 $1.000000000e+01, v5;
	v5 =	vld [tilespmem:s10+$0xB0]  }
0x221: {  	[tilespmem:s10+$0x50] =	vst v0;
	v0 =	vmul.f32 $1.000000000e+01, v6;
	v6 =	vld [tilespmem:s10+$0xC0]  }
0x222: {  	[tilespmem:s10+$0x60] =	vst v1;
	v1 =	vmul.f32 $1.000000000e+01, v2;
	v2 =	vld [tilespmem:s10+$0xD0]  }
0x223: {  	v7 =	vld [tilespmem:s10+$0xE0];
	[tilespmem:s10+$0x70] =	vst v0;
	v0 =	vmul.f32 $1.000000000e+01, v3  }
0x224: {  	v8 =	vld [tilespmem:s10+$0xF0];
	[tilespmem:s10+$0x80] =	vst v1;
	v1 =	vmul.f32 $1.000000000e+01, v4  }
0x225: {  	[tilespmem:s10+$0x90] =	vst v0;
	v3 =	vmul.f32 $1.000000000e+01, v5;
	v0 =	vld [tilespmem:s10+$0x100]  }
0x226: {  	[tilespmem:s10+$0xA0] =	vst v1;
	v4 =	vmul.f32 $1.000000000e+01, v6;
	v1 =	vld [tilespmem:s10+$0x110]  }
0x227: {  	[tilespmem:s10+$0xB0] =	vst v3;
	v6 =	vmul.f32 $1.000000000e+01, v2;
	v2 =	vld [tilespmem:s10+$0x120]  }
0x228: {  	v5 =	vmul.f32 $1.000000000e+01, v7;
	v3 =	vld [tilespmem:s10+$0x130];
	[tilespmem:s10+$0xC0] =	vst v4  }
0x229: {  	s11 =	simm.s32 $0x0;
	s12 =	simm.s32 $0xCFC0;
	v4 =	vld [tilespmem:s10+$0xFFFFFFF0];
	[tilespmem:s10+$0xD0] =	vst v6;
	v6 =	vmul.f32 $1.000000000e+01, v8  }
.LBB2_13:
0x22a: {  	v7 =	vld [tilespmem:s12+$0xFFFFFEC0];
	[tilespmem:s10+$0xE0] =	vst v5;
	v0 =	vmul.f32 $1.000000000e+01, v0  }
0x22b: {  	v5 =	vld [tilespmem:s12+$0xFFFFFED0];
	[tilespmem:s10+$0xF0] =	vst v6;
	v1 =	vmul.f32 $1.000000000e+01, v1  }
0x22c: {  	v6 =	vld [tilespmem:s12+$0xFFFFFEE0];
	[tilespmem:s10+$0x100] =	vst v0;
	v0 =	vmul.f32 $1.000000000e+01, v2  }
0x22d: {  	v2 =	vld [tilespmem:s12+$0xFFFFFEF0];
	[tilespmem:s10+$0x110] =	vst v1;
	v1 =	vmul.f32 $1.000000000e+01, v3  }
0x22e: {  	v3 =	vld [tilespmem:s12+$0xFFFFFF00];
	v4 =	vmul.f32 $1.000000000e+01, v4;
	[tilespmem:s10+$0x120] =	vst v0  }
0x22f: {  	v0 =	vmul.f32 $1.000000000e+01, v7;
	v7 =	vld [tilespmem:s12+$0xFFFFFF10];
	[tilespmem:s10+$0x130] =	vst v1  }
0x230: {  	v1 =	vmul.f32 $1.000000000e+01, v5;
	v5 =	vld [tilespmem:s12+$0xFFFFFF20];
	[tilespmem:s10+$0xFFFFFFF0] =	vst v4;
	s10 =	smov.u32 s12  }
0x231: {  	[tilespmem:s12+$0xFFFFFEC0] =	vst v0;
	v0 =	vmul.f32 $1.000000000e+01, v6;
	v4 =	vld [tilespmem:s12+$0xFFFFFF30]  }
0x232: {  	[tilespmem:s12+$0xFFFFFED0] =	vst v1;
	v1 =	vmul.f32 $1.000000000e+01, v2;
	v2 =	vld [tilespmem:s12+$0xFFFFFF40]  }
0x233: {  	[tilespmem:s12+$0xFFFFFEE0] =	vst v0;
	v0 =	vmul.f32 $1.000000000e+01, v3;
	v3 =	vld [tilespmem:s12+$0xFFFFFF50]  }
0x234: {  	[tilespmem:s12+$0xFFFFFEF0] =	vst v1;
	v1 =	vmul.f32 $1.000000000e+01, v7;
	v6 =	vld [tilespmem:s12+$0xFFFFFF60]  }
0x235: {  	[tilespmem:s12+$0xFFFFFF00] =	vst v0;
	v0 =	vmul.f32 $1.000000000e+01, v5;
	v5 =	vld [tilespmem:s12+$0xFFFFFF70]  }
0x236: {  	[tilespmem:s12+$0xFFFFFF10] =	vst v1;
	v1 =	vmul.f32 $1.000000000e+01, v4;
	v4 =	vld [tilespmem:s12+$0xFFFFFF80]  }
0x237: {  	[tilespmem:s12+$0xFFFFFF20] =	vst v0;
	v0 =	vmul.f32 $1.000000000e+01, v2;
	v2 =	vld [tilespmem:s12+$0xFFFFFF90]  }
0x238: {  	[tilespmem:s12+$0xFFFFFF30] =	vst v1;
	v1 =	vmul.f32 $1.000000000e+01, v3;
	v3 =	vld [tilespmem:s12+$0xFFFFFFA0]  }
0x239: {  	[tilespmem:s12+$0xFFFFFF40] =	vst v0;
	v0 =	vmul.f32 $1.000000000e+01, v6;
	v6 =	vld [tilespmem:s12+$0xFFFFFFB0]  }
0x23a: {  	[tilespmem:s12+$0xFFFFFF50] =	vst v1;
	v1 =	vmul.f32 $1.000000000e+01, v5;
	v5 =	vld [tilespmem:s12+$0xFFFFFFC0]  }
0x23b: {  	[tilespmem:s12+$0xFFFFFF60] =	vst v0;
	v0 =	vmul.f32 $1.000000000e+01, v4;
	v4 =	vld [tilespmem:s12+$0xFFFFFFD0]  }
0x23c: {  	[tilespmem:s12+$0xFFFFFF70] =	vst v1;
	v1 =	vmul.f32 $1.000000000e+01, v2;
	v2 =	vld [tilespmem:s12+$0xFFFFFFE0]  }
0x23d: {  	[tilespmem:s12+$0xFFFFFF80] =	vst v0;
	v0 =	vmul.f32 $1.000000000e+01, v3;
	v3 =	vld [tilespmem:s12+$0x0]  }
0x23e: {  	[tilespmem:s12+$0xFFFFFF90] =	vst v1;
	v1 =	vmul.f32 $1.000000000e+01, v6;
	v6 =	vld [tilespmem:s12+$0x10]  }
0x23f: {  	[tilespmem:s12+$0xFFFFFFA0] =	vst v0;
	v0 =	vmul.f32 $1.000000000e+01, v5;
	v5 =	vld [tilespmem:s12+$0x20]  }
0x240: {  	[tilespmem:s12+$0xFFFFFFB0] =	vst v1;
	v1 =	vmul.f32 $1.000000000e+01, v4;
	v4 =	vld [tilespmem:s12+$0x30]  }
0x241: {  	[tilespmem:s12+$0xFFFFFFC0] =	vst v0;
	v0 =	vmul.f32 $1.000000000e+01, v2;
	v2 =	vld [tilespmem:s12+$0x40]  }
0x242: {  	[tilespmem:s12+$0xFFFFFFD0] =	vst v1;
	v1 =	vmul.f32 $1.000000000e+01, v3;
	v3 =	vld [tilespmem:s12+$0x50]  }
0x243: {  	[tilespmem:s12+$0xFFFFFFE0] =	vst v0;
	v0 =	vmul.f32 $1.000000000e+01, v6;
	v6 =	vld [tilespmem:s12+$0x60]  }
0x244: {  	[tilespmem:s12+$0x0] =	vst v1;
	v1 =	vmul.f32 $1.000000000e+01, v5;
	v5 =	vld [tilespmem:s12+$0x70]  }
0x245: {  	[tilespmem:s12+$0x10] =	vst v0;
	v0 =	vmul.f32 $1.000000000e+01, v4;
	v4 =	vld [tilespmem:s12+$0x80]  }
0x246: {  	[tilespmem:s12+$0x20] =	vst v1;
	v1 =	vmul.f32 $1.000000000e+01, v2;
	v2 =	vld [tilespmem:s12+$0x90]  }
0x247: {  	[tilespmem:s12+$0x30] =	vst v0;
	v0 =	vmul.f32 $1.000000000e+01, v3;
	v3 =	vld [tilespmem:s12+$0xA0]  }
0x248: {  	[tilespmem:s12+$0x40] =	vst v1;
	v1 =	vmul.f32 $1.000000000e+01, v6;
	v6 =	vld [tilespmem:s12+$0xB0]  }
0x249: {  	[tilespmem:s12+$0x50] =	vst v0;
	v0 =	vmul.f32 $1.000000000e+01, v5;
	v5 =	vld [tilespmem:s12+$0xC0]  }
0x24a: {  	[tilespmem:s12+$0x60] =	vst v1;
	v1 =	vmul.f32 $1.000000000e+01, v4;
	v4 =	vld [tilespmem:s12+$0xD0]  }
0x24b: {  	s11 =	sadd.s32 $0x5, s11;
	[tilespmem:s12+$0x70] =	vst v0;
	v0 =	vmul.f32 $1.000000000e+01, v2;
	v7 =	vld [tilespmem:s12+$0xE0]  }
0x24c: {  	p1 =	slt.u32 s11, $0x2D;
	[tilespmem:s12+$0x80] =	vst v1;
	v1 =	vmul.f32 $1.000000000e+01, v3;
	v8 =	vld [tilespmem:s12+$0xF0]  }
.Ltmp5:
0x24d: {  	[tilespmem:s12+$0x90] =	vst v0;
	v2 =	vmul.f32 $1.000000000e+01, v6;
	v0 =	vld [tilespmem:s12+$0x100];
	(pc) =	sbr.rel @p1 .LBB2_13-.Ltmp5, $4  }
0x24e: {  	[tilespmem:s12+$0xA0] =	vst v1;
	v3 =	vmul.f32 $1.000000000e+01, v5;
	v1 =	vld [tilespmem:s12+$0x110]  }
0x24f: {  	[tilespmem:s12+$0xB0] =	vst v2;
	v6 =	vmul.f32 $1.000000000e+01, v4;
	v2 =	vld [tilespmem:s12+$0x120]  }
0x250: {  	[tilespmem:s12+$0xC0] =	vst v3;
	v5 =	vmul.f32 $1.000000000e+01, v7;
	v3 =	vld [tilespmem:s12+$0x130]  }
0x251: {  	s12 =	sadd.s32 $0x280, s12;
	v4 =	vld [tilespmem:s10+$0xFFFFFFF0];
	[tilespmem:s10+$0xD0] =	vst v6;
	v6 =	vmul.f32 $1.000000000e+01, v8  }
0x252: {  	[tilespmem:s10+$0xE0] =	vst v5;
	v0 =	vmul.f32 $1.000000000e+01, v0  }
0x253: {  	[tilespmem:s10+$0xF0] =	vst v6;
	v1 =	vmul.f32 $1.000000000e+01, v1  }
0x254: {  	[tilespmem:s10+$0x100] =	vst v0;
	v0 =	vmul.f32 $1.000000000e+01, v2  }
0x255: {  	s11 =	sadd.s32 s4, s13;
	[tilespmem:s10+$0x110] =	vst v1;
	v1 =	vmul.f32 $1.000000000e+01, v3  }
0x256: {  	s11 =	smul.u32 $0x380, s11;
	v2 =	vmul.f32 $1.000000000e+01, v4;
	[tilespmem:s10+$0x120] =	vst v0  }
0x257: {  	[tilespmem:s10+$0x130] =	vst v1  }
0x258: {  	s14 =	sadd.s32 s5, s11;
	[tilespmem:s10+$0xFFFFFFF0] =	vst v2  }
0x259: {  	[hbm4b:s14+s3] =	stream.linear.scatter [tilespmem:s19], [sflag:$0xE], $0x1900, $0x38;
	[tilespmem:$0x12000] =	vst v63  }
0x25a: {  	_ =	swait.ge [sflag:s30], $0x1900  }
0x25b: {  	s12 =	simm.s32 @!p0 $0x7800;
	[sflag:s30] =	ssyncset.done $0x0  }
0x25c: {  	s11 =	simm.s32 @!p0 $0x32;
	s10 =	sadd.s32 @!p0 $0x500, s7;
	[sflag:s30] =	ssyncadd.s32 $0xFFFFE700  }
0x25d: {  	[tilespmem:s12], [sflag:$0x3] =	stream.indirect.gather @!p0 [hbm4b:s1+s11], $0x80, s10, s11, $0xb8;
	[tilespmem:$0x12000] =	vst v63  }
0x25e: {  	_ =	swait.ge [sflag:s31], $0x1900  }
0x25f: {  	[sflag:s31] =	ssyncset.done $0x0  }
0x260: {  	s10 =	simm.s32 $0xE940;
	[sflag:s31] =	ssyncadd.s32 $0xFFFFE700  }
0x261: {  	v0 =	vld [tilespmem:s10+$0xFFFFFEC0]  }
0x262: {  	v1 =	vld [tilespmem:s10+$0xFFFFFED0]  }
0x263: {  	v2 =	vld [tilespmem:s10+$0xFFFFFEE0]  }
0x264: {  	v3 =	vld [tilespmem:s10+$0xFFFFFEF0]  }
0x265: {  	v4 =	vld [tilespmem:s10+$0xFFFFFF00]  }
0x266: {  	v5 =	vld [tilespmem:s10+$0xFFFFFF10];
	v0 =	vmul.f32 $1.000000000e+01, v0  }
0x267: {  	v6 =	vld [tilespmem:s10+$0xFFFFFF20];
	v1 =	vmul.f32 $1.000000000e+01, v1  }
0x268: {  	[tilespmem:s10+$0xFFFFFEC0] =	vst v0;
	v0 =	vmul.f32 $1.000000000e+01, v2;
	v2 =	vld [tilespmem:s10+$0xFFFFFF30]  }
0x269: {  	[tilespmem:s10+$0xFFFFFED0] =	vst v1;
	v1 =	vmul.f32 $1.000000000e+01, v3;
	v3 =	vld [tilespmem:s10+$0xFFFFFF40]  }
0x26a: {  	[tilespmem:s10+$0xFFFFFEE0] =	vst v0;
	v0 =	vmul.f32 $1.000000000e+01, v4;
	v4 =	vld [tilespmem:s10+$0xFFFFFF50]  }
0x26b: {  	[tilespmem:s10+$0xFFFFFEF0] =	vst v1;
	v1 =	vmul.f32 $1.000000000e+01, v5;
	v5 =	vld [tilespmem:s10+$0xFFFFFF60]  }
0x26c: {  	[tilespmem:s10+$0xFFFFFF00] =	vst v0;
	v0 =	vmul.f32 $1.000000000e+01, v6;
	v6 =	vld [tilespmem:s10+$0xFFFFFF70]  }
0x26d: {  	[tilespmem:s10+$0xFFFFFF10] =	vst v1;
	v1 =	vmul.f32 $1.000000000e+01, v2;
	v2 =	vld [tilespmem:s10+$0xFFFFFF80]  }
0x26e: {  	[tilespmem:s10+$0xFFFFFF20] =	vst v0;
	v0 =	vmul.f32 $1.000000000e+01, v3;
	v3 =	vld [tilespmem:s10+$0xFFFFFF90]  }
0x26f: {  	[tilespmem:s10+$0xFFFFFF30] =	vst v1;
	v1 =	vmul.f32 $1.000000000e+01, v4;
	v4 =	vld [tilespmem:s10+$0xFFFFFFA0]  }
0x270: {  	[tilespmem:s10+$0xFFFFFF40] =	vst v0;
	v0 =	vmul.f32 $1.000000000e+01, v5;
	v5 =	vld [tilespmem:s10+$0xFFFFFFB0]  }
0x271: {  	[tilespmem:s10+$0xFFFFFF50] =	vst v1;
	v1 =	vmul.f32 $1.000000000e+01, v6;
	v6 =	vld [tilespmem:s10+$0xFFFFFFC0]  }
0x272: {  	[tilespmem:s10+$0xFFFFFF60] =	vst v0;
	v0 =	vmul.f32 $1.000000000e+01, v2;
	v2 =	vld [tilespmem:s10+$0xFFFFFFD0]  }
0x273: {  	[tilespmem:s10+$0xFFFFFF70] =	vst v1;
	v1 =	vmul.f32 $1.000000000e+01, v3;
	v3 =	vld [tilespmem:s10+$0xFFFFFFE0]  }
0x274: {  	[tilespmem:s10+$0xFFFFFF80] =	vst v0;
	v0 =	vmul.f32 $1.000000000e+01, v4;
	v4 =	vld [tilespmem:s10+$0x0]  }
0x275: {  	[tilespmem:s10+$0xFFFFFF90] =	vst v1;
	v1 =	vmul.f32 $1.000000000e+01, v5;
	v5 =	vld [tilespmem:s10+$0x10]  }
0x276: {  	[tilespmem:s10+$0xFFFFFFA0] =	vst v0;
	v0 =	vmul.f32 $1.000000000e+01, v6;
	v6 =	vld [tilespmem:s10+$0x20]  }
0x277: {  	[tilespmem:s10+$0xFFFFFFB0] =	vst v1;
	v1 =	vmul.f32 $1.000000000e+01, v2;
	v2 =	vld [tilespmem:s10+$0x30]  }
0x278: {  	[tilespmem:s10+$0xFFFFFFC0] =	vst v0;
	v0 =	vmul.f32 $1.000000000e+01, v3;
	v3 =	vld [tilespmem:s10+$0x40]  }
0x279: {  	[tilespmem:s10+$0xFFFFFFD0] =	vst v1;
	v1 =	vmul.f32 $1.000000000e+01, v4;
	v4 =	vld [tilespmem:s10+$0x50]  }
0x27a: {  	[tilespmem:s10+$0xFFFFFFE0] =	vst v0;
	v0 =	vmul.f32 $1.000000000e+01, v5;
	v5 =	vld [tilespmem:s10+$0x60]  }
0x27b: {  	[tilespmem:s10+$0x0] =	vst v1;
	v1 =	vmul.f32 $1.000000000e+01, v6;
	v6 =	vld [tilespmem:s10+$0x70]  }
0x27c: {  	[tilespmem:s10+$0x10] =	vst v0;
	v0 =	vmul.f32 $1.000000000e+01, v2;
	v2 =	vld [tilespmem:s10+$0x80]  }
0x27d: {  	[tilespmem:s10+$0x20] =	vst v1;
	v1 =	vmul.f32 $1.000000000e+01, v3;
	v3 =	vld [tilespmem:s10+$0x90]  }
0x27e: {  	[tilespmem:s10+$0x30] =	vst v0;
	v0 =	vmul.f32 $1.000000000e+01, v4;
	v4 =	vld [tilespmem:s10+$0xA0]  }
0x27f: {  	[tilespmem:s10+$0x40] =	vst v1;
	v1 =	vmul.f32 $1.000000000e+01, v5;
	v5 =	vld [tilespmem:s10+$0xB0]  }
0x280: {  	[tilespmem:s10+$0x50] =	vst v0;
	v0 =	vmul.f32 $1.000000000e+01, v6;
	v6 =	vld [tilespmem:s10+$0xC0]  }
0x281: {  	[tilespmem:s10+$0x60] =	vst v1;
	v1 =	vmul.f32 $1.000000000e+01, v2;
	v2 =	vld [tilespmem:s10+$0xD0]  }
0x282: {  	v7 =	vld [tilespmem:s10+$0xE0];
	[tilespmem:s10+$0x70] =	vst v0;
	v0 =	vmul.f32 $1.000000000e+01, v3  }
0x283: {  	v8 =	vld [tilespmem:s10+$0xF0];
	[tilespmem:s10+$0x80] =	vst v1;
	v1 =	vmul.f32 $1.000000000e+01, v4  }
0x284: {  	[tilespmem:s10+$0x90] =	vst v0;
	v3 =	vmul.f32 $1.000000000e+01, v5;
	v0 =	vld [tilespmem:s10+$0x100]  }
0x285: {  	[tilespmem:s10+$0xA0] =	vst v1;
	v4 =	vmul.f32 $1.000000000e+01, v6;
	v1 =	vld [tilespmem:s10+$0x110]  }
0x286: {  	[tilespmem:s10+$0xB0] =	vst v3;
	v6 =	vmul.f32 $1.000000000e+01, v2;
	v2 =	vld [tilespmem:s10+$0x120]  }
0x287: {  	v5 =	vmul.f32 $1.000000000e+01, v7;
	v3 =	vld [tilespmem:s10+$0x130];
	[tilespmem:s10+$0xC0] =	vst v4  }
0x288: {  	s11 =	simm.s32 $0x0;
	s12 =	simm.s32 $0xEBC0;
	v4 =	vld [tilespmem:s10+$0xFFFFFFF0];
	[tilespmem:s10+$0xD0] =	vst v6;
	v6 =	vmul.f32 $1.000000000e+01, v8  }
.LBB2_15:
0x289: {  	v7 =	vld [tilespmem:s12+$0xFFFFFEC0];
	[tilespmem:s10+$0xE0] =	vst v5;
	v0 =	vmul.f32 $1.000000000e+01, v0  }
0x28a: {  	v5 =	vld [tilespmem:s12+$0xFFFFFED0];
	[tilespmem:s10+$0xF0] =	vst v6;
	v1 =	vmul.f32 $1.000000000e+01, v1  }
0x28b: {  	v6 =	vld [tilespmem:s12+$0xFFFFFEE0];
	[tilespmem:s10+$0x100] =	vst v0;
	v0 =	vmul.f32 $1.000000000e+01, v2  }
0x28c: {  	v2 =	vld [tilespmem:s12+$0xFFFFFEF0];
	[tilespmem:s10+$0x110] =	vst v1;
	v1 =	vmul.f32 $1.000000000e+01, v3  }
0x28d: {  	v3 =	vld [tilespmem:s12+$0xFFFFFF00];
	v4 =	vmul.f32 $1.000000000e+01, v4;
	[tilespmem:s10+$0x120] =	vst v0  }
0x28e: {  	v0 =	vmul.f32 $1.000000000e+01, v7;
	v7 =	vld [tilespmem:s12+$0xFFFFFF10];
	[tilespmem:s10+$0x130] =	vst v1  }
0x28f: {  	v1 =	vmul.f32 $1.000000000e+01, v5;
	v5 =	vld [tilespmem:s12+$0xFFFFFF20];
	[tilespmem:s10+$0xFFFFFFF0] =	vst v4;
	s10 =	smov.u32 s12  }
0x290: {  	[tilespmem:s12+$0xFFFFFEC0] =	vst v0;
	v0 =	vmul.f32 $1.000000000e+01, v6;
	v4 =	vld [tilespmem:s12+$0xFFFFFF30]  }
0x291: {  	[tilespmem:s12+$0xFFFFFED0] =	vst v1;
	v1 =	vmul.f32 $1.000000000e+01, v2;
	v2 =	vld [tilespmem:s12+$0xFFFFFF40]  }
0x292: {  	[tilespmem:s12+$0xFFFFFEE0] =	vst v0;
	v0 =	vmul.f32 $1.000000000e+01, v3;
	v3 =	vld [tilespmem:s12+$0xFFFFFF50]  }
0x293: {  	[tilespmem:s12+$0xFFFFFEF0] =	vst v1;
	v1 =	vmul.f32 $1.000000000e+01, v7;
	v6 =	vld [tilespmem:s12+$0xFFFFFF60]  }
0x294: {  	[tilespmem:s12+$0xFFFFFF00] =	vst v0;
	v0 =	vmul.f32 $1.000000000e+01, v5;
	v5 =	vld [tilespmem:s12+$0xFFFFFF70]  }
0x295: {  	[tilespmem:s12+$0xFFFFFF10] =	vst v1;
	v1 =	vmul.f32 $1.000000000e+01, v4;
	v4 =	vld [tilespmem:s12+$0xFFFFFF80]  }
0x296: {  	[tilespmem:s12+$0xFFFFFF20] =	vst v0;
	v0 =	vmul.f32 $1.000000000e+01, v2;
	v2 =	vld [tilespmem:s12+$0xFFFFFF90]  }
0x297: {  	[tilespmem:s12+$0xFFFFFF30] =	vst v1;
	v1 =	vmul.f32 $1.000000000e+01, v3;
	v3 =	vld [tilespmem:s12+$0xFFFFFFA0]  }
0x298: {  	[tilespmem:s12+$0xFFFFFF40] =	vst v0;
	v0 =	vmul.f32 $1.000000000e+01, v6;
	v6 =	vld [tilespmem:s12+$0xFFFFFFB0]  }
0x299: {  	[tilespmem:s12+$0xFFFFFF50] =	vst v1;
	v1 =	vmul.f32 $1.000000000e+01, v5;
	v5 =	vld [tilespmem:s12+$0xFFFFFFC0]  }
0x29a: {  	[tilespmem:s12+$0xFFFFFF60] =	vst v0;
	v0 =	vmul.f32 $1.000000000e+01, v4;
	v4 =	vld [tilespmem:s12+$0xFFFFFFD0]  }
0x29b: {  	[tilespmem:s12+$0xFFFFFF70] =	vst v1;
	v1 =	vmul.f32 $1.000000000e+01, v2;
	v2 =	vld [tilespmem:s12+$0xFFFFFFE0]  }
0x29c: {  	[tilespmem:s12+$0xFFFFFF80] =	vst v0;
	v0 =	vmul.f32 $1.000000000e+01, v3;
	v3 =	vld [tilespmem:s12+$0x0]  }
0x29d: {  	[tilespmem:s12+$0xFFFFFF90] =	vst v1;
	v1 =	vmul.f32 $1.000000000e+01, v6;
	v6 =	vld [tilespmem:s12+$0x10]  }
0x29e: {  	[tilespmem:s12+$0xFFFFFFA0] =	vst v0;
	v0 =	vmul.f32 $1.000000000e+01, v5;
	v5 =	vld [tilespmem:s12+$0x20]  }
0x29f: {  	[tilespmem:s12+$0xFFFFFFB0] =	vst v1;
	v1 =	vmul.f32 $1.000000000e+01, v4;
	v4 =	vld [tilespmem:s12+$0x30]  }
0x2a0: {  	[tilespmem:s12+$0xFFFFFFC0] =	vst v0;
	v0 =	vmul.f32 $1.000000000e+01, v2;
	v2 =	vld [tilespmem:s12+$0x40]  }
0x2a1: {  	[tilespmem:s12+$0xFFFFFFD0] =	vst v1;
	v1 =	vmul.f32 $1.000000000e+01, v3;
	v3 =	vld [tilespmem:s12+$0x50]  }
0x2a2: {  	[tilespmem:s12+$0xFFFFFFE0] =	vst v0;
	v0 =	vmul.f32 $1.000000000e+01, v6;
	v6 =	vld [tilespmem:s12+$0x60]  }
0x2a3: {  	[tilespmem:s12+$0x0] =	vst v1;
	v1 =	vmul.f32 $1.000000000e+01, v5;
	v5 =	vld [tilespmem:s12+$0x70]  }
0x2a4: {  	[tilespmem:s12+$0x10] =	vst v0;
	v0 =	vmul.f32 $1.000000000e+01, v4;
	v4 =	vld [tilespmem:s12+$0x80]  }
0x2a5: {  	[tilespmem:s12+$0x20] =	vst v1;
	v1 =	vmul.f32 $1.000000000e+01, v2;
	v2 =	vld [tilespmem:s12+$0x90]  }
0x2a6: {  	[tilespmem:s12+$0x30] =	vst v0;
	v0 =	vmul.f32 $1.000000000e+01, v3;
	v3 =	vld [tilespmem:s12+$0xA0]  }
0x2a7: {  	[tilespmem:s12+$0x40] =	vst v1;
	v1 =	vmul.f32 $1.000000000e+01, v6;
	v6 =	vld [tilespmem:s12+$0xB0]  }
0x2a8: {  	[tilespmem:s12+$0x50] =	vst v0;
	v0 =	vmul.f32 $1.000000000e+01, v5;
	v5 =	vld [tilespmem:s12+$0xC0]  }
0x2a9: {  	[tilespmem:s12+$0x60] =	vst v1;
	v1 =	vmul.f32 $1.000000000e+01, v4;
	v4 =	vld [tilespmem:s12+$0xD0]  }
0x2aa: {  	s11 =	sadd.s32 $0x5, s11;
	[tilespmem:s12+$0x70] =	vst v0;
	v0 =	vmul.f32 $1.000000000e+01, v2;
	v7 =	vld [tilespmem:s12+$0xE0]  }
0x2ab: {  	p1 =	slt.u32 s11, $0x2D;
	[tilespmem:s12+$0x80] =	vst v1;
	v1 =	vmul.f32 $1.000000000e+01, v3;
	v8 =	vld [tilespmem:s12+$0xF0]  }
.Ltmp6:
0x2ac: {  	[tilespmem:s12+$0x90] =	vst v0;
	v2 =	vmul.f32 $1.000000000e+01, v6;
	v0 =	vld [tilespmem:s12+$0x100];
	(pc) =	sbr.rel @p1 .LBB2_15-.Ltmp6, $4  }
0x2ad: {  	[tilespmem:s12+$0xA0] =	vst v1;
	v3 =	vmul.f32 $1.000000000e+01, v5;
	v1 =	vld [tilespmem:s12+$0x110]  }
0x2ae: {  	[tilespmem:s12+$0xB0] =	vst v2;
	v6 =	vmul.f32 $1.000000000e+01, v4;
	v2 =	vld [tilespmem:s12+$0x120]  }
0x2af: {  	[tilespmem:s12+$0xC0] =	vst v3;
	v5 =	vmul.f32 $1.000000000e+01, v7;
	v3 =	vld [tilespmem:s12+$0x130]  }
0x2b0: {  	s12 =	sadd.s32 $0x280, s12;
	v4 =	vld [tilespmem:s10+$0xFFFFFFF0];
	[tilespmem:s10+$0xD0] =	vst v6;
	v6 =	vmul.f32 $1.000000000e+01, v8  }
0x2b1: {  	[tilespmem:s10+$0xE0] =	vst v5;
	v0 =	vmul.f32 $1.000000000e+01, v0  }
0x2b2: {  	[tilespmem:s10+$0xF0] =	vst v6;
	v1 =	vmul.f32 $1.000000000e+01, v1  }
0x2b3: {  	[tilespmem:s10+$0x100] =	vst v0;
	v0 =	vmul.f32 $1.000000000e+01, v2  }
0x2b4: {  	s11 =	sadd.s32 s4, s15;
	[tilespmem:s10+$0x110] =	vst v1;
	v1 =	vmul.f32 $1.000000000e+01, v3  }
0x2b5: {  	s11 =	smul.u32 $0x380, s11;
	v2 =	vmul.f32 $1.000000000e+01, v4;
	[tilespmem:s10+$0x120] =	vst v0  }
0x2b6: {  	[tilespmem:s10+$0x130] =	vst v1  }
0x2b7: {  	s15 =	sadd.s32 s5, s11;
	[tilespmem:s10+$0xFFFFFFF0] =	vst v2  }
0x2b8: {  	[hbm4b:s15+s3] =	stream.linear.scatter [tilespmem:s21], [sflag:$0xF], $0x1900, $0x38;
	[tilespmem:$0x12000] =	vst v63  }
0x2b9: {  	_ =	swait.ge [sflag:s0], $0x1900  }
0x2ba: {  	s7 =	sadd.s32 @!p0 $0x580, s7;
	[sflag:s0] =	ssyncset.done $0x0  }
0x2bb: {  	s11 =	simm.s32 @!p0 $0x9400;
	s10 =	simm.s32 @!p0 $0x32;
	[sflag:s0] =	ssyncadd.s32 $0xFFFFE700  }
0x2bc: {  	[tilespmem:s11], [sflag:$0x4] =	stream.indirect.gather @!p0 [hbm4b:s1+s10], $0x80, s7, s10, $0xb8;
	[tilespmem:$0x12000] =	vst v63  }
0x2bd: {  	_ =	swait.ge [sflag:s2], $0x1900  }
0x2be: {  	[sflag:s2] =	ssyncset.done $0x0  }
0x2bf: {  	s7 =	simm.s32 $0x10540;
	[sflag:s2] =	ssyncadd.s32 $0xFFFFE700  }
0x2c0: {  	v0 =	vld [tilespmem:s7+$0xFFFFFEC0]  }
0x2c1: {  	v1 =	vld [tilespmem:s7+$0xFFFFFED0]  }
0x2c2: {  	v2 =	vld [tilespmem:s7+$0xFFFFFEE0]  }
0x2c3: {  	v3 =	vld [tilespmem:s7+$0xFFFFFEF0]  }
0x2c4: {  	v4 =	vld [tilespmem:s7+$0xFFFFFF00]  }
0x2c5: {  	v5 =	vld [tilespmem:s7+$0xFFFFFF10];
	v0 =	vmul.f32 $1.000000000e+01, v0  }
0x2c6: {  	v6 =	vld [tilespmem:s7+$0xFFFFFF20];
	v1 =	vmul.f32 $1.000000000e+01, v1  }
0x2c7: {  	[tilespmem:s7+$0xFFFFFEC0] =	vst v0;
	v0 =	vmul.f32 $1.000000000e+01, v2;
	v2 =	vld [tilespmem:s7+$0xFFFFFF30]  }
0x2c8: {  	[tilespmem:s7+$0xFFFFFED0] =	vst v1;
	v1 =	vmul.f32 $1.000000000e+01, v3;
	v3 =	vld [tilespmem:s7+$0xFFFFFF40]  }
0x2c9: {  	[tilespmem:s7+$0xFFFFFEE0] =	vst v0;
	v0 =	vmul.f32 $1.000000000e+01, v4;
	v4 =	vld [tilespmem:s7+$0xFFFFFF50]  }
0x2ca: {  	[tilespmem:s7+$0xFFFFFEF0] =	vst v1;
	v1 =	vmul.f32 $1.000000000e+01, v5;
	v5 =	vld [tilespmem:s7+$0xFFFFFF60]  }
0x2cb: {  	[tilespmem:s7+$0xFFFFFF00] =	vst v0;
	v0 =	vmul.f32 $1.000000000e+01, v6;
	v6 =	vld [tilespmem:s7+$0xFFFFFF70]  }
0x2cc: {  	[tilespmem:s7+$0xFFFFFF10] =	vst v1;
	v1 =	vmul.f32 $1.000000000e+01, v2;
	v2 =	vld [tilespmem:s7+$0xFFFFFF80]  }
0x2cd: {  	[tilespmem:s7+$0xFFFFFF20] =	vst v0;
	v0 =	vmul.f32 $1.000000000e+01, v3;
	v3 =	vld [tilespmem:s7+$0xFFFFFF90]  }
0x2ce: {  	[tilespmem:s7+$0xFFFFFF30] =	vst v1;
	v1 =	vmul.f32 $1.000000000e+01, v4;
	v4 =	vld [tilespmem:s7+$0xFFFFFFA0]  }
0x2cf: {  	[tilespmem:s7+$0xFFFFFF40] =	vst v0;
	v0 =	vmul.f32 $1.000000000e+01, v5;
	v5 =	vld [tilespmem:s7+$0xFFFFFFB0]  }
0x2d0: {  	[tilespmem:s7+$0xFFFFFF50] =	vst v1;
	v1 =	vmul.f32 $1.000000000e+01, v6;
	v6 =	vld [tilespmem:s7+$0xFFFFFFC0]  }
0x2d1: {  	[tilespmem:s7+$0xFFFFFF60] =	vst v0;
	v0 =	vmul.f32 $1.000000000e+01, v2;
	v2 =	vld [tilespmem:s7+$0xFFFFFFD0]  }
0x2d2: {  	[tilespmem:s7+$0xFFFFFF70] =	vst v1;
	v1 =	vmul.f32 $1.000000000e+01, v3;
	v3 =	vld [tilespmem:s7+$0xFFFFFFE0]  }
0x2d3: {  	[tilespmem:s7+$0xFFFFFF80] =	vst v0;
	v0 =	vmul.f32 $1.000000000e+01, v4;
	v4 =	vld [tilespmem:s7+$0x0]  }
0x2d4: {  	[tilespmem:s7+$0xFFFFFF90] =	vst v1;
	v1 =	vmul.f32 $1.000000000e+01, v5;
	v5 =	vld [tilespmem:s7+$0x10]  }
0x2d5: {  	[tilespmem:s7+$0xFFFFFFA0] =	vst v0;
	v0 =	vmul.f32 $1.000000000e+01, v6;
	v6 =	vld [tilespmem:s7+$0x20]  }
0x2d6: {  	[tilespmem:s7+$0xFFFFFFB0] =	vst v1;
	v1 =	vmul.f32 $1.000000000e+01, v2;
	v2 =	vld [tilespmem:s7+$0x30]  }
0x2d7: {  	[tilespmem:s7+$0xFFFFFFC0] =	vst v0;
	v0 =	vmul.f32 $1.000000000e+01, v3;
	v3 =	vld [tilespmem:s7+$0x40]  }
0x2d8: {  	[tilespmem:s7+$0xFFFFFFD0] =	vst v1;
	v1 =	vmul.f32 $1.000000000e+01, v4;
	v4 =	vld [tilespmem:s7+$0x50]  }
0x2d9: {  	[tilespmem:s7+$0xFFFFFFE0] =	vst v0;
	v0 =	vmul.f32 $1.000000000e+01, v5;
	v5 =	vld [tilespmem:s7+$0x60]  }
0x2da: {  	[tilespmem:s7+$0x0] =	vst v1;
	v1 =	vmul.f32 $1.000000000e+01, v6;
	v6 =	vld [tilespmem:s7+$0x70]  }
0x2db: {  	[tilespmem:s7+$0x10] =	vst v0;
	v0 =	vmul.f32 $1.000000000e+01, v2;
	v2 =	vld [tilespmem:s7+$0x80]  }
0x2dc: {  	[tilespmem:s7+$0x20] =	vst v1;
	v1 =	vmul.f32 $1.000000000e+01, v3;
	v3 =	vld [tilespmem:s7+$0x90]  }
0x2dd: {  	[tilespmem:s7+$0x30] =	vst v0;
	v0 =	vmul.f32 $1.000000000e+01, v4;
	v4 =	vld [tilespmem:s7+$0xA0]  }
0x2de: {  	[tilespmem:s7+$0x40] =	vst v1;
	v1 =	vmul.f32 $1.000000000e+01, v5;
	v5 =	vld [tilespmem:s7+$0xB0]  }
0x2df: {  	[tilespmem:s7+$0x50] =	vst v0;
	v0 =	vmul.f32 $1.000000000e+01, v6;
	v6 =	vld [tilespmem:s7+$0xC0]  }
0x2e0: {  	[tilespmem:s7+$0x60] =	vst v1;
	v1 =	vmul.f32 $1.000000000e+01, v2;
	v2 =	vld [tilespmem:s7+$0xD0]  }
0x2e1: {  	v7 =	vld [tilespmem:s7+$0xE0];
	[tilespmem:s7+$0x70] =	vst v0;
	v0 =	vmul.f32 $1.000000000e+01, v3  }
0x2e2: {  	v8 =	vld [tilespmem:s7+$0xF0];
	[tilespmem:s7+$0x80] =	vst v1;
	v1 =	vmul.f32 $1.000000000e+01, v4  }
0x2e3: {  	[tilespmem:s7+$0x90] =	vst v0;
	v3 =	vmul.f32 $1.000000000e+01, v5;
	v0 =	vld [tilespmem:s7+$0x100]  }
0x2e4: {  	[tilespmem:s7+$0xA0] =	vst v1;
	v4 =	vmul.f32 $1.000000000e+01, v6;
	v1 =	vld [tilespmem:s7+$0x110]  }
0x2e5: {  	[tilespmem:s7+$0xB0] =	vst v3;
	v6 =	vmul.f32 $1.000000000e+01, v2;
	v2 =	vld [tilespmem:s7+$0x120]  }
0x2e6: {  	v5 =	vmul.f32 $1.000000000e+01, v7;
	v3 =	vld [tilespmem:s7+$0x130];
	[tilespmem:s7+$0xC0] =	vst v4  }
0x2e7: {  	s10 =	simm.s32 $0x0;
	s11 =	simm.s32 $0x107C0;
	v4 =	vld [tilespmem:s7+$0xFFFFFFF0];
	[tilespmem:s7+$0xD0] =	vst v6;
	v6 =	vmul.f32 $1.000000000e+01, v8  }
.LBB2_17:
0x2e8: {  	v7 =	vld [tilespmem:s11+$0xFFFFFEC0];
	[tilespmem:s7+$0xE0] =	vst v5;
	v0 =	vmul.f32 $1.000000000e+01, v0  }
0x2e9: {  	v5 =	vld [tilespmem:s11+$0xFFFFFED0];
	[tilespmem:s7+$0xF0] =	vst v6;
	v1 =	vmul.f32 $1.000000000e+01, v1  }
0x2ea: {  	v6 =	vld [tilespmem:s11+$0xFFFFFEE0];
	[tilespmem:s7+$0x100] =	vst v0;
	v0 =	vmul.f32 $1.000000000e+01, v2  }
0x2eb: {  	v2 =	vld [tilespmem:s11+$0xFFFFFEF0];
	[tilespmem:s7+$0x110] =	vst v1;
	v1 =	vmul.f32 $1.000000000e+01, v3  }
0x2ec: {  	v3 =	vld [tilespmem:s11+$0xFFFFFF00];
	v4 =	vmul.f32 $1.000000000e+01, v4;
	[tilespmem:s7+$0x120] =	vst v0  }
0x2ed: {  	v0 =	vmul.f32 $1.000000000e+01, v7;
	v7 =	vld [tilespmem:s11+$0xFFFFFF10];
	[tilespmem:s7+$0x130] =	vst v1  }
0x2ee: {  	v1 =	vmul.f32 $1.000000000e+01, v5;
	v5 =	vld [tilespmem:s11+$0xFFFFFF20];
	[tilespmem:s7+$0xFFFFFFF0] =	vst v4;
	s7 =	smov.u32 s11  }
0x2ef: {  	[tilespmem:s11+$0xFFFFFEC0] =	vst v0;
	v0 =	vmul.f32 $1.000000000e+01, v6;
	v4 =	vld [tilespmem:s11+$0xFFFFFF30]  }
0x2f0: {  	[tilespmem:s11+$0xFFFFFED0] =	vst v1;
	v1 =	vmul.f32 $1.000000000e+01, v2;
	v2 =	vld [tilespmem:s11+$0xFFFFFF40]  }
0x2f1: {  	[tilespmem:s11+$0xFFFFFEE0] =	vst v0;
	v0 =	vmul.f32 $1.000000000e+01, v3;
	v3 =	vld [tilespmem:s11+$0xFFFFFF50]  }
0x2f2: {  	[tilespmem:s11+$0xFFFFFEF0] =	vst v1;
	v1 =	vmul.f32 $1.000000000e+01, v7;
	v6 =	vld [tilespmem:s11+$0xFFFFFF60]  }
0x2f3: {  	[tilespmem:s11+$0xFFFFFF00] =	vst v0;
	v0 =	vmul.f32 $1.000000000e+01, v5;
	v5 =	vld [tilespmem:s11+$0xFFFFFF70]  }
0x2f4: {  	[tilespmem:s11+$0xFFFFFF10] =	vst v1;
	v1 =	vmul.f32 $1.000000000e+01, v4;
	v4 =	vld [tilespmem:s11+$0xFFFFFF80]  }
0x2f5: {  	[tilespmem:s11+$0xFFFFFF20] =	vst v0;
	v0 =	vmul.f32 $1.000000000e+01, v2;
	v2 =	vld [tilespmem:s11+$0xFFFFFF90]  }
0x2f6: {  	[tilespmem:s11+$0xFFFFFF30] =	vst v1;
	v1 =	vmul.f32 $1.000000000e+01, v3;
	v3 =	vld [tilespmem:s11+$0xFFFFFFA0]  }
0x2f7: {  	[tilespmem:s11+$0xFFFFFF40] =	vst v0;
	v0 =	vmul.f32 $1.000000000e+01, v6;
	v6 =	vld [tilespmem:s11+$0xFFFFFFB0]  }
0x2f8: {  	[tilespmem:s11+$0xFFFFFF50] =	vst v1;
	v1 =	vmul.f32 $1.000000000e+01, v5;
	v5 =	vld [tilespmem:s11+$0xFFFFFFC0]  }
0x2f9: {  	[tilespmem:s11+$0xFFFFFF60] =	vst v0;
	v0 =	vmul.f32 $1.000000000e+01, v4;
	v4 =	vld [tilespmem:s11+$0xFFFFFFD0]  }
0x2fa: {  	[tilespmem:s11+$0xFFFFFF70] =	vst v1;
	v1 =	vmul.f32 $1.000000000e+01, v2;
	v2 =	vld [tilespmem:s11+$0xFFFFFFE0]  }
0x2fb: {  	[tilespmem:s11+$0xFFFFFF80] =	vst v0;
	v0 =	vmul.f32 $1.000000000e+01, v3;
	v3 =	vld [tilespmem:s11+$0x0]  }
0x2fc: {  	[tilespmem:s11+$0xFFFFFF90] =	vst v1;
	v1 =	vmul.f32 $1.000000000e+01, v6;
	v6 =	vld [tilespmem:s11+$0x10]  }
0x2fd: {  	[tilespmem:s11+$0xFFFFFFA0] =	vst v0;
	v0 =	vmul.f32 $1.000000000e+01, v5;
	v5 =	vld [tilespmem:s11+$0x20]  }
0x2fe: {  	[tilespmem:s11+$0xFFFFFFB0] =	vst v1;
	v1 =	vmul.f32 $1.000000000e+01, v4;
	v4 =	vld [tilespmem:s11+$0x30]  }
0x2ff: {  	[tilespmem:s11+$0xFFFFFFC0] =	vst v0;
	v0 =	vmul.f32 $1.000000000e+01, v2;
	v2 =	vld [tilespmem:s11+$0x40]  }
0x300: {  	[tilespmem:s11+$0xFFFFFFD0] =	vst v1;
	v1 =	vmul.f32 $1.000000000e+01, v3;
	v3 =	vld [tilespmem:s11+$0x50]  }
0x301: {  	[tilespmem:s11+$0xFFFFFFE0] =	vst v0;
	v0 =	vmul.f32 $1.000000000e+01, v6;
	v6 =	vld [tilespmem:s11+$0x60]  }
0x302: {  	[tilespmem:s11+$0x0] =	vst v1;
	v1 =	vmul.f32 $1.000000000e+01, v5;
	v5 =	vld [tilespmem:s11+$0x70]  }
0x303: {  	[tilespmem:s11+$0x10] =	vst v0;
	v0 =	vmul.f32 $1.000000000e+01, v4;
	v4 =	vld [tilespmem:s11+$0x80]  }
0x304: {  	[tilespmem:s11+$0x20] =	vst v1;
	v1 =	vmul.f32 $1.000000000e+01, v2;
	v2 =	vld [tilespmem:s11+$0x90]  }
0x305: {  	[tilespmem:s11+$0x30] =	vst v0;
	v0 =	vmul.f32 $1.000000000e+01, v3;
	v3 =	vld [tilespmem:s11+$0xA0]  }
0x306: {  	[tilespmem:s11+$0x40] =	vst v1;
	v1 =	vmul.f32 $1.000000000e+01, v6;
	v6 =	vld [tilespmem:s11+$0xB0]  }
0x307: {  	[tilespmem:s11+$0x50] =	vst v0;
	v0 =	vmul.f32 $1.000000000e+01, v5;
	v5 =	vld [tilespmem:s11+$0xC0]  }
0x308: {  	[tilespmem:s11+$0x60] =	vst v1;
	v1 =	vmul.f32 $1.000000000e+01, v4;
	v4 =	vld [tilespmem:s11+$0xD0]  }
0x309: {  	s10 =	sadd.s32 $0x5, s10;
	[tilespmem:s11+$0x70] =	vst v0;
	v0 =	vmul.f32 $1.000000000e+01, v2;
	v7 =	vld [tilespmem:s11+$0xE0]  }
0x30a: {  	p0 =	slt.u32 s10, $0x2D;
	[tilespmem:s11+$0x80] =	vst v1;
	v1 =	vmul.f32 $1.000000000e+01, v3;
	v8 =	vld [tilespmem:s11+$0xF0]  }
.Ltmp7:
0x30b: {  	[tilespmem:s11+$0x90] =	vst v0;
	v2 =	vmul.f32 $1.000000000e+01, v6;
	v0 =	vld [tilespmem:s11+$0x100];
	(pc) =	sbr.rel @p0 .LBB2_17-.Ltmp7, $4  }
0x30c: {  	[tilespmem:s11+$0xA0] =	vst v1;
	v3 =	vmul.f32 $1.000000000e+01, v5;
	v1 =	vld [tilespmem:s11+$0x110]  }
0x30d: {  	[tilespmem:s11+$0xB0] =	vst v2;
	v6 =	vmul.f32 $1.000000000e+01, v4;
	v2 =	vld [tilespmem:s11+$0x120]  }
0x30e: {  	[tilespmem:s11+$0xC0] =	vst v3;
	v5 =	vmul.f32 $1.000000000e+01, v7;
	v3 =	vld [tilespmem:s11+$0x130]  }
0x30f: {  	s11 =	sadd.s32 $0x280, s11;
	v4 =	vld [tilespmem:s7+$0xFFFFFFF0];
	[tilespmem:s7+$0xD0] =	vst v6;
	v6 =	vmul.f32 $1.000000000e+01, v8  }
0x310: {  	[tilespmem:s7+$0xE0] =	vst v5;
	v0 =	vmul.f32 $1.000000000e+01, v0  }
0x311: {  	s8 =	sadd.s32 $0x1, s8;
	[tilespmem:s7+$0xF0] =	vst v6;
	v1 =	vmul.f32 $1.000000000e+01, v1  }
0x312: {  	p0 =	sne.s32 s8, $0x10;
	[tilespmem:s7+$0x100] =	vst v0;
	v61 =	vmul.f32 $1.000000000e+01, v2  }
.Ltmp8:
0x313: {  	s6 =	sadd.s32 s4, s6;
	[tilespmem:s7+$0x110] =	vst v1;
	v62 =	vmul.f32 $1.000000000e+01, v3;
	(pc) =	sbr.rel @p0 .LBB2_2-.Ltmp8, $4  }
0x314: {  	s6 =	smul.u32 $0x380, s6;
	v63 =	vmul.f32 $1.000000000e+01, v4;
	[tilespmem:s7+$0x120] =	vst v61  }
0x315: {  	[tilespmem:s7+$0x130] =	vst v62  }
0x316: {  	s6 =	sadd.s32 s5, s6;
	[tilespmem:s7+$0xFFFFFFF0] =	vst v63  }
0x317: {  	[hbm4b:s6+s3] =	stream.linear.scatter [tilespmem:s23], [sflag:$0x10], $0x1900, $0x38;
	[tilespmem:$0x12000] =	vst v63  }
0x318: {  	s6 =	simm.s32 $0xD  }
0x319: {  	_ =	swait.ge [sflag:s6], $0x1900  }
0x31a: {  	[sflag:s6] =	ssyncset.done $0x0  }
0x31b: {  	s13 =	simm.s32 $0xE;
	[sflag:s6] =	ssyncadd.s32 $0xFFFFE700  }
0x31c: {  	_ =	swait.ge [sflag:s13], $0x1900  }
0x31d: {  	[sflag:s13] =	ssyncset.done $0x0  }
0x31e: {  	s14 =	simm.s32 $0xF;
	[sflag:s13] =	ssyncadd.s32 $0xFFFFE700  }
0x31f: {  	_ =	swait.ge [sflag:s14], $0x1900  }
0x320: {  	[sflag:s14] =	ssyncset.done $0x0  }
0x321: {  	s7 =	simm.s32 $0x10;
	[sflag:s14] =	ssyncadd.s32 $0xFFFFE700  }
0x322: {  	_ =	swait.ge [sflag:s7], $0x1900  }
0x323: {  	s8 =	rddreg [dreg:$0x6]  }
0x324: {  	s15 =	rddreg [dreg:$0x5];
	s8 =	sadd.s32 $0x1, s8  }
0x325: {  	p0 =	sne.s32 s8, s15  }
.Ltmp9:
0x326: {  	_ = 	snop;
	(pc) =	sbr.rel @p0 .LBB2_1-.Ltmp9, $3  }
0x327: {  	_ =	sdelay $0x1  }
0x328: {  	[sflag:s7] =	ssyncset.done $0x0  }
0x329: {  	[sflag:s7] =	ssyncadd.s32 $0xFFFFE700  }
0x32a: {  	_ =	sfence.sel $0x180000  }
0x32b: {  	[bflag:$0x0] =	sbarrier.arrive $0xFFFF  }
0x32c: {  	_ =	strace $0x90000047  }
0x32d: {  	s0 =	stileid.u32;
	[bflag:$0x2] =	sbarrier.arrive $0xFFFF  }
0x32e: {  	p0 =	sne.s32 s0, $0x0;
	s0 =	rddreg [dreg:$0x3]  }
0x32f: {  	s0 =	sadd.s32 @!p0 $0x100000, s0  }
0x330: {  	[sflag:s0] =	ssyncadd.tile.s32 @!p0 $0x1;
	_ =	shalt  }
.Lfunc_end2:
_tile_overlayer_lowered:
.L_overlay_start_2:
0x331: {  	(tag) =	ssettag $0x2  }
0x332: {  	s0 =	rddreg [dreg:$0x0];
	s2 =	stileid.u32  }
0x333: {  	s1 =	rddreg [dreg:$0x1];
	p0 =	sne.s32 s2, $0x0  }
0x334: {  	s3 =	rddreg [dreg:$0x2];
	[bflag:$0x3] =	sbarrier.arrive $0xFFFF;
	s2 =	simm.s32 @!p0 $0x1C11  }
0x335: {  	[timem:s3], [sflag:s2] =	dma.local @!p0 [hbm:s0], s1  }
0x336: {  	s0 =	simm.s32 @!p0 $0x11  }
0x337: {  	_ =	swait.ge @!p0 [sflag:s0], s1  }
0x338: {  	s1 =	ssub.s32 @!p0 $0x0, s1;
	[sflag:s0] =	ssyncset.done @!p0 $0x0  }
0x339: {  	[sflag:s0] =	ssyncadd.s32 @!p0 s1  }
0x33a: {  	[bflag:$0x3] =	sbarrier.arrive $0xFFFF  }
0x33b: {  	_ =	shalt  }

</sc_bundles>
